<compile_context>
chip_gen: v7x
topology: tpu7x:2x2x1
jax: 0.10.2.dev20260603
libtpu: 0.0.44.dev20260713+nightly
codegen_flags: <defaults>
</compile_context>

<pallas_src>
import functools

import jax
import jax.numpy as jnp
from jax import lax
from jax.experimental import pallas as pl
from jax.experimental.pallas import tpu as pltpu
from jax.experimental.pallas import tpu_sc as plsc

B = 4
S = 8192
D = 768
K = 2048
LOG2S = 13


R = 8
C = S // R


def _sort_body(key_ref, gidx_ref):
    key = key_ref[...]
    g = lax.broadcasted_iota(jnp.int32, (B * R, C), 0)
    cc = lax.broadcasted_iota(jnp.int32, (B * R, C), 1)
    it = cc * R + (g & (R - 1))
    idx = (g & (R - 1)) * C + cc

    for klog in range(1, LOG2S + 1):
        kk = 1 << klog
        for jlog in range(klog - 1, -1, -1):
            j = 1 << jlog
            is_hi = (it & j) != 0
            dir_up = (it & kk) == 0

            def partner(x, j=j, is_hi=is_hi):
                if j < R:
                    return jnp.where(is_hi, pltpu.roll(x, j, 0),
                                     pltpu.roll(x, B * R - j, 0))
                d = j // R
                return jnp.where(is_hi, pltpu.roll(x, d, 1),
                                 pltpu.roll(x, C - d, 1))

            pk = partner(key)
            pi = partner(idx)
            less = (key > pk) | ((key == pk) & (idx < pi))
            keep = jnp.logical_xor(less, is_hi) == dir_up
            key = jnp.where(keep, key, pk)
            idx = jnp.where(keep, idx, pi)

    gidx_ref[...] = idx + (g >> 3) * S


_sort_call = pl.pallas_call(
    _sort_body,
    out_shape=jax.ShapeDtypeStruct((B * R, C), jnp.int32),
)


_NC, _NS = 2, 16
_NW = _NC * _NS
_RPW = (B * K) // _NW
_CHUNK = 32
_NBUF = 4
_NCH = _RPW // _CHUNK

_PPW = (B * S) // _NW
_WPR = _NW // B


@functools.cache
def _make_sc_gather():
    mesh = plsc.VectorSubcoreMesh(core_axis_name="c", subcore_axis_name="s")

    @functools.partial(
        pl.kernel,
        mesh=mesh,
        out_type=(
            jax.ShapeDtypeStruct((B * K, D), jnp.float32),
            jax.ShapeDtypeStruct((B * S,), jnp.float32),
            jax.ShapeDtypeStruct((B * S,), jnp.float32),
        ),
        scratch_types=[
            pltpu.VMEM((_RPW,), jnp.int32),
            pltpu.VMEM((_PPW,), jnp.int32),
        ] + [pltpu.VMEM((_CHUNK, D), jnp.float32) for _ in range(_NBUF)] + [
            pltpu.VMEM((_PPW,), jnp.float32),
            pltpu.VMEM((_PPW,), jnp.float32),
        ] + [pltpu.SemaphoreType.DMA for _ in range(2 * _NBUF + 1)],
    )
    def sc_gather(table_hbm, idxall_hbm, l0_hbm, l1_hbm,
                  out_hbm, l0s_hbm, l1s_hbm,
                  idxt_v, idxa_v, *rest):
        bufs = rest[:_NBUF]
        l0o_v, l1o_v = rest[_NBUF], rest[_NBUF + 1]
        rsems = rest[_NBUF + 2:2 * _NBUF + 2]
        wsems = rest[2 * _NBUF + 2:3 * _NBUF + 2]
        seml = rest[3 * _NBUF + 2]
        wid = lax.axis_index("s") * _NC + lax.axis_index("c")
        base = wid * _RPW
        pbase = wid * _PPW
        tbase = (wid // _WPR) * S + (wid % _WPR) * _RPW

        pltpu.sync_copy(idxall_hbm.at[pl.ds(tbase, _RPW)], idxt_v)
        rcps = [None] * _NCH
        wcps = [None] * _NCH
        for c in range(min(_NBUF, _NCH)):
            rcps[c] = pltpu.async_copy(
                table_hbm.at[idxt_v.at[pl.ds(c * _CHUNK, _CHUNK)]],
                bufs[c], rsems[c])

        pltpu.sync_copy(idxall_hbm.at[pl.ds(pbase, _PPW)], idxa_v)
        lcps = []
        for q in range(_PPW // 128):
            sl = pl.ds(q * 128, 128)
            lcps.append(pltpu.async_copy(
                l0_hbm.at[idxa_v.at[sl]], l0o_v.at[sl], seml))
            lcps.append(pltpu.async_copy(
                l1_hbm.at[idxa_v.at[sl]], l1o_v.at[sl], seml))

        for c in range(_NCH):
            b = c % _NBUF
            rcps[c].wait()
            wcps[c] = pltpu.async_copy(
                bufs[b], out_hbm.at[pl.ds(base + c * _CHUNK, _CHUNK)],
                wsems[b])
            if c + _NBUF < _NCH:
                wcps[c].wait()
                rcps[c + _NBUF] = pltpu.async_copy(
                    table_hbm.at[idxt_v.at[
                        pl.ds((c + _NBUF) * _CHUNK, _CHUNK)]],
                    bufs[b], rsems[b])
        for c in range(max(0, _NCH - _NBUF), _NCH):
            wcps[c].wait()

        for cp in lcps:
            cp.wait()
        pltpu.sync_copy(l0o_v, l0s_hbm.at[pl.ds(pbase, _PPW)])
        pltpu.sync_copy(l1o_v, l1s_hbm.at[pl.ds(pbase, _PPW)])

    return sc_gather


def kernel(feats, logit):
    mx = jnp.max(logit, axis=-1)
    mn = jnp.min(logit, axis=-1)
    maxp = 1.0 / (1.0 + jnp.exp(mn - mx))
    l0 = logit[..., 0]
    l1 = logit[..., 1]
    gidx2 = _sort_call(maxp.reshape(B * R, C))
    gidx_all = gidx2.reshape(B, R, C).transpose(0, 2, 1).reshape(B, S)
    sf, l0s_f, l1s_f = _make_sc_gather()(
        feats.reshape(B * S, D), gidx_all.reshape(B * S),
        l0.reshape(B * S), l1.reshape(B * S))
    sf = sf.reshape(B, K, D)
    l0s = l0s_f.reshape(B, S)
    l1s = l1s_f.reshape(B, S)
    preds_1 = jnp.stack([l0s[:, :K], l1s[:, :K]], axis=-1)
    preds_0 = jnp.stack([l0s[:, K:], l1s[:, K:]], axis=-1)
    return sf, preds_1, preds_0

# --- scband reference (transcript-rebuilt; emitter-appended) ---
"""Pipeline reference for scband-selector-11055245820607 (READ-ONLY COPY).

The authoritative reference and input builder live on the scoring server;
editing this copy changes nothing except your own understanding.
"""

import jax, jax.numpy as jnp
import numpy as np

NUM_SELECT = 2048  # num_select['feat']

def setup_inputs(seed: int = 0) -> dict:
    key = jax.random.key(seed)
    k1, k2 = jax.random.split(key)
    feats = jax.random.normal(k1, (4, 8192, 768), dtype=jnp.float32)
    logit = jax.random.normal(k2, (4, 8192, 2), dtype=jnp.float32)
    return {"feats": feats, "logit": logit}

def reference(feats, logit):
    # Single-key dict case: x = {'feat': feats}, logits = {'feat': logit}
    # feats is already [B, S, n] (ndim==3 branch in torch code)
    probs = jax.nn.softmax(logit, axis=-1)
    maxp = jnp.max(probs, axis=-1)                      # [B, S]
    ranks = jnp.argsort(-maxp, axis=-1)                 # descending argsort, [B, S]
    top_rank = ranks[:, :NUM_SELECT]                    # [B, K]
    bot_rank = ranks[:, NUM_SELECT:]                    # [B, S-K]
    # gather along token dim (dim=1), broadcast index over feature dim
    sf = jnp.take_along_axis(feats, top_rank[:, :, None], axis=1)       # [B, K, n]
    preds_1 = jnp.take_along_axis(logit, top_rank[:, :, None], axis=1)  # [B, K, c]
    preds_0 = jnp.take_along_axis(logit, bot_rank[:, :, None], axis=1)  # [B, S-K, c]
    # torch forward returns selections dict; logits dict mutated with select/drop.
    # Return all three outputs as a tuple for faithfulness.
    return sf, preds_1, preds_0

if __name__ == "__main__":
    import jax
    _d = setup_inputs()
    print(jax.jit(kernel)(*tuple(_d.values())))

</pallas_src>

<mosaic_0001>
#map = affine_map<(d0, d1) -> (0, 0)>
#map1 = affine_map<(d0, d1) -> (0)>
module attributes {stable_mosaic.version = 14 : i64} {
  func.func @sc_gather(%arg0: i32, %arg1: i32, %arg2: memref<32768x768xf32, #tpu.memory_space<hbm>>, %arg3: memref<32768xi32, #tpu.memory_space<hbm>>, %arg4: memref<32768xf32, #tpu.memory_space<hbm>>, %arg5: memref<32768xf32, #tpu.memory_space<hbm>>, %arg6: memref<8192x768xf32, #tpu.memory_space<hbm>>, %arg7: memref<32768xf32, #tpu.memory_space<hbm>>, %arg8: memref<32768xf32, #tpu.memory_space<hbm>>, %arg9: memref<256xi32, #tpu.memory_space<vmem>>, %arg10: memref<1024xi32, #tpu.memory_space<vmem>>, %arg11: memref<32x768xf32, #tpu.memory_space<vmem>>, %arg12: memref<32x768xf32, #tpu.memory_space<vmem>>, %arg13: memref<32x768xf32, #tpu.memory_space<vmem>>, %arg14: memref<32x768xf32, #tpu.memory_space<vmem>>, %arg15: memref<1024xf32, #tpu.memory_space<vmem>>, %arg16: memref<1024xf32, #tpu.memory_space<vmem>>, %arg17: memref<!tpu.dma_semaphore, #tpu.memory_space<semaphore_mem>>, %arg18: memref<!tpu.dma_semaphore, #tpu.memory_space<semaphore_mem>>, %arg19: memref<!tpu.dma_semaphore, #tpu.memory_space<semaphore_mem>>, %arg20: memref<!tpu.dma_semaphore, #tpu.memory_space<semaphore_mem>>, %arg21: memref<!tpu.dma_semaphore, #tpu.memory_space<semaphore_mem>>, %arg22: memref<!tpu.dma_semaphore, #tpu.memory_space<semaphore_mem>>, %arg23: memref<!tpu.dma_semaphore, #tpu.memory_space<semaphore_mem>>, %arg24: memref<!tpu.dma_semaphore, #tpu.memory_space<semaphore_mem>>, %arg25: memref<!tpu.dma_semaphore, #tpu.memory_space<semaphore_mem>>) attributes {dimension_semantics = [#tpu.dimension_semantics<core_parallel>, #tpu.dimension_semantics<subcore_parallel>], iteration_bounds = array<i64: 2, 16>, scalar_prefetch = 0 : i64, scratch_operands = 17 : i64, tpu.core_type = #tpu.core_type<sc_vector_subcore>, window_params = [{transform_indices = #map}, {transform_indices = #map1}, {transform_indices = #map1}, {transform_indices = #map1}, {transform_indices = #map}, {transform_indices = #map1}, {transform_indices = #map1}]} {
    %mul3A = arith.constant 2 : i32
    %mul3A_0 = arith.muli %arg1, %mul3A : i32
    %add3A = arith.addi %mul3A_0, %arg0 : i32
    %mul3A_1 = arith.constant 256 : i32
    %mul3A_2 = arith.muli %add3A, %mul3A_1 : i32
    %mul3A_3 = arith.constant 1024 : i32
    %mul3A_4 = arith.muli %add3A, %mul3A_3 : i32
    %jit3A = arith.constant 8 : i32
    %div3A = arith.divsi %add3A, %jit3A : i32
    %sign3A = arith.constant 0 : i32
    %sign3A_5 = arith.cmpi sgt, %add3A, %sign3A : i32
    %sign3A_6 = arith.extui %sign3A_5 : i1 to i32
    %sign3A_7 = arith.constant 0 : i32
    %sign3A_8 = arith.cmpi slt, %add3A, %sign3A_7 : i32
    %sign3A_9 = arith.extui %sign3A_8 : i1 to i32
    %sign3A_10 = arith.subi %sign3A_6, %sign3A_9 : i32
    %sign3A_11 = arith.constant 0 : i32
    %sign3A_12 = arith.cmpi sgt, %jit3A, %sign3A_11 : i32
    %sign3A_13 = arith.extui %sign3A_12 : i1 to i32
    %sign3A_14 = arith.constant 0 : i32
    %sign3A_15 = arith.cmpi slt, %jit3A, %sign3A_14 : i32
    %sign3A_16 = arith.extui %sign3A_15 : i1 to i32
    %sign3A_17 = arith.subi %sign3A_13, %sign3A_16 : i32
    %ne3A = arith.cmpi ne, %sign3A_10, %sign3A_17 : i32
    %rem3A = arith.remsi %add3A, %jit3A : i32
    %ne3A_18 = arith.constant 0 : i32
    %ne3A_19 = arith.cmpi ne, %rem3A, %ne3A_18 : i32
    %and3A = arith.andi %ne3A, %ne3A_19 : i1
    %sub3A = arith.constant 1 : i32
    %sub3A_20 = arith.subi %div3A, %sub3A : i32
    %select_n3A = arith.select %and3A, %sub3A_20, %div3A : i32
    %mul3A_21 = arith.constant 8192 : i32
    %mul3A_22 = arith.muli %select_n3A, %mul3A_21 : i32
    %jit3A_23 = arith.constant 8 : i32
    %eq3A = arith.constant 0 : i32
    %eq3A_24 = arith.cmpi eq, %jit3A_23, %eq3A : i32
    %jit3A_25 = arith.constant 1 : i32
    %select_n3A_26 = arith.select %eq3A_24, %jit3A_25, %jit3A_23 : i32
    %rem3A_27 = arith.remsi %add3A, %select_n3A_26 : i32
    %ne3A_28 = arith.constant 0 : i32
    %ne3A_29 = arith.cmpi ne, %rem3A_27, %ne3A_28 : i32
    %lt3A = arith.constant 0 : i32
    %lt3A_30 = arith.cmpi slt, %rem3A_27, %lt3A : i32
    %lt3A_31 = arith.constant 0 : i32
    %lt3A_32 = arith.cmpi slt, %select_n3A_26, %lt3A_31 : i32
    %ne3A_33 = arith.xori %lt3A_30, %lt3A_32 : i1
    %and3A_34 = arith.andi %ne3A_33, %ne3A_29 : i1
    %add3A_35 = arith.addi %rem3A_27, %select_n3A_26 : i32
    %select_n3A_36 = arith.select %and3A_34, %add3A_35, %rem3A_27 : i32
    %mul3A_37 = arith.constant 256 : i32
    %mul3A_38 = arith.muli %select_n3A_36, %mul3A_37 : i32
    %add3A_39 = arith.addi %mul3A_22, %mul3A_38 : i32
    "tpu.region"() ({
      %run_scoped3A = tpu.sem_alloc : memref<!tpu.dma_semaphore, #tpu.memory_space<semaphore_mem>>
      %dma_start3A_390 = tpu.memref_slice %arg3[%add3A_39] : memref<32768xi32, #tpu.memory_space<hbm>> -> memref<256xi32, #tpu.memory_space<hbm>>
      %dma_start3A_391 = tpu.memref_slice %arg3[%add3A_39] : memref<32768xi32, #tpu.memory_space<hbm>> -> memref<256xi32, #tpu.memory_space<hbm>>
      tpu.enqueue_dma source(%dma_start3A_391 : memref<256xi32, #tpu.memory_space<hbm>>) target(%arg9 : memref<256xi32, #tpu.memory_space<vmem>>) target_semaphore(%run_scoped3A : memref<!tpu.dma_semaphore, #tpu.memory_space<semaphore_mem>>)
      %dma_wait3A_392 = tpu.memref_slice %arg3[%add3A_39] : memref<32768xi32, #tpu.memory_space<hbm>> -> memref<256xi32, #tpu.memory_space<hbm>>
      %dma_wait3A_393 = tpu.memref_slice %arg3[%add3A_39] : memref<32768xi32, #tpu.memory_space<hbm>> -> memref<256xi32, #tpu.memory_space<hbm>>
      tpu.wait_dma2 semaphore(%run_scoped3A : memref<!tpu.dma_semaphore, #tpu.memory_space<semaphore_mem>>) src(%dma_wait3A_393 : memref<256xi32, #tpu.memory_space<hbm>>) dst(%arg9 : memref<256xi32, #tpu.memory_space<vmem>>)
      tpu.yield
    }) : () -> ()
    %dma_start3A = arith.constant 0 : i32
    %dma_start3A_40 = tpu.memref_slice %arg9[%dma_start3A] : memref<256xi32, #tpu.memory_space<vmem>> -> memref<32xi32, #tpu.memory_space<vmem>>
    %dma_start3A_41 = arith.constant 0 : i32
    %dma_start3A_42 = arith.constant 0 : i32
    %dma_start3A_43 = tpu.memref_slice %arg2[%dma_start3A_41, %dma_start3A_42] : memref<32768x768xf32, #tpu.memory_space<hbm>> -> memref<32768x768xf32, #tpu.memory_space<hbm>>
    tpu.enqueue_indirect_dma source(%dma_start3A_43 : memref<32768x768xf32, #tpu.memory_space<hbm>>) target(%arg11 : memref<32x768xf32, #tpu.memory_space<vmem>>) offsets(%dma_start3A_40 : memref<32xi32, #tpu.memory_space<vmem>>) semaphore(%arg17 : memref<!tpu.dma_semaphore, #tpu.memory_space<semaphore_mem>>)
    %dma_start3A_44 = arith.constant 32 : i32
    %dma_start3A_45 = tpu.memref_slice %arg9[%dma_start3A_44] : memref<256xi32, #tpu.memory_space<vmem>> -> memref<32xi32, #tpu.memory_space<vmem>>
    %dma_start3A_46 = arith.constant 0 : i32
    %dma_start3A_47 = arith.constant 0 : i32
    %dma_start3A_48 = tpu.memref_slice %arg2[%dma_start3A_46, %dma_start3A_47] : memref<32768x768xf32, #tpu.memory_space<hbm>> -> memref<32768x768xf32, #tpu.memory_space<hbm>>
    tpu.enqueue_indirect_dma source(%dma_start3A_48 : memref<32768x768xf32, #tpu.memory_space<hbm>>) target(%arg12 : memref<32x768xf32, #tpu.memory_space<vmem>>) offsets(%dma_start3A_45 : memref<32xi32, #tpu.memory_space<vmem>>) semaphore(%arg18 : memref<!tpu.dma_semaphore, #tpu.memory_space<semaphore_mem>>)
    %dma_start3A_49 = arith.constant 64 : i32
    %dma_start3A_50 = tpu.memref_slice %arg9[%dma_start3A_49] : memref<256xi32, #tpu.memory_space<vmem>> -> memref<32xi32, #tpu.memory_space<vmem>>
    %dma_start3A_51 = arith.constant 0 : i32
    %dma_start3A_52 = arith.constant 0 : i32
    %dma_start3A_53 = tpu.memref_slice %arg2[%dma_start3A_51, %dma_start3A_52] : memref<32768x768xf32, #tpu.memory_space<hbm>> -> memref<32768x768xf32, #tpu.memory_space<hbm>>
    tpu.enqueue_indirect_dma source(%dma_start3A_53 : memref<32768x768xf32, #tpu.memory_space<hbm>>) target(%arg13 : memref<32x768xf32, #tpu.memory_space<vmem>>) offsets(%dma_start3A_50 : memref<32xi32, #tpu.memory_space<vmem>>) semaphore(%arg19 : memref<!tpu.dma_semaphore, #tpu.memory_space<semaphore_mem>>)
    %dma_start3A_54 = arith.constant 96 : i32
    %dma_start3A_55 = tpu.memref_slice %arg9[%dma_start3A_54] : memref<256xi32, #tpu.memory_space<vmem>> -> memref<32xi32, #tpu.memory_space<vmem>>
    %dma_start3A_56 = arith.constant 0 : i32
    %dma_start3A_57 = arith.constant 0 : i32
    %dma_start3A_58 = tpu.memref_slice %arg2[%dma_start3A_56, %dma_start3A_57] : memref<32768x768xf32, #tpu.memory_space<hbm>> -> memref<32768x768xf32, #tpu.memory_space<hbm>>
    tpu.enqueue_indirect_dma source(%dma_start3A_58 : memref<32768x768xf32, #tpu.memory_space<hbm>>) target(%arg14 : memref<32x768xf32, #tpu.memory_space<vmem>>) offsets(%dma_start3A_55 : memref<32xi32, #tpu.memory_space<vmem>>) semaphore(%arg20 : memref<!tpu.dma_semaphore, #tpu.memory_space<semaphore_mem>>)
    "tpu.region"() ({
      %run_scoped3A = tpu.sem_alloc : memref<!tpu.dma_semaphore, #tpu.memory_space<semaphore_mem>>
      %dma_start3A_390 = tpu.memref_slice %arg3[%mul3A_4] : memref<32768xi32, #tpu.memory_space<hbm>> -> memref<1024xi32, #tpu.memory_space<hbm>>
      %dma_start3A_391 = tpu.memref_slice %arg3[%mul3A_4] : memref<32768xi32, #tpu.memory_space<hbm>> -> memref<1024xi32, #tpu.memory_space<hbm>>
      tpu.enqueue_dma source(%dma_start3A_391 : memref<1024xi32, #tpu.memory_space<hbm>>) target(%arg10 : memref<1024xi32, #tpu.memory_space<vmem>>) target_semaphore(%run_scoped3A : memref<!tpu.dma_semaphore, #tpu.memory_space<semaphore_mem>>)
      %dma_wait3A_392 = tpu.memref_slice %arg3[%mul3A_4] : memref<32768xi32, #tpu.memory_space<hbm>> -> memref<1024xi32, #tpu.memory_space<hbm>>
      %dma_wait3A_393 = tpu.memref_slice %arg3[%mul3A_4] : memref<32768xi32, #tpu.memory_space<hbm>> -> memref<1024xi32, #tpu.memory_space<hbm>>
      tpu.wait_dma2 semaphore(%run_scoped3A : memref<!tpu.dma_semaphore, #tpu.memory_space<semaphore_mem>>) src(%dma_wait3A_393 : memref<1024xi32, #tpu.memory_space<hbm>>) dst(%arg10 : memref<1024xi32, #tpu.memory_space<vmem>>)
      tpu.yield
    }) : () -> ()
    %dma_start3A_59 = arith.constant 0 : i32
    %dma_start3A_60 = tpu.memref_slice %arg15[%dma_start3A_59] : memref<1024xf32, #tpu.memory_space<vmem>> -> memref<128xf32, #tpu.memory_space<vmem>>
    %dma_start3A_61 = arith.constant 0 : i32
    %dma_start3A_62 = tpu.memref_slice %arg10[%dma_start3A_61] : memref<1024xi32, #tpu.memory_space<vmem>> -> memref<128xi32, #tpu.memory_space<vmem>>
    %dma_start3A_63 = arith.constant 0 : i32
    %dma_start3A_64 = tpu.memref_slice %arg4[%dma_start3A_63] : memref<32768xf32, #tpu.memory_space<hbm>> -> memref<32768xf32, #tpu.memory_space<hbm>>
    tpu.enqueue_indirect_dma source(%dma_start3A_64 : memref<32768xf32, #tpu.memory_space<hbm>>) target(%dma_start3A_60 : memref<128xf32, #tpu.memory_space<vmem>>) offsets(%dma_start3A_62 : memref<128xi32, #tpu.memory_space<vmem>>) semaphore(%arg25 : memref<!tpu.dma_semaphore, #tpu.memory_space<semaphore_mem>>)
    %dma_start3A_65 = arith.constant 0 : i32
    %dma_start3A_66 = tpu.memref_slice %arg16[%dma_start3A_65] : memref<1024xf32, #tpu.memory_space<vmem>> -> memref<128xf32, #tpu.memory_space<vmem>>
    %dma_start3A_67 = arith.constant 0 : i32
    %dma_start3A_68 = tpu.memref_slice %arg10[%dma_start3A_67] : memref<1024xi32, #tpu.memory_space<vmem>> -> memref<128xi32, #tpu.memory_space<vmem>>
    %dma_start3A_69 = arith.constant 0 : i32
    %dma_start3A_70 = tpu.memref_slice %arg5[%dma_start3A_69] : memref<32768xf32, #tpu.memory_space<hbm>> -> memref<32768xf32, #tpu.memory_space<hbm>>
    tpu.enqueue_indirect_dma source(%dma_start3A_70 : memref<32768xf32, #tpu.memory_space<hbm>>) target(%dma_start3A_66 : memref<128xf32, #tpu.memory_space<vmem>>) offsets(%dma_start3A_68 : memref<128xi32, #tpu.memory_space<vmem>>) semaphore(%arg25 : memref<!tpu.dma_semaphore, #tpu.memory_space<semaphore_mem>>)
    %dma_start3A_71 = arith.constant 128 : i32
    %dma_start3A_72 = tpu.memref_slice %arg15[%dma_start3A_71] : memref<1024xf32, #tpu.memory_space<vmem>> -> memref<128xf32, #tpu.memory_space<vmem>>
    %dma_start3A_73 = arith.constant 128 : i32
    %dma_start3A_74 = tpu.memref_slice %arg10[%dma_start3A_73] : memref<1024xi32, #tpu.memory_space<vmem>> -> memref<128xi32, #tpu.memory_space<vmem>>
    %dma_start3A_75 = arith.constant 0 : i32
    %dma_start3A_76 = tpu.memref_slice %arg4[%dma_start3A_75] : memref<32768xf32, #tpu.memory_space<hbm>> -> memref<32768xf32, #tpu.memory_space<hbm>>
    tpu.enqueue_indirect_dma source(%dma_start3A_76 : memref<32768xf32, #tpu.memory_space<hbm>>) target(%dma_start3A_72 : memref<128xf32, #tpu.memory_space<vmem>>) offsets(%dma_start3A_74 : memref<128xi32, #tpu.memory_space<vmem>>) semaphore(%arg25 : memref<!tpu.dma_semaphore, #tpu.memory_space<semaphore_mem>>)
    %dma_start3A_77 = arith.constant 128 : i32
    %dma_start3A_78 = tpu.memref_slice %arg16[%dma_start3A_77] : memref<1024xf32, #tpu.memory_space<vmem>> -> memref<128xf32, #tpu.memory_space<vmem>>
    %dma_start3A_79 = arith.constant 128 : i32
    %dma_start3A_80 = tpu.memref_slice %arg10[%dma_start3A_79] : memref<1024xi32, #tpu.memory_space<vmem>> -> memref<128xi32, #tpu.memory_space<vmem>>
    %dma_start3A_81 = arith.constant 0 : i32
    %dma_start3A_82 = tpu.memref_slice %arg5[%dma_start3A_81] : memref<32768xf32, #tpu.memory_space<hbm>> -> memref<32768xf32, #tpu.memory_space<hbm>>
    tpu.enqueue_indirect_dma source(%dma_start3A_82 : memref<32768xf32, #tpu.memory_space<hbm>>) target(%dma_start3A_78 : memref<128xf32, #tpu.memory_space<vmem>>) offsets(%dma_start3A_80 : memref<128xi32, #tpu.memory_space<vmem>>) semaphore(%arg25 : memref<!tpu.dma_semaphore, #tpu.memory_space<semaphore_mem>>)
    %dma_start3A_83 = arith.constant 256 : i32
    %dma_start3A_84 = tpu.memref_slice %arg15[%dma_start3A_83] : memref<1024xf32, #tpu.memory_space<vmem>> -> memref<128xf32, #tpu.memory_space<vmem>>
    %dma_start3A_85 = arith.constant 256 : i32
    %dma_start3A_86 = tpu.memref_slice %arg10[%dma_start3A_85] : memref<1024xi32, #tpu.memory_space<vmem>> -> memref<128xi32, #tpu.memory_space<vmem>>
    %dma_start3A_87 = arith.constant 0 : i32
    %dma_start3A_88 = tpu.memref_slice %arg4[%dma_start3A_87] : memref<32768xf32, #tpu.memory_space<hbm>> -> memref<32768xf32, #tpu.memory_space<hbm>>
    tpu.enqueue_indirect_dma source(%dma_start3A_88 : memref<32768xf32, #tpu.memory_space<hbm>>) target(%dma_start3A_84 : memref<128xf32, #tpu.memory_space<vmem>>) offsets(%dma_start3A_86 : memref<128xi32, #tpu.memory_space<vmem>>) semaphore(%arg25 : memref<!tpu.dma_semaphore, #tpu.memory_space<semaphore_mem>>)
    %dma_start3A_89 = arith.constant 256 : i32
    %dma_start3A_90 = tpu.memref_slice %arg16[%dma_start3A_89] : memref<1024xf32, #tpu.memory_space<vmem>> -> memref<128xf32, #tpu.memory_space<vmem>>
    %dma_start3A_91 = arith.constant 256 : i32
    %dma_start3A_92 = tpu.memref_slice %arg10[%dma_start3A_91] : memref<1024xi32, #tpu.memory_space<vmem>> -> memref<128xi32, #tpu.memory_space<vmem>>
    %dma_start3A_93 = arith.constant 0 : i32
    %dma_start3A_94 = tpu.memref_slice %arg5[%dma_start3A_93] : memref<32768xf32, #tpu.memory_space<hbm>> -> memref<32768xf32, #tpu.memory_space<hbm>>
    tpu.enqueue_indirect_dma source(%dma_start3A_94 : memref<32768xf32, #tpu.memory_space<hbm>>) target(%dma_start3A_90 : memref<128xf32, #tpu.memory_space<vmem>>) offsets(%dma_start3A_92 : memref<128xi32, #tpu.memory_space<vmem>>) semaphore(%arg25 : memref<!tpu.dma_semaphore, #tpu.memory_space<semaphore_mem>>)
    %dma_start3A_95 = arith.constant 384 : i32
    %dma_start3A_96 = tpu.memref_slice %arg15[%dma_start3A_95] : memref<1024xf32, #tpu.memory_space<vmem>> -> memref<128xf32, #tpu.memory_space<vmem>>
    %dma_start3A_97 = arith.constant 384 : i32
    %dma_start3A_98 = tpu.memref_slice %arg10[%dma_start3A_97] : memref<1024xi32, #tpu.memory_space<vmem>> -> memref<128xi32, #tpu.memory_space<vmem>>
    %dma_start3A_99 = arith.constant 0 : i32
    %dma_start3A_100 = tpu.memref_slice %arg4[%dma_start3A_99] : memref<32768xf32, #tpu.memory_space<hbm>> -> memref<32768xf32, #tpu.memory_space<hbm>>
    tpu.enqueue_indirect_dma source(%dma_start3A_100 : memref<32768xf32, #tpu.memory_space<hbm>>) target(%dma_start3A_96 : memref<128xf32, #tpu.memory_space<vmem>>) offsets(%dma_start3A_98 : memref<128xi32, #tpu.memory_space<vmem>>) semaphore(%arg25 : memref<!tpu.dma_semaphore, #tpu.memory_space<semaphore_mem>>)
    %dma_start3A_101 = arith.constant 384 : i32
    %dma_start3A_102 = tpu.memref_slice %arg16[%dma_start3A_101] : memref<1024xf32, #tpu.memory_space<vmem>> -> memref<128xf32, #tpu.memory_space<vmem>>
    %dma_start3A_103 = arith.constant 384 : i32
    %dma_start3A_104 = tpu.memref_slice %arg10[%dma_start3A_103] : memref<1024xi32, #tpu.memory_space<vmem>> -> memref<128xi32, #tpu.memory_space<vmem>>
    %dma_start3A_105 = arith.constant 0 : i32
    %dma_start3A_106 = tpu.memref_slice %arg5[%dma_start3A_105] : memref<32768xf32, #tpu.memory_space<hbm>> -> memref<32768xf32, #tpu.memory_space<hbm>>
    tpu.enqueue_indirect_dma source(%dma_start3A_106 : memref<32768xf32, #tpu.memory_space<hbm>>) target(%dma_start3A_102 : memref<128xf32, #tpu.memory_space<vmem>>) offsets(%dma_start3A_104 : memref<128xi32, #tpu.memory_space<vmem>>) semaphore(%arg25 : memref<!tpu.dma_semaphore, #tpu.memory_space<semaphore_mem>>)
    %dma_start3A_107 = arith.constant 512 : i32
    %dma_start3A_108 = tpu.memref_slice %arg15[%dma_start3A_107] : memref<1024xf32, #tpu.memory_space<vmem>> -> memref<128xf32, #tpu.memory_space<vmem>>
    %dma_start3A_109 = arith.constant 512 : i32
    %dma_start3A_110 = tpu.memref_slice %arg10[%dma_start3A_109] : memref<1024xi32, #tpu.memory_space<vmem>> -> memref<128xi32, #tpu.memory_space<vmem>>
    %dma_start3A_111 = arith.constant 0 : i32
    %dma_start3A_112 = tpu.memref_slice %arg4[%dma_start3A_111] : memref<32768xf32, #tpu.memory_space<hbm>> -> memref<32768xf32, #tpu.memory_space<hbm>>
    tpu.enqueue_indirect_dma source(%dma_start3A_112 : memref<32768xf32, #tpu.memory_space<hbm>>) target(%dma_start3A_108 : memref<128xf32, #tpu.memory_space<vmem>>) offsets(%dma_start3A_110 : memref<128xi32, #tpu.memory_space<vmem>>) semaphore(%arg25 : memref<!tpu.dma_semaphore, #tpu.memory_space<semaphore_mem>>)
    %dma_start3A_113 = arith.constant 512 : i32
    %dma_start3A_114 = tpu.memref_slice %arg16[%dma_start3A_113] : memref<1024xf32, #tpu.memory_space<vmem>> -> memref<128xf32, #tpu.memory_space<vmem>>
    %dma_start3A_115 = arith.constant 512 : i32
    %dma_start3A_116 = tpu.memref_slice %arg10[%dma_start3A_115] : memref<1024xi32, #tpu.memory_space<vmem>> -> memref<128xi32, #tpu.memory_space<vmem>>
    %dma_start3A_117 = arith.constant 0 : i32
    %dma_start3A_118 = tpu.memref_slice %arg5[%dma_start3A_117] : memref<32768xf32, #tpu.memory_space<hbm>> -> memref<32768xf32, #tpu.memory_space<hbm>>
    tpu.enqueue_indirect_dma source(%dma_start3A_118 : memref<32768xf32, #tpu.memory_space<hbm>>) target(%dma_start3A_114 : memref<128xf32, #tpu.memory_space<vmem>>) offsets(%dma_start3A_116 : memref<128xi32, #tpu.memory_space<vmem>>) semaphore(%arg25 : memref<!tpu.dma_semaphore, #tpu.memory_space<semaphore_mem>>)
    %dma_start3A_119 = arith.constant 640 : i32
    %dma_start3A_120 = tpu.memref_slice %arg15[%dma_start3A_119] : memref<1024xf32, #tpu.memory_space<vmem>> -> memref<128xf32, #tpu.memory_space<vmem>>
    %dma_start3A_121 = arith.constant 640 : i32
    %dma_start3A_122 = tpu.memref_slice %arg10[%dma_start3A_121] : memref<1024xi32, #tpu.memory_space<vmem>> -> memref<128xi32, #tpu.memory_space<vmem>>
    %dma_start3A_123 = arith.constant 0 : i32
    %dma_start3A_124 = tpu.memref_slice %arg4[%dma_start3A_123] : memref<32768xf32, #tpu.memory_space<hbm>> -> memref<32768xf32, #tpu.memory_space<hbm>>
    tpu.enqueue_indirect_dma source(%dma_start3A_124 : memref<32768xf32, #tpu.memory_space<hbm>>) target(%dma_start3A_120 : memref<128xf32, #tpu.memory_space<vmem>>) offsets(%dma_start3A_122 : memref<128xi32, #tpu.memory_space<vmem>>) semaphore(%arg25 : memref<!tpu.dma_semaphore, #tpu.memory_space<semaphore_mem>>)
    %dma_start3A_125 = arith.constant 640 : i32
    %dma_start3A_126 = tpu.memref_slice %arg16[%dma_start3A_125] : memref<1024xf32, #tpu.memory_space<vmem>> -> memref<128xf32, #tpu.memory_space<vmem>>
    %dma_start3A_127 = arith.constant 640 : i32
    %dma_start3A_128 = tpu.memref_slice %arg10[%dma_start3A_127] : memref<1024xi32, #tpu.memory_space<vmem>> -> memref<128xi32, #tpu.memory_space<vmem>>
    %dma_start3A_129 = arith.constant 0 : i32
    %dma_start3A_130 = tpu.memref_slice %arg5[%dma_start3A_129] : memref<32768xf32, #tpu.memory_space<hbm>> -> memref<32768xf32, #tpu.memory_space<hbm>>
    tpu.enqueue_indirect_dma source(%dma_start3A_130 : memref<32768xf32, #tpu.memory_space<hbm>>) target(%dma_start3A_126 : memref<128xf32, #tpu.memory_space<vmem>>) offsets(%dma_start3A_128 : memref<128xi32, #tpu.memory_space<vmem>>) semaphore(%arg25 : memref<!tpu.dma_semaphore, #tpu.memory_space<semaphore_mem>>)
    %dma_start3A_131 = arith.constant 768 : i32
    %dma_start3A_132 = tpu.memref_slice %arg15[%dma_start3A_131] : memref<1024xf32, #tpu.memory_space<vmem>> -> memref<128xf32, #tpu.memory_space<vmem>>
    %dma_start3A_133 = arith.constant 768 : i32
    %dma_start3A_134 = tpu.memref_slice %arg10[%dma_start3A_133] : memref<1024xi32, #tpu.memory_space<vmem>> -> memref<128xi32, #tpu.memory_space<vmem>>
    %dma_start3A_135 = arith.constant 0 : i32
    %dma_start3A_136 = tpu.memref_slice %arg4[%dma_start3A_135] : memref<32768xf32, #tpu.memory_space<hbm>> -> memref<32768xf32, #tpu.memory_space<hbm>>
    tpu.enqueue_indirect_dma source(%dma_start3A_136 : memref<32768xf32, #tpu.memory_space<hbm>>) target(%dma_start3A_132 : memref<128xf32, #tpu.memory_space<vmem>>) offsets(%dma_start3A_134 : memref<128xi32, #tpu.memory_space<vmem>>) semaphore(%arg25 : memref<!tpu.dma_semaphore, #tpu.memory_space<semaphore_mem>>)
    %dma_start3A_137 = arith.constant 768 : i32
    %dma_start3A_138 = tpu.memref_slice %arg16[%dma_start3A_137] : memref<1024xf32, #tpu.memory_space<vmem>> -> memref<128xf32, #tpu.memory_space<vmem>>
    %dma_start3A_139 = arith.constant 768 : i32
    %dma_start3A_140 = tpu.memref_slice %arg10[%dma_start3A_139] : memref<1024xi32, #tpu.memory_space<vmem>> -> memref<128xi32, #tpu.memory_space<vmem>>
    %dma_start3A_141 = arith.constant 0 : i32
    %dma_start3A_142 = tpu.memref_slice %arg5[%dma_start3A_141] : memref<32768xf32, #tpu.memory_space<hbm>> -> memref<32768xf32, #tpu.memory_space<hbm>>
    tpu.enqueue_indirect_dma source(%dma_start3A_142 : memref<32768xf32, #tpu.memory_space<hbm>>) target(%dma_start3A_138 : memref<128xf32, #tpu.memory_space<vmem>>) offsets(%dma_start3A_140 : memref<128xi32, #tpu.memory_space<vmem>>) semaphore(%arg25 : memref<!tpu.dma_semaphore, #tpu.memory_space<semaphore_mem>>)
    %dma_start3A_143 = arith.constant 896 : i32
    %dma_start3A_144 = tpu.memref_slice %arg15[%dma_start3A_143] : memref<1024xf32, #tpu.memory_space<vmem>> -> memref<128xf32, #tpu.memory_space<vmem>>
    %dma_start3A_145 = arith.constant 896 : i32
    %dma_start3A_146 = tpu.memref_slice %arg10[%dma_start3A_145] : memref<1024xi32, #tpu.memory_space<vmem>> -> memref<128xi32, #tpu.memory_space<vmem>>
    %dma_start3A_147 = arith.constant 0 : i32
    %dma_start3A_148 = tpu.memref_slice %arg4[%dma_start3A_147] : memref<32768xf32, #tpu.memory_space<hbm>> -> memref<32768xf32, #tpu.memory_space<hbm>>
    tpu.enqueue_indirect_dma source(%dma_start3A_148 : memref<32768xf32, #tpu.memory_space<hbm>>) target(%dma_start3A_144 : memref<128xf32, #tpu.memory_space<vmem>>) offsets(%dma_start3A_146 : memref<128xi32, #tpu.memory_space<vmem>>) semaphore(%arg25 : memref<!tpu.dma_semaphore, #tpu.memory_space<semaphore_mem>>)
    %dma_start3A_149 = arith.constant 896 : i32
    %dma_start3A_150 = tpu.memref_slice %arg16[%dma_start3A_149] : memref<1024xf32, #tpu.memory_space<vmem>> -> memref<128xf32, #tpu.memory_space<vmem>>
    %dma_start3A_151 = arith.constant 896 : i32
    %dma_start3A_152 = tpu.memref_slice %arg10[%dma_start3A_151] : memref<1024xi32, #tpu.memory_space<vmem>> -> memref<128xi32, #tpu.memory_space<vmem>>
    %dma_start3A_153 = arith.constant 0 : i32
    %dma_start3A_154 = tpu.memref_slice %arg5[%dma_start3A_153] : memref<32768xf32, #tpu.memory_space<hbm>> -> memref<32768xf32, #tpu.memory_space<hbm>>
    tpu.enqueue_indirect_dma source(%dma_start3A_154 : memref<32768xf32, #tpu.memory_space<hbm>>) target(%dma_start3A_150 : memref<128xf32, #tpu.memory_space<vmem>>) offsets(%dma_start3A_152 : memref<128xi32, #tpu.memory_space<vmem>>) semaphore(%arg25 : memref<!tpu.dma_semaphore, #tpu.memory_space<semaphore_mem>>)
    %dma_wait3A = arith.constant 0 : i32
    %dma_wait3A_155 = tpu.memref_slice %arg9[%dma_wait3A] : memref<256xi32, #tpu.memory_space<vmem>> -> memref<32xi32, #tpu.memory_space<vmem>>
    %dma_wait3A_156 = arith.constant 0 : i32
    %dma_wait3A_157 = arith.constant 0 : i32
    %dma_wait3A_158 = tpu.memref_slice %arg2[%dma_wait3A_156, %dma_wait3A_157] : memref<32768x768xf32, #tpu.memory_space<hbm>> -> memref<32768x768xf32, #tpu.memory_space<hbm>>
    tpu.wait_indirect_dma semaphore(%arg17 : memref<!tpu.dma_semaphore, #tpu.memory_space<semaphore_mem>>) src(%dma_wait3A_158 : memref<32768x768xf32, #tpu.memory_space<hbm>>) dst(%arg11 : memref<32x768xf32, #tpu.memory_space<vmem>>)
    %add3A_159 = arith.constant 0 : i32
    %add3A_160 = arith.addi %mul3A_2, %add3A_159 : i32
    %dma_start3A_161 = arith.constant 0 : i32
    %dma_start3A_162 = tpu.memref_slice %arg6[%add3A_160, %dma_start3A_161] : memref<8192x768xf32, #tpu.memory_space<hbm>> -> memref<32x768xf32, #tpu.memory_space<hbm>>
    %dma_start3A_163 = arith.constant 0 : i32
    %dma_start3A_164 = tpu.memref_slice %arg6[%add3A_160, %dma_start3A_163] : memref<8192x768xf32, #tpu.memory_space<hbm>> -> memref<32x768xf32, #tpu.memory_space<hbm>>
    tpu.enqueue_dma source(%arg11 : memref<32x768xf32, #tpu.memory_space<vmem>>) target(%dma_start3A_164 : memref<32x768xf32, #tpu.memory_space<hbm>>) target_semaphore(%arg21 : memref<!tpu.dma_semaphore, #tpu.memory_space<semaphore_mem>>)
    %dma_wait3A_165 = arith.constant 0 : i32
    %dma_wait3A_166 = tpu.memref_slice %arg6[%add3A_160, %dma_wait3A_165] : memref<8192x768xf32, #tpu.memory_space<hbm>> -> memref<32x768xf32, #tpu.memory_space<hbm>>
    %dma_wait3A_167 = arith.constant 0 : i32
    %dma_wait3A_168 = tpu.memref_slice %arg6[%add3A_160, %dma_wait3A_167] : memref<8192x768xf32, #tpu.memory_space<hbm>> -> memref<32x768xf32, #tpu.memory_space<hbm>>
    tpu.wait_dma2 semaphore(%arg21 : memref<!tpu.dma_semaphore, #tpu.memory_space<semaphore_mem>>) src(%arg11 : memref<32x768xf32, #tpu.memory_space<vmem>>) dst(%dma_wait3A_168 : memref<32x768xf32, #tpu.memory_space<hbm>>)
    %dma_start3A_169 = arith.constant 128 : i32
    %dma_start3A_170 = tpu.memref_slice %arg9[%dma_start3A_169] : memref<256xi32, #tpu.memory_space<vmem>> -> memref<32xi32, #tpu.memory_space<vmem>>
    %dma_start3A_171 = arith.constant 0 : i32
    %dma_start3A_172 = arith.constant 0 : i32
    %dma_start3A_173 = tpu.memref_slice %arg2[%dma_start3A_171, %dma_start3A_172] : memref<32768x768xf32, #tpu.memory_space<hbm>> -> memref<32768x768xf32, #tpu.memory_space<hbm>>
    tpu.enqueue_indirect_dma source(%dma_start3A_173 : memref<32768x768xf32, #tpu.memory_space<hbm>>) target(%arg11 : memref<32x768xf32, #tpu.memory_space<vmem>>) offsets(%dma_start3A_170 : memref<32xi32, #tpu.memory_space<vmem>>) semaphore(%arg17 : memref<!tpu.dma_semaphore, #tpu.memory_space<semaphore_mem>>)
    %dma_wait3A_174 = arith.constant 32 : i32
    %dma_wait3A_175 = tpu.memref_slice %arg9[%dma_wait3A_174] : memref<256xi32, #tpu.memory_space<vmem>> -> memref<32xi32, #tpu.memory_space<vmem>>
    %dma_wait3A_176 = arith.constant 0 : i32
    %dma_wait3A_177 = arith.constant 0 : i32
    %dma_wait3A_178 = tpu.memref_slice %arg2[%dma_wait3A_176, %dma_wait3A_177] : memref<32768x768xf32, #tpu.memory_space<hbm>> -> memref<32768x768xf32, #tpu.memory_space<hbm>>
    tpu.wait_indirect_dma semaphore(%arg18 : memref<!tpu.dma_semaphore, #tpu.memory_space<semaphore_mem>>) src(%dma_wait3A_178 : memref<32768x768xf32, #tpu.memory_space<hbm>>) dst(%arg12 : memref<32x768xf32, #tpu.memory_space<vmem>>)
    %add3A_179 = arith.constant 32 : i32
    %add3A_180 = arith.addi %mul3A_2, %add3A_179 : i32
    %dma_start3A_181 = arith.constant 0 : i32
    %dma_start3A_182 = tpu.memref_slice %arg6[%add3A_180, %dma_start3A_181] : memref<8192x768xf32, #tpu.memory_space<hbm>> -> memref<32x768xf32, #tpu.memory_space<hbm>>
    %dma_start3A_183 = arith.constant 0 : i32
    %dma_start3A_184 = tpu.memref_slice %arg6[%add3A_180, %dma_start3A_183] : memref<8192x768xf32, #tpu.memory_space<hbm>> -> memref<32x768xf32, #tpu.memory_space<hbm>>
    tpu.enqueue_dma source(%arg12 : memref<32x768xf32, #tpu.memory_space<vmem>>) target(%dma_start3A_184 : memref<32x768xf32, #tpu.memory_space<hbm>>) target_semaphore(%arg22 : memref<!tpu.dma_semaphore, #tpu.memory_space<semaphore_mem>>)
    %dma_wait3A_185 = arith.constant 0 : i32
    %dma_wait3A_186 = tpu.memref_slice %arg6[%add3A_180, %dma_wait3A_185] : memref<8192x768xf32, #tpu.memory_space<hbm>> -> memref<32x768xf32, #tpu.memory_space<hbm>>
    %dma_wait3A_187 = arith.constant 0 : i32
    %dma_wait3A_188 = tpu.memref_slice %arg6[%add3A_180, %dma_wait3A_187] : memref<8192x768xf32, #tpu.memory_space<hbm>> -> memref<32x768xf32, #tpu.memory_space<hbm>>
    tpu.wait_dma2 semaphore(%arg22 : memref<!tpu.dma_semaphore, #tpu.memory_space<semaphore_mem>>) src(%arg12 : memref<32x768xf32, #tpu.memory_space<vmem>>) dst(%dma_wait3A_188 : memref<32x768xf32, #tpu.memory_space<hbm>>)
    %dma_start3A_189 = arith.constant 160 : i32
    %dma_start3A_190 = tpu.memref_slice %arg9[%dma_start3A_189] : memref<256xi32, #tpu.memory_space<vmem>> -> memref<32xi32, #tpu.memory_space<vmem>>
    %dma_start3A_191 = arith.constant 0 : i32
    %dma_start3A_192 = arith.constant 0 : i32
    %dma_start3A_193 = tpu.memref_slice %arg2[%dma_start3A_191, %dma_start3A_192] : memref<32768x768xf32, #tpu.memory_space<hbm>> -> memref<32768x768xf32, #tpu.memory_space<hbm>>
    tpu.enqueue_indirect_dma source(%dma_start3A_193 : memref<32768x768xf32, #tpu.memory_space<hbm>>) target(%arg12 : memref<32x768xf32, #tpu.memory_space<vmem>>) offsets(%dma_start3A_190 : memref<32xi32, #tpu.memory_space<vmem>>) semaphore(%arg18 : memref<!tpu.dma_semaphore, #tpu.memory_space<semaphore_mem>>)
    %dma_wait3A_194 = arith.constant 64 : i32
    %dma_wait3A_195 = tpu.memref_slice %arg9[%dma_wait3A_194] : memref<256xi32, #tpu.memory_space<vmem>> -> memref<32xi32, #tpu.memory_space<vmem>>
    %dma_wait3A_196 = arith.constant 0 : i32
    %dma_wait3A_197 = arith.constant 0 : i32
    %dma_wait3A_198 = tpu.memref_slice %arg2[%dma_wait3A_196, %dma_wait3A_197] : memref<32768x768xf32, #tpu.memory_space<hbm>> -> memref<32768x768xf32, #tpu.memory_space<hbm>>
    tpu.wait_indirect_dma semaphore(%arg19 : memref<!tpu.dma_semaphore, #tpu.memory_space<semaphore_mem>>) src(%dma_wait3A_198 : memref<32768x768xf32, #tpu.memory_space<hbm>>) dst(%arg13 : memref<32x768xf32, #tpu.memory_space<vmem>>)
    %add3A_199 = arith.constant 64 : i32
    %add3A_200 = arith.addi %mul3A_2, %add3A_199 : i32
    %dma_start3A_201 = arith.constant 0 : i32
    %dma_start3A_202 = tpu.memref_slice %arg6[%add3A_200, %dma_start3A_201] : memref<8192x768xf32, #tpu.memory_space<hbm>> -> memref<32x768xf32, #tpu.memory_space<hbm>>
    %dma_start3A_203 = arith.constant 0 : i32
    %dma_start3A_204 = tpu.memref_slice %arg6[%add3A_200, %dma_start3A_203] : memref<8192x768xf32, #tpu.memory_space<hbm>> -> memref<32x768xf32, #tpu.memory_space<hbm>>
    tpu.enqueue_dma source(%arg13 : memref<32x768xf32, #tpu.memory_space<vmem>>) target(%dma_start3A_204 : memref<32x768xf32, #tpu.memory_space<hbm>>) target_semaphore(%arg23 : memref<!tpu.dma_semaphore, #tpu.memory_space<semaphore_mem>>)
    %dma_wait3A_205 = arith.constant 0 : i32
    %dma_wait3A_206 = tpu.memref_slice %arg6[%add3A_200, %dma_wait3A_205] : memref<8192x768xf32, #tpu.memory_space<hbm>> -> memref<32x768xf32, #tpu.memory_space<hbm>>
    %dma_wait3A_207 = arith.constant 0 : i32
    %dma_wait3A_208 = tpu.memref_slice %arg6[%add3A_200, %dma_wait3A_207] : memref<8192x768xf32, #tpu.memory_space<hbm>> -> memref<32x768xf32, #tpu.memory_space<hbm>>
    tpu.wait_dma2 semaphore(%arg23 : memref<!tpu.dma_semaphore, #tpu.memory_space<semaphore_mem>>) src(%arg13 : memref<32x768xf32, #tpu.memory_space<vmem>>) dst(%dma_wait3A_208 : memref<32x768xf32, #tpu.memory_space<hbm>>)
    %dma_start3A_209 = arith.constant 192 : i32
    %dma_start3A_210 = tpu.memref_slice %arg9[%dma_start3A_209] : memref<256xi32, #tpu.memory_space<vmem>> -> memref<32xi32, #tpu.memory_space<vmem>>
    %dma_start3A_211 = arith.constant 0 : i32
    %dma_start3A_212 = arith.constant 0 : i32
    %dma_start3A_213 = tpu.memref_slice %arg2[%dma_start3A_211, %dma_start3A_212] : memref<32768x768xf32, #tpu.memory_space<hbm>> -> memref<32768x768xf32, #tpu.memory_space<hbm>>
    tpu.enqueue_indirect_dma source(%dma_start3A_213 : memref<32768x768xf32, #tpu.memory_space<hbm>>) target(%arg13 : memref<32x768xf32, #tpu.memory_space<vmem>>) offsets(%dma_start3A_210 : memref<32xi32, #tpu.memory_space<vmem>>) semaphore(%arg19 : memref<!tpu.dma_semaphore, #tpu.memory_space<semaphore_mem>>)
    %dma_wait3A_214 = arith.constant 96 : i32
    %dma_wait3A_215 = tpu.memref_slice %arg9[%dma_wait3A_214] : memref<256xi32, #tpu.memory_space<vmem>> -> memref<32xi32, #tpu.memory_space<vmem>>
    %dma_wait3A_216 = arith.constant 0 : i32
    %dma_wait3A_217 = arith.constant 0 : i32
    %dma_wait3A_218 = tpu.memref_slice %arg2[%dma_wait3A_216, %dma_wait3A_217] : memref<32768x768xf32, #tpu.memory_space<hbm>> -> memref<32768x768xf32, #tpu.memory_space<hbm>>
    tpu.wait_indirect_dma semaphore(%arg20 : memref<!tpu.dma_semaphore, #tpu.memory_space<semaphore_mem>>) src(%dma_wait3A_218 : memref<32768x768xf32, #tpu.memory_space<hbm>>) dst(%arg14 : memref<32x768xf32, #tpu.memory_space<vmem>>)
    %add3A_219 = arith.constant 96 : i32
    %add3A_220 = arith.addi %mul3A_2, %add3A_219 : i32
    %dma_start3A_221 = arith.constant 0 : i32
    %dma_start3A_222 = tpu.memref_slice %arg6[%add3A_220, %dma_start3A_221] : memref<8192x768xf32, #tpu.memory_space<hbm>> -> memref<32x768xf32, #tpu.memory_space<hbm>>
    %dma_start3A_223 = arith.constant 0 : i32
    %dma_start3A_224 = tpu.memref_slice %arg6[%add3A_220, %dma_start3A_223] : memref<8192x768xf32, #tpu.memory_space<hbm>> -> memref<32x768xf32, #tpu.memory_space<hbm>>
    tpu.enqueue_dma source(%arg14 : memref<32x768xf32, #tpu.memory_space<vmem>>) target(%dma_start3A_224 : memref<32x768xf32, #tpu.memory_space<hbm>>) target_semaphore(%arg24 : memref<!tpu.dma_semaphore, #tpu.memory_space<semaphore_mem>>)
    %dma_wait3A_225 = arith.constant 0 : i32
    %dma_wait3A_226 = tpu.memref_slice %arg6[%add3A_220, %dma_wait3A_225] : memref<8192x768xf32, #tpu.memory_space<hbm>> -> memref<32x768xf32, #tpu.memory_space<hbm>>
    %dma_wait3A_227 = arith.constant 0 : i32
    %dma_wait3A_228 = tpu.memref_slice %arg6[%add3A_220, %dma_wait3A_227] : memref<8192x768xf32, #tpu.memory_space<hbm>> -> memref<32x768xf32, #tpu.memory_space<hbm>>
    tpu.wait_dma2 semaphore(%arg24 : memref<!tpu.dma_semaphore, #tpu.memory_space<semaphore_mem>>) src(%arg14 : memref<32x768xf32, #tpu.memory_space<vmem>>) dst(%dma_wait3A_228 : memref<32x768xf32, #tpu.memory_space<hbm>>)
    %dma_start3A_229 = arith.constant 224 : i32
    %dma_start3A_230 = tpu.memref_slice %arg9[%dma_start3A_229] : memref<256xi32, #tpu.memory_space<vmem>> -> memref<32xi32, #tpu.memory_space<vmem>>
    %dma_start3A_231 = arith.constant 0 : i32
    %dma_start3A_232 = arith.constant 0 : i32
    %dma_start3A_233 = tpu.memref_slice %arg2[%dma_start3A_231, %dma_start3A_232] : memref<32768x768xf32, #tpu.memory_space<hbm>> -> memref<32768x768xf32, #tpu.memory_space<hbm>>
    tpu.enqueue_indirect_dma source(%dma_start3A_233 : memref<32768x768xf32, #tpu.memory_space<hbm>>) target(%arg14 : memref<32x768xf32, #tpu.memory_space<vmem>>) offsets(%dma_start3A_230 : memref<32xi32, #tpu.memory_space<vmem>>) semaphore(%arg20 : memref<!tpu.dma_semaphore, #tpu.memory_space<semaphore_mem>>)
    %dma_wait3A_234 = arith.constant 128 : i32
    %dma_wait3A_235 = tpu.memref_slice %arg9[%dma_wait3A_234] : memref<256xi32, #tpu.memory_space<vmem>> -> memref<32xi32, #tpu.memory_space<vmem>>
    %dma_wait3A_236 = arith.constant 0 : i32
    %dma_wait3A_237 = arith.constant 0 : i32
    %dma_wait3A_238 = tpu.memref_slice %arg2[%dma_wait3A_236, %dma_wait3A_237] : memref<32768x768xf32, #tpu.memory_space<hbm>> -> memref<32768x768xf32, #tpu.memory_space<hbm>>
    tpu.wait_indirect_dma semaphore(%arg17 : memref<!tpu.dma_semaphore, #tpu.memory_space<semaphore_mem>>) src(%dma_wait3A_238 : memref<32768x768xf32, #tpu.memory_space<hbm>>) dst(%arg11 : memref<32x768xf32, #tpu.memory_space<vmem>>)
    %add3A_239 = arith.constant 128 : i32
    %add3A_240 = arith.addi %mul3A_2, %add3A_239 : i32
    %dma_start3A_241 = arith.constant 0 : i32
    %dma_start3A_242 = tpu.memref_slice %arg6[%add3A_240, %dma_start3A_241] : memref<8192x768xf32, #tpu.memory_space<hbm>> -> memref<32x768xf32, #tpu.memory_space<hbm>>
    %dma_start3A_243 = arith.constant 0 : i32
    %dma_start3A_244 = tpu.memref_slice %arg6[%add3A_240, %dma_start3A_243] : memref<8192x768xf32, #tpu.memory_space<hbm>> -> memref<32x768xf32, #tpu.memory_space<hbm>>
    tpu.enqueue_dma source(%arg11 : memref<32x768xf32, #tpu.memory_space<vmem>>) target(%dma_start3A_244 : memref<32x768xf32, #tpu.memory_space<hbm>>) target_semaphore(%arg21 : memref<!tpu.dma_semaphore, #tpu.memory_space<semaphore_mem>>)
    %dma_wait3A_245 = arith.constant 160 : i32
    %dma_wait3A_246 = tpu.memref_slice %arg9[%dma_wait3A_245] : memref<256xi32, #tpu.memory_space<vmem>> -> memref<32xi32, #tpu.memory_space<vmem>>
    %dma_wait3A_247 = arith.constant 0 : i32
    %dma_wait3A_248 = arith.constant 0 : i32
    %dma_wait3A_249 = tpu.memref_slice %arg2[%dma_wait3A_247, %dma_wait3A_248] : memref<32768x768xf32, #tpu.memory_space<hbm>> -> memref<32768x768xf32, #tpu.memory_space<hbm>>
    tpu.wait_indirect_dma semaphore(%arg18 : memref<!tpu.dma_semaphore, #tpu.memory_space<semaphore_mem>>) src(%dma_wait3A_249 : memref<32768x768xf32, #tpu.memory_space<hbm>>) dst(%arg12 : memref<32x768xf32, #tpu.memory_space<vmem>>)
    %add3A_250 = arith.constant 160 : i32
    %add3A_251 = arith.addi %mul3A_2, %add3A_250 : i32
    %dma_start3A_252 = arith.constant 0 : i32
    %dma_start3A_253 = tpu.memref_slice %arg6[%add3A_251, %dma_start3A_252] : memref<8192x768xf32, #tpu.memory_space<hbm>> -> memref<32x768xf32, #tpu.memory_space<hbm>>
    %dma_start3A_254 = arith.constant 0 : i32
    %dma_start3A_255 = tpu.memref_slice %arg6[%add3A_251, %dma_start3A_254] : memref<8192x768xf32, #tpu.memory_space<hbm>> -> memref<32x768xf32, #tpu.memory_space<hbm>>
    tpu.enqueue_dma source(%arg12 : memref<32x768xf32, #tpu.memory_space<vmem>>) target(%dma_start3A_255 : memref<32x768xf32, #tpu.memory_space<hbm>>) target_semaphore(%arg22 : memref<!tpu.dma_semaphore, #tpu.memory_space<semaphore_mem>>)
    %dma_wait3A_256 = arith.constant 192 : i32
    %dma_wait3A_257 = tpu.memref_slice %arg9[%dma_wait3A_256] : memref<256xi32, #tpu.memory_space<vmem>> -> memref<32xi32, #tpu.memory_space<vmem>>
    %dma_wait3A_258 = arith.constant 0 : i32
    %dma_wait3A_259 = arith.constant 0 : i32
    %dma_wait3A_260 = tpu.memref_slice %arg2[%dma_wait3A_258, %dma_wait3A_259] : memref<32768x768xf32, #tpu.memory_space<hbm>> -> memref<32768x768xf32, #tpu.memory_space<hbm>>
    tpu.wait_indirect_dma semaphore(%arg19 : memref<!tpu.dma_semaphore, #tpu.memory_space<semaphore_mem>>) src(%dma_wait3A_260 : memref<32768x768xf32, #tpu.memory_space<hbm>>) dst(%arg13 : memref<32x768xf32, #tpu.memory_space<vmem>>)
    %add3A_261 = arith.constant 192 : i32
    %add3A_262 = arith.addi %mul3A_2, %add3A_261 : i32
    %dma_start3A_263 = arith.constant 0 : i32
    %dma_start3A_264 = tpu.memref_slice %arg6[%add3A_262, %dma_start3A_263] : memref<8192x768xf32, #tpu.memory_space<hbm>> -> memref<32x768xf32, #tpu.memory_space<hbm>>
    %dma_start3A_265 = arith.constant 0 : i32
    %dma_start3A_266 = tpu.memref_slice %arg6[%add3A_262, %dma_start3A_265] : memref<8192x768xf32, #tpu.memory_space<hbm>> -> memref<32x768xf32, #tpu.memory_space<hbm>>
    tpu.enqueue_dma source(%arg13 : memref<32x768xf32, #tpu.memory_space<vmem>>) target(%dma_start3A_266 : memref<32x768xf32, #tpu.memory_space<hbm>>) target_semaphore(%arg23 : memref<!tpu.dma_semaphore, #tpu.memory_space<semaphore_mem>>)
    %dma_wait3A_267 = arith.constant 224 : i32
    %dma_wait3A_268 = tpu.memref_slice %arg9[%dma_wait3A_267] : memref<256xi32, #tpu.memory_space<vmem>> -> memref<32xi32, #tpu.memory_space<vmem>>
    %dma_wait3A_269 = arith.constant 0 : i32
    %dma_wait3A_270 = arith.constant 0 : i32
    %dma_wait3A_271 = tpu.memref_slice %arg2[%dma_wait3A_269, %dma_wait3A_270] : memref<32768x768xf32, #tpu.memory_space<hbm>> -> memref<32768x768xf32, #tpu.memory_space<hbm>>
    tpu.wait_indirect_dma semaphore(%arg20 : memref<!tpu.dma_semaphore, #tpu.memory_space<semaphore_mem>>) src(%dma_wait3A_271 : memref<32768x768xf32, #tpu.memory_space<hbm>>) dst(%arg14 : memref<32x768xf32, #tpu.memory_space<vmem>>)
    %add3A_272 = arith.constant 224 : i32
    %add3A_273 = arith.addi %mul3A_2, %add3A_272 : i32
    %dma_start3A_274 = arith.constant 0 : i32
    %dma_start3A_275 = tpu.memref_slice %arg6[%add3A_273, %dma_start3A_274] : memref<8192x768xf32, #tpu.memory_space<hbm>> -> memref<32x768xf32, #tpu.memory_space<hbm>>
    %dma_start3A_276 = arith.constant 0 : i32
    %dma_start3A_277 = tpu.memref_slice %arg6[%add3A_273, %dma_start3A_276] : memref<8192x768xf32, #tpu.memory_space<hbm>> -> memref<32x768xf32, #tpu.memory_space<hbm>>
    tpu.enqueue_dma source(%arg14 : memref<32x768xf32, #tpu.memory_space<vmem>>) target(%dma_start3A_277 : memref<32x768xf32, #tpu.memory_space<hbm>>) target_semaphore(%arg24 : memref<!tpu.dma_semaphore, #tpu.memory_space<semaphore_mem>>)
    %dma_wait3A_278 = arith.constant 0 : i32
    %dma_wait3A_279 = tpu.memref_slice %arg6[%add3A_240, %dma_wait3A_278] : memref<8192x768xf32, #tpu.memory_space<hbm>> -> memref<32x768xf32, #tpu.memory_space<hbm>>
    %dma_wait3A_280 = arith.constant 0 : i32
    %dma_wait3A_281 = tpu.memref_slice %arg6[%add3A_240, %dma_wait3A_280] : memref<8192x768xf32, #tpu.memory_space<hbm>> -> memref<32x768xf32, #tpu.memory_space<hbm>>
    tpu.wait_dma2 semaphore(%arg21 : memref<!tpu.dma_semaphore, #tpu.memory_space<semaphore_mem>>) src(%arg11 : memref<32x768xf32, #tpu.memory_space<vmem>>) dst(%dma_wait3A_281 : memref<32x768xf32, #tpu.memory_space<hbm>>)
    %dma_wait3A_282 = arith.constant 0 : i32
    %dma_wait3A_283 = tpu.memref_slice %arg6[%add3A_251, %dma_wait3A_282] : memref<8192x768xf32, #tpu.memory_space<hbm>> -> memref<32x768xf32, #tpu.memory_space<hbm>>
    %dma_wait3A_284 = arith.constant 0 : i32
    %dma_wait3A_285 = tpu.memref_slice %arg6[%add3A_251, %dma_wait3A_284] : memref<8192x768xf32, #tpu.memory_space<hbm>> -> memref<32x768xf32, #tpu.memory_space<hbm>>
    tpu.wait_dma2 semaphore(%arg22 : memref<!tpu.dma_semaphore, #tpu.memory_space<semaphore_mem>>) src(%arg12 : memref<32x768xf32, #tpu.memory_space<vmem>>) dst(%dma_wait3A_285 : memref<32x768xf32, #tpu.memory_space<hbm>>)
    %dma_wait3A_286 = arith.constant 0 : i32
    %dma_wait3A_287 = tpu.memref_slice %arg6[%add3A_262, %dma_wait3A_286] : memref<8192x768xf32, #tpu.memory_space<hbm>> -> memref<32x768xf32, #tpu.memory_space<hbm>>
    %dma_wait3A_288 = arith.constant 0 : i32
    %dma_wait3A_289 = tpu.memref_slice %arg6[%add3A_262, %dma_wait3A_288] : memref<8192x768xf32, #tpu.memory_space<hbm>> -> memref<32x768xf32, #tpu.memory_space<hbm>>
    tpu.wait_dma2 semaphore(%arg23 : memref<!tpu.dma_semaphore, #tpu.memory_space<semaphore_mem>>) src(%arg13 : memref<32x768xf32, #tpu.memory_space<vmem>>) dst(%dma_wait3A_289 : memref<32x768xf32, #tpu.memory_space<hbm>>)
    %dma_wait3A_290 = arith.constant 0 : i32
    %dma_wait3A_291 = tpu.memref_slice %arg6[%add3A_273, %dma_wait3A_290] : memref<8192x768xf32, #tpu.memory_space<hbm>> -> memref<32x768xf32, #tpu.memory_space<hbm>>
    %dma_wait3A_292 = arith.constant 0 : i32
    %dma_wait3A_293 = tpu.memref_slice %arg6[%add3A_273, %dma_wait3A_292] : memref<8192x768xf32, #tpu.memory_space<hbm>> -> memref<32x768xf32, #tpu.memory_space<hbm>>
    tpu.wait_dma2 semaphore(%arg24 : memref<!tpu.dma_semaphore, #tpu.memory_space<semaphore_mem>>) src(%arg14 : memref<32x768xf32, #tpu.memory_space<vmem>>) dst(%dma_wait3A_293 : memref<32x768xf32, #tpu.memory_space<hbm>>)
    %dma_wait3A_294 = arith.constant 0 : i32
    %dma_wait3A_295 = tpu.memref_slice %arg15[%dma_wait3A_294] : memref<1024xf32, #tpu.memory_space<vmem>> -> memref<128xf32, #tpu.memory_space<vmem>>
    %dma_wait3A_296 = arith.constant 0 : i32
    %dma_wait3A_297 = tpu.memref_slice %arg10[%dma_wait3A_296] : memref<1024xi32, #tpu.memory_space<vmem>> -> memref<128xi32, #tpu.memory_space<vmem>>
    %dma_wait3A_298 = arith.constant 0 : i32
    %dma_wait3A_299 = tpu.memref_slice %arg4[%dma_wait3A_298] : memref<32768xf32, #tpu.memory_space<hbm>> -> memref<32768xf32, #tpu.memory_space<hbm>>
    tpu.wait_indirect_dma semaphore(%arg25 : memref<!tpu.dma_semaphore, #tpu.memory_space<semaphore_mem>>) src(%dma_wait3A_299 : memref<32768xf32, #tpu.memory_space<hbm>>) dst(%dma_wait3A_295 : memref<128xf32, #tpu.memory_space<vmem>>)
    %dma_wait3A_300 = arith.constant 0 : i32
    %dma_wait3A_301 = tpu.memref_slice %arg16[%dma_wait3A_300] : memref<1024xf32, #tpu.memory_space<vmem>> -> memref<128xf32, #tpu.memory_space<vmem>>
    %dma_wait3A_302 = arith.constant 0 : i32
    %dma_wait3A_303 = tpu.memref_slice %arg10[%dma_wait3A_302] : memref<1024xi32, #tpu.memory_space<vmem>> -> memref<128xi32, #tpu.memory_space<vmem>>
    %dma_wait3A_304 = arith.constant 0 : i32
    %dma_wait3A_305 = tpu.memref_slice %arg5[%dma_wait3A_304] : memref<32768xf32, #tpu.memory_space<hbm>> -> memref<32768xf32, #tpu.memory_space<hbm>>
    tpu.wait_indirect_dma semaphore(%arg25 : memref<!tpu.dma_semaphore, #tpu.memory_space<semaphore_mem>>) src(%dma_wait3A_305 : memref<32768xf32, #tpu.memory_space<hbm>>) dst(%dma_wait3A_301 : memref<128xf32, #tpu.memory_space<vmem>>)
    %dma_wait3A_306 = arith.constant 128 : i32
    %dma_wait3A_307 = tpu.memref_slice %arg15[%dma_wait3A_306] : memref<1024xf32, #tpu.memory_space<vmem>> -> memref<128xf32, #tpu.memory_space<vmem>>
    %dma_wait3A_308 = arith.constant 128 : i32
    %dma_wait3A_309 = tpu.memref_slice %arg10[%dma_wait3A_308] : memref<1024xi32, #tpu.memory_space<vmem>> -> memref<128xi32, #tpu.memory_space<vmem>>
    %dma_wait3A_310 = arith.constant 0 : i32
    %dma_wait3A_311 = tpu.memref_slice %arg4[%dma_wait3A_310] : memref<32768xf32, #tpu.memory_space<hbm>> -> memref<32768xf32, #tpu.memory_space<hbm>>
    tpu.wait_indirect_dma semaphore(%arg25 : memref<!tpu.dma_semaphore, #tpu.memory_space<semaphore_mem>>) src(%dma_wait3A_311 : memref<32768xf32, #tpu.memory_space<hbm>>) dst(%dma_wait3A_307 : memref<128xf32, #tpu.memory_space<vmem>>)
    %dma_wait3A_312 = arith.constant 128 : i32
    %dma_wait3A_313 = tpu.memref_slice %arg16[%dma_wait3A_312] : memref<1024xf32, #tpu.memory_space<vmem>> -> memref<128xf32, #tpu.memory_space<vmem>>
    %dma_wait3A_314 = arith.constant 128 : i32
    %dma_wait3A_315 = tpu.memref_slice %arg10[%dma_wait3A_314] : memref<1024xi32, #tpu.memory_space<vmem>> -> memref<128xi32, #tpu.memory_space<vmem>>
    %dma_wait3A_316 = arith.constant 0 : i32
    %dma_wait3A_317 = tpu.memref_slice %arg5[%dma_wait3A_316] : memref<32768xf32, #tpu.memory_space<hbm>> -> memref<32768xf32, #tpu.memory_space<hbm>>
    tpu.wait_indirect_dma semaphore(%arg25 : memref<!tpu.dma_semaphore, #tpu.memory_space<semaphore_mem>>) src(%dma_wait3A_317 : memref<32768xf32, #tpu.memory_space<hbm>>) dst(%dma_wait3A_313 : memref<128xf32, #tpu.memory_space<vmem>>)
    %dma_wait3A_318 = arith.constant 256 : i32
    %dma_wait3A_319 = tpu.memref_slice %arg15[%dma_wait3A_318] : memref<1024xf32, #tpu.memory_space<vmem>> -> memref<128xf32, #tpu.memory_space<vmem>>
    %dma_wait3A_320 = arith.constant 256 : i32
    %dma_wait3A_321 = tpu.memref_slice %arg10[%dma_wait3A_320] : memref<1024xi32, #tpu.memory_space<vmem>> -> memref<128xi32, #tpu.memory_space<vmem>>
    %dma_wait3A_322 = arith.constant 0 : i32
    %dma_wait3A_323 = tpu.memref_slice %arg4[%dma_wait3A_322] : memref<32768xf32, #tpu.memory_space<hbm>> -> memref<32768xf32, #tpu.memory_space<hbm>>
    tpu.wait_indirect_dma semaphore(%arg25 : memref<!tpu.dma_semaphore, #tpu.memory_space<semaphore_mem>>) src(%dma_wait3A_323 : memref<32768xf32, #tpu.memory_space<hbm>>) dst(%dma_wait3A_319 : memref<128xf32, #tpu.memory_space<vmem>>)
    %dma_wait3A_324 = arith.constant 256 : i32
    %dma_wait3A_325 = tpu.memref_slice %arg16[%dma_wait3A_324] : memref<1024xf32, #tpu.memory_space<vmem>> -> memref<128xf32, #tpu.memory_space<vmem>>
    %dma_wait3A_326 = arith.constant 256 : i32
    %dma_wait3A_327 = tpu.memref_slice %arg10[%dma_wait3A_326] : memref<1024xi32, #tpu.memory_space<vmem>> -> memref<128xi32, #tpu.memory_space<vmem>>
    %dma_wait3A_328 = arith.constant 0 : i32
    %dma_wait3A_329 = tpu.memref_slice %arg5[%dma_wait3A_328] : memref<32768xf32, #tpu.memory_space<hbm>> -> memref<32768xf32, #tpu.memory_space<hbm>>
    tpu.wait_indirect_dma semaphore(%arg25 : memref<!tpu.dma_semaphore, #tpu.memory_space<semaphore_mem>>) src(%dma_wait3A_329 : memref<32768xf32, #tpu.memory_space<hbm>>) dst(%dma_wait3A_325 : memref<128xf32, #tpu.memory_space<vmem>>)
    %dma_wait3A_330 = arith.constant 384 : i32
    %dma_wait3A_331 = tpu.memref_slice %arg15[%dma_wait3A_330] : memref<1024xf32, #tpu.memory_space<vmem>> -> memref<128xf32, #tpu.memory_space<vmem>>
    %dma_wait3A_332 = arith.constant 384 : i32
    %dma_wait3A_333 = tpu.memref_slice %arg10[%dma_wait3A_332] : memref<1024xi32, #tpu.memory_space<vmem>> -> memref<128xi32, #tpu.memory_space<vmem>>
    %dma_wait3A_334 = arith.constant 0 : i32
    %dma_wait3A_335 = tpu.memref_slice %arg4[%dma_wait3A_334] : memref<32768xf32, #tpu.memory_space<hbm>> -> memref<32768xf32, #tpu.memory_space<hbm>>
    tpu.wait_indirect_dma semaphore(%arg25 : memref<!tpu.dma_semaphore, #tpu.memory_space<semaphore_mem>>) src(%dma_wait3A_335 : memref<32768xf32, #tpu.memory_space<hbm>>) dst(%dma_wait3A_331 : memref<128xf32, #tpu.memory_space<vmem>>)
    %dma_wait3A_336 = arith.constant 384 : i32
    %dma_wait3A_337 = tpu.memref_slice %arg16[%dma_wait3A_336] : memref<1024xf32, #tpu.memory_space<vmem>> -> memref<128xf32, #tpu.memory_space<vmem>>
    %dma_wait3A_338 = arith.constant 384 : i32
    %dma_wait3A_339 = tpu.memref_slice %arg10[%dma_wait3A_338] : memref<1024xi32, #tpu.memory_space<vmem>> -> memref<128xi32, #tpu.memory_space<vmem>>
    %dma_wait3A_340 = arith.constant 0 : i32
    %dma_wait3A_341 = tpu.memref_slice %arg5[%dma_wait3A_340] : memref<32768xf32, #tpu.memory_space<hbm>> -> memref<32768xf32, #tpu.memory_space<hbm>>
    tpu.wait_indirect_dma semaphore(%arg25 : memref<!tpu.dma_semaphore, #tpu.memory_space<semaphore_mem>>) src(%dma_wait3A_341 : memref<32768xf32, #tpu.memory_space<hbm>>) dst(%dma_wait3A_337 : memref<128xf32, #tpu.memory_space<vmem>>)
    %dma_wait3A_342 = arith.constant 512 : i32
    %dma_wait3A_343 = tpu.memref_slice %arg15[%dma_wait3A_342] : memref<1024xf32, #tpu.memory_space<vmem>> -> memref<128xf32, #tpu.memory_space<vmem>>
    %dma_wait3A_344 = arith.constant 512 : i32
    %dma_wait3A_345 = tpu.memref_slice %arg10[%dma_wait3A_344] : memref<1024xi32, #tpu.memory_space<vmem>> -> memref<128xi32, #tpu.memory_space<vmem>>
    %dma_wait3A_346 = arith.constant 0 : i32
    %dma_wait3A_347 = tpu.memref_slice %arg4[%dma_wait3A_346] : memref<32768xf32, #tpu.memory_space<hbm>> -> memref<32768xf32, #tpu.memory_space<hbm>>
    tpu.wait_indirect_dma semaphore(%arg25 : memref<!tpu.dma_semaphore, #tpu.memory_space<semaphore_mem>>) src(%dma_wait3A_347 : memref<32768xf32, #tpu.memory_space<hbm>>) dst(%dma_wait3A_343 : memref<128xf32, #tpu.memory_space<vmem>>)
    %dma_wait3A_348 = arith.constant 512 : i32
    %dma_wait3A_349 = tpu.memref_slice %arg16[%dma_wait3A_348] : memref<1024xf32, #tpu.memory_space<vmem>> -> memref<128xf32, #tpu.memory_space<vmem>>
    %dma_wait3A_350 = arith.constant 512 : i32
    %dma_wait3A_351 = tpu.memref_slice %arg10[%dma_wait3A_350] : memref<1024xi32, #tpu.memory_space<vmem>> -> memref<128xi32, #tpu.memory_space<vmem>>
    %dma_wait3A_352 = arith.constant 0 : i32
    %dma_wait3A_353 = tpu.memref_slice %arg5[%dma_wait3A_352] : memref<32768xf32, #tpu.memory_space<hbm>> -> memref<32768xf32, #tpu.memory_space<hbm>>
    tpu.wait_indirect_dma semaphore(%arg25 : memref<!tpu.dma_semaphore, #tpu.memory_space<semaphore_mem>>) src(%dma_wait3A_353 : memref<32768xf32, #tpu.memory_space<hbm>>) dst(%dma_wait3A_349 : memref<128xf32, #tpu.memory_space<vmem>>)
    %dma_wait3A_354 = arith.constant 640 : i32
    %dma_wait3A_355 = tpu.memref_slice %arg15[%dma_wait3A_354] : memref<1024xf32, #tpu.memory_space<vmem>> -> memref<128xf32, #tpu.memory_space<vmem>>
    %dma_wait3A_356 = arith.constant 640 : i32
    %dma_wait3A_357 = tpu.memref_slice %arg10[%dma_wait3A_356] : memref<1024xi32, #tpu.memory_space<vmem>> -> memref<128xi32, #tpu.memory_space<vmem>>
    %dma_wait3A_358 = arith.constant 0 : i32
    %dma_wait3A_359 = tpu.memref_slice %arg4[%dma_wait3A_358] : memref<32768xf32, #tpu.memory_space<hbm>> -> memref<32768xf32, #tpu.memory_space<hbm>>
    tpu.wait_indirect_dma semaphore(%arg25 : memref<!tpu.dma_semaphore, #tpu.memory_space<semaphore_mem>>) src(%dma_wait3A_359 : memref<32768xf32, #tpu.memory_space<hbm>>) dst(%dma_wait3A_355 : memref<128xf32, #tpu.memory_space<vmem>>)
    %dma_wait3A_360 = arith.constant 640 : i32
    %dma_wait3A_361 = tpu.memref_slice %arg16[%dma_wait3A_360] : memref<1024xf32, #tpu.memory_space<vmem>> -> memref<128xf32, #tpu.memory_space<vmem>>
    %dma_wait3A_362 = arith.constant 640 : i32
    %dma_wait3A_363 = tpu.memref_slice %arg10[%dma_wait3A_362] : memref<1024xi32, #tpu.memory_space<vmem>> -> memref<128xi32, #tpu.memory_space<vmem>>
    %dma_wait3A_364 = arith.constant 0 : i32
    %dma_wait3A_365 = tpu.memref_slice %arg5[%dma_wait3A_364] : memref<32768xf32, #tpu.memory_space<hbm>> -> memref<32768xf32, #tpu.memory_space<hbm>>
    tpu.wait_indirect_dma semaphore(%arg25 : memref<!tpu.dma_semaphore, #tpu.memory_space<semaphore_mem>>) src(%dma_wait3A_365 : memref<32768xf32, #tpu.memory_space<hbm>>) dst(%dma_wait3A_361 : memref<128xf32, #tpu.memory_space<vmem>>)
    %dma_wait3A_366 = arith.constant 768 : i32
    %dma_wait3A_367 = tpu.memref_slice %arg15[%dma_wait3A_366] : memref<1024xf32, #tpu.memory_space<vmem>> -> memref<128xf32, #tpu.memory_space<vmem>>
    %dma_wait3A_368 = arith.constant 768 : i32
    %dma_wait3A_369 = tpu.memref_slice %arg10[%dma_wait3A_368] : memref<1024xi32, #tpu.memory_space<vmem>> -> memref<128xi32, #tpu.memory_space<vmem>>
    %dma_wait3A_370 = arith.constant 0 : i32
    %dma_wait3A_371 = tpu.memref_slice %arg4[%dma_wait3A_370] : memref<32768xf32, #tpu.memory_space<hbm>> -> memref<32768xf32, #tpu.memory_space<hbm>>
    tpu.wait_indirect_dma semaphore(%arg25 : memref<!tpu.dma_semaphore, #tpu.memory_space<semaphore_mem>>) src(%dma_wait3A_371 : memref<32768xf32, #tpu.memory_space<hbm>>) dst(%dma_wait3A_367 : memref<128xf32, #tpu.memory_space<vmem>>)
    %dma_wait3A_372 = arith.constant 768 : i32
    %dma_wait3A_373 = tpu.memref_slice %arg16[%dma_wait3A_372] : memref<1024xf32, #tpu.memory_space<vmem>> -> memref<128xf32, #tpu.memory_space<vmem>>
    %dma_wait3A_374 = arith.constant 768 : i32
    %dma_wait3A_375 = tpu.memref_slice %arg10[%dma_wait3A_374] : memref<1024xi32, #tpu.memory_space<vmem>> -> memref<128xi32, #tpu.memory_space<vmem>>
    %dma_wait3A_376 = arith.constant 0 : i32
    %dma_wait3A_377 = tpu.memref_slice %arg5[%dma_wait3A_376] : memref<32768xf32, #tpu.memory_space<hbm>> -> memref<32768xf32, #tpu.memory_space<hbm>>
    tpu.wait_indirect_dma semaphore(%arg25 : memref<!tpu.dma_semaphore, #tpu.memory_space<semaphore_mem>>) src(%dma_wait3A_377 : memref<32768xf32, #tpu.memory_space<hbm>>) dst(%dma_wait3A_373 : memref<128xf32, #tpu.memory_space<vmem>>)
    %dma_wait3A_378 = arith.constant 896 : i32
    %dma_wait3A_379 = tpu.memref_slice %arg15[%dma_wait3A_378] : memref<1024xf32, #tpu.memory_space<vmem>> -> memref<128xf32, #tpu.memory_space<vmem>>
    %dma_wait3A_380 = arith.constant 896 : i32
    %dma_wait3A_381 = tpu.memref_slice %arg10[%dma_wait3A_380] : memref<1024xi32, #tpu.memory_space<vmem>> -> memref<128xi32, #tpu.memory_space<vmem>>
    %dma_wait3A_382 = arith.constant 0 : i32
    %dma_wait3A_383 = tpu.memref_slice %arg4[%dma_wait3A_382] : memref<32768xf32, #tpu.memory_space<hbm>> -> memref<32768xf32, #tpu.memory_space<hbm>>
    tpu.wait_indirect_dma semaphore(%arg25 : memref<!tpu.dma_semaphore, #tpu.memory_space<semaphore_mem>>) src(%dma_wait3A_383 : memref<32768xf32, #tpu.memory_space<hbm>>) dst(%dma_wait3A_379 : memref<128xf32, #tpu.memory_space<vmem>>)
    %dma_wait3A_384 = arith.constant 896 : i32
    %dma_wait3A_385 = tpu.memref_slice %arg16[%dma_wait3A_384] : memref<1024xf32, #tpu.memory_space<vmem>> -> memref<128xf32, #tpu.memory_space<vmem>>
    %dma_wait3A_386 = arith.constant 896 : i32
    %dma_wait3A_387 = tpu.memref_slice %arg10[%dma_wait3A_386] : memref<1024xi32, #tpu.memory_space<vmem>> -> memref<128xi32, #tpu.memory_space<vmem>>
    %dma_wait3A_388 = arith.constant 0 : i32
    %dma_wait3A_389 = tpu.memref_slice %arg5[%dma_wait3A_388] : memref<32768xf32, #tpu.memory_space<hbm>> -> memref<32768xf32, #tpu.memory_space<hbm>>
    tpu.wait_indirect_dma semaphore(%arg25 : memref<!tpu.dma_semaphore, #tpu.memory_space<semaphore_mem>>) src(%dma_wait3A_389 : memref<32768xf32, #tpu.memory_space<hbm>>) dst(%dma_wait3A_385 : memref<128xf32, #tpu.memory_space<vmem>>)
    "tpu.region"() ({
      %run_scoped3A = tpu.sem_alloc : memref<!tpu.dma_semaphore, #tpu.memory_space<semaphore_mem>>
      %dma_start3A_390 = tpu.memref_slice %arg7[%mul3A_4] : memref<32768xf32, #tpu.memory_space<hbm>> -> memref<1024xf32, #tpu.memory_space<hbm>>
      %dma_start3A_391 = tpu.memref_slice %arg7[%mul3A_4] : memref<32768xf32, #tpu.memory_space<hbm>> -> memref<1024xf32, #tpu.memory_space<hbm>>
      tpu.enqueue_dma source(%arg15 : memref<1024xf32, #tpu.memory_space<vmem>>) target(%dma_start3A_391 : memref<1024xf32, #tpu.memory_space<hbm>>) target_semaphore(%run_scoped3A : memref<!tpu.dma_semaphore, #tpu.memory_space<semaphore_mem>>)
      %dma_wait3A_392 = tpu.memref_slice %arg7[%mul3A_4] : memref<32768xf32, #tpu.memory_space<hbm>> -> memref<1024xf32, #tpu.memory_space<hbm>>
      %dma_wait3A_393 = tpu.memref_slice %arg7[%mul3A_4] : memref<32768xf32, #tpu.memory_space<hbm>> -> memref<1024xf32, #tpu.memory_space<hbm>>
      tpu.wait_dma2 semaphore(%run_scoped3A : memref<!tpu.dma_semaphore, #tpu.memory_space<semaphore_mem>>) src(%arg15 : memref<1024xf32, #tpu.memory_space<vmem>>) dst(%dma_wait3A_393 : memref<1024xf32, #tpu.memory_space<hbm>>)
      tpu.yield
    }) : () -> ()
    "tpu.region"() ({
      %run_scoped3A = tpu.sem_alloc : memref<!tpu.dma_semaphore, #tpu.memory_space<semaphore_mem>>
      %dma_start3A_390 = tpu.memref_slice %arg8[%mul3A_4] : memref<32768xf32, #tpu.memory_space<hbm>> -> memref<1024xf32, #tpu.memory_space<hbm>>
      %dma_start3A_391 = tpu.memref_slice %arg8[%mul3A_4] : memref<32768xf32, #tpu.memory_space<hbm>> -> memref<1024xf32, #tpu.memory_space<hbm>>
      tpu.enqueue_dma source(%arg16 : memref<1024xf32, #tpu.memory_space<vmem>>) target(%dma_start3A_391 : memref<1024xf32, #tpu.memory_space<hbm>>) target_semaphore(%run_scoped3A : memref<!tpu.dma_semaphore, #tpu.memory_space<semaphore_mem>>)
      %dma_wait3A_392 = tpu.memref_slice %arg8[%mul3A_4] : memref<32768xf32, #tpu.memory_space<hbm>> -> memref<1024xf32, #tpu.memory_space<hbm>>
      %dma_wait3A_393 = tpu.memref_slice %arg8[%mul3A_4] : memref<32768xf32, #tpu.memory_space<hbm>> -> memref<1024xf32, #tpu.memory_space<hbm>>
      tpu.wait_dma2 semaphore(%run_scoped3A : memref<!tpu.dma_semaphore, #tpu.memory_space<semaphore_mem>>) src(%arg16 : memref<1024xf32, #tpu.memory_space<vmem>>) dst(%dma_wait3A_393 : memref<1024xf32, #tpu.memory_space<hbm>>)
      tpu.yield
    }) : () -> ()
    return
  }
}

module attributes {stable_mosaic.version = 14 : i64} {
  func.func @_sort_body(%arg0: memref<32x1024xf32, #tpu.memory_space<vmem>>, %arg1: memref<32x1024xi32, #tpu.memory_space<vmem>>) attributes {dimension_semantics = [], scalar_prefetch = 0 : i64, scratch_operands = 0 : i64, tpu.core_type = #tpu.core_type<tc>} {
    %get3A = arith.constant 0 : index
    %get3A_0 = arith.constant 0 : index
    %get3A_1 = vector.load %arg0[%get3A, %get3A_0] : memref<32x1024xf32, #tpu.memory_space<vmem>>, vector<32x1024xf32>
    %iota3A = tpu.iota {dimensions = array<i32: 0>} : vector<32x1024xi32>
    %iota3A_2 = tpu.iota {dimensions = array<i32: 1>} : vector<32x1024xi32>
    %mul3A = arith.constant 8 : i32
    %mul3A_3 = vector.broadcast %mul3A : i32 to vector<32x1024xi32>
    %mul3A_4 = arith.muli %iota3A_2, %mul3A_3 : vector<32x1024xi32>
    %and3A = arith.constant 7 : i32
    %and3A_5 = vector.broadcast %and3A : i32 to vector<32x1024xi32>
    %and3A_6 = arith.andi %iota3A, %and3A_5 : vector<32x1024xi32>
    %add3A = arith.addi %mul3A_4, %and3A_6 : vector<32x1024xi32>
    %and3A_7 = arith.constant 7 : i32
    %and3A_8 = vector.broadcast %and3A_7 : i32 to vector<32x1024xi32>
    %and3A_9 = arith.andi %iota3A, %and3A_8 : vector<32x1024xi32>
    %mul3A_10 = arith.constant 1024 : i32
    %mul3A_11 = vector.broadcast %mul3A_10 : i32 to vector<32x1024xi32>
    %mul3A_12 = arith.muli %and3A_9, %mul3A_11 : vector<32x1024xi32>
    %add3A_13 = arith.addi %mul3A_12, %iota3A_2 : vector<32x1024xi32>
    %and3A_14 = arith.constant 1 : i32
    %and3A_15 = vector.broadcast %and3A_14 : i32 to vector<32x1024xi32>
    %and3A_16 = arith.andi %add3A, %and3A_15 : vector<32x1024xi32>
    %ne3A = arith.constant 0 : i32
    %ne3A_17 = vector.broadcast %ne3A : i32 to vector<32x1024xi32>
    %ne3A_18 = arith.cmpi ne, %and3A_16, %ne3A_17 : vector<32x1024xi32>
    %and3A_19 = arith.constant 2 : i32
    %and3A_20 = vector.broadcast %and3A_19 : i32 to vector<32x1024xi32>
    %and3A_21 = arith.andi %add3A, %and3A_20 : vector<32x1024xi32>
    %eq3A = arith.constant 0 : i32
    %eq3A_22 = vector.broadcast %eq3A : i32 to vector<32x1024xi32>
    %eq3A_23 = arith.cmpi eq, %and3A_21, %eq3A_22 : vector<32x1024xi32>
    %roll3A = arith.constant 1 : i32
    %roll3A_24 = tpu.dynamic_rotate %get3A_1 by %roll3A dim 0 : vector<32x1024xf32>, i32 -> vector<32x1024xf32>
    %roll3A_25 = arith.constant 31 : i32
    %roll3A_26 = tpu.dynamic_rotate %get3A_1 by %roll3A_25 dim 0 : vector<32x1024xf32>, i32 -> vector<32x1024xf32>
    %select_n3A = arith.select %ne3A_18, %roll3A_24, %roll3A_26 : vector<32x1024xi1>, vector<32x1024xf32>
    %roll3A_27 = arith.constant 1 : i32
    %roll3A_28 = tpu.dynamic_rotate %add3A_13 by %roll3A_27 dim 0 : vector<32x1024xi32>, i32 -> vector<32x1024xi32>
    %roll3A_29 = arith.constant 31 : i32
    %roll3A_30 = tpu.dynamic_rotate %add3A_13 by %roll3A_29 dim 0 : vector<32x1024xi32>, i32 -> vector<32x1024xi32>
    %select_n3A_31 = arith.select %ne3A_18, %roll3A_28, %roll3A_30 : vector<32x1024xi1>, vector<32x1024xi32>
    %gt3A = arith.cmpf ogt, %get3A_1, %select_n3A : vector<32x1024xf32>
    %eq3A_32 = arith.cmpf oeq, %get3A_1, %select_n3A : vector<32x1024xf32>
    %lt3A = arith.cmpi slt, %add3A_13, %select_n3A_31 : vector<32x1024xi32>
    %and3A_33 = arith.andi %eq3A_32, %lt3A : vector<32x1024xi1>
    %or3A = arith.ori %gt3A, %and3A_33 : vector<32x1024xi1>
    %xor3A = arith.xori %or3A, %ne3A_18 : vector<32x1024xi1>
    %eq3A_34 = arith.xori %xor3A, %eq3A_23 : vector<32x1024xi1>
    %eq3A_35 = arith.constant dense<true> : vector<32x1024xi1>
    %eq3A_36 = arith.xori %eq3A_34, %eq3A_35 : vector<32x1024xi1>
    %select_n3A_37 = arith.select %eq3A_36, %get3A_1, %select_n3A : vector<32x1024xi1>, vector<32x1024xf32>
    %select_n3A_38 = arith.select %eq3A_36, %add3A_13, %select_n3A_31 : vector<32x1024xi1>, vector<32x1024xi32>
    %and3A_39 = arith.constant 2 : i32
    %and3A_40 = vector.broadcast %and3A_39 : i32 to vector<32x1024xi32>
    %and3A_41 = arith.andi %add3A, %and3A_40 : vector<32x1024xi32>
    %ne3A_42 = arith.constant 0 : i32
    %ne3A_43 = vector.broadcast %ne3A_42 : i32 to vector<32x1024xi32>
    %ne3A_44 = arith.cmpi ne, %and3A_41, %ne3A_43 : vector<32x1024xi32>
    %and3A_45 = arith.constant 4 : i32
    %and3A_46 = vector.broadcast %and3A_45 : i32 to vector<32x1024xi32>
    %and3A_47 = arith.andi %add3A, %and3A_46 : vector<32x1024xi32>
    %eq3A_48 = arith.constant 0 : i32
    %eq3A_49 = vector.broadcast %eq3A_48 : i32 to vector<32x1024xi32>
    %eq3A_50 = arith.cmpi eq, %and3A_47, %eq3A_49 : vector<32x1024xi32>
    %roll3A_51 = arith.constant 2 : i32
    %roll3A_52 = tpu.dynamic_rotate %select_n3A_37 by %roll3A_51 dim 0 : vector<32x1024xf32>, i32 -> vector<32x1024xf32>
    %roll3A_53 = arith.constant 30 : i32
    %roll3A_54 = tpu.dynamic_rotate %select_n3A_37 by %roll3A_53 dim 0 : vector<32x1024xf32>, i32 -> vector<32x1024xf32>
    %select_n3A_55 = arith.select %ne3A_44, %roll3A_52, %roll3A_54 : vector<32x1024xi1>, vector<32x1024xf32>
    %roll3A_56 = arith.constant 2 : i32
    %roll3A_57 = tpu.dynamic_rotate %select_n3A_38 by %roll3A_56 dim 0 : vector<32x1024xi32>, i32 -> vector<32x1024xi32>
    %roll3A_58 = arith.constant 30 : i32
    %roll3A_59 = tpu.dynamic_rotate %select_n3A_38 by %roll3A_58 dim 0 : vector<32x1024xi32>, i32 -> vector<32x1024xi32>
    %select_n3A_60 = arith.select %ne3A_44, %roll3A_57, %roll3A_59 : vector<32x1024xi1>, vector<32x1024xi32>
    %gt3A_61 = arith.cmpf ogt, %select_n3A_37, %select_n3A_55 : vector<32x1024xf32>
    %eq3A_62 = arith.cmpf oeq, %select_n3A_37, %select_n3A_55 : vector<32x1024xf32>
    %lt3A_63 = arith.cmpi slt, %select_n3A_38, %select_n3A_60 : vector<32x1024xi32>
    %and3A_64 = arith.andi %eq3A_62, %lt3A_63 : vector<32x1024xi1>
    %or3A_65 = arith.ori %gt3A_61, %and3A_64 : vector<32x1024xi1>
    %xor3A_66 = arith.xori %or3A_65, %ne3A_44 : vector<32x1024xi1>
    %eq3A_67 = arith.xori %xor3A_66, %eq3A_50 : vector<32x1024xi1>
    %eq3A_68 = arith.constant dense<true> : vector<32x1024xi1>
    %eq3A_69 = arith.xori %eq3A_67, %eq3A_68 : vector<32x1024xi1>
    %select_n3A_70 = arith.select %eq3A_69, %select_n3A_37, %select_n3A_55 : vector<32x1024xi1>, vector<32x1024xf32>
    %select_n3A_71 = arith.select %eq3A_69, %select_n3A_38, %select_n3A_60 : vector<32x1024xi1>, vector<32x1024xi32>
    %and3A_72 = arith.constant 1 : i32
    %and3A_73 = vector.broadcast %and3A_72 : i32 to vector<32x1024xi32>
    %and3A_74 = arith.andi %add3A, %and3A_73 : vector<32x1024xi32>
    %ne3A_75 = arith.constant 0 : i32
    %ne3A_76 = vector.broadcast %ne3A_75 : i32 to vector<32x1024xi32>
    %ne3A_77 = arith.cmpi ne, %and3A_74, %ne3A_76 : vector<32x1024xi32>
    %and3A_78 = arith.constant 4 : i32
    %and3A_79 = vector.broadcast %and3A_78 : i32 to vector<32x1024xi32>
    %and3A_80 = arith.andi %add3A, %and3A_79 : vector<32x1024xi32>
    %eq3A_81 = arith.constant 0 : i32
    %eq3A_82 = vector.broadcast %eq3A_81 : i32 to vector<32x1024xi32>
    %eq3A_83 = arith.cmpi eq, %and3A_80, %eq3A_82 : vector<32x1024xi32>
    %roll3A_84 = arith.constant 1 : i32
    %roll3A_85 = tpu.dynamic_rotate %select_n3A_70 by %roll3A_84 dim 0 : vector<32x1024xf32>, i32 -> vector<32x1024xf32>
    %roll3A_86 = arith.constant 31 : i32
    %roll3A_87 = tpu.dynamic_rotate %select_n3A_70 by %roll3A_86 dim 0 : vector<32x1024xf32>, i32 -> vector<32x1024xf32>
    %select_n3A_88 = arith.select %ne3A_77, %roll3A_85, %roll3A_87 : vector<32x1024xi1>, vector<32x1024xf32>
    %roll3A_89 = arith.constant 1 : i32
    %roll3A_90 = tpu.dynamic_rotate %select_n3A_71 by %roll3A_89 dim 0 : vector<32x1024xi32>, i32 -> vector<32x1024xi32>
    %roll3A_91 = arith.constant 31 : i32
    %roll3A_92 = tpu.dynamic_rotate %select_n3A_71 by %roll3A_91 dim 0 : vector<32x1024xi32>, i32 -> vector<32x1024xi32>
    %select_n3A_93 = arith.select %ne3A_77, %roll3A_90, %roll3A_92 : vector<32x1024xi1>, vector<32x1024xi32>
    %gt3A_94 = arith.cmpf ogt, %select_n3A_70, %select_n3A_88 : vector<32x1024xf32>
    %eq3A_95 = arith.cmpf oeq, %select_n3A_70, %select_n3A_88 : vector<32x1024xf32>
    %lt3A_96 = arith.cmpi slt, %select_n3A_71, %select_n3A_93 : vector<32x1024xi32>
    %and3A_97 = arith.andi %eq3A_95, %lt3A_96 : vector<32x1024xi1>
    %or3A_98 = arith.ori %gt3A_94, %and3A_97 : vector<32x1024xi1>
    %xor3A_99 = arith.xori %or3A_98, %ne3A_77 : vector<32x1024xi1>
    %eq3A_100 = arith.xori %xor3A_99, %eq3A_83 : vector<32x1024xi1>
    %eq3A_101 = arith.constant dense<true> : vector<32x1024xi1>
    %eq3A_102 = arith.xori %eq3A_100, %eq3A_101 : vector<32x1024xi1>
    %select_n3A_103 = arith.select %eq3A_102, %select_n3A_70, %select_n3A_88 : vector<32x1024xi1>, vector<32x1024xf32>
    %select_n3A_104 = arith.select %eq3A_102, %select_n3A_71, %select_n3A_93 : vector<32x1024xi1>, vector<32x1024xi32>
    %and3A_105 = arith.constant 4 : i32
    %and3A_106 = vector.broadcast %and3A_105 : i32 to vector<32x1024xi32>
    %and3A_107 = arith.andi %add3A, %and3A_106 : vector<32x1024xi32>
    %ne3A_108 = arith.constant 0 : i32
    %ne3A_109 = vector.broadcast %ne3A_108 : i32 to vector<32x1024xi32>
    %ne3A_110 = arith.cmpi ne, %and3A_107, %ne3A_109 : vector<32x1024xi32>
    %and3A_111 = arith.constant 8 : i32
    %and3A_112 = vector.broadcast %and3A_111 : i32 to vector<32x1024xi32>
    %and3A_113 = arith.andi %add3A, %and3A_112 : vector<32x1024xi32>
    %eq3A_114 = arith.constant 0 : i32
    %eq3A_115 = vector.broadcast %eq3A_114 : i32 to vector<32x1024xi32>
    %eq3A_116 = arith.cmpi eq, %and3A_113, %eq3A_115 : vector<32x1024xi32>
    %roll3A_117 = arith.constant 4 : i32
    %roll3A_118 = tpu.dynamic_rotate %select_n3A_103 by %roll3A_117 dim 0 : vector<32x1024xf32>, i32 -> vector<32x1024xf32>
    %roll3A_119 = arith.constant 28 : i32
    %roll3A_120 = tpu.dynamic_rotate %select_n3A_103 by %roll3A_119 dim 0 : vector<32x1024xf32>, i32 -> vector<32x1024xf32>
    %select_n3A_121 = arith.select %ne3A_110, %roll3A_118, %roll3A_120 : vector<32x1024xi1>, vector<32x1024xf32>
    %roll3A_122 = arith.constant 4 : i32
    %roll3A_123 = tpu.dynamic_rotate %select_n3A_104 by %roll3A_122 dim 0 : vector<32x1024xi32>, i32 -> vector<32x1024xi32>
    %roll3A_124 = arith.constant 28 : i32
    %roll3A_125 = tpu.dynamic_rotate %select_n3A_104 by %roll3A_124 dim 0 : vector<32x1024xi32>, i32 -> vector<32x1024xi32>
    %select_n3A_126 = arith.select %ne3A_110, %roll3A_123, %roll3A_125 : vector<32x1024xi1>, vector<32x1024xi32>
    %gt3A_127 = arith.cmpf ogt, %select_n3A_103, %select_n3A_121 : vector<32x1024xf32>
    %eq3A_128 = arith.cmpf oeq, %select_n3A_103, %select_n3A_121 : vector<32x1024xf32>
    %lt3A_129 = arith.cmpi slt, %select_n3A_104, %select_n3A_126 : vector<32x1024xi32>
    %and3A_130 = arith.andi %eq3A_128, %lt3A_129 : vector<32x1024xi1>
    %or3A_131 = arith.ori %gt3A_127, %and3A_130 : vector<32x1024xi1>
    %xor3A_132 = arith.xori %or3A_131, %ne3A_110 : vector<32x1024xi1>
    %eq3A_133 = arith.xori %xor3A_132, %eq3A_116 : vector<32x1024xi1>
    %eq3A_134 = arith.constant dense<true> : vector<32x1024xi1>
    %eq3A_135 = arith.xori %eq3A_133, %eq3A_134 : vector<32x1024xi1>
    %select_n3A_136 = arith.select %eq3A_135, %select_n3A_103, %select_n3A_121 : vector<32x1024xi1>, vector<32x1024xf32>
    %select_n3A_137 = arith.select %eq3A_135, %select_n3A_104, %select_n3A_126 : vector<32x1024xi1>, vector<32x1024xi32>
    %and3A_138 = arith.constant 2 : i32
    %and3A_139 = vector.broadcast %and3A_138 : i32 to vector<32x1024xi32>
    %and3A_140 = arith.andi %add3A, %and3A_139 : vector<32x1024xi32>
    %ne3A_141 = arith.constant 0 : i32
    %ne3A_142 = vector.broadcast %ne3A_141 : i32 to vector<32x1024xi32>
    %ne3A_143 = arith.cmpi ne, %and3A_140, %ne3A_142 : vector<32x1024xi32>
    %and3A_144 = arith.constant 8 : i32
    %and3A_145 = vector.broadcast %and3A_144 : i32 to vector<32x1024xi32>
    %and3A_146 = arith.andi %add3A, %and3A_145 : vector<32x1024xi32>
    %eq3A_147 = arith.constant 0 : i32
    %eq3A_148 = vector.broadcast %eq3A_147 : i32 to vector<32x1024xi32>
    %eq3A_149 = arith.cmpi eq, %and3A_146, %eq3A_148 : vector<32x1024xi32>
    %roll3A_150 = arith.constant 2 : i32
    %roll3A_151 = tpu.dynamic_rotate %select_n3A_136 by %roll3A_150 dim 0 : vector<32x1024xf32>, i32 -> vector<32x1024xf32>
    %roll3A_152 = arith.constant 30 : i32
    %roll3A_153 = tpu.dynamic_rotate %select_n3A_136 by %roll3A_152 dim 0 : vector<32x1024xf32>, i32 -> vector<32x1024xf32>
    %select_n3A_154 = arith.select %ne3A_143, %roll3A_151, %roll3A_153 : vector<32x1024xi1>, vector<32x1024xf32>
    %roll3A_155 = arith.constant 2 : i32
    %roll3A_156 = tpu.dynamic_rotate %select_n3A_137 by %roll3A_155 dim 0 : vector<32x1024xi32>, i32 -> vector<32x1024xi32>
    %roll3A_157 = arith.constant 30 : i32
    %roll3A_158 = tpu.dynamic_rotate %select_n3A_137 by %roll3A_157 dim 0 : vector<32x1024xi32>, i32 -> vector<32x1024xi32>
    %select_n3A_159 = arith.select %ne3A_143, %roll3A_156, %roll3A_158 : vector<32x1024xi1>, vector<32x1024xi32>
    %gt3A_160 = arith.cmpf ogt, %select_n3A_136, %select_n3A_154 : vector<32x1024xf32>
    %eq3A_161 = arith.cmpf oeq, %select_n3A_136, %select_n3A_154 : vector<32x1024xf32>
    %lt3A_162 = arith.cmpi slt, %select_n3A_137, %select_n3A_159 : vector<32x1024xi32>
    %and3A_163 = arith.andi %eq3A_161, %lt3A_162 : vector<32x1024xi1>
    %or3A_164 = arith.ori %gt3A_160, %and3A_163 : vector<32x1024xi1>
    %xor3A_165 = arith.xori %or3A_164, %ne3A_143 : vector<32x1024xi1>
    %eq3A_166 = arith.xori %xor3A_165, %eq3A_149 : vector<32x1024xi1>
    %eq3A_167 = arith.constant dense<true> : vector<32x1024xi1>
    %eq3A_168 = arith.xori %eq3A_166, %eq3A_167 : vector<32x1024xi1>
    %select_n3A_169 = arith.select %eq3A_168, %select_n3A_136, %select_n3A_154 : vector<32x1024xi1>, vector<32x1024xf32>
    %select_n3A_170 = arith.select %eq3A_168, %select_n3A_137, %select_n3A_159 : vector<32x1024xi1>, vector<32x1024xi32>
    %and3A_171 = arith.constant 1 : i32
    %and3A_172 = vector.broadcast %and3A_171 : i32 to vector<32x1024xi32>
    %and3A_173 = arith.andi %add3A, %and3A_172 : vector<32x1024xi32>
    %ne3A_174 = arith.constant 0 : i32
    %ne3A_175 = vector.broadcast %ne3A_174 : i32 to vector<32x1024xi32>
    %ne3A_176 = arith.cmpi ne, %and3A_173, %ne3A_175 : vector<32x1024xi32>
    %and3A_177 = arith.constant 8 : i32
    %and3A_178 = vector.broadcast %and3A_177 : i32 to vector<32x1024xi32>
    %and3A_179 = arith.andi %add3A, %and3A_178 : vector<32x1024xi32>
    %eq3A_180 = arith.constant 0 : i32
    %eq3A_181 = vector.broadcast %eq3A_180 : i32 to vector<32x1024xi32>
    %eq3A_182 = arith.cmpi eq, %and3A_179, %eq3A_181 : vector<32x1024xi32>
    %roll3A_183 = arith.constant 1 : i32
    %roll3A_184 = tpu.dynamic_rotate %select_n3A_169 by %roll3A_183 dim 0 : vector<32x1024xf32>, i32 -> vector<32x1024xf32>
    %roll3A_185 = arith.constant 31 : i32
    %roll3A_186 = tpu.dynamic_rotate %select_n3A_169 by %roll3A_185 dim 0 : vector<32x1024xf32>, i32 -> vector<32x1024xf32>
    %select_n3A_187 = arith.select %ne3A_176, %roll3A_184, %roll3A_186 : vector<32x1024xi1>, vector<32x1024xf32>
    %roll3A_188 = arith.constant 1 : i32
    %roll3A_189 = tpu.dynamic_rotate %select_n3A_170 by %roll3A_188 dim 0 : vector<32x1024xi32>, i32 -> vector<32x1024xi32>
    %roll3A_190 = arith.constant 31 : i32
    %roll3A_191 = tpu.dynamic_rotate %select_n3A_170 by %roll3A_190 dim 0 : vector<32x1024xi32>, i32 -> vector<32x1024xi32>
    %select_n3A_192 = arith.select %ne3A_176, %roll3A_189, %roll3A_191 : vector<32x1024xi1>, vector<32x1024xi32>
    %gt3A_193 = arith.cmpf ogt, %select_n3A_169, %select_n3A_187 : vector<32x1024xf32>
    %eq3A_194 = arith.cmpf oeq, %select_n3A_169, %select_n3A_187 : vector<32x1024xf32>
    %lt3A_195 = arith.cmpi slt, %select_n3A_170, %select_n3A_192 : vector<32x1024xi32>
    %and3A_196 = arith.andi %eq3A_194, %lt3A_195 : vector<32x1024xi1>
    %or3A_197 = arith.ori %gt3A_193, %and3A_196 : vector<32x1024xi1>
    %xor3A_198 = arith.xori %or3A_197, %ne3A_176 : vector<32x1024xi1>
    %eq3A_199 = arith.xori %xor3A_198, %eq3A_182 : vector<32x1024xi1>
    %eq3A_200 = arith.constant dense<true> : vector<32x1024xi1>
    %eq3A_201 = arith.xori %eq3A_199, %eq3A_200 : vector<32x1024xi1>
    %select_n3A_202 = arith.select %eq3A_201, %select_n3A_169, %select_n3A_187 : vector<32x1024xi1>, vector<32x1024xf32>
    %select_n3A_203 = arith.select %eq3A_201, %select_n3A_170, %select_n3A_192 : vector<32x1024xi1>, vector<32x1024xi32>
    %and3A_204 = arith.constant 8 : i32
    %and3A_205 = vector.broadcast %and3A_204 : i32 to vector<32x1024xi32>
    %and3A_206 = arith.andi %add3A, %and3A_205 : vector<32x1024xi32>
    %ne3A_207 = arith.constant 0 : i32
    %ne3A_208 = vector.broadcast %ne3A_207 : i32 to vector<32x1024xi32>
    %ne3A_209 = arith.cmpi ne, %and3A_206, %ne3A_208 : vector<32x1024xi32>
    %and3A_210 = arith.constant 16 : i32
    %and3A_211 = vector.broadcast %and3A_210 : i32 to vector<32x1024xi32>
    %and3A_212 = arith.andi %add3A, %and3A_211 : vector<32x1024xi32>
    %eq3A_213 = arith.constant 0 : i32
    %eq3A_214 = vector.broadcast %eq3A_213 : i32 to vector<32x1024xi32>
    %eq3A_215 = arith.cmpi eq, %and3A_212, %eq3A_214 : vector<32x1024xi32>
    %roll3A_216 = arith.constant 1 : i32
    %roll3A_217 = tpu.dynamic_rotate %select_n3A_202 by %roll3A_216 dim 1 : vector<32x1024xf32>, i32 -> vector<32x1024xf32>
    %roll3A_218 = arith.constant 1023 : i32
    %roll3A_219 = tpu.dynamic_rotate %select_n3A_202 by %roll3A_218 dim 1 : vector<32x1024xf32>, i32 -> vector<32x1024xf32>
    %select_n3A_220 = arith.select %ne3A_209, %roll3A_217, %roll3A_219 : vector<32x1024xi1>, vector<32x1024xf32>
    %roll3A_221 = arith.constant 1 : i32
    %roll3A_222 = tpu.dynamic_rotate %select_n3A_203 by %roll3A_221 dim 1 : vector<32x1024xi32>, i32 -> vector<32x1024xi32>
    %roll3A_223 = arith.constant 1023 : i32
    %roll3A_224 = tpu.dynamic_rotate %select_n3A_203 by %roll3A_223 dim 1 : vector<32x1024xi32>, i32 -> vector<32x1024xi32>
    %select_n3A_225 = arith.select %ne3A_209, %roll3A_222, %roll3A_224 : vector<32x1024xi1>, vector<32x1024xi32>
    %gt3A_226 = arith.cmpf ogt, %select_n3A_202, %select_n3A_220 : vector<32x1024xf32>
    %eq3A_227 = arith.cmpf oeq, %select_n3A_202, %select_n3A_220 : vector<32x1024xf32>
    %lt3A_228 = arith.cmpi slt, %select_n3A_203, %select_n3A_225 : vector<32x1024xi32>
    %and3A_229 = arith.andi %eq3A_227, %lt3A_228 : vector<32x1024xi1>
    %or3A_230 = arith.ori %gt3A_226, %and3A_229 : vector<32x1024xi1>
    %xor3A_231 = arith.xori %or3A_230, %ne3A_209 : vector<32x1024xi1>
    %eq3A_232 = arith.xori %xor3A_231, %eq3A_215 : vector<32x1024xi1>
    %eq3A_233 = arith.constant dense<true> : vector<32x1024xi1>
    %eq3A_234 = arith.xori %eq3A_232, %eq3A_233 : vector<32x1024xi1>
    %select_n3A_235 = arith.select %eq3A_234, %select_n3A_202, %select_n3A_220 : vector<32x1024xi1>, vector<32x1024xf32>
    %select_n3A_236 = arith.select %eq3A_234, %select_n3A_203, %select_n3A_225 : vector<32x1024xi1>, vector<32x1024xi32>
    %and3A_237 = arith.constant 4 : i32
    %and3A_238 = vector.broadcast %and3A_237 : i32 to vector<32x1024xi32>
    %and3A_239 = arith.andi %add3A, %and3A_238 : vector<32x1024xi32>
    %ne3A_240 = arith.constant 0 : i32
    %ne3A_241 = vector.broadcast %ne3A_240 : i32 to vector<32x1024xi32>
    %ne3A_242 = arith.cmpi ne, %and3A_239, %ne3A_241 : vector<32x1024xi32>
    %and3A_243 = arith.constant 16 : i32
    %and3A_244 = vector.broadcast %and3A_243 : i32 to vector<32x1024xi32>
    %and3A_245 = arith.andi %add3A, %and3A_244 : vector<32x1024xi32>
    %eq3A_246 = arith.constant 0 : i32
    %eq3A_247 = vector.broadcast %eq3A_246 : i32 to vector<32x1024xi32>
    %eq3A_248 = arith.cmpi eq, %and3A_245, %eq3A_247 : vector<32x1024xi32>
    %roll3A_249 = arith.constant 4 : i32
    %roll3A_250 = tpu.dynamic_rotate %select_n3A_235 by %roll3A_249 dim 0 : vector<32x1024xf32>, i32 -> vector<32x1024xf32>
    %roll3A_251 = arith.constant 28 : i32
    %roll3A_252 = tpu.dynamic_rotate %select_n3A_235 by %roll3A_251 dim 0 : vector<32x1024xf32>, i32 -> vector<32x1024xf32>
    %select_n3A_253 = arith.select %ne3A_242, %roll3A_250, %roll3A_252 : vector<32x1024xi1>, vector<32x1024xf32>
    %roll3A_254 = arith.constant 4 : i32
    %roll3A_255 = tpu.dynamic_rotate %select_n3A_236 by %roll3A_254 dim 0 : vector<32x1024xi32>, i32 -> vector<32x1024xi32>
    %roll3A_256 = arith.constant 28 : i32
    %roll3A_257 = tpu.dynamic_rotate %select_n3A_236 by %roll3A_256 dim 0 : vector<32x1024xi32>, i32 -> vector<32x1024xi32>
    %select_n3A_258 = arith.select %ne3A_242, %roll3A_255, %roll3A_257 : vector<32x1024xi1>, vector<32x1024xi32>
    %gt3A_259 = arith.cmpf ogt, %select_n3A_235, %select_n3A_253 : vector<32x1024xf32>
    %eq3A_260 = arith.cmpf oeq, %select_n3A_235, %select_n3A_253 : vector<32x1024xf32>
    %lt3A_261 = arith.cmpi slt, %select_n3A_236, %select_n3A_258 : vector<32x1024xi32>
    %and3A_262 = arith.andi %eq3A_260, %lt3A_261 : vector<32x1024xi1>
    %or3A_263 = arith.ori %gt3A_259, %and3A_262 : vector<32x1024xi1>
    %xor3A_264 = arith.xori %or3A_263, %ne3A_242 : vector<32x1024xi1>
    %eq3A_265 = arith.xori %xor3A_264, %eq3A_248 : vector<32x1024xi1>
    %eq3A_266 = arith.constant dense<true> : vector<32x1024xi1>
    %eq3A_267 = arith.xori %eq3A_265, %eq3A_266 : vector<32x1024xi1>
    %select_n3A_268 = arith.select %eq3A_267, %select_n3A_235, %select_n3A_253 : vector<32x1024xi1>, vector<32x1024xf32>
    %select_n3A_269 = arith.select %eq3A_267, %select_n3A_236, %select_n3A_258 : vector<32x1024xi1>, vector<32x1024xi32>
    %and3A_270 = arith.constant 2 : i32
    %and3A_271 = vector.broadcast %and3A_270 : i32 to vector<32x1024xi32>
    %and3A_272 = arith.andi %add3A, %and3A_271 : vector<32x1024xi32>
    %ne3A_273 = arith.constant 0 : i32
    %ne3A_274 = vector.broadcast %ne3A_273 : i32 to vector<32x1024xi32>
    %ne3A_275 = arith.cmpi ne, %and3A_272, %ne3A_274 : vector<32x1024xi32>
    %and3A_276 = arith.constant 16 : i32
    %and3A_277 = vector.broadcast %and3A_276 : i32 to vector<32x1024xi32>
    %and3A_278 = arith.andi %add3A, %and3A_277 : vector<32x1024xi32>
    %eq3A_279 = arith.constant 0 : i32
    %eq3A_280 = vector.broadcast %eq3A_279 : i32 to vector<32x1024xi32>
    %eq3A_281 = arith.cmpi eq, %and3A_278, %eq3A_280 : vector<32x1024xi32>
    %roll3A_282 = arith.constant 2 : i32
    %roll3A_283 = tpu.dynamic_rotate %select_n3A_268 by %roll3A_282 dim 0 : vector<32x1024xf32>, i32 -> vector<32x1024xf32>
    %roll3A_284 = arith.constant 30 : i32
    %roll3A_285 = tpu.dynamic_rotate %select_n3A_268 by %roll3A_284 dim 0 : vector<32x1024xf32>, i32 -> vector<32x1024xf32>
    %select_n3A_286 = arith.select %ne3A_275, %roll3A_283, %roll3A_285 : vector<32x1024xi1>, vector<32x1024xf32>
    %roll3A_287 = arith.constant 2 : i32
    %roll3A_288 = tpu.dynamic_rotate %select_n3A_269 by %roll3A_287 dim 0 : vector<32x1024xi32>, i32 -> vector<32x1024xi32>
    %roll3A_289 = arith.constant 30 : i32
    %roll3A_290 = tpu.dynamic_rotate %select_n3A_269 by %roll3A_289 dim 0 : vector<32x1024xi32>, i32 -> vector<32x1024xi32>
    %select_n3A_291 = arith.select %ne3A_275, %roll3A_288, %roll3A_290 : vector<32x1024xi1>, vector<32x1024xi32>
    %gt3A_292 = arith.cmpf ogt, %select_n3A_268, %select_n3A_286 : vector<32x1024xf32>
    %eq3A_293 = arith.cmpf oeq, %select_n3A_268, %select_n3A_286 : vector<32x1024xf32>
    %lt3A_294 = arith.cmpi slt, %select_n3A_269, %select_n3A_291 : vector<32x1024xi32>
    %and3A_295 = arith.andi %eq3A_293, %lt3A_294 : vector<32x1024xi1>
    %or3A_296 = arith.ori %gt3A_292, %and3A_295 : vector<32x1024xi1>
    %xor3A_297 = arith.xori %or3A_296, %ne3A_275 : vector<32x1024xi1>
    %eq3A_298 = arith.xori %xor3A_297, %eq3A_281 : vector<32x1024xi1>
    %eq3A_299 = arith.constant dense<true> : vector<32x1024xi1>
    %eq3A_300 = arith.xori %eq3A_298, %eq3A_299 : vector<32x1024xi1>
    %select_n3A_301 = arith.select %eq3A_300, %select_n3A_268, %select_n3A_286 : vector<32x1024xi1>, vector<32x1024xf32>
    %select_n3A_302 = arith.select %eq3A_300, %select_n3A_269, %select_n3A_291 : vector<32x1024xi1>, vector<32x1024xi32>
    %and3A_303 = arith.constant 1 : i32
    %and3A_304 = vector.broadcast %and3A_303 : i32 to vector<32x1024xi32>
    %and3A_305 = arith.andi %add3A, %and3A_304 : vector<32x1024xi32>
    %ne3A_306 = arith.constant 0 : i32
    %ne3A_307 = vector.broadcast %ne3A_306 : i32 to vector<32x1024xi32>
    %ne3A_308 = arith.cmpi ne, %and3A_305, %ne3A_307 : vector<32x1024xi32>
    %and3A_309 = arith.constant 16 : i32
    %and3A_310 = vector.broadcast %and3A_309 : i32 to vector<32x1024xi32>
    %and3A_311 = arith.andi %add3A, %and3A_310 : vector<32x1024xi32>
    %eq3A_312 = arith.constant 0 : i32
    %eq3A_313 = vector.broadcast %eq3A_312 : i32 to vector<32x1024xi32>
    %eq3A_314 = arith.cmpi eq, %and3A_311, %eq3A_313 : vector<32x1024xi32>
    %roll3A_315 = arith.constant 1 : i32
    %roll3A_316 = tpu.dynamic_rotate %select_n3A_301 by %roll3A_315 dim 0 : vector<32x1024xf32>, i32 -> vector<32x1024xf32>
    %roll3A_317 = arith.constant 31 : i32
    %roll3A_318 = tpu.dynamic_rotate %select_n3A_301 by %roll3A_317 dim 0 : vector<32x1024xf32>, i32 -> vector<32x1024xf32>
    %select_n3A_319 = arith.select %ne3A_308, %roll3A_316, %roll3A_318 : vector<32x1024xi1>, vector<32x1024xf32>
    %roll3A_320 = arith.constant 1 : i32
    %roll3A_321 = tpu.dynamic_rotate %select_n3A_302 by %roll3A_320 dim 0 : vector<32x1024xi32>, i32 -> vector<32x1024xi32>
    %roll3A_322 = arith.constant 31 : i32
    %roll3A_323 = tpu.dynamic_rotate %select_n3A_302 by %roll3A_322 dim 0 : vector<32x1024xi32>, i32 -> vector<32x1024xi32>
    %select_n3A_324 = arith.select %ne3A_308, %roll3A_321, %roll3A_323 : vector<32x1024xi1>, vector<32x1024xi32>
    %gt3A_325 = arith.cmpf ogt, %select_n3A_301, %select_n3A_319 : vector<32x1024xf32>
    %eq3A_326 = arith.cmpf oeq, %select_n3A_301, %select_n3A_319 : vector<32x1024xf32>
    %lt3A_327 = arith.cmpi slt, %select_n3A_302, %select_n3A_324 : vector<32x1024xi32>
    %and3A_328 = arith.andi %eq3A_326, %lt3A_327 : vector<32x1024xi1>
    %or3A_329 = arith.ori %gt3A_325, %and3A_328 : vector<32x1024xi1>
    %xor3A_330 = arith.xori %or3A_329, %ne3A_308 : vector<32x1024xi1>
    %eq3A_331 = arith.xori %xor3A_330, %eq3A_314 : vector<32x1024xi1>
    %eq3A_332 = arith.constant dense<true> : vector<32x1024xi1>
    %eq3A_333 = arith.xori %eq3A_331, %eq3A_332 : vector<32x1024xi1>
    %select_n3A_334 = arith.select %eq3A_333, %select_n3A_301, %select_n3A_319 : vector<32x1024xi1>, vector<32x1024xf32>
    %select_n3A_335 = arith.select %eq3A_333, %select_n3A_302, %select_n3A_324 : vector<32x1024xi1>, vector<32x1024xi32>
    %and3A_336 = arith.constant 16 : i32
    %and3A_337 = vector.broadcast %and3A_336 : i32 to vector<32x1024xi32>
    %and3A_338 = arith.andi %add3A, %and3A_337 : vector<32x1024xi32>
    %ne3A_339 = arith.constant 0 : i32
    %ne3A_340 = vector.broadcast %ne3A_339 : i32 to vector<32x1024xi32>
    %ne3A_341 = arith.cmpi ne, %and3A_338, %ne3A_340 : vector<32x1024xi32>
    %and3A_342 = arith.constant 32 : i32
    %and3A_343 = vector.broadcast %and3A_342 : i32 to vector<32x1024xi32>
    %and3A_344 = arith.andi %add3A, %and3A_343 : vector<32x1024xi32>
    %eq3A_345 = arith.constant 0 : i32
    %eq3A_346 = vector.broadcast %eq3A_345 : i32 to vector<32x1024xi32>
    %eq3A_347 = arith.cmpi eq, %and3A_344, %eq3A_346 : vector<32x1024xi32>
    %roll3A_348 = arith.constant 2 : i32
    %roll3A_349 = tpu.dynamic_rotate %select_n3A_334 by %roll3A_348 dim 1 : vector<32x1024xf32>, i32 -> vector<32x1024xf32>
    %roll3A_350 = arith.constant 1022 : i32
    %roll3A_351 = tpu.dynamic_rotate %select_n3A_334 by %roll3A_350 dim 1 : vector<32x1024xf32>, i32 -> vector<32x1024xf32>
    %select_n3A_352 = arith.select %ne3A_341, %roll3A_349, %roll3A_351 : vector<32x1024xi1>, vector<32x1024xf32>
    %roll3A_353 = arith.constant 2 : i32
    %roll3A_354 = tpu.dynamic_rotate %select_n3A_335 by %roll3A_353 dim 1 : vector<32x1024xi32>, i32 -> vector<32x1024xi32>
    %roll3A_355 = arith.constant 1022 : i32
    %roll3A_356 = tpu.dynamic_rotate %select_n3A_335 by %roll3A_355 dim 1 : vector<32x1024xi32>, i32 -> vector<32x1024xi32>
    %select_n3A_357 = arith.select %ne3A_341, %roll3A_354, %roll3A_356 : vector<32x1024xi1>, vector<32x1024xi32>
    %gt3A_358 = arith.cmpf ogt, %select_n3A_334, %select_n3A_352 : vector<32x1024xf32>
    %eq3A_359 = arith.cmpf oeq, %select_n3A_334, %select_n3A_352 : vector<32x1024xf32>
    %lt3A_360 = arith.cmpi slt, %select_n3A_335, %select_n3A_357 : vector<32x1024xi32>
    %and3A_361 = arith.andi %eq3A_359, %lt3A_360 : vector<32x1024xi1>
    %or3A_362 = arith.ori %gt3A_358, %and3A_361 : vector<32x1024xi1>
    %xor3A_363 = arith.xori %or3A_362, %ne3A_341 : vector<32x1024xi1>
    %eq3A_364 = arith.xori %xor3A_363, %eq3A_347 : vector<32x1024xi1>
    %eq3A_365 = arith.constant dense<true> : vector<32x1024xi1>
    %eq3A_366 = arith.xori %eq3A_364, %eq3A_365 : vector<32x1024xi1>
    %select_n3A_367 = arith.select %eq3A_366, %select_n3A_334, %select_n3A_352 : vector<32x1024xi1>, vector<32x1024xf32>
    %select_n3A_368 = arith.select %eq3A_366, %select_n3A_335, %select_n3A_357 : vector<32x1024xi1>, vector<32x1024xi32>
    %and3A_369 = arith.constant 8 : i32
    %and3A_370 = vector.broadcast %and3A_369 : i32 to vector<32x1024xi32>
    %and3A_371 = arith.andi %add3A, %and3A_370 : vector<32x1024xi32>
    %ne3A_372 = arith.constant 0 : i32
    %ne3A_373 = vector.broadcast %ne3A_372 : i32 to vector<32x1024xi32>
    %ne3A_374 = arith.cmpi ne, %and3A_371, %ne3A_373 : vector<32x1024xi32>
    %and3A_375 = arith.constant 32 : i32
    %and3A_376 = vector.broadcast %and3A_375 : i32 to vector<32x1024xi32>
    %and3A_377 = arith.andi %add3A, %and3A_376 : vector<32x1024xi32>
    %eq3A_378 = arith.constant 0 : i32
    %eq3A_379 = vector.broadcast %eq3A_378 : i32 to vector<32x1024xi32>
    %eq3A_380 = arith.cmpi eq, %and3A_377, %eq3A_379 : vector<32x1024xi32>
    %roll3A_381 = arith.constant 1 : i32
    %roll3A_382 = tpu.dynamic_rotate %select_n3A_367 by %roll3A_381 dim 1 : vector<32x1024xf32>, i32 -> vector<32x1024xf32>
    %roll3A_383 = arith.constant 1023 : i32
    %roll3A_384 = tpu.dynamic_rotate %select_n3A_367 by %roll3A_383 dim 1 : vector<32x1024xf32>, i32 -> vector<32x1024xf32>
    %select_n3A_385 = arith.select %ne3A_374, %roll3A_382, %roll3A_384 : vector<32x1024xi1>, vector<32x1024xf32>
    %roll3A_386 = arith.constant 1 : i32
    %roll3A_387 = tpu.dynamic_rotate %select_n3A_368 by %roll3A_386 dim 1 : vector<32x1024xi32>, i32 -> vector<32x1024xi32>
    %roll3A_388 = arith.constant 1023 : i32
    %roll3A_389 = tpu.dynamic_rotate %select_n3A_368 by %roll3A_388 dim 1 : vector<32x1024xi32>, i32 -> vector<32x1024xi32>
    %select_n3A_390 = arith.select %ne3A_374, %roll3A_387, %roll3A_389 : vector<32x1024xi1>, vector<32x1024xi32>
    %gt3A_391 = arith.cmpf ogt, %select_n3A_367, %select_n3A_385 : vector<32x1024xf32>
    %eq3A_392 = arith.cmpf oeq, %select_n3A_367, %select_n3A_385 : vector<32x1024xf32>
    %lt3A_393 = arith.cmpi slt, %select_n3A_368, %select_n3A_390 : vector<32x1024xi32>
    %and3A_394 = arith.andi %eq3A_392, %lt3A_393 : vector<32x1024xi1>
    %or3A_395 = arith.ori %gt3A_391, %and3A_394 : vector<32x1024xi1>
    %xor3A_396 = arith.xori %or3A_395, %ne3A_374 : vector<32x1024xi1>
    %eq3A_397 = arith.xori %xor3A_396, %eq3A_380 : vector<32x1024xi1>
    %eq3A_398 = arith.constant dense<true> : vector<32x1024xi1>
    %eq3A_399 = arith.xori %eq3A_397, %eq3A_398 : vector<32x1024xi1>
    %select_n3A_400 = arith.select %eq3A_399, %select_n3A_367, %select_n3A_385 : vector<32x1024xi1>, vector<32x1024xf32>
    %select_n3A_401 = arith.select %eq3A_399, %select_n3A_368, %select_n3A_390 : vector<32x1024xi1>, vector<32x1024xi32>
    %and3A_402 = arith.constant 4 : i32
    %and3A_403 = vector.broadcast %and3A_402 : i32 to vector<32x1024xi32>
    %and3A_404 = arith.andi %add3A, %and3A_403 : vector<32x1024xi32>
    %ne3A_405 = arith.constant 0 : i32
    %ne3A_406 = vector.broadcast %ne3A_405 : i32 to vector<32x1024xi32>
    %ne3A_407 = arith.cmpi ne, %and3A_404, %ne3A_406 : vector<32x1024xi32>
    %and3A_408 = arith.constant 32 : i32
    %and3A_409 = vector.broadcast %and3A_408 : i32 to vector<32x1024xi32>
    %and3A_410 = arith.andi %add3A, %and3A_409 : vector<32x1024xi32>
    %eq3A_411 = arith.constant 0 : i32
    %eq3A_412 = vector.broadcast %eq3A_411 : i32 to vector<32x1024xi32>
    %eq3A_413 = arith.cmpi eq, %and3A_410, %eq3A_412 : vector<32x1024xi32>
    %roll3A_414 = arith.constant 4 : i32
    %roll3A_415 = tpu.dynamic_rotate %select_n3A_400 by %roll3A_414 dim 0 : vector<32x1024xf32>, i32 -> vector<32x1024xf32>
    %roll3A_416 = arith.constant 28 : i32
    %roll3A_417 = tpu.dynamic_rotate %select_n3A_400 by %roll3A_416 dim 0 : vector<32x1024xf32>, i32 -> vector<32x1024xf32>
    %select_n3A_418 = arith.select %ne3A_407, %roll3A_415, %roll3A_417 : vector<32x1024xi1>, vector<32x1024xf32>
    %roll3A_419 = arith.constant 4 : i32
    %roll3A_420 = tpu.dynamic_rotate %select_n3A_401 by %roll3A_419 dim 0 : vector<32x1024xi32>, i32 -> vector<32x1024xi32>
    %roll3A_421 = arith.constant 28 : i32
    %roll3A_422 = tpu.dynamic_rotate %select_n3A_401 by %roll3A_421 dim 0 : vector<32x1024xi32>, i32 -> vector<32x1024xi32>
    %select_n3A_423 = arith.select %ne3A_407, %roll3A_420, %roll3A_422 : vector<32x1024xi1>, vector<32x1024xi32>
    %gt3A_424 = arith.cmpf ogt, %select_n3A_400, %select_n3A_418 : vector<32x1024xf32>
    %eq3A_425 = arith.cmpf oeq, %select_n3A_400, %select_n3A_418 : vector<32x1024xf32>
    %lt3A_426 = arith.cmpi slt, %select_n3A_401, %select_n3A_423 : vector<32x1024xi32>
    %and3A_427 = arith.andi %eq3A_425, %lt3A_426 : vector<32x1024xi1>
    %or3A_428 = arith.ori %gt3A_424, %and3A_427 : vector<32x1024xi1>
    %xor3A_429 = arith.xori %or3A_428, %ne3A_407 : vector<32x1024xi1>
    %eq3A_430 = arith.xori %xor3A_429, %eq3A_413 : vector<32x1024xi1>
    %eq3A_431 = arith.constant dense<true> : vector<32x1024xi1>
    %eq3A_432 = arith.xori %eq3A_430, %eq3A_431 : vector<32x1024xi1>
    %select_n3A_433 = arith.select %eq3A_432, %select_n3A_400, %select_n3A_418 : vector<32x1024xi1>, vector<32x1024xf32>
    %select_n3A_434 = arith.select %eq3A_432, %select_n3A_401, %select_n3A_423 : vector<32x1024xi1>, vector<32x1024xi32>
    %and3A_435 = arith.constant 2 : i32
    %and3A_436 = vector.broadcast %and3A_435 : i32 to vector<32x1024xi32>
    %and3A_437 = arith.andi %add3A, %and3A_436 : vector<32x1024xi32>
    %ne3A_438 = arith.constant 0 : i32
    %ne3A_439 = vector.broadcast %ne3A_438 : i32 to vector<32x1024xi32>
    %ne3A_440 = arith.cmpi ne, %and3A_437, %ne3A_439 : vector<32x1024xi32>
    %and3A_441 = arith.constant 32 : i32
    %and3A_442 = vector.broadcast %and3A_441 : i32 to vector<32x1024xi32>
    %and3A_443 = arith.andi %add3A, %and3A_442 : vector<32x1024xi32>
    %eq3A_444 = arith.constant 0 : i32
    %eq3A_445 = vector.broadcast %eq3A_444 : i32 to vector<32x1024xi32>
    %eq3A_446 = arith.cmpi eq, %and3A_443, %eq3A_445 : vector<32x1024xi32>
    %roll3A_447 = arith.constant 2 : i32
    %roll3A_448 = tpu.dynamic_rotate %select_n3A_433 by %roll3A_447 dim 0 : vector<32x1024xf32>, i32 -> vector<32x1024xf32>
    %roll3A_449 = arith.constant 30 : i32
    %roll3A_450 = tpu.dynamic_rotate %select_n3A_433 by %roll3A_449 dim 0 : vector<32x1024xf32>, i32 -> vector<32x1024xf32>
    %select_n3A_451 = arith.select %ne3A_440, %roll3A_448, %roll3A_450 : vector<32x1024xi1>, vector<32x1024xf32>
    %roll3A_452 = arith.constant 2 : i32
    %roll3A_453 = tpu.dynamic_rotate %select_n3A_434 by %roll3A_452 dim 0 : vector<32x1024xi32>, i32 -> vector<32x1024xi32>
    %roll3A_454 = arith.constant 30 : i32
    %roll3A_455 = tpu.dynamic_rotate %select_n3A_434 by %roll3A_454 dim 0 : vector<32x1024xi32>, i32 -> vector<32x1024xi32>
    %select_n3A_456 = arith.select %ne3A_440, %roll3A_453, %roll3A_455 : vector<32x1024xi1>, vector<32x1024xi32>
    %gt3A_457 = arith.cmpf ogt, %select_n3A_433, %select_n3A_451 : vector<32x1024xf32>
    %eq3A_458 = arith.cmpf oeq, %select_n3A_433, %select_n3A_451 : vector<32x1024xf32>
    %lt3A_459 = arith.cmpi slt, %select_n3A_434, %select_n3A_456 : vector<32x1024xi32>
    %and3A_460 = arith.andi %eq3A_458, %lt3A_459 : vector<32x1024xi1>
    %or3A_461 = arith.ori %gt3A_457, %and3A_460 : vector<32x1024xi1>
    %xor3A_462 = arith.xori %or3A_461, %ne3A_440 : vector<32x1024xi1>
    %eq3A_463 = arith.xori %xor3A_462, %eq3A_446 : vector<32x1024xi1>
    %eq3A_464 = arith.constant dense<true> : vector<32x1024xi1>
    %eq3A_465 = arith.xori %eq3A_463, %eq3A_464 : vector<32x1024xi1>
    %select_n3A_466 = arith.select %eq3A_465, %select_n3A_433, %select_n3A_451 : vector<32x1024xi1>, vector<32x1024xf32>
    %select_n3A_467 = arith.select %eq3A_465, %select_n3A_434, %select_n3A_456 : vector<32x1024xi1>, vector<32x1024xi32>
    %and3A_468 = arith.constant 1 : i32
    %and3A_469 = vector.broadcast %and3A_468 : i32 to vector<32x1024xi32>
    %and3A_470 = arith.andi %add3A, %and3A_469 : vector<32x1024xi32>
    %ne3A_471 = arith.constant 0 : i32
    %ne3A_472 = vector.broadcast %ne3A_471 : i32 to vector<32x1024xi32>
    %ne3A_473 = arith.cmpi ne, %and3A_470, %ne3A_472 : vector<32x1024xi32>
    %and3A_474 = arith.constant 32 : i32
    %and3A_475 = vector.broadcast %and3A_474 : i32 to vector<32x1024xi32>
    %and3A_476 = arith.andi %add3A, %and3A_475 : vector<32x1024xi32>
    %eq3A_477 = arith.constant 0 : i32
    %eq3A_478 = vector.broadcast %eq3A_477 : i32 to vector<32x1024xi32>
    %eq3A_479 = arith.cmpi eq, %and3A_476, %eq3A_478 : vector<32x1024xi32>
    %roll3A_480 = arith.constant 1 : i32
    %roll3A_481 = tpu.dynamic_rotate %select_n3A_466 by %roll3A_480 dim 0 : vector<32x1024xf32>, i32 -> vector<32x1024xf32>
    %roll3A_482 = arith.constant 31 : i32
    %roll3A_483 = tpu.dynamic_rotate %select_n3A_466 by %roll3A_482 dim 0 : vector<32x1024xf32>, i32 -> vector<32x1024xf32>
    %select_n3A_484 = arith.select %ne3A_473, %roll3A_481, %roll3A_483 : vector<32x1024xi1>, vector<32x1024xf32>
    %roll3A_485 = arith.constant 1 : i32
    %roll3A_486 = tpu.dynamic_rotate %select_n3A_467 by %roll3A_485 dim 0 : vector<32x1024xi32>, i32 -> vector<32x1024xi32>
    %roll3A_487 = arith.constant 31 : i32
    %roll3A_488 = tpu.dynamic_rotate %select_n3A_467 by %roll3A_487 dim 0 : vector<32x1024xi32>, i32 -> vector<32x1024xi32>
    %select_n3A_489 = arith.select %ne3A_473, %roll3A_486, %roll3A_488 : vector<32x1024xi1>, vector<32x1024xi32>
    %gt3A_490 = arith.cmpf ogt, %select_n3A_466, %select_n3A_484 : vector<32x1024xf32>
    %eq3A_491 = arith.cmpf oeq, %select_n3A_466, %select_n3A_484 : vector<32x1024xf32>
    %lt3A_492 = arith.cmpi slt, %select_n3A_467, %select_n3A_489 : vector<32x1024xi32>
    %and3A_493 = arith.andi %eq3A_491, %lt3A_492 : vector<32x1024xi1>
    %or3A_494 = arith.ori %gt3A_490, %and3A_493 : vector<32x1024xi1>
    %xor3A_495 = arith.xori %or3A_494, %ne3A_473 : vector<32x1024xi1>
    %eq3A_496 = arith.xori %xor3A_495, %eq3A_479 : vector<32x1024xi1>
    %eq3A_497 = arith.constant dense<true> : vector<32x1024xi1>
    %eq3A_498 = arith.xori %eq3A_496, %eq3A_497 : vector<32x1024xi1>
    %select_n3A_499 = arith.select %eq3A_498, %select_n3A_466, %select_n3A_484 : vector<32x1024xi1>, vector<32x1024xf32>
    %select_n3A_500 = arith.select %eq3A_498, %select_n3A_467, %select_n3A_489 : vector<32x1024xi1>, vector<32x1024xi32>
    %and3A_501 = arith.constant 32 : i32
    %and3A_502 = vector.broadcast %and3A_501 : i32 to vector<32x1024xi32>
    %and3A_503 = arith.andi %add3A, %and3A_502 : vector<32x1024xi32>
    %ne3A_504 = arith.constant 0 : i32
    %ne3A_505 = vector.broadcast %ne3A_504 : i32 to vector<32x1024xi32>
    %ne3A_506 = arith.cmpi ne, %and3A_503, %ne3A_505 : vector<32x1024xi32>
    %and3A_507 = arith.constant 64 : i32
    %and3A_508 = vector.broadcast %and3A_507 : i32 to vector<32x1024xi32>
    %and3A_509 = arith.andi %add3A, %and3A_508 : vector<32x1024xi32>
    %eq3A_510 = arith.constant 0 : i32
    %eq3A_511 = vector.broadcast %eq3A_510 : i32 to vector<32x1024xi32>
    %eq3A_512 = arith.cmpi eq, %and3A_509, %eq3A_511 : vector<32x1024xi32>
    %roll3A_513 = arith.constant 4 : i32
    %roll3A_514 = tpu.dynamic_rotate %select_n3A_499 by %roll3A_513 dim 1 : vector<32x1024xf32>, i32 -> vector<32x1024xf32>
    %roll3A_515 = arith.constant 1020 : i32
    %roll3A_516 = tpu.dynamic_rotate %select_n3A_499 by %roll3A_515 dim 1 : vector<32x1024xf32>, i32 -> vector<32x1024xf32>
    %select_n3A_517 = arith.select %ne3A_506, %roll3A_514, %roll3A_516 : vector<32x1024xi1>, vector<32x1024xf32>
    %roll3A_518 = arith.constant 4 : i32
    %roll3A_519 = tpu.dynamic_rotate %select_n3A_500 by %roll3A_518 dim 1 : vector<32x1024xi32>, i32 -> vector<32x1024xi32>
    %roll3A_520 = arith.constant 1020 : i32
    %roll3A_521 = tpu.dynamic_rotate %select_n3A_500 by %roll3A_520 dim 1 : vector<32x1024xi32>, i32 -> vector<32x1024xi32>
    %select_n3A_522 = arith.select %ne3A_506, %roll3A_519, %roll3A_521 : vector<32x1024xi1>, vector<32x1024xi32>
    %gt3A_523 = arith.cmpf ogt, %select_n3A_499, %select_n3A_517 : vector<32x1024xf32>
    %eq3A_524 = arith.cmpf oeq, %select_n3A_499, %select_n3A_517 : vector<32x1024xf32>
    %lt3A_525 = arith.cmpi slt, %select_n3A_500, %select_n3A_522 : vector<32x1024xi32>
    %and3A_526 = arith.andi %eq3A_524, %lt3A_525 : vector<32x1024xi1>
    %or3A_527 = arith.ori %gt3A_523, %and3A_526 : vector<32x1024xi1>
    %xor3A_528 = arith.xori %or3A_527, %ne3A_506 : vector<32x1024xi1>
    %eq3A_529 = arith.xori %xor3A_528, %eq3A_512 : vector<32x1024xi1>
    %eq3A_530 = arith.constant dense<true> : vector<32x1024xi1>
    %eq3A_531 = arith.xori %eq3A_529, %eq3A_530 : vector<32x1024xi1>
    %select_n3A_532 = arith.select %eq3A_531, %select_n3A_499, %select_n3A_517 : vector<32x1024xi1>, vector<32x1024xf32>
    %select_n3A_533 = arith.select %eq3A_531, %select_n3A_500, %select_n3A_522 : vector<32x1024xi1>, vector<32x1024xi32>
    %and3A_534 = arith.constant 16 : i32
    %and3A_535 = vector.broadcast %and3A_534 : i32 to vector<32x1024xi32>
    %and3A_536 = arith.andi %add3A, %and3A_535 : vector<32x1024xi32>
    %ne3A_537 = arith.constant 0 : i32
    %ne3A_538 = vector.broadcast %ne3A_537 : i32 to vector<32x1024xi32>
    %ne3A_539 = arith.cmpi ne, %and3A_536, %ne3A_538 : vector<32x1024xi32>
    %and3A_540 = arith.constant 64 : i32
    %and3A_541 = vector.broadcast %and3A_540 : i32 to vector<32x1024xi32>
    %and3A_542 = arith.andi %add3A, %and3A_541 : vector<32x1024xi32>
    %eq3A_543 = arith.constant 0 : i32
    %eq3A_544 = vector.broadcast %eq3A_543 : i32 to vector<32x1024xi32>
    %eq3A_545 = arith.cmpi eq, %and3A_542, %eq3A_544 : vector<32x1024xi32>
    %roll3A_546 = arith.constant 2 : i32
    %roll3A_547 = tpu.dynamic_rotate %select_n3A_532 by %roll3A_546 dim 1 : vector<32x1024xf32>, i32 -> vector<32x1024xf32>
    %roll3A_548 = arith.constant 1022 : i32
    %roll3A_549 = tpu.dynamic_rotate %select_n3A_532 by %roll3A_548 dim 1 : vector<32x1024xf32>, i32 -> vector<32x1024xf32>
    %select_n3A_550 = arith.select %ne3A_539, %roll3A_547, %roll3A_549 : vector<32x1024xi1>, vector<32x1024xf32>
    %roll3A_551 = arith.constant 2 : i32
    %roll3A_552 = tpu.dynamic_rotate %select_n3A_533 by %roll3A_551 dim 1 : vector<32x1024xi32>, i32 -> vector<32x1024xi32>
    %roll3A_553 = arith.constant 1022 : i32
    %roll3A_554 = tpu.dynamic_rotate %select_n3A_533 by %roll3A_553 dim 1 : vector<32x1024xi32>, i32 -> vector<32x1024xi32>
    %select_n3A_555 = arith.select %ne3A_539, %roll3A_552, %roll3A_554 : vector<32x1024xi1>, vector<32x1024xi32>
    %gt3A_556 = arith.cmpf ogt, %select_n3A_532, %select_n3A_550 : vector<32x1024xf32>
    %eq3A_557 = arith.cmpf oeq, %select_n3A_532, %select_n3A_550 : vector<32x1024xf32>
    %lt3A_558 = arith.cmpi slt, %select_n3A_533, %select_n3A_555 : vector<32x1024xi32>
    %and3A_559 = arith.andi %eq3A_557, %lt3A_558 : vector<32x1024xi1>
    %or3A_560 = arith.ori %gt3A_556, %and3A_559 : vector<32x1024xi1>
    %xor3A_561 = arith.xori %or3A_560, %ne3A_539 : vector<32x1024xi1>
    %eq3A_562 = arith.xori %xor3A_561, %eq3A_545 : vector<32x1024xi1>
    %eq3A_563 = arith.constant dense<true> : vector<32x1024xi1>
    %eq3A_564 = arith.xori %eq3A_562, %eq3A_563 : vector<32x1024xi1>
    %select_n3A_565 = arith.select %eq3A_564, %select_n3A_532, %select_n3A_550 : vector<32x1024xi1>, vector<32x1024xf32>
    %select_n3A_566 = arith.select %eq3A_564, %select_n3A_533, %select_n3A_555 : vector<32x1024xi1>, vector<32x1024xi32>
    %and3A_567 = arith.constant 8 : i32
    %and3A_568 = vector.broadcast %and3A_567 : i32 to vector<32x1024xi32>
    %and3A_569 = arith.andi %add3A, %and3A_568 : vector<32x1024xi32>
    %ne3A_570 = arith.constant 0 : i32
    %ne3A_571 = vector.broadcast %ne3A_570 : i32 to vector<32x1024xi32>
    %ne3A_572 = arith.cmpi ne, %and3A_569, %ne3A_571 : vector<32x1024xi32>
    %and3A_573 = arith.constant 64 : i32
    %and3A_574 = vector.broadcast %and3A_573 : i32 to vector<32x1024xi32>
    %and3A_575 = arith.andi %add3A, %and3A_574 : vector<32x1024xi32>
    %eq3A_576 = arith.constant 0 : i32
    %eq3A_577 = vector.broadcast %eq3A_576 : i32 to vector<32x1024xi32>
    %eq3A_578 = arith.cmpi eq, %and3A_575, %eq3A_577 : vector<32x1024xi32>
    %roll3A_579 = arith.constant 1 : i32
    %roll3A_580 = tpu.dynamic_rotate %select_n3A_565 by %roll3A_579 dim 1 : vector<32x1024xf32>, i32 -> vector<32x1024xf32>
    %roll3A_581 = arith.constant 1023 : i32
    %roll3A_582 = tpu.dynamic_rotate %select_n3A_565 by %roll3A_581 dim 1 : vector<32x1024xf32>, i32 -> vector<32x1024xf32>
    %select_n3A_583 = arith.select %ne3A_572, %roll3A_580, %roll3A_582 : vector<32x1024xi1>, vector<32x1024xf32>
    %roll3A_584 = arith.constant 1 : i32
    %roll3A_585 = tpu.dynamic_rotate %select_n3A_566 by %roll3A_584 dim 1 : vector<32x1024xi32>, i32 -> vector<32x1024xi32>
    %roll3A_586 = arith.constant 1023 : i32
    %roll3A_587 = tpu.dynamic_rotate %select_n3A_566 by %roll3A_586 dim 1 : vector<32x1024xi32>, i32 -> vector<32x1024xi32>
    %select_n3A_588 = arith.select %ne3A_572, %roll3A_585, %roll3A_587 : vector<32x1024xi1>, vector<32x1024xi32>
    %gt3A_589 = arith.cmpf ogt, %select_n3A_565, %select_n3A_583 : vector<32x1024xf32>
    %eq3A_590 = arith.cmpf oeq, %select_n3A_565, %select_n3A_583 : vector<32x1024xf32>
    %lt3A_591 = arith.cmpi slt, %select_n3A_566, %select_n3A_588 : vector<32x1024xi32>
    %and3A_592 = arith.andi %eq3A_590, %lt3A_591 : vector<32x1024xi1>
    %or3A_593 = arith.ori %gt3A_589, %and3A_592 : vector<32x1024xi1>
    %xor3A_594 = arith.xori %or3A_593, %ne3A_572 : vector<32x1024xi1>
    %eq3A_595 = arith.xori %xor3A_594, %eq3A_578 : vector<32x1024xi1>
    %eq3A_596 = arith.constant dense<true> : vector<32x1024xi1>
    %eq3A_597 = arith.xori %eq3A_595, %eq3A_596 : vector<32x1024xi1>
    %select_n3A_598 = arith.select %eq3A_597, %select_n3A_565, %select_n3A_583 : vector<32x1024xi1>, vector<32x1024xf32>
    %select_n3A_599 = arith.select %eq3A_597, %select_n3A_566, %select_n3A_588 : vector<32x1024xi1>, vector<32x1024xi32>
    %and3A_600 = arith.constant 4 : i32
    %and3A_601 = vector.broadcast %and3A_600 : i32 to vector<32x1024xi32>
    %and3A_602 = arith.andi %add3A, %and3A_601 : vector<32x1024xi32>
    %ne3A_603 = arith.constant 0 : i32
    %ne3A_604 = vector.broadcast %ne3A_603 : i32 to vector<32x1024xi32>
    %ne3A_605 = arith.cmpi ne, %and3A_602, %ne3A_604 : vector<32x1024xi32>
    %and3A_606 = arith.constant 64 : i32
    %and3A_607 = vector.broadcast %and3A_606 : i32 to vector<32x1024xi32>
    %and3A_608 = arith.andi %add3A, %and3A_607 : vector<32x1024xi32>
    %eq3A_609 = arith.constant 0 : i32
    %eq3A_610 = vector.broadcast %eq3A_609 : i32 to vector<32x1024xi32>
    %eq3A_611 = arith.cmpi eq, %and3A_608, %eq3A_610 : vector<32x1024xi32>
    %roll3A_612 = arith.constant 4 : i32
    %roll3A_613 = tpu.dynamic_rotate %select_n3A_598 by %roll3A_612 dim 0 : vector<32x1024xf32>, i32 -> vector<32x1024xf32>
    %roll3A_614 = arith.constant 28 : i32
    %roll3A_615 = tpu.dynamic_rotate %select_n3A_598 by %roll3A_614 dim 0 : vector<32x1024xf32>, i32 -> vector<32x1024xf32>
    %select_n3A_616 = arith.select %ne3A_605, %roll3A_613, %roll3A_615 : vector<32x1024xi1>, vector<32x1024xf32>
    %roll3A_617 = arith.constant 4 : i32
    %roll3A_618 = tpu.dynamic_rotate %select_n3A_599 by %roll3A_617 dim 0 : vector<32x1024xi32>, i32 -> vector<32x1024xi32>
    %roll3A_619 = arith.constant 28 : i32
    %roll3A_620 = tpu.dynamic_rotate %select_n3A_599 by %roll3A_619 dim 0 : vector<32x1024xi32>, i32 -> vector<32x1024xi32>
    %select_n3A_621 = arith.select %ne3A_605, %roll3A_618, %roll3A_620 : vector<32x1024xi1>, vector<32x1024xi32>
    %gt3A_622 = arith.cmpf ogt, %select_n3A_598, %select_n3A_616 : vector<32x1024xf32>
    %eq3A_623 = arith.cmpf oeq, %select_n3A_598, %select_n3A_616 : vector<32x1024xf32>
    %lt3A_624 = arith.cmpi slt, %select_n3A_599, %select_n3A_621 : vector<32x1024xi32>
    %and3A_625 = arith.andi %eq3A_623, %lt3A_624 : vector<32x1024xi1>
    %or3A_626 = arith.ori %gt3A_622, %and3A_625 : vector<32x1024xi1>
    %xor3A_627 = arith.xori %or3A_626, %ne3A_605 : vector<32x1024xi1>
    %eq3A_628 = arith.xori %xor3A_627, %eq3A_611 : vector<32x1024xi1>
    %eq3A_629 = arith.constant dense<true> : vector<32x1024xi1>
    %eq3A_630 = arith.xori %eq3A_628, %eq3A_629 : vector<32x1024xi1>
    %select_n3A_631 = arith.select %eq3A_630, %select_n3A_598, %select_n3A_616 : vector<32x1024xi1>, vector<32x1024xf32>
    %select_n3A_632 = arith.select %eq3A_630, %select_n3A_599, %select_n3A_621 : vector<32x1024xi1>, vector<32x1024xi32>
    %and3A_633 = arith.constant 2 : i32
    %and3A_634 = vector.broadcast %and3A_633 : i32 to vector<32x1024xi32>
    %and3A_635 = arith.andi %add3A, %and3A_634 : vector<32x1024xi32>
    %ne3A_636 = arith.constant 0 : i32
    %ne3A_637 = vector.broadcast %ne3A_636 : i32 to vector<32x1024xi32>
    %ne3A_638 = arith.cmpi ne, %and3A_635, %ne3A_637 : vector<32x1024xi32>
    %and3A_639 = arith.constant 64 : i32
    %and3A_640 = vector.broadcast %and3A_639 : i32 to vector<32x1024xi32>
    %and3A_641 = arith.andi %add3A, %and3A_640 : vector<32x1024xi32>
    %eq3A_642 = arith.constant 0 : i32
    %eq3A_643 = vector.broadcast %eq3A_642 : i32 to vector<32x1024xi32>
    %eq3A_644 = arith.cmpi eq, %and3A_641, %eq3A_643 : vector<32x1024xi32>
    %roll3A_645 = arith.constant 2 : i32
    %roll3A_646 = tpu.dynamic_rotate %select_n3A_631 by %roll3A_645 dim 0 : vector<32x1024xf32>, i32 -> vector<32x1024xf32>
    %roll3A_647 = arith.constant 30 : i32
    %roll3A_648 = tpu.dynamic_rotate %select_n3A_631 by %roll3A_647 dim 0 : vector<32x1024xf32>, i32 -> vector<32x1024xf32>
    %select_n3A_649 = arith.select %ne3A_638, %roll3A_646, %roll3A_648 : vector<32x1024xi1>, vector<32x1024xf32>
    %roll3A_650 = arith.constant 2 : i32
    %roll3A_651 = tpu.dynamic_rotate %select_n3A_632 by %roll3A_650 dim 0 : vector<32x1024xi32>, i32 -> vector<32x1024xi32>
    %roll3A_652 = arith.constant 30 : i32
    %roll3A_653 = tpu.dynamic_rotate %select_n3A_632 by %roll3A_652 dim 0 : vector<32x1024xi32>, i32 -> vector<32x1024xi32>
    %select_n3A_654 = arith.select %ne3A_638, %roll3A_651, %roll3A_653 : vector<32x1024xi1>, vector<32x1024xi32>
    %gt3A_655 = arith.cmpf ogt, %select_n3A_631, %select_n3A_649 : vector<32x1024xf32>
    %eq3A_656 = arith.cmpf oeq, %select_n3A_631, %select_n3A_649 : vector<32x1024xf32>
    %lt3A_657 = arith.cmpi slt, %select_n3A_632, %select_n3A_654 : vector<32x1024xi32>
    %and3A_658 = arith.andi %eq3A_656, %lt3A_657 : vector<32x1024xi1>
    %or3A_659 = arith.ori %gt3A_655, %and3A_658 : vector<32x1024xi1>
    %xor3A_660 = arith.xori %or3A_659, %ne3A_638 : vector<32x1024xi1>
    %eq3A_661 = arith.xori %xor3A_660, %eq3A_644 : vector<32x1024xi1>
    %eq3A_662 = arith.constant dense<true> : vector<32x1024xi1>
    %eq3A_663 = arith.xori %eq3A_661, %eq3A_662 : vector<32x1024xi1>
    %select_n3A_664 = arith.select %eq3A_663, %select_n3A_631, %select_n3A_649 : vector<32x1024xi1>, vector<32x1024xf32>
    %select_n3A_665 = arith.select %eq3A_663, %select_n3A_632, %select_n3A_654 : vector<32x1024xi1>, vector<32x1024xi32>
    %and3A_666 = arith.constant 1 : i32
    %and3A_667 = vector.broadcast %and3A_666 : i32 to vector<32x1024xi32>
    %and3A_668 = arith.andi %add3A, %and3A_667 : vector<32x1024xi32>
    %ne3A_669 = arith.constant 0 : i32
    %ne3A_670 = vector.broadcast %ne3A_669 : i32 to vector<32x1024xi32>
    %ne3A_671 = arith.cmpi ne, %and3A_668, %ne3A_670 : vector<32x1024xi32>
    %and3A_672 = arith.constant 64 : i32
    %and3A_673 = vector.broadcast %and3A_672 : i32 to vector<32x1024xi32>
    %and3A_674 = arith.andi %add3A, %and3A_673 : vector<32x1024xi32>
    %eq3A_675 = arith.constant 0 : i32
    %eq3A_676 = vector.broadcast %eq3A_675 : i32 to vector<32x1024xi32>
    %eq3A_677 = arith.cmpi eq, %and3A_674, %eq3A_676 : vector<32x1024xi32>
    %roll3A_678 = arith.constant 1 : i32
    %roll3A_679 = tpu.dynamic_rotate %select_n3A_664 by %roll3A_678 dim 0 : vector<32x1024xf32>, i32 -> vector<32x1024xf32>
    %roll3A_680 = arith.constant 31 : i32
    %roll3A_681 = tpu.dynamic_rotate %select_n3A_664 by %roll3A_680 dim 0 : vector<32x1024xf32>, i32 -> vector<32x1024xf32>
    %select_n3A_682 = arith.select %ne3A_671, %roll3A_679, %roll3A_681 : vector<32x1024xi1>, vector<32x1024xf32>
    %roll3A_683 = arith.constant 1 : i32
    %roll3A_684 = tpu.dynamic_rotate %select_n3A_665 by %roll3A_683 dim 0 : vector<32x1024xi32>, i32 -> vector<32x1024xi32>
    %roll3A_685 = arith.constant 31 : i32
    %roll3A_686 = tpu.dynamic_rotate %select_n3A_665 by %roll3A_685 dim 0 : vector<32x1024xi32>, i32 -> vector<32x1024xi32>
    %select_n3A_687 = arith.select %ne3A_671, %roll3A_684, %roll3A_686 : vector<32x1024xi1>, vector<32x1024xi32>
    %gt3A_688 = arith.cmpf ogt, %select_n3A_664, %select_n3A_682 : vector<32x1024xf32>
    %eq3A_689 = arith.cmpf oeq, %select_n3A_664, %select_n3A_682 : vector<32x1024xf32>
    %lt3A_690 = arith.cmpi slt, %select_n3A_665, %select_n3A_687 : vector<32x1024xi32>
    %and3A_691 = arith.andi %eq3A_689, %lt3A_690 : vector<32x1024xi1>
    %or3A_692 = arith.ori %gt3A_688, %and3A_691 : vector<32x1024xi1>
    %xor3A_693 = arith.xori %or3A_692, %ne3A_671 : vector<32x1024xi1>
    %eq3A_694 = arith.xori %xor3A_693, %eq3A_677 : vector<32x1024xi1>
    %eq3A_695 = arith.constant dense<true> : vector<32x1024xi1>
    %eq3A_696 = arith.xori %eq3A_694, %eq3A_695 : vector<32x1024xi1>
    %select_n3A_697 = arith.select %eq3A_696, %select_n3A_664, %select_n3A_682 : vector<32x1024xi1>, vector<32x1024xf32>
    %select_n3A_698 = arith.select %eq3A_696, %select_n3A_665, %select_n3A_687 : vector<32x1024xi1>, vector<32x1024xi32>
    %and3A_699 = arith.constant 64 : i32
    %and3A_700 = vector.broadcast %and3A_699 : i32 to vector<32x1024xi32>
    %and3A_701 = arith.andi %add3A, %and3A_700 : vector<32x1024xi32>
    %ne3A_702 = arith.constant 0 : i32
    %ne3A_703 = vector.broadcast %ne3A_702 : i32 to vector<32x1024xi32>
    %ne3A_704 = arith.cmpi ne, %and3A_701, %ne3A_703 : vector<32x1024xi32>
    %and3A_705 = arith.constant 128 : i32
    %and3A_706 = vector.broadcast %and3A_705 : i32 to vector<32x1024xi32>
    %and3A_707 = arith.andi %add3A, %and3A_706 : vector<32x1024xi32>
    %eq3A_708 = arith.constant 0 : i32
    %eq3A_709 = vector.broadcast %eq3A_708 : i32 to vector<32x1024xi32>
    %eq3A_710 = arith.cmpi eq, %and3A_707, %eq3A_709 : vector<32x1024xi32>
    %roll3A_711 = arith.constant 8 : i32
    %roll3A_712 = tpu.dynamic_rotate %select_n3A_697 by %roll3A_711 dim 1 : vector<32x1024xf32>, i32 -> vector<32x1024xf32>
    %roll3A_713 = arith.constant 1016 : i32
    %roll3A_714 = tpu.dynamic_rotate %select_n3A_697 by %roll3A_713 dim 1 : vector<32x1024xf32>, i32 -> vector<32x1024xf32>
    %select_n3A_715 = arith.select %ne3A_704, %roll3A_712, %roll3A_714 : vector<32x1024xi1>, vector<32x1024xf32>
    %roll3A_716 = arith.constant 8 : i32
    %roll3A_717 = tpu.dynamic_rotate %select_n3A_698 by %roll3A_716 dim 1 : vector<32x1024xi32>, i32 -> vector<32x1024xi32>
    %roll3A_718 = arith.constant 1016 : i32
    %roll3A_719 = tpu.dynamic_rotate %select_n3A_698 by %roll3A_718 dim 1 : vector<32x1024xi32>, i32 -> vector<32x1024xi32>
    %select_n3A_720 = arith.select %ne3A_704, %roll3A_717, %roll3A_719 : vector<32x1024xi1>, vector<32x1024xi32>
    %gt3A_721 = arith.cmpf ogt, %select_n3A_697, %select_n3A_715 : vector<32x1024xf32>
    %eq3A_722 = arith.cmpf oeq, %select_n3A_697, %select_n3A_715 : vector<32x1024xf32>
    %lt3A_723 = arith.cmpi slt, %select_n3A_698, %select_n3A_720 : vector<32x1024xi32>
    %and3A_724 = arith.andi %eq3A_722, %lt3A_723 : vector<32x1024xi1>
    %or3A_725 = arith.ori %gt3A_721, %and3A_724 : vector<32x1024xi1>
    %xor3A_726 = arith.xori %or3A_725, %ne3A_704 : vector<32x1024xi1>
    %eq3A_727 = arith.xori %xor3A_726, %eq3A_710 : vector<32x1024xi1>
    %eq3A_728 = arith.constant dense<true> : vector<32x1024xi1>
    %eq3A_729 = arith.xori %eq3A_727, %eq3A_728 : vector<32x1024xi1>
    %select_n3A_730 = arith.select %eq3A_729, %select_n3A_697, %select_n3A_715 : vector<32x1024xi1>, vector<32x1024xf32>
    %select_n3A_731 = arith.select %eq3A_729, %select_n3A_698, %select_n3A_720 : vector<32x1024xi1>, vector<32x1024xi32>
    %and3A_732 = arith.constant 32 : i32
    %and3A_733 = vector.broadcast %and3A_732 : i32 to vector<32x1024xi32>
    %and3A_734 = arith.andi %add3A, %and3A_733 : vector<32x1024xi32>
    %ne3A_735 = arith.constant 0 : i32
    %ne3A_736 = vector.broadcast %ne3A_735 : i32 to vector<32x1024xi32>
    %ne3A_737 = arith.cmpi ne, %and3A_734, %ne3A_736 : vector<32x1024xi32>
    %and3A_738 = arith.constant 128 : i32
    %and3A_739 = vector.broadcast %and3A_738 : i32 to vector<32x1024xi32>
    %and3A_740 = arith.andi %add3A, %and3A_739 : vector<32x1024xi32>
    %eq3A_741 = arith.constant 0 : i32
    %eq3A_742 = vector.broadcast %eq3A_741 : i32 to vector<32x1024xi32>
    %eq3A_743 = arith.cmpi eq, %and3A_740, %eq3A_742 : vector<32x1024xi32>
    %roll3A_744 = arith.constant 4 : i32
    %roll3A_745 = tpu.dynamic_rotate %select_n3A_730 by %roll3A_744 dim 1 : vector<32x1024xf32>, i32 -> vector<32x1024xf32>
    %roll3A_746 = arith.constant 1020 : i32
    %roll3A_747 = tpu.dynamic_rotate %select_n3A_730 by %roll3A_746 dim 1 : vector<32x1024xf32>, i32 -> vector<32x1024xf32>
    %select_n3A_748 = arith.select %ne3A_737, %roll3A_745, %roll3A_747 : vector<32x1024xi1>, vector<32x1024xf32>
    %roll3A_749 = arith.constant 4 : i32
    %roll3A_750 = tpu.dynamic_rotate %select_n3A_731 by %roll3A_749 dim 1 : vector<32x1024xi32>, i32 -> vector<32x1024xi32>
    %roll3A_751 = arith.constant 1020 : i32
    %roll3A_752 = tpu.dynamic_rotate %select_n3A_731 by %roll3A_751 dim 1 : vector<32x1024xi32>, i32 -> vector<32x1024xi32>
    %select_n3A_753 = arith.select %ne3A_737, %roll3A_750, %roll3A_752 : vector<32x1024xi1>, vector<32x1024xi32>
    %gt3A_754 = arith.cmpf ogt, %select_n3A_730, %select_n3A_748 : vector<32x1024xf32>
    %eq3A_755 = arith.cmpf oeq, %select_n3A_730, %select_n3A_748 : vector<32x1024xf32>
    %lt3A_756 = arith.cmpi slt, %select_n3A_731, %select_n3A_753 : vector<32x1024xi32>
    %and3A_757 = arith.andi %eq3A_755, %lt3A_756 : vector<32x1024xi1>
    %or3A_758 = arith.ori %gt3A_754, %and3A_757 : vector<32x1024xi1>
    %xor3A_759 = arith.xori %or3A_758, %ne3A_737 : vector<32x1024xi1>
    %eq3A_760 = arith.xori %xor3A_759, %eq3A_743 : vector<32x1024xi1>
    %eq3A_761 = arith.constant dense<true> : vector<32x1024xi1>
    %eq3A_762 = arith.xori %eq3A_760, %eq3A_761 : vector<32x1024xi1>
    %select_n3A_763 = arith.select %eq3A_762, %select_n3A_730, %select_n3A_748 : vector<32x1024xi1>, vector<32x1024xf32>
    %select_n3A_764 = arith.select %eq3A_762, %select_n3A_731, %select_n3A_753 : vector<32x1024xi1>, vector<32x1024xi32>
    %and3A_765 = arith.constant 16 : i32
    %and3A_766 = vector.broadcast %and3A_765 : i32 to vector<32x1024xi32>
    %and3A_767 = arith.andi %add3A, %and3A_766 : vector<32x1024xi32>
    %ne3A_768 = arith.constant 0 : i32
    %ne3A_769 = vector.broadcast %ne3A_768 : i32 to vector<32x1024xi32>
    %ne3A_770 = arith.cmpi ne, %and3A_767, %ne3A_769 : vector<32x1024xi32>
    %and3A_771 = arith.constant 128 : i32
    %and3A_772 = vector.broadcast %and3A_771 : i32 to vector<32x1024xi32>
    %and3A_773 = arith.andi %add3A, %and3A_772 : vector<32x1024xi32>
    %eq3A_774 = arith.constant 0 : i32
    %eq3A_775 = vector.broadcast %eq3A_774 : i32 to vector<32x1024xi32>
    %eq3A_776 = arith.cmpi eq, %and3A_773, %eq3A_775 : vector<32x1024xi32>
    %roll3A_777 = arith.constant 2 : i32
    %roll3A_778 = tpu.dynamic_rotate %select_n3A_763 by %roll3A_777 dim 1 : vector<32x1024xf32>, i32 -> vector<32x1024xf32>
    %roll3A_779 = arith.constant 1022 : i32
    %roll3A_780 = tpu.dynamic_rotate %select_n3A_763 by %roll3A_779 dim 1 : vector<32x1024xf32>, i32 -> vector<32x1024xf32>
    %select_n3A_781 = arith.select %ne3A_770, %roll3A_778, %roll3A_780 : vector<32x1024xi1>, vector<32x1024xf32>
    %roll3A_782 = arith.constant 2 : i32
    %roll3A_783 = tpu.dynamic_rotate %select_n3A_764 by %roll3A_782 dim 1 : vector<32x1024xi32>, i32 -> vector<32x1024xi32>
    %roll3A_784 = arith.constant 1022 : i32
    %roll3A_785 = tpu.dynamic_rotate %select_n3A_764 by %roll3A_784 dim 1 : vector<32x1024xi32>, i32 -> vector<32x1024xi32>
    %select_n3A_786 = arith.select %ne3A_770, %roll3A_783, %roll3A_785 : vector<32x1024xi1>, vector<32x1024xi32>
    %gt3A_787 = arith.cmpf ogt, %select_n3A_763, %select_n3A_781 : vector<32x1024xf32>
    %eq3A_788 = arith.cmpf oeq, %select_n3A_763, %select_n3A_781 : vector<32x1024xf32>
    %lt3A_789 = arith.cmpi slt, %select_n3A_764, %select_n3A_786 : vector<32x1024xi32>
    %and3A_790 = arith.andi %eq3A_788, %lt3A_789 : vector<32x1024xi1>
    %or3A_791 = arith.ori %gt3A_787, %and3A_790 : vector<32x1024xi1>
    %xor3A_792 = arith.xori %or3A_791, %ne3A_770 : vector<32x1024xi1>
    %eq3A_793 = arith.xori %xor3A_792, %eq3A_776 : vector<32x1024xi1>
    %eq3A_794 = arith.constant dense<true> : vector<32x1024xi1>
    %eq3A_795 = arith.xori %eq3A_793, %eq3A_794 : vector<32x1024xi1>
    %select_n3A_796 = arith.select %eq3A_795, %select_n3A_763, %select_n3A_781 : vector<32x1024xi1>, vector<32x1024xf32>
    %select_n3A_797 = arith.select %eq3A_795, %select_n3A_764, %select_n3A_786 : vector<32x1024xi1>, vector<32x1024xi32>
    %and3A_798 = arith.constant 8 : i32
    %and3A_799 = vector.broadcast %and3A_798 : i32 to vector<32x1024xi32>
    %and3A_800 = arith.andi %add3A, %and3A_799 : vector<32x1024xi32>
    %ne3A_801 = arith.constant 0 : i32
    %ne3A_802 = vector.broadcast %ne3A_801 : i32 to vector<32x1024xi32>
    %ne3A_803 = arith.cmpi ne, %and3A_800, %ne3A_802 : vector<32x1024xi32>
    %and3A_804 = arith.constant 128 : i32
    %and3A_805 = vector.broadcast %and3A_804 : i32 to vector<32x1024xi32>
    %and3A_806 = arith.andi %add3A, %and3A_805 : vector<32x1024xi32>
    %eq3A_807 = arith.constant 0 : i32
    %eq3A_808 = vector.broadcast %eq3A_807 : i32 to vector<32x1024xi32>
    %eq3A_809 = arith.cmpi eq, %and3A_806, %eq3A_808 : vector<32x1024xi32>
    %roll3A_810 = arith.constant 1 : i32
    %roll3A_811 = tpu.dynamic_rotate %select_n3A_796 by %roll3A_810 dim 1 : vector<32x1024xf32>, i32 -> vector<32x1024xf32>
    %roll3A_812 = arith.constant 1023 : i32
    %roll3A_813 = tpu.dynamic_rotate %select_n3A_796 by %roll3A_812 dim 1 : vector<32x1024xf32>, i32 -> vector<32x1024xf32>
    %select_n3A_814 = arith.select %ne3A_803, %roll3A_811, %roll3A_813 : vector<32x1024xi1>, vector<32x1024xf32>
    %roll3A_815 = arith.constant 1 : i32
    %roll3A_816 = tpu.dynamic_rotate %select_n3A_797 by %roll3A_815 dim 1 : vector<32x1024xi32>, i32 -> vector<32x1024xi32>
    %roll3A_817 = arith.constant 1023 : i32
    %roll3A_818 = tpu.dynamic_rotate %select_n3A_797 by %roll3A_817 dim 1 : vector<32x1024xi32>, i32 -> vector<32x1024xi32>
    %select_n3A_819 = arith.select %ne3A_803, %roll3A_816, %roll3A_818 : vector<32x1024xi1>, vector<32x1024xi32>
    %gt3A_820 = arith.cmpf ogt, %select_n3A_796, %select_n3A_814 : vector<32x1024xf32>
    %eq3A_821 = arith.cmpf oeq, %select_n3A_796, %select_n3A_814 : vector<32x1024xf32>
    %lt3A_822 = arith.cmpi slt, %select_n3A_797, %select_n3A_819 : vector<32x1024xi32>
    %and3A_823 = arith.andi %eq3A_821, %lt3A_822 : vector<32x1024xi1>
    %or3A_824 = arith.ori %gt3A_820, %and3A_823 : vector<32x1024xi1>
    %xor3A_825 = arith.xori %or3A_824, %ne3A_803 : vector<32x1024xi1>
    %eq3A_826 = arith.xori %xor3A_825, %eq3A_809 : vector<32x1024xi1>
    %eq3A_827 = arith.constant dense<true> : vector<32x1024xi1>
    %eq3A_828 = arith.xori %eq3A_826, %eq3A_827 : vector<32x1024xi1>
    %select_n3A_829 = arith.select %eq3A_828, %select_n3A_796, %select_n3A_814 : vector<32x1024xi1>, vector<32x1024xf32>
    %select_n3A_830 = arith.select %eq3A_828, %select_n3A_797, %select_n3A_819 : vector<32x1024xi1>, vector<32x1024xi32>
    %and3A_831 = arith.constant 4 : i32
    %and3A_832 = vector.broadcast %and3A_831 : i32 to vector<32x1024xi32>
    %and3A_833 = arith.andi %add3A, %and3A_832 : vector<32x1024xi32>
    %ne3A_834 = arith.constant 0 : i32
    %ne3A_835 = vector.broadcast %ne3A_834 : i32 to vector<32x1024xi32>
    %ne3A_836 = arith.cmpi ne, %and3A_833, %ne3A_835 : vector<32x1024xi32>
    %and3A_837 = arith.constant 128 : i32
    %and3A_838 = vector.broadcast %and3A_837 : i32 to vector<32x1024xi32>
    %and3A_839 = arith.andi %add3A, %and3A_838 : vector<32x1024xi32>
    %eq3A_840 = arith.constant 0 : i32
    %eq3A_841 = vector.broadcast %eq3A_840 : i32 to vector<32x1024xi32>
    %eq3A_842 = arith.cmpi eq, %and3A_839, %eq3A_841 : vector<32x1024xi32>
    %roll3A_843 = arith.constant 4 : i32
    %roll3A_844 = tpu.dynamic_rotate %select_n3A_829 by %roll3A_843 dim 0 : vector<32x1024xf32>, i32 -> vector<32x1024xf32>
    %roll3A_845 = arith.constant 28 : i32
    %roll3A_846 = tpu.dynamic_rotate %select_n3A_829 by %roll3A_845 dim 0 : vector<32x1024xf32>, i32 -> vector<32x1024xf32>
    %select_n3A_847 = arith.select %ne3A_836, %roll3A_844, %roll3A_846 : vector<32x1024xi1>, vector<32x1024xf32>
    %roll3A_848 = arith.constant 4 : i32
    %roll3A_849 = tpu.dynamic_rotate %select_n3A_830 by %roll3A_848 dim 0 : vector<32x1024xi32>, i32 -> vector<32x1024xi32>
    %roll3A_850 = arith.constant 28 : i32
    %roll3A_851 = tpu.dynamic_rotate %select_n3A_830 by %roll3A_850 dim 0 : vector<32x1024xi32>, i32 -> vector<32x1024xi32>
    %select_n3A_852 = arith.select %ne3A_836, %roll3A_849, %roll3A_851 : vector<32x1024xi1>, vector<32x1024xi32>
    %gt3A_853 = arith.cmpf ogt, %select_n3A_829, %select_n3A_847 : vector<32x1024xf32>
    %eq3A_854 = arith.cmpf oeq, %select_n3A_829, %select_n3A_847 : vector<32x1024xf32>
    %lt3A_855 = arith.cmpi slt, %select_n3A_830, %select_n3A_852 : vector<32x1024xi32>
    %and3A_856 = arith.andi %eq3A_854, %lt3A_855 : vector<32x1024xi1>
    %or3A_857 = arith.ori %gt3A_853, %and3A_856 : vector<32x1024xi1>
    %xor3A_858 = arith.xori %or3A_857, %ne3A_836 : vector<32x1024xi1>
    %eq3A_859 = arith.xori %xor3A_858, %eq3A_842 : vector<32x1024xi1>
    %eq3A_860 = arith.constant dense<true> : vector<32x1024xi1>
    %eq3A_861 = arith.xori %eq3A_859, %eq3A_860 : vector<32x1024xi1>
    %select_n3A_862 = arith.select %eq3A_861, %select_n3A_829, %select_n3A_847 : vector<32x1024xi1>, vector<32x1024xf32>
    %select_n3A_863 = arith.select %eq3A_861, %select_n3A_830, %select_n3A_852 : vector<32x1024xi1>, vector<32x1024xi32>
    %and3A_864 = arith.constant 2 : i32
    %and3A_865 = vector.broadcast %and3A_864 : i32 to vector<32x1024xi32>
    %and3A_866 = arith.andi %add3A, %and3A_865 : vector<32x1024xi32>
    %ne3A_867 = arith.constant 0 : i32
    %ne3A_868 = vector.broadcast %ne3A_867 : i32 to vector<32x1024xi32>
    %ne3A_869 = arith.cmpi ne, %and3A_866, %ne3A_868 : vector<32x1024xi32>
    %and3A_870 = arith.constant 128 : i32
    %and3A_871 = vector.broadcast %and3A_870 : i32 to vector<32x1024xi32>
    %and3A_872 = arith.andi %add3A, %and3A_871 : vector<32x1024xi32>
    %eq3A_873 = arith.constant 0 : i32
    %eq3A_874 = vector.broadcast %eq3A_873 : i32 to vector<32x1024xi32>
    %eq3A_875 = arith.cmpi eq, %and3A_872, %eq3A_874 : vector<32x1024xi32>
    %roll3A_876 = arith.constant 2 : i32
    %roll3A_877 = tpu.dynamic_rotate %select_n3A_862 by %roll3A_876 dim 0 : vector<32x1024xf32>, i32 -> vector<32x1024xf32>
    %roll3A_878 = arith.constant 30 : i32
    %roll3A_879 = tpu.dynamic_rotate %select_n3A_862 by %roll3A_878 dim 0 : vector<32x1024xf32>, i32 -> vector<32x1024xf32>
    %select_n3A_880 = arith.select %ne3A_869, %roll3A_877, %roll3A_879 : vector<32x1024xi1>, vector<32x1024xf32>
    %roll3A_881 = arith.constant 2 : i32
    %roll3A_882 = tpu.dynamic_rotate %select_n3A_863 by %roll3A_881 dim 0 : vector<32x1024xi32>, i32 -> vector<32x1024xi32>
    %roll3A_883 = arith.constant 30 : i32
    %roll3A_884 = tpu.dynamic_rotate %select_n3A_863 by %roll3A_883 dim 0 : vector<32x1024xi32>, i32 -> vector<32x1024xi32>
    %select_n3A_885 = arith.select %ne3A_869, %roll3A_882, %roll3A_884 : vector<32x1024xi1>, vector<32x1024xi32>
    %gt3A_886 = arith.cmpf ogt, %select_n3A_862, %select_n3A_880 : vector<32x1024xf32>
    %eq3A_887 = arith.cmpf oeq, %select_n3A_862, %select_n3A_880 : vector<32x1024xf32>
    %lt3A_888 = arith.cmpi slt, %select_n3A_863, %select_n3A_885 : vector<32x1024xi32>
    %and3A_889 = arith.andi %eq3A_887, %lt3A_888 : vector<32x1024xi1>
    %or3A_890 = arith.ori %gt3A_886, %and3A_889 : vector<32x1024xi1>
    %xor3A_891 = arith.xori %or3A_890, %ne3A_869 : vector<32x1024xi1>
    %eq3A_892 = arith.xori %xor3A_891, %eq3A_875 : vector<32x1024xi1>
    %eq3A_893 = arith.constant dense<true> : vector<32x1024xi1>
    %eq3A_894 = arith.xori %eq3A_892, %eq3A_893 : vector<32x1024xi1>
    %select_n3A_895 = arith.select %eq3A_894, %select_n3A_862, %select_n3A_880 : vector<32x1024xi1>, vector<32x1024xf32>
    %select_n3A_896 = arith.select %eq3A_894, %select_n3A_863, %select_n3A_885 : vector<32x1024xi1>, vector<32x1024xi32>
    %and3A_897 = arith.constant 1 : i32
    %and3A_898 = vector.broadcast %and3A_897 : i32 to vector<32x1024xi32>
    %and3A_899 = arith.andi %add3A, %and3A_898 : vector<32x1024xi32>
    %ne3A_900 = arith.constant 0 : i32
    %ne3A_901 = vector.broadcast %ne3A_900 : i32 to vector<32x1024xi32>
    %ne3A_902 = arith.cmpi ne, %and3A_899, %ne3A_901 : vector<32x1024xi32>
    %and3A_903 = arith.constant 128 : i32
    %and3A_904 = vector.broadcast %and3A_903 : i32 to vector<32x1024xi32>
    %and3A_905 = arith.andi %add3A, %and3A_904 : vector<32x1024xi32>
    %eq3A_906 = arith.constant 0 : i32
    %eq3A_907 = vector.broadcast %eq3A_906 : i32 to vector<32x1024xi32>
    %eq3A_908 = arith.cmpi eq, %and3A_905, %eq3A_907 : vector<32x1024xi32>
    %roll3A_909 = arith.constant 1 : i32
    %roll3A_910 = tpu.dynamic_rotate %select_n3A_895 by %roll3A_909 dim 0 : vector<32x1024xf32>, i32 -> vector<32x1024xf32>
    %roll3A_911 = arith.constant 31 : i32
    %roll3A_912 = tpu.dynamic_rotate %select_n3A_895 by %roll3A_911 dim 0 : vector<32x1024xf32>, i32 -> vector<32x1024xf32>
    %select_n3A_913 = arith.select %ne3A_902, %roll3A_910, %roll3A_912 : vector<32x1024xi1>, vector<32x1024xf32>
    %roll3A_914 = arith.constant 1 : i32
    %roll3A_915 = tpu.dynamic_rotate %select_n3A_896 by %roll3A_914 dim 0 : vector<32x1024xi32>, i32 -> vector<32x1024xi32>
    %roll3A_916 = arith.constant 31 : i32
    %roll3A_917 = tpu.dynamic_rotate %select_n3A_896 by %roll3A_916 dim 0 : vector<32x1024xi32>, i32 -> vector<32x1024xi32>
    %select_n3A_918 = arith.select %ne3A_902, %roll3A_915, %roll3A_917 : vector<32x1024xi1>, vector<32x1024xi32>
    %gt3A_919 = arith.cmpf ogt, %select_n3A_895, %select_n3A_913 : vector<32x1024xf32>
    %eq3A_920 = arith.cmpf oeq, %select_n3A_895, %select_n3A_913 : vector<32x1024xf32>
    %lt3A_921 = arith.cmpi slt, %select_n3A_896, %select_n3A_918 : vector<32x1024xi32>
    %and3A_922 = arith.andi %eq3A_920, %lt3A_921 : vector<32x1024xi1>
    %or3A_923 = arith.ori %gt3A_919, %and3A_922 : vector<32x1024xi1>
    %xor3A_924 = arith.xori %or3A_923, %ne3A_902 : vector<32x1024xi1>
    %eq3A_925 = arith.xori %xor3A_924, %eq3A_908 : vector<32x1024xi1>
    %eq3A_926 = arith.constant dense<true> : vector<32x1024xi1>
    %eq3A_927 = arith.xori %eq3A_925, %eq3A_926 : vector<32x1024xi1>
    %select_n3A_928 = arith.select %eq3A_927, %select_n3A_895, %select_n3A_913 : vector<32x1024xi1>, vector<32x1024xf32>
    %select_n3A_929 = arith.select %eq3A_927, %select_n3A_896, %select_n3A_918 : vector<32x1024xi1>, vector<32x1024xi32>
    %and3A_930 = arith.constant 128 : i32
    %and3A_931 = vector.broadcast %and3A_930 : i32 to vector<32x1024xi32>
    %and3A_932 = arith.andi %add3A, %and3A_931 : vector<32x1024xi32>
    %ne3A_933 = arith.constant 0 : i32
    %ne3A_934 = vector.broadcast %ne3A_933 : i32 to vector<32x1024xi32>
    %ne3A_935 = arith.cmpi ne, %and3A_932, %ne3A_934 : vector<32x1024xi32>
    %and3A_936 = arith.constant 256 : i32
    %and3A_937 = vector.broadcast %and3A_936 : i32 to vector<32x1024xi32>
    %and3A_938 = arith.andi %add3A, %and3A_937 : vector<32x1024xi32>
    %eq3A_939 = arith.constant 0 : i32
    %eq3A_940 = vector.broadcast %eq3A_939 : i32 to vector<32x1024xi32>
    %eq3A_941 = arith.cmpi eq, %and3A_938, %eq3A_940 : vector<32x1024xi32>
    %roll3A_942 = arith.constant 16 : i32
    %roll3A_943 = tpu.dynamic_rotate %select_n3A_928 by %roll3A_942 dim 1 : vector<32x1024xf32>, i32 -> vector<32x1024xf32>
    %roll3A_944 = arith.constant 1008 : i32
    %roll3A_945 = tpu.dynamic_rotate %select_n3A_928 by %roll3A_944 dim 1 : vector<32x1024xf32>, i32 -> vector<32x1024xf32>
    %select_n3A_946 = arith.select %ne3A_935, %roll3A_943, %roll3A_945 : vector<32x1024xi1>, vector<32x1024xf32>
    %roll3A_947 = arith.constant 16 : i32
    %roll3A_948 = tpu.dynamic_rotate %select_n3A_929 by %roll3A_947 dim 1 : vector<32x1024xi32>, i32 -> vector<32x1024xi32>
    %roll3A_949 = arith.constant 1008 : i32
    %roll3A_950 = tpu.dynamic_rotate %select_n3A_929 by %roll3A_949 dim 1 : vector<32x1024xi32>, i32 -> vector<32x1024xi32>
    %select_n3A_951 = arith.select %ne3A_935, %roll3A_948, %roll3A_950 : vector<32x1024xi1>, vector<32x1024xi32>
    %gt3A_952 = arith.cmpf ogt, %select_n3A_928, %select_n3A_946 : vector<32x1024xf32>
    %eq3A_953 = arith.cmpf oeq, %select_n3A_928, %select_n3A_946 : vector<32x1024xf32>
    %lt3A_954 = arith.cmpi slt, %select_n3A_929, %select_n3A_951 : vector<32x1024xi32>
    %and3A_955 = arith.andi %eq3A_953, %lt3A_954 : vector<32x1024xi1>
    %or3A_956 = arith.ori %gt3A_952, %and3A_955 : vector<32x1024xi1>
    %xor3A_957 = arith.xori %or3A_956, %ne3A_935 : vector<32x1024xi1>
    %eq3A_958 = arith.xori %xor3A_957, %eq3A_941 : vector<32x1024xi1>
    %eq3A_959 = arith.constant dense<true> : vector<32x1024xi1>
    %eq3A_960 = arith.xori %eq3A_958, %eq3A_959 : vector<32x1024xi1>
    %select_n3A_961 = arith.select %eq3A_960, %select_n3A_928, %select_n3A_946 : vector<32x1024xi1>, vector<32x1024xf32>
    %select_n3A_962 = arith.select %eq3A_960, %select_n3A_929, %select_n3A_951 : vector<32x1024xi1>, vector<32x1024xi32>
    %and3A_963 = arith.constant 64 : i32
    %and3A_964 = vector.broadcast %and3A_963 : i32 to vector<32x1024xi32>
    %and3A_965 = arith.andi %add3A, %and3A_964 : vector<32x1024xi32>
    %ne3A_966 = arith.constant 0 : i32
    %ne3A_967 = vector.broadcast %ne3A_966 : i32 to vector<32x1024xi32>
    %ne3A_968 = arith.cmpi ne, %and3A_965, %ne3A_967 : vector<32x1024xi32>
    %and3A_969 = arith.constant 256 : i32
    %and3A_970 = vector.broadcast %and3A_969 : i32 to vector<32x1024xi32>
    %and3A_971 = arith.andi %add3A, %and3A_970 : vector<32x1024xi32>
    %eq3A_972 = arith.constant 0 : i32
    %eq3A_973 = vector.broadcast %eq3A_972 : i32 to vector<32x1024xi32>
    %eq3A_974 = arith.cmpi eq, %and3A_971, %eq3A_973 : vector<32x1024xi32>
    %roll3A_975 = arith.constant 8 : i32
    %roll3A_976 = tpu.dynamic_rotate %select_n3A_961 by %roll3A_975 dim 1 : vector<32x1024xf32>, i32 -> vector<32x1024xf32>
    %roll3A_977 = arith.constant 1016 : i32
    %roll3A_978 = tpu.dynamic_rotate %select_n3A_961 by %roll3A_977 dim 1 : vector<32x1024xf32>, i32 -> vector<32x1024xf32>
    %select_n3A_979 = arith.select %ne3A_968, %roll3A_976, %roll3A_978 : vector<32x1024xi1>, vector<32x1024xf32>
    %roll3A_980 = arith.constant 8 : i32
    %roll3A_981 = tpu.dynamic_rotate %select_n3A_962 by %roll3A_980 dim 1 : vector<32x1024xi32>, i32 -> vector<32x1024xi32>
    %roll3A_982 = arith.constant 1016 : i32
    %roll3A_983 = tpu.dynamic_rotate %select_n3A_962 by %roll3A_982 dim 1 : vector<32x1024xi32>, i32 -> vector<32x1024xi32>
    %select_n3A_984 = arith.select %ne3A_968, %roll3A_981, %roll3A_983 : vector<32x1024xi1>, vector<32x1024xi32>
    %gt3A_985 = arith.cmpf ogt, %select_n3A_961, %select_n3A_979 : vector<32x1024xf32>
    %eq3A_986 = arith.cmpf oeq, %select_n3A_961, %select_n3A_979 : vector<32x1024xf32>
    %lt3A_987 = arith.cmpi slt, %select_n3A_962, %select_n3A_984 : vector<32x1024xi32>
    %and3A_988 = arith.andi %eq3A_986, %lt3A_987 : vector<32x1024xi1>
    %or3A_989 = arith.ori %gt3A_985, %and3A_988 : vector<32x1024xi1>
    %xor3A_990 = arith.xori %or3A_989, %ne3A_968 : vector<32x1024xi1>
    %eq3A_991 = arith.xori %xor3A_990, %eq3A_974 : vector<32x1024xi1>
    %eq3A_992 = arith.constant dense<true> : vector<32x1024xi1>
    %eq3A_993 = arith.xori %eq3A_991, %eq3A_992 : vector<32x1024xi1>
    %select_n3A_994 = arith.select %eq3A_993, %select_n3A_961, %select_n3A_979 : vector<32x1024xi1>, vector<32x1024xf32>
    %select_n3A_995 = arith.select %eq3A_993, %select_n3A_962, %select_n3A_984 : vector<32x1024xi1>, vector<32x1024xi32>
    %and3A_996 = arith.constant 32 : i32
    %and3A_997 = vector.broadcast %and3A_996 : i32 to vector<32x1024xi32>
    %and3A_998 = arith.andi %add3A, %and3A_997 : vector<32x1024xi32>
    %ne3A_999 = arith.constant 0 : i32
    %ne3A_1000 = vector.broadcast %ne3A_999 : i32 to vector<32x1024xi32>
    %ne3A_1001 = arith.cmpi ne, %and3A_998, %ne3A_1000 : vector<32x1024xi32>
    %and3A_1002 = arith.constant 256 : i32
    %and3A_1003 = vector.broadcast %and3A_1002 : i32 to vector<32x1024xi32>
    %and3A_1004 = arith.andi %add3A, %and3A_1003 : vector<32x1024xi32>
    %eq3A_1005 = arith.constant 0 : i32
    %eq3A_1006 = vector.broadcast %eq3A_1005 : i32 to vector<32x1024xi32>
    %eq3A_1007 = arith.cmpi eq, %and3A_1004, %eq3A_1006 : vector<32x1024xi32>
    %roll3A_1008 = arith.constant 4 : i32
    %roll3A_1009 = tpu.dynamic_rotate %select_n3A_994 by %roll3A_1008 dim 1 : vector<32x1024xf32>, i32 -> vector<32x1024xf32>
    %roll3A_1010 = arith.constant 1020 : i32
    %roll3A_1011 = tpu.dynamic_rotate %select_n3A_994 by %roll3A_1010 dim 1 : vector<32x1024xf32>, i32 -> vector<32x1024xf32>
    %select_n3A_1012 = arith.select %ne3A_1001, %roll3A_1009, %roll3A_1011 : vector<32x1024xi1>, vector<32x1024xf32>
    %roll3A_1013 = arith.constant 4 : i32
    %roll3A_1014 = tpu.dynamic_rotate %select_n3A_995 by %roll3A_1013 dim 1 : vector<32x1024xi32>, i32 -> vector<32x1024xi32>
    %roll3A_1015 = arith.constant 1020 : i32
    %roll3A_1016 = tpu.dynamic_rotate %select_n3A_995 by %roll3A_1015 dim 1 : vector<32x1024xi32>, i32 -> vector<32x1024xi32>
    %select_n3A_1017 = arith.select %ne3A_1001, %roll3A_1014, %roll3A_1016 : vector<32x1024xi1>, vector<32x1024xi32>
    %gt3A_1018 = arith.cmpf ogt, %select_n3A_994, %select_n3A_1012 : vector<32x1024xf32>
    %eq3A_1019 = arith.cmpf oeq, %select_n3A_994, %select_n3A_1012 : vector<32x1024xf32>
    %lt3A_1020 = arith.cmpi slt, %select_n3A_995, %select_n3A_1017 : vector<32x1024xi32>
    %and3A_1021 = arith.andi %eq3A_1019, %lt3A_1020 : vector<32x1024xi1>
    %or3A_1022 = arith.ori %gt3A_1018, %and3A_1021 : vector<32x1024xi1>
    %xor3A_1023 = arith.xori %or3A_1022, %ne3A_1001 : vector<32x1024xi1>
    %eq3A_1024 = arith.xori %xor3A_1023, %eq3A_1007 : vector<32x1024xi1>
    %eq3A_1025 = arith.constant dense<true> : vector<32x1024xi1>
    %eq3A_1026 = arith.xori %eq3A_1024, %eq3A_1025 : vector<32x1024xi1>
    %select_n3A_1027 = arith.select %eq3A_1026, %select_n3A_994, %select_n3A_1012 : vector<32x1024xi1>, vector<32x1024xf32>
    %select_n3A_1028 = arith.select %eq3A_1026, %select_n3A_995, %select_n3A_1017 : vector<32x1024xi1>, vector<32x1024xi32>
    %and3A_1029 = arith.constant 16 : i32
    %and3A_1030 = vector.broadcast %and3A_1029 : i32 to vector<32x1024xi32>
    %and3A_1031 = arith.andi %add3A, %and3A_1030 : vector<32x1024xi32>
    %ne3A_1032 = arith.constant 0 : i32
    %ne3A_1033 = vector.broadcast %ne3A_1032 : i32 to vector<32x1024xi32>
    %ne3A_1034 = arith.cmpi ne, %and3A_1031, %ne3A_1033 : vector<32x1024xi32>
    %and3A_1035 = arith.constant 256 : i32
    %and3A_1036 = vector.broadcast %and3A_1035 : i32 to vector<32x1024xi32>
    %and3A_1037 = arith.andi %add3A, %and3A_1036 : vector<32x1024xi32>
    %eq3A_1038 = arith.constant 0 : i32
    %eq3A_1039 = vector.broadcast %eq3A_1038 : i32 to vector<32x1024xi32>
    %eq3A_1040 = arith.cmpi eq, %and3A_1037, %eq3A_1039 : vector<32x1024xi32>
    %roll3A_1041 = arith.constant 2 : i32
    %roll3A_1042 = tpu.dynamic_rotate %select_n3A_1027 by %roll3A_1041 dim 1 : vector<32x1024xf32>, i32 -> vector<32x1024xf32>
    %roll3A_1043 = arith.constant 1022 : i32
    %roll3A_1044 = tpu.dynamic_rotate %select_n3A_1027 by %roll3A_1043 dim 1 : vector<32x1024xf32>, i32 -> vector<32x1024xf32>
    %select_n3A_1045 = arith.select %ne3A_1034, %roll3A_1042, %roll3A_1044 : vector<32x1024xi1>, vector<32x1024xf32>
    %roll3A_1046 = arith.constant 2 : i32
    %roll3A_1047 = tpu.dynamic_rotate %select_n3A_1028 by %roll3A_1046 dim 1 : vector<32x1024xi32>, i32 -> vector<32x1024xi32>
    %roll3A_1048 = arith.constant 1022 : i32
    %roll3A_1049 = tpu.dynamic_rotate %select_n3A_1028 by %roll3A_1048 dim 1 : vector<32x1024xi32>, i32 -> vector<32x1024xi32>
    %select_n3A_1050 = arith.select %ne3A_1034, %roll3A_1047, %roll3A_1049 : vector<32x1024xi1>, vector<32x1024xi32>
    %gt3A_1051 = arith.cmpf ogt, %select_n3A_1027, %select_n3A_1045 : vector<32x1024xf32>
    %eq3A_1052 = arith.cmpf oeq, %select_n3A_1027, %select_n3A_1045 : vector<32x1024xf32>
    %lt3A_1053 = arith.cmpi slt, %select_n3A_1028, %select_n3A_1050 : vector<32x1024xi32>
    %and3A_1054 = arith.andi %eq3A_1052, %lt3A_1053 : vector<32x1024xi1>
    %or3A_1055 = arith.ori %gt3A_1051, %and3A_1054 : vector<32x1024xi1>
    %xor3A_1056 = arith.xori %or3A_1055, %ne3A_1034 : vector<32x1024xi1>
    %eq3A_1057 = arith.xori %xor3A_1056, %eq3A_1040 : vector<32x1024xi1>
    %eq3A_1058 = arith.constant dense<true> : vector<32x1024xi1>
    %eq3A_1059 = arith.xori %eq3A_1057, %eq3A_1058 : vector<32x1024xi1>
    %select_n3A_1060 = arith.select %eq3A_1059, %select_n3A_1027, %select_n3A_1045 : vector<32x1024xi1>, vector<32x1024xf32>
    %select_n3A_1061 = arith.select %eq3A_1059, %select_n3A_1028, %select_n3A_1050 : vector<32x1024xi1>, vector<32x1024xi32>
    %and3A_1062 = arith.constant 8 : i32
    %and3A_1063 = vector.broadcast %and3A_1062 : i32 to vector<32x1024xi32>
    %and3A_1064 = arith.andi %add3A, %and3A_1063 : vector<32x1024xi32>
    %ne3A_1065 = arith.constant 0 : i32
    %ne3A_1066 = vector.broadcast %ne3A_1065 : i32 to vector<32x1024xi32>
    %ne3A_1067 = arith.cmpi ne, %and3A_1064, %ne3A_1066 : vector<32x1024xi32>
    %and3A_1068 = arith.constant 256 : i32
    %and3A_1069 = vector.broadcast %and3A_1068 : i32 to vector<32x1024xi32>
    %and3A_1070 = arith.andi %add3A, %and3A_1069 : vector<32x1024xi32>
    %eq3A_1071 = arith.constant 0 : i32
    %eq3A_1072 = vector.broadcast %eq3A_1071 : i32 to vector<32x1024xi32>
    %eq3A_1073 = arith.cmpi eq, %and3A_1070, %eq3A_1072 : vector<32x1024xi32>
    %roll3A_1074 = arith.constant 1 : i32
    %roll3A_1075 = tpu.dynamic_rotate %select_n3A_1060 by %roll3A_1074 dim 1 : vector<32x1024xf32>, i32 -> vector<32x1024xf32>
    %roll3A_1076 = arith.constant 1023 : i32
    %roll3A_1077 = tpu.dynamic_rotate %select_n3A_1060 by %roll3A_1076 dim 1 : vector<32x1024xf32>, i32 -> vector<32x1024xf32>
    %select_n3A_1078 = arith.select %ne3A_1067, %roll3A_1075, %roll3A_1077 : vector<32x1024xi1>, vector<32x1024xf32>
    %roll3A_1079 = arith.constant 1 : i32
    %roll3A_1080 = tpu.dynamic_rotate %select_n3A_1061 by %roll3A_1079 dim 1 : vector<32x1024xi32>, i32 -> vector<32x1024xi32>
    %roll3A_1081 = arith.constant 1023 : i32
    %roll3A_1082 = tpu.dynamic_rotate %select_n3A_1061 by %roll3A_1081 dim 1 : vector<32x1024xi32>, i32 -> vector<32x1024xi32>
    %select_n3A_1083 = arith.select %ne3A_1067, %roll3A_1080, %roll3A_1082 : vector<32x1024xi1>, vector<32x1024xi32>
    %gt3A_1084 = arith.cmpf ogt, %select_n3A_1060, %select_n3A_1078 : vector<32x1024xf32>
    %eq3A_1085 = arith.cmpf oeq, %select_n3A_1060, %select_n3A_1078 : vector<32x1024xf32>
    %lt3A_1086 = arith.cmpi slt, %select_n3A_1061, %select_n3A_1083 : vector<32x1024xi32>
    %and3A_1087 = arith.andi %eq3A_1085, %lt3A_1086 : vector<32x1024xi1>
    %or3A_1088 = arith.ori %gt3A_1084, %and3A_1087 : vector<32x1024xi1>
    %xor3A_1089 = arith.xori %or3A_1088, %ne3A_1067 : vector<32x1024xi1>
    %eq3A_1090 = arith.xori %xor3A_1089, %eq3A_1073 : vector<32x1024xi1>
    %eq3A_1091 = arith.constant dense<true> : vector<32x1024xi1>
    %eq3A_1092 = arith.xori %eq3A_1090, %eq3A_1091 : vector<32x1024xi1>
    %select_n3A_1093 = arith.select %eq3A_1092, %select_n3A_1060, %select_n3A_1078 : vector<32x1024xi1>, vector<32x1024xf32>
    %select_n3A_1094 = arith.select %eq3A_1092, %select_n3A_1061, %select_n3A_1083 : vector<32x1024xi1>, vector<32x1024xi32>
    %and3A_1095 = arith.constant 4 : i32
    %and3A_1096 = vector.broadcast %and3A_1095 : i32 to vector<32x1024xi32>
    %and3A_1097 = arith.andi %add3A, %and3A_1096 : vector<32x1024xi32>
    %ne3A_1098 = arith.constant 0 : i32
    %ne3A_1099 = vector.broadcast %ne3A_1098 : i32 to vector<32x1024xi32>
    %ne3A_1100 = arith.cmpi ne, %and3A_1097, %ne3A_1099 : vector<32x1024xi32>
    %and3A_1101 = arith.constant 256 : i32
    %and3A_1102 = vector.broadcast %and3A_1101 : i32 to vector<32x1024xi32>
    %and3A_1103 = arith.andi %add3A, %and3A_1102 : vector<32x1024xi32>
    %eq3A_1104 = arith.constant 0 : i32
    %eq3A_1105 = vector.broadcast %eq3A_1104 : i32 to vector<32x1024xi32>
    %eq3A_1106 = arith.cmpi eq, %and3A_1103, %eq3A_1105 : vector<32x1024xi32>
    %roll3A_1107 = arith.constant 4 : i32
    %roll3A_1108 = tpu.dynamic_rotate %select_n3A_1093 by %roll3A_1107 dim 0 : vector<32x1024xf32>, i32 -> vector<32x1024xf32>
    %roll3A_1109 = arith.constant 28 : i32
    %roll3A_1110 = tpu.dynamic_rotate %select_n3A_1093 by %roll3A_1109 dim 0 : vector<32x1024xf32>, i32 -> vector<32x1024xf32>
    %select_n3A_1111 = arith.select %ne3A_1100, %roll3A_1108, %roll3A_1110 : vector<32x1024xi1>, vector<32x1024xf32>
    %roll3A_1112 = arith.constant 4 : i32
    %roll3A_1113 = tpu.dynamic_rotate %select_n3A_1094 by %roll3A_1112 dim 0 : vector<32x1024xi32>, i32 -> vector<32x1024xi32>
    %roll3A_1114 = arith.constant 28 : i32
    %roll3A_1115 = tpu.dynamic_rotate %select_n3A_1094 by %roll3A_1114 dim 0 : vector<32x1024xi32>, i32 -> vector<32x1024xi32>
    %select_n3A_1116 = arith.select %ne3A_1100, %roll3A_1113, %roll3A_1115 : vector<32x1024xi1>, vector<32x1024xi32>
    %gt3A_1117 = arith.cmpf ogt, %select_n3A_1093, %select_n3A_1111 : vector<32x1024xf32>
    %eq3A_1118 = arith.cmpf oeq, %select_n3A_1093, %select_n3A_1111 : vector<32x1024xf32>
    %lt3A_1119 = arith.cmpi slt, %select_n3A_1094, %select_n3A_1116 : vector<32x1024xi32>
    %and3A_1120 = arith.andi %eq3A_1118, %lt3A_1119 : vector<32x1024xi1>
    %or3A_1121 = arith.ori %gt3A_1117, %and3A_1120 : vector<32x1024xi1>
    %xor3A_1122 = arith.xori %or3A_1121, %ne3A_1100 : vector<32x1024xi1>
    %eq3A_1123 = arith.xori %xor3A_1122, %eq3A_1106 : vector<32x1024xi1>
    %eq3A_1124 = arith.constant dense<true> : vector<32x1024xi1>
    %eq3A_1125 = arith.xori %eq3A_1123, %eq3A_1124 : vector<32x1024xi1>
    %select_n3A_1126 = arith.select %eq3A_1125, %select_n3A_1093, %select_n3A_1111 : vector<32x1024xi1>, vector<32x1024xf32>
    %select_n3A_1127 = arith.select %eq3A_1125, %select_n3A_1094, %select_n3A_1116 : vector<32x1024xi1>, vector<32x1024xi32>
    %and3A_1128 = arith.constant 2 : i32
    %and3A_1129 = vector.broadcast %and3A_1128 : i32 to vector<32x1024xi32>
    %and3A_1130 = arith.andi %add3A, %and3A_1129 : vector<32x1024xi32>
    %ne3A_1131 = arith.constant 0 : i32
    %ne3A_1132 = vector.broadcast %ne3A_1131 : i32 to vector<32x1024xi32>
    %ne3A_1133 = arith.cmpi ne, %and3A_1130, %ne3A_1132 : vector<32x1024xi32>
    %and3A_1134 = arith.constant 256 : i32
    %and3A_1135 = vector.broadcast %and3A_1134 : i32 to vector<32x1024xi32>
    %and3A_1136 = arith.andi %add3A, %and3A_1135 : vector<32x1024xi32>
    %eq3A_1137 = arith.constant 0 : i32
    %eq3A_1138 = vector.broadcast %eq3A_1137 : i32 to vector<32x1024xi32>
    %eq3A_1139 = arith.cmpi eq, %and3A_1136, %eq3A_1138 : vector<32x1024xi32>
    %roll3A_1140 = arith.constant 2 : i32
    %roll3A_1141 = tpu.dynamic_rotate %select_n3A_1126 by %roll3A_1140 dim 0 : vector<32x1024xf32>, i32 -> vector<32x1024xf32>
    %roll3A_1142 = arith.constant 30 : i32
    %roll3A_1143 = tpu.dynamic_rotate %select_n3A_1126 by %roll3A_1142 dim 0 : vector<32x1024xf32>, i32 -> vector<32x1024xf32>
    %select_n3A_1144 = arith.select %ne3A_1133, %roll3A_1141, %roll3A_1143 : vector<32x1024xi1>, vector<32x1024xf32>
    %roll3A_1145 = arith.constant 2 : i32
    %roll3A_1146 = tpu.dynamic_rotate %select_n3A_1127 by %roll3A_1145 dim 0 : vector<32x1024xi32>, i32 -> vector<32x1024xi32>
    %roll3A_1147 = arith.constant 30 : i32
    %roll3A_1148 = tpu.dynamic_rotate %select_n3A_1127 by %roll3A_1147 dim 0 : vector<32x1024xi32>, i32 -> vector<32x1024xi32>
    %select_n3A_1149 = arith.select %ne3A_1133, %roll3A_1146, %roll3A_1148 : vector<32x1024xi1>, vector<32x1024xi32>
    %gt3A_1150 = arith.cmpf ogt, %select_n3A_1126, %select_n3A_1144 : vector<32x1024xf32>
    %eq3A_1151 = arith.cmpf oeq, %select_n3A_1126, %select_n3A_1144 : vector<32x1024xf32>
    %lt3A_1152 = arith.cmpi slt, %select_n3A_1127, %select_n3A_1149 : vector<32x1024xi32>
    %and3A_1153 = arith.andi %eq3A_1151, %lt3A_1152 : vector<32x1024xi1>
    %or3A_1154 = arith.ori %gt3A_1150, %and3A_1153 : vector<32x1024xi1>
    %xor3A_1155 = arith.xori %or3A_1154, %ne3A_1133 : vector<32x1024xi1>
    %eq3A_1156 = arith.xori %xor3A_1155, %eq3A_1139 : vector<32x1024xi1>
    %eq3A_1157 = arith.constant dense<true> : vector<32x1024xi1>
    %eq3A_1158 = arith.xori %eq3A_1156, %eq3A_1157 : vector<32x1024xi1>
    %select_n3A_1159 = arith.select %eq3A_1158, %select_n3A_1126, %select_n3A_1144 : vector<32x1024xi1>, vector<32x1024xf32>
    %select_n3A_1160 = arith.select %eq3A_1158, %select_n3A_1127, %select_n3A_1149 : vector<32x1024xi1>, vector<32x1024xi32>
    %and3A_1161 = arith.constant 1 : i32
    %and3A_1162 = vector.broadcast %and3A_1161 : i32 to vector<32x1024xi32>
    %and3A_1163 = arith.andi %add3A, %and3A_1162 : vector<32x1024xi32>
    %ne3A_1164 = arith.constant 0 : i32
    %ne3A_1165 = vector.broadcast %ne3A_1164 : i32 to vector<32x1024xi32>
    %ne3A_1166 = arith.cmpi ne, %and3A_1163, %ne3A_1165 : vector<32x1024xi32>
    %and3A_1167 = arith.constant 256 : i32
    %and3A_1168 = vector.broadcast %and3A_1167 : i32 to vector<32x1024xi32>
    %and3A_1169 = arith.andi %add3A, %and3A_1168 : vector<32x1024xi32>
    %eq3A_1170 = arith.constant 0 : i32
    %eq3A_1171 = vector.broadcast %eq3A_1170 : i32 to vector<32x1024xi32>
    %eq3A_1172 = arith.cmpi eq, %and3A_1169, %eq3A_1171 : vector<32x1024xi32>
    %roll3A_1173 = arith.constant 1 : i32
    %roll3A_1174 = tpu.dynamic_rotate %select_n3A_1159 by %roll3A_1173 dim 0 : vector<32x1024xf32>, i32 -> vector<32x1024xf32>
    %roll3A_1175 = arith.constant 31 : i32
    %roll3A_1176 = tpu.dynamic_rotate %select_n3A_1159 by %roll3A_1175 dim 0 : vector<32x1024xf32>, i32 -> vector<32x1024xf32>
    %select_n3A_1177 = arith.select %ne3A_1166, %roll3A_1174, %roll3A_1176 : vector<32x1024xi1>, vector<32x1024xf32>
    %roll3A_1178 = arith.constant 1 : i32
    %roll3A_1179 = tpu.dynamic_rotate %select_n3A_1160 by %roll3A_1178 dim 0 : vector<32x1024xi32>, i32 -> vector<32x1024xi32>
    %roll3A_1180 = arith.constant 31 : i32
    %roll3A_1181 = tpu.dynamic_rotate %select_n3A_1160 by %roll3A_1180 dim 0 : vector<32x1024xi32>, i32 -> vector<32x1024xi32>
    %select_n3A_1182 = arith.select %ne3A_1166, %roll3A_1179, %roll3A_1181 : vector<32x1024xi1>, vector<32x1024xi32>
    %gt3A_1183 = arith.cmpf ogt, %select_n3A_1159, %select_n3A_1177 : vector<32x1024xf32>
    %eq3A_1184 = arith.cmpf oeq, %select_n3A_1159, %select_n3A_1177 : vector<32x1024xf32>
    %lt3A_1185 = arith.cmpi slt, %select_n3A_1160, %select_n3A_1182 : vector<32x1024xi32>
    %and3A_1186 = arith.andi %eq3A_1184, %lt3A_1185 : vector<32x1024xi1>
    %or3A_1187 = arith.ori %gt3A_1183, %and3A_1186 : vector<32x1024xi1>
    %xor3A_1188 = arith.xori %or3A_1187, %ne3A_1166 : vector<32x1024xi1>
    %eq3A_1189 = arith.xori %xor3A_1188, %eq3A_1172 : vector<32x1024xi1>
    %eq3A_1190 = arith.constant dense<true> : vector<32x1024xi1>
    %eq3A_1191 = arith.xori %eq3A_1189, %eq3A_1190 : vector<32x1024xi1>
    %select_n3A_1192 = arith.select %eq3A_1191, %select_n3A_1159, %select_n3A_1177 : vector<32x1024xi1>, vector<32x1024xf32>
    %select_n3A_1193 = arith.select %eq3A_1191, %select_n3A_1160, %select_n3A_1182 : vector<32x1024xi1>, vector<32x1024xi32>
    %and3A_1194 = arith.constant 256 : i32
    %and3A_1195 = vector.broadcast %and3A_1194 : i32 to vector<32x1024xi32>
    %and3A_1196 = arith.andi %add3A, %and3A_1195 : vector<32x1024xi32>
    %ne3A_1197 = arith.constant 0 : i32
    %ne3A_1198 = vector.broadcast %ne3A_1197 : i32 to vector<32x1024xi32>
    %ne3A_1199 = arith.cmpi ne, %and3A_1196, %ne3A_1198 : vector<32x1024xi32>
    %and3A_1200 = arith.constant 512 : i32
    %and3A_1201 = vector.broadcast %and3A_1200 : i32 to vector<32x1024xi32>
    %and3A_1202 = arith.andi %add3A, %and3A_1201 : vector<32x1024xi32>
    %eq3A_1203 = arith.constant 0 : i32
    %eq3A_1204 = vector.broadcast %eq3A_1203 : i32 to vector<32x1024xi32>
    %eq3A_1205 = arith.cmpi eq, %and3A_1202, %eq3A_1204 : vector<32x1024xi32>
    %roll3A_1206 = arith.constant 32 : i32
    %roll3A_1207 = tpu.dynamic_rotate %select_n3A_1192 by %roll3A_1206 dim 1 : vector<32x1024xf32>, i32 -> vector<32x1024xf32>
    %roll3A_1208 = arith.constant 992 : i32
    %roll3A_1209 = tpu.dynamic_rotate %select_n3A_1192 by %roll3A_1208 dim 1 : vector<32x1024xf32>, i32 -> vector<32x1024xf32>
    %select_n3A_1210 = arith.select %ne3A_1199, %roll3A_1207, %roll3A_1209 : vector<32x1024xi1>, vector<32x1024xf32>
    %roll3A_1211 = arith.constant 32 : i32
    %roll3A_1212 = tpu.dynamic_rotate %select_n3A_1193 by %roll3A_1211 dim 1 : vector<32x1024xi32>, i32 -> vector<32x1024xi32>
    %roll3A_1213 = arith.constant 992 : i32
    %roll3A_1214 = tpu.dynamic_rotate %select_n3A_1193 by %roll3A_1213 dim 1 : vector<32x1024xi32>, i32 -> vector<32x1024xi32>
    %select_n3A_1215 = arith.select %ne3A_1199, %roll3A_1212, %roll3A_1214 : vector<32x1024xi1>, vector<32x1024xi32>
    %gt3A_1216 = arith.cmpf ogt, %select_n3A_1192, %select_n3A_1210 : vector<32x1024xf32>
    %eq3A_1217 = arith.cmpf oeq, %select_n3A_1192, %select_n3A_1210 : vector<32x1024xf32>
    %lt3A_1218 = arith.cmpi slt, %select_n3A_1193, %select_n3A_1215 : vector<32x1024xi32>
    %and3A_1219 = arith.andi %eq3A_1217, %lt3A_1218 : vector<32x1024xi1>
    %or3A_1220 = arith.ori %gt3A_1216, %and3A_1219 : vector<32x1024xi1>
    %xor3A_1221 = arith.xori %or3A_1220, %ne3A_1199 : vector<32x1024xi1>
    %eq3A_1222 = arith.xori %xor3A_1221, %eq3A_1205 : vector<32x1024xi1>
    %eq3A_1223 = arith.constant dense<true> : vector<32x1024xi1>
    %eq3A_1224 = arith.xori %eq3A_1222, %eq3A_1223 : vector<32x1024xi1>
    %select_n3A_1225 = arith.select %eq3A_1224, %select_n3A_1192, %select_n3A_1210 : vector<32x1024xi1>, vector<32x1024xf32>
    %select_n3A_1226 = arith.select %eq3A_1224, %select_n3A_1193, %select_n3A_1215 : vector<32x1024xi1>, vector<32x1024xi32>
    %and3A_1227 = arith.constant 128 : i32
    %and3A_1228 = vector.broadcast %and3A_1227 : i32 to vector<32x1024xi32>
    %and3A_1229 = arith.andi %add3A, %and3A_1228 : vector<32x1024xi32>
    %ne3A_1230 = arith.constant 0 : i32
    %ne3A_1231 = vector.broadcast %ne3A_1230 : i32 to vector<32x1024xi32>
    %ne3A_1232 = arith.cmpi ne, %and3A_1229, %ne3A_1231 : vector<32x1024xi32>
    %and3A_1233 = arith.constant 512 : i32
    %and3A_1234 = vector.broadcast %and3A_1233 : i32 to vector<32x1024xi32>
    %and3A_1235 = arith.andi %add3A, %and3A_1234 : vector<32x1024xi32>
    %eq3A_1236 = arith.constant 0 : i32
    %eq3A_1237 = vector.broadcast %eq3A_1236 : i32 to vector<32x1024xi32>
    %eq3A_1238 = arith.cmpi eq, %and3A_1235, %eq3A_1237 : vector<32x1024xi32>
    %roll3A_1239 = arith.constant 16 : i32
    %roll3A_1240 = tpu.dynamic_rotate %select_n3A_1225 by %roll3A_1239 dim 1 : vector<32x1024xf32>, i32 -> vector<32x1024xf32>
    %roll3A_1241 = arith.constant 1008 : i32
    %roll3A_1242 = tpu.dynamic_rotate %select_n3A_1225 by %roll3A_1241 dim 1 : vector<32x1024xf32>, i32 -> vector<32x1024xf32>
    %select_n3A_1243 = arith.select %ne3A_1232, %roll3A_1240, %roll3A_1242 : vector<32x1024xi1>, vector<32x1024xf32>
    %roll3A_1244 = arith.constant 16 : i32
    %roll3A_1245 = tpu.dynamic_rotate %select_n3A_1226 by %roll3A_1244 dim 1 : vector<32x1024xi32>, i32 -> vector<32x1024xi32>
    %roll3A_1246 = arith.constant 1008 : i32
    %roll3A_1247 = tpu.dynamic_rotate %select_n3A_1226 by %roll3A_1246 dim 1 : vector<32x1024xi32>, i32 -> vector<32x1024xi32>
    %select_n3A_1248 = arith.select %ne3A_1232, %roll3A_1245, %roll3A_1247 : vector<32x1024xi1>, vector<32x1024xi32>
    %gt3A_1249 = arith.cmpf ogt, %select_n3A_1225, %select_n3A_1243 : vector<32x1024xf32>
    %eq3A_1250 = arith.cmpf oeq, %select_n3A_1225, %select_n3A_1243 : vector<32x1024xf32>
    %lt3A_1251 = arith.cmpi slt, %select_n3A_1226, %select_n3A_1248 : vector<32x1024xi32>
    %and3A_1252 = arith.andi %eq3A_1250, %lt3A_1251 : vector<32x1024xi1>
    %or3A_1253 = arith.ori %gt3A_1249, %and3A_1252 : vector<32x1024xi1>
    %xor3A_1254 = arith.xori %or3A_1253, %ne3A_1232 : vector<32x1024xi1>
    %eq3A_1255 = arith.xori %xor3A_1254, %eq3A_1238 : vector<32x1024xi1>
    %eq3A_1256 = arith.constant dense<true> : vector<32x1024xi1>
    %eq3A_1257 = arith.xori %eq3A_1255, %eq3A_1256 : vector<32x1024xi1>
    %select_n3A_1258 = arith.select %eq3A_1257, %select_n3A_1225, %select_n3A_1243 : vector<32x1024xi1>, vector<32x1024xf32>
    %select_n3A_1259 = arith.select %eq3A_1257, %select_n3A_1226, %select_n3A_1248 : vector<32x1024xi1>, vector<32x1024xi32>
    %and3A_1260 = arith.constant 64 : i32
    %and3A_1261 = vector.broadcast %and3A_1260 : i32 to vector<32x1024xi32>
    %and3A_1262 = arith.andi %add3A, %and3A_1261 : vector<32x1024xi32>
    %ne3A_1263 = arith.constant 0 : i32
    %ne3A_1264 = vector.broadcast %ne3A_1263 : i32 to vector<32x1024xi32>
    %ne3A_1265 = arith.cmpi ne, %and3A_1262, %ne3A_1264 : vector<32x1024xi32>
    %and3A_1266 = arith.constant 512 : i32
    %and3A_1267 = vector.broadcast %and3A_1266 : i32 to vector<32x1024xi32>
    %and3A_1268 = arith.andi %add3A, %and3A_1267 : vector<32x1024xi32>
    %eq3A_1269 = arith.constant 0 : i32
    %eq3A_1270 = vector.broadcast %eq3A_1269 : i32 to vector<32x1024xi32>
    %eq3A_1271 = arith.cmpi eq, %and3A_1268, %eq3A_1270 : vector<32x1024xi32>
    %roll3A_1272 = arith.constant 8 : i32
    %roll3A_1273 = tpu.dynamic_rotate %select_n3A_1258 by %roll3A_1272 dim 1 : vector<32x1024xf32>, i32 -> vector<32x1024xf32>
    %roll3A_1274 = arith.constant 1016 : i32
    %roll3A_1275 = tpu.dynamic_rotate %select_n3A_1258 by %roll3A_1274 dim 1 : vector<32x1024xf32>, i32 -> vector<32x1024xf32>
    %select_n3A_1276 = arith.select %ne3A_1265, %roll3A_1273, %roll3A_1275 : vector<32x1024xi1>, vector<32x1024xf32>
    %roll3A_1277 = arith.constant 8 : i32
    %roll3A_1278 = tpu.dynamic_rotate %select_n3A_1259 by %roll3A_1277 dim 1 : vector<32x1024xi32>, i32 -> vector<32x1024xi32>
    %roll3A_1279 = arith.constant 1016 : i32
    %roll3A_1280 = tpu.dynamic_rotate %select_n3A_1259 by %roll3A_1279 dim 1 : vector<32x1024xi32>, i32 -> vector<32x1024xi32>
    %select_n3A_1281 = arith.select %ne3A_1265, %roll3A_1278, %roll3A_1280 : vector<32x1024xi1>, vector<32x1024xi32>
    %gt3A_1282 = arith.cmpf ogt, %select_n3A_1258, %select_n3A_1276 : vector<32x1024xf32>
    %eq3A_1283 = arith.cmpf oeq, %select_n3A_1258, %select_n3A_1276 : vector<32x1024xf32>
    %lt3A_1284 = arith.cmpi slt, %select_n3A_1259, %select_n3A_1281 : vector<32x1024xi32>
    %and3A_1285 = arith.andi %eq3A_1283, %lt3A_1284 : vector<32x1024xi1>
    %or3A_1286 = arith.ori %gt3A_1282, %and3A_1285 : vector<32x1024xi1>
    %xor3A_1287 = arith.xori %or3A_1286, %ne3A_1265 : vector<32x1024xi1>
    %eq3A_1288 = arith.xori %xor3A_1287, %eq3A_1271 : vector<32x1024xi1>
    %eq3A_1289 = arith.constant dense<true> : vector<32x1024xi1>
    %eq3A_1290 = arith.xori %eq3A_1288, %eq3A_1289 : vector<32x1024xi1>
    %select_n3A_1291 = arith.select %eq3A_1290, %select_n3A_1258, %select_n3A_1276 : vector<32x1024xi1>, vector<32x1024xf32>
    %select_n3A_1292 = arith.select %eq3A_1290, %select_n3A_1259, %select_n3A_1281 : vector<32x1024xi1>, vector<32x1024xi32>
    %and3A_1293 = arith.constant 32 : i32
    %and3A_1294 = vector.broadcast %and3A_1293 : i32 to vector<32x1024xi32>
    %and3A_1295 = arith.andi %add3A, %and3A_1294 : vector<32x1024xi32>
    %ne3A_1296 = arith.constant 0 : i32
    %ne3A_1297 = vector.broadcast %ne3A_1296 : i32 to vector<32x1024xi32>
    %ne3A_1298 = arith.cmpi ne, %and3A_1295, %ne3A_1297 : vector<32x1024xi32>
    %and3A_1299 = arith.constant 512 : i32
    %and3A_1300 = vector.broadcast %and3A_1299 : i32 to vector<32x1024xi32>
    %and3A_1301 = arith.andi %add3A, %and3A_1300 : vector<32x1024xi32>
    %eq3A_1302 = arith.constant 0 : i32
    %eq3A_1303 = vector.broadcast %eq3A_1302 : i32 to vector<32x1024xi32>
    %eq3A_1304 = arith.cmpi eq, %and3A_1301, %eq3A_1303 : vector<32x1024xi32>
    %roll3A_1305 = arith.constant 4 : i32
    %roll3A_1306 = tpu.dynamic_rotate %select_n3A_1291 by %roll3A_1305 dim 1 : vector<32x1024xf32>, i32 -> vector<32x1024xf32>
    %roll3A_1307 = arith.constant 1020 : i32
    %roll3A_1308 = tpu.dynamic_rotate %select_n3A_1291 by %roll3A_1307 dim 1 : vector<32x1024xf32>, i32 -> vector<32x1024xf32>
    %select_n3A_1309 = arith.select %ne3A_1298, %roll3A_1306, %roll3A_1308 : vector<32x1024xi1>, vector<32x1024xf32>
    %roll3A_1310 = arith.constant 4 : i32
    %roll3A_1311 = tpu.dynamic_rotate %select_n3A_1292 by %roll3A_1310 dim 1 : vector<32x1024xi32>, i32 -> vector<32x1024xi32>
    %roll3A_1312 = arith.constant 1020 : i32
    %roll3A_1313 = tpu.dynamic_rotate %select_n3A_1292 by %roll3A_1312 dim 1 : vector<32x1024xi32>, i32 -> vector<32x1024xi32>
    %select_n3A_1314 = arith.select %ne3A_1298, %roll3A_1311, %roll3A_1313 : vector<32x1024xi1>, vector<32x1024xi32>
    %gt3A_1315 = arith.cmpf ogt, %select_n3A_1291, %select_n3A_1309 : vector<32x1024xf32>
    %eq3A_1316 = arith.cmpf oeq, %select_n3A_1291, %select_n3A_1309 : vector<32x1024xf32>
    %lt3A_1317 = arith.cmpi slt, %select_n3A_1292, %select_n3A_1314 : vector<32x1024xi32>
    %and3A_1318 = arith.andi %eq3A_1316, %lt3A_1317 : vector<32x1024xi1>
    %or3A_1319 = arith.ori %gt3A_1315, %and3A_1318 : vector<32x1024xi1>
    %xor3A_1320 = arith.xori %or3A_1319, %ne3A_1298 : vector<32x1024xi1>
    %eq3A_1321 = arith.xori %xor3A_1320, %eq3A_1304 : vector<32x1024xi1>
    %eq3A_1322 = arith.constant dense<true> : vector<32x1024xi1>
    %eq3A_1323 = arith.xori %eq3A_1321, %eq3A_1322 : vector<32x1024xi1>
    %select_n3A_1324 = arith.select %eq3A_1323, %select_n3A_1291, %select_n3A_1309 : vector<32x1024xi1>, vector<32x1024xf32>
    %select_n3A_1325 = arith.select %eq3A_1323, %select_n3A_1292, %select_n3A_1314 : vector<32x1024xi1>, vector<32x1024xi32>
    %and3A_1326 = arith.constant 16 : i32
    %and3A_1327 = vector.broadcast %and3A_1326 : i32 to vector<32x1024xi32>
    %and3A_1328 = arith.andi %add3A, %and3A_1327 : vector<32x1024xi32>
    %ne3A_1329 = arith.constant 0 : i32
    %ne3A_1330 = vector.broadcast %ne3A_1329 : i32 to vector<32x1024xi32>
    %ne3A_1331 = arith.cmpi ne, %and3A_1328, %ne3A_1330 : vector<32x1024xi32>
    %and3A_1332 = arith.constant 512 : i32
    %and3A_1333 = vector.broadcast %and3A_1332 : i32 to vector<32x1024xi32>
    %and3A_1334 = arith.andi %add3A, %and3A_1333 : vector<32x1024xi32>
    %eq3A_1335 = arith.constant 0 : i32
    %eq3A_1336 = vector.broadcast %eq3A_1335 : i32 to vector<32x1024xi32>
    %eq3A_1337 = arith.cmpi eq, %and3A_1334, %eq3A_1336 : vector<32x1024xi32>
    %roll3A_1338 = arith.constant 2 : i32
    %roll3A_1339 = tpu.dynamic_rotate %select_n3A_1324 by %roll3A_1338 dim 1 : vector<32x1024xf32>, i32 -> vector<32x1024xf32>
    %roll3A_1340 = arith.constant 1022 : i32
    %roll3A_1341 = tpu.dynamic_rotate %select_n3A_1324 by %roll3A_1340 dim 1 : vector<32x1024xf32>, i32 -> vector<32x1024xf32>
    %select_n3A_1342 = arith.select %ne3A_1331, %roll3A_1339, %roll3A_1341 : vector<32x1024xi1>, vector<32x1024xf32>
    %roll3A_1343 = arith.constant 2 : i32
    %roll3A_1344 = tpu.dynamic_rotate %select_n3A_1325 by %roll3A_1343 dim 1 : vector<32x1024xi32>, i32 -> vector<32x1024xi32>
    %roll3A_1345 = arith.constant 1022 : i32
    %roll3A_1346 = tpu.dynamic_rotate %select_n3A_1325 by %roll3A_1345 dim 1 : vector<32x1024xi32>, i32 -> vector<32x1024xi32>
    %select_n3A_1347 = arith.select %ne3A_1331, %roll3A_1344, %roll3A_1346 : vector<32x1024xi1>, vector<32x1024xi32>
    %gt3A_1348 = arith.cmpf ogt, %select_n3A_1324, %select_n3A_1342 : vector<32x1024xf32>
    %eq3A_1349 = arith.cmpf oeq, %select_n3A_1324, %select_n3A_1342 : vector<32x1024xf32>
    %lt3A_1350 = arith.cmpi slt, %select_n3A_1325, %select_n3A_1347 : vector<32x1024xi32>
    %and3A_1351 = arith.andi %eq3A_1349, %lt3A_1350 : vector<32x1024xi1>
    %or3A_1352 = arith.ori %gt3A_1348, %and3A_1351 : vector<32x1024xi1>
    %xor3A_1353 = arith.xori %or3A_1352, %ne3A_1331 : vector<32x1024xi1>
    %eq3A_1354 = arith.xori %xor3A_1353, %eq3A_1337 : vector<32x1024xi1>
    %eq3A_1355 = arith.constant dense<true> : vector<32x1024xi1>
    %eq3A_1356 = arith.xori %eq3A_1354, %eq3A_1355 : vector<32x1024xi1>
    %select_n3A_1357 = arith.select %eq3A_1356, %select_n3A_1324, %select_n3A_1342 : vector<32x1024xi1>, vector<32x1024xf32>
    %select_n3A_1358 = arith.select %eq3A_1356, %select_n3A_1325, %select_n3A_1347 : vector<32x1024xi1>, vector<32x1024xi32>
    %and3A_1359 = arith.constant 8 : i32
    %and3A_1360 = vector.broadcast %and3A_1359 : i32 to vector<32x1024xi32>
    %and3A_1361 = arith.andi %add3A, %and3A_1360 : vector<32x1024xi32>
    %ne3A_1362 = arith.constant 0 : i32
    %ne3A_1363 = vector.broadcast %ne3A_1362 : i32 to vector<32x1024xi32>
    %ne3A_1364 = arith.cmpi ne, %and3A_1361, %ne3A_1363 : vector<32x1024xi32>
    %and3A_1365 = arith.constant 512 : i32
    %and3A_1366 = vector.broadcast %and3A_1365 : i32 to vector<32x1024xi32>
    %and3A_1367 = arith.andi %add3A, %and3A_1366 : vector<32x1024xi32>
    %eq3A_1368 = arith.constant 0 : i32
    %eq3A_1369 = vector.broadcast %eq3A_1368 : i32 to vector<32x1024xi32>
    %eq3A_1370 = arith.cmpi eq, %and3A_1367, %eq3A_1369 : vector<32x1024xi32>
    %roll3A_1371 = arith.constant 1 : i32
    %roll3A_1372 = tpu.dynamic_rotate %select_n3A_1357 by %roll3A_1371 dim 1 : vector<32x1024xf32>, i32 -> vector<32x1024xf32>
    %roll3A_1373 = arith.constant 1023 : i32
    %roll3A_1374 = tpu.dynamic_rotate %select_n3A_1357 by %roll3A_1373 dim 1 : vector<32x1024xf32>, i32 -> vector<32x1024xf32>
    %select_n3A_1375 = arith.select %ne3A_1364, %roll3A_1372, %roll3A_1374 : vector<32x1024xi1>, vector<32x1024xf32>
    %roll3A_1376 = arith.constant 1 : i32
    %roll3A_1377 = tpu.dynamic_rotate %select_n3A_1358 by %roll3A_1376 dim 1 : vector<32x1024xi32>, i32 -> vector<32x1024xi32>
    %roll3A_1378 = arith.constant 1023 : i32
    %roll3A_1379 = tpu.dynamic_rotate %select_n3A_1358 by %roll3A_1378 dim 1 : vector<32x1024xi32>, i32 -> vector<32x1024xi32>
    %select_n3A_1380 = arith.select %ne3A_1364, %roll3A_1377, %roll3A_1379 : vector<32x1024xi1>, vector<32x1024xi32>
    %gt3A_1381 = arith.cmpf ogt, %select_n3A_1357, %select_n3A_1375 : vector<32x1024xf32>
    %eq3A_1382 = arith.cmpf oeq, %select_n3A_1357, %select_n3A_1375 : vector<32x1024xf32>
    %lt3A_1383 = arith.cmpi slt, %select_n3A_1358, %select_n3A_1380 : vector<32x1024xi32>
    %and3A_1384 = arith.andi %eq3A_1382, %lt3A_1383 : vector<32x1024xi1>
    %or3A_1385 = arith.ori %gt3A_1381, %and3A_1384 : vector<32x1024xi1>
    %xor3A_1386 = arith.xori %or3A_1385, %ne3A_1364 : vector<32x1024xi1>
    %eq3A_1387 = arith.xori %xor3A_1386, %eq3A_1370 : vector<32x1024xi1>
    %eq3A_1388 = arith.constant dense<true> : vector<32x1024xi1>
    %eq3A_1389 = arith.xori %eq3A_1387, %eq3A_1388 : vector<32x1024xi1>
    %select_n3A_1390 = arith.select %eq3A_1389, %select_n3A_1357, %select_n3A_1375 : vector<32x1024xi1>, vector<32x1024xf32>
    %select_n3A_1391 = arith.select %eq3A_1389, %select_n3A_1358, %select_n3A_1380 : vector<32x1024xi1>, vector<32x1024xi32>
    %and3A_1392 = arith.constant 4 : i32
    %and3A_1393 = vector.broadcast %and3A_1392 : i32 to vector<32x1024xi32>
    %and3A_1394 = arith.andi %add3A, %and3A_1393 : vector<32x1024xi32>
    %ne3A_1395 = arith.constant 0 : i32
    %ne3A_1396 = vector.broadcast %ne3A_1395 : i32 to vector<32x1024xi32>
    %ne3A_1397 = arith.cmpi ne, %and3A_1394, %ne3A_1396 : vector<32x1024xi32>
    %and3A_1398 = arith.constant 512 : i32
    %and3A_1399 = vector.broadcast %and3A_1398 : i32 to vector<32x1024xi32>
    %and3A_1400 = arith.andi %add3A, %and3A_1399 : vector<32x1024xi32>
    %eq3A_1401 = arith.constant 0 : i32
    %eq3A_1402 = vector.broadcast %eq3A_1401 : i32 to vector<32x1024xi32>
    %eq3A_1403 = arith.cmpi eq, %and3A_1400, %eq3A_1402 : vector<32x1024xi32>
    %roll3A_1404 = arith.constant 4 : i32
    %roll3A_1405 = tpu.dynamic_rotate %select_n3A_1390 by %roll3A_1404 dim 0 : vector<32x1024xf32>, i32 -> vector<32x1024xf32>
    %roll3A_1406 = arith.constant 28 : i32
    %roll3A_1407 = tpu.dynamic_rotate %select_n3A_1390 by %roll3A_1406 dim 0 : vector<32x1024xf32>, i32 -> vector<32x1024xf32>
    %select_n3A_1408 = arith.select %ne3A_1397, %roll3A_1405, %roll3A_1407 : vector<32x1024xi1>, vector<32x1024xf32>
    %roll3A_1409 = arith.constant 4 : i32
    %roll3A_1410 = tpu.dynamic_rotate %select_n3A_1391 by %roll3A_1409 dim 0 : vector<32x1024xi32>, i32 -> vector<32x1024xi32>
    %roll3A_1411 = arith.constant 28 : i32
    %roll3A_1412 = tpu.dynamic_rotate %select_n3A_1391 by %roll3A_1411 dim 0 : vector<32x1024xi32>, i32 -> vector<32x1024xi32>
    %select_n3A_1413 = arith.select %ne3A_1397, %roll3A_1410, %roll3A_1412 : vector<32x1024xi1>, vector<32x1024xi32>
    %gt3A_1414 = arith.cmpf ogt, %select_n3A_1390, %select_n3A_1408 : vector<32x1024xf32>
    %eq3A_1415 = arith.cmpf oeq, %select_n3A_1390, %select_n3A_1408 : vector<32x1024xf32>
    %lt3A_1416 = arith.cmpi slt, %select_n3A_1391, %select_n3A_1413 : vector<32x1024xi32>
    %and3A_1417 = arith.andi %eq3A_1415, %lt3A_1416 : vector<32x1024xi1>
    %or3A_1418 = arith.ori %gt3A_1414, %and3A_1417 : vector<32x1024xi1>
    %xor3A_1419 = arith.xori %or3A_1418, %ne3A_1397 : vector<32x1024xi1>
    %eq3A_1420 = arith.xori %xor3A_1419, %eq3A_1403 : vector<32x1024xi1>
    %eq3A_1421 = arith.constant dense<true> : vector<32x1024xi1>
    %eq3A_1422 = arith.xori %eq3A_1420, %eq3A_1421 : vector<32x1024xi1>
    %select_n3A_1423 = arith.select %eq3A_1422, %select_n3A_1390, %select_n3A_1408 : vector<32x1024xi1>, vector<32x1024xf32>
    %select_n3A_1424 = arith.select %eq3A_1422, %select_n3A_1391, %select_n3A_1413 : vector<32x1024xi1>, vector<32x1024xi32>
    %and3A_1425 = arith.constant 2 : i32
    %and3A_1426 = vector.broadcast %and3A_1425 : i32 to vector<32x1024xi32>
    %and3A_1427 = arith.andi %add3A, %and3A_1426 : vector<32x1024xi32>
    %ne3A_1428 = arith.constant 0 : i32
    %ne3A_1429 = vector.broadcast %ne3A_1428 : i32 to vector<32x1024xi32>
    %ne3A_1430 = arith.cmpi ne, %and3A_1427, %ne3A_1429 : vector<32x1024xi32>
    %and3A_1431 = arith.constant 512 : i32
    %and3A_1432 = vector.broadcast %and3A_1431 : i32 to vector<32x1024xi32>
    %and3A_1433 = arith.andi %add3A, %and3A_1432 : vector<32x1024xi32>
    %eq3A_1434 = arith.constant 0 : i32
    %eq3A_1435 = vector.broadcast %eq3A_1434 : i32 to vector<32x1024xi32>
    %eq3A_1436 = arith.cmpi eq, %and3A_1433, %eq3A_1435 : vector<32x1024xi32>
    %roll3A_1437 = arith.constant 2 : i32
    %roll3A_1438 = tpu.dynamic_rotate %select_n3A_1423 by %roll3A_1437 dim 0 : vector<32x1024xf32>, i32 -> vector<32x1024xf32>
    %roll3A_1439 = arith.constant 30 : i32
    %roll3A_1440 = tpu.dynamic_rotate %select_n3A_1423 by %roll3A_1439 dim 0 : vector<32x1024xf32>, i32 -> vector<32x1024xf32>
    %select_n3A_1441 = arith.select %ne3A_1430, %roll3A_1438, %roll3A_1440 : vector<32x1024xi1>, vector<32x1024xf32>
    %roll3A_1442 = arith.constant 2 : i32
    %roll3A_1443 = tpu.dynamic_rotate %select_n3A_1424 by %roll3A_1442 dim 0 : vector<32x1024xi32>, i32 -> vector<32x1024xi32>
    %roll3A_1444 = arith.constant 30 : i32
    %roll3A_1445 = tpu.dynamic_rotate %select_n3A_1424 by %roll3A_1444 dim 0 : vector<32x1024xi32>, i32 -> vector<32x1024xi32>
    %select_n3A_1446 = arith.select %ne3A_1430, %roll3A_1443, %roll3A_1445 : vector<32x1024xi1>, vector<32x1024xi32>
    %gt3A_1447 = arith.cmpf ogt, %select_n3A_1423, %select_n3A_1441 : vector<32x1024xf32>
    %eq3A_1448 = arith.cmpf oeq, %select_n3A_1423, %select_n3A_1441 : vector<32x1024xf32>
    %lt3A_1449 = arith.cmpi slt, %select_n3A_1424, %select_n3A_1446 : vector<32x1024xi32>
    %and3A_1450 = arith.andi %eq3A_1448, %lt3A_1449 : vector<32x1024xi1>
    %or3A_1451 = arith.ori %gt3A_1447, %and3A_1450 : vector<32x1024xi1>
    %xor3A_1452 = arith.xori %or3A_1451, %ne3A_1430 : vector<32x1024xi1>
    %eq3A_1453 = arith.xori %xor3A_1452, %eq3A_1436 : vector<32x1024xi1>
    %eq3A_1454 = arith.constant dense<true> : vector<32x1024xi1>
    %eq3A_1455 = arith.xori %eq3A_1453, %eq3A_1454 : vector<32x1024xi1>
    %select_n3A_1456 = arith.select %eq3A_1455, %select_n3A_1423, %select_n3A_1441 : vector<32x1024xi1>, vector<32x1024xf32>
    %select_n3A_1457 = arith.select %eq3A_1455, %select_n3A_1424, %select_n3A_1446 : vector<32x1024xi1>, vector<32x1024xi32>
    %and3A_1458 = arith.constant 1 : i32
    %and3A_1459 = vector.broadcast %and3A_1458 : i32 to vector<32x1024xi32>
    %and3A_1460 = arith.andi %add3A, %and3A_1459 : vector<32x1024xi32>
    %ne3A_1461 = arith.constant 0 : i32
    %ne3A_1462 = vector.broadcast %ne3A_1461 : i32 to vector<32x1024xi32>
    %ne3A_1463 = arith.cmpi ne, %and3A_1460, %ne3A_1462 : vector<32x1024xi32>
    %and3A_1464 = arith.constant 512 : i32
    %and3A_1465 = vector.broadcast %and3A_1464 : i32 to vector<32x1024xi32>
    %and3A_1466 = arith.andi %add3A, %and3A_1465 : vector<32x1024xi32>
    %eq3A_1467 = arith.constant 0 : i32
    %eq3A_1468 = vector.broadcast %eq3A_1467 : i32 to vector<32x1024xi32>
    %eq3A_1469 = arith.cmpi eq, %and3A_1466, %eq3A_1468 : vector<32x1024xi32>
    %roll3A_1470 = arith.constant 1 : i32
    %roll3A_1471 = tpu.dynamic_rotate %select_n3A_1456 by %roll3A_1470 dim 0 : vector<32x1024xf32>, i32 -> vector<32x1024xf32>
    %roll3A_1472 = arith.constant 31 : i32
    %roll3A_1473 = tpu.dynamic_rotate %select_n3A_1456 by %roll3A_1472 dim 0 : vector<32x1024xf32>, i32 -> vector<32x1024xf32>
    %select_n3A_1474 = arith.select %ne3A_1463, %roll3A_1471, %roll3A_1473 : vector<32x1024xi1>, vector<32x1024xf32>
    %roll3A_1475 = arith.constant 1 : i32
    %roll3A_1476 = tpu.dynamic_rotate %select_n3A_1457 by %roll3A_1475 dim 0 : vector<32x1024xi32>, i32 -> vector<32x1024xi32>
    %roll3A_1477 = arith.constant 31 : i32
    %roll3A_1478 = tpu.dynamic_rotate %select_n3A_1457 by %roll3A_1477 dim 0 : vector<32x1024xi32>, i32 -> vector<32x1024xi32>
    %select_n3A_1479 = arith.select %ne3A_1463, %roll3A_1476, %roll3A_1478 : vector<32x1024xi1>, vector<32x1024xi32>
    %gt3A_1480 = arith.cmpf ogt, %select_n3A_1456, %select_n3A_1474 : vector<32x1024xf32>
    %eq3A_1481 = arith.cmpf oeq, %select_n3A_1456, %select_n3A_1474 : vector<32x1024xf32>
    %lt3A_1482 = arith.cmpi slt, %select_n3A_1457, %select_n3A_1479 : vector<32x1024xi32>
    %and3A_1483 = arith.andi %eq3A_1481, %lt3A_1482 : vector<32x1024xi1>
    %or3A_1484 = arith.ori %gt3A_1480, %and3A_1483 : vector<32x1024xi1>
    %xor3A_1485 = arith.xori %or3A_1484, %ne3A_1463 : vector<32x1024xi1>
    %eq3A_1486 = arith.xori %xor3A_1485, %eq3A_1469 : vector<32x1024xi1>
    %eq3A_1487 = arith.constant dense<true> : vector<32x1024xi1>
    %eq3A_1488 = arith.xori %eq3A_1486, %eq3A_1487 : vector<32x1024xi1>
    %select_n3A_1489 = arith.select %eq3A_1488, %select_n3A_1456, %select_n3A_1474 : vector<32x1024xi1>, vector<32x1024xf32>
    %select_n3A_1490 = arith.select %eq3A_1488, %select_n3A_1457, %select_n3A_1479 : vector<32x1024xi1>, vector<32x1024xi32>
    %and3A_1491 = arith.constant 512 : i32
    %and3A_1492 = vector.broadcast %and3A_1491 : i32 to vector<32x1024xi32>
    %and3A_1493 = arith.andi %add3A, %and3A_1492 : vector<32x1024xi32>
    %ne3A_1494 = arith.constant 0 : i32
    %ne3A_1495 = vector.broadcast %ne3A_1494 : i32 to vector<32x1024xi32>
    %ne3A_1496 = arith.cmpi ne, %and3A_1493, %ne3A_1495 : vector<32x1024xi32>
    %and3A_1497 = arith.constant 1024 : i32
    %and3A_1498 = vector.broadcast %and3A_1497 : i32 to vector<32x1024xi32>
    %and3A_1499 = arith.andi %add3A, %and3A_1498 : vector<32x1024xi32>
    %eq3A_1500 = arith.constant 0 : i32
    %eq3A_1501 = vector.broadcast %eq3A_1500 : i32 to vector<32x1024xi32>
    %eq3A_1502 = arith.cmpi eq, %and3A_1499, %eq3A_1501 : vector<32x1024xi32>
    %roll3A_1503 = arith.constant 64 : i32
    %roll3A_1504 = tpu.dynamic_rotate %select_n3A_1489 by %roll3A_1503 dim 1 : vector<32x1024xf32>, i32 -> vector<32x1024xf32>
    %roll3A_1505 = arith.constant 960 : i32
    %roll3A_1506 = tpu.dynamic_rotate %select_n3A_1489 by %roll3A_1505 dim 1 : vector<32x1024xf32>, i32 -> vector<32x1024xf32>
    %select_n3A_1507 = arith.select %ne3A_1496, %roll3A_1504, %roll3A_1506 : vector<32x1024xi1>, vector<32x1024xf32>
    %roll3A_1508 = arith.constant 64 : i32
    %roll3A_1509 = tpu.dynamic_rotate %select_n3A_1490 by %roll3A_1508 dim 1 : vector<32x1024xi32>, i32 -> vector<32x1024xi32>
    %roll3A_1510 = arith.constant 960 : i32
    %roll3A_1511 = tpu.dynamic_rotate %select_n3A_1490 by %roll3A_1510 dim 1 : vector<32x1024xi32>, i32 -> vector<32x1024xi32>
    %select_n3A_1512 = arith.select %ne3A_1496, %roll3A_1509, %roll3A_1511 : vector<32x1024xi1>, vector<32x1024xi32>
    %gt3A_1513 = arith.cmpf ogt, %select_n3A_1489, %select_n3A_1507 : vector<32x1024xf32>
    %eq3A_1514 = arith.cmpf oeq, %select_n3A_1489, %select_n3A_1507 : vector<32x1024xf32>
    %lt3A_1515 = arith.cmpi slt, %select_n3A_1490, %select_n3A_1512 : vector<32x1024xi32>
    %and3A_1516 = arith.andi %eq3A_1514, %lt3A_1515 : vector<32x1024xi1>
    %or3A_1517 = arith.ori %gt3A_1513, %and3A_1516 : vector<32x1024xi1>
    %xor3A_1518 = arith.xori %or3A_1517, %ne3A_1496 : vector<32x1024xi1>
    %eq3A_1519 = arith.xori %xor3A_1518, %eq3A_1502 : vector<32x1024xi1>
    %eq3A_1520 = arith.constant dense<true> : vector<32x1024xi1>
    %eq3A_1521 = arith.xori %eq3A_1519, %eq3A_1520 : vector<32x1024xi1>
    %select_n3A_1522 = arith.select %eq3A_1521, %select_n3A_1489, %select_n3A_1507 : vector<32x1024xi1>, vector<32x1024xf32>
    %select_n3A_1523 = arith.select %eq3A_1521, %select_n3A_1490, %select_n3A_1512 : vector<32x1024xi1>, vector<32x1024xi32>
    %and3A_1524 = arith.constant 256 : i32
    %and3A_1525 = vector.broadcast %and3A_1524 : i32 to vector<32x1024xi32>
    %and3A_1526 = arith.andi %add3A, %and3A_1525 : vector<32x1024xi32>
    %ne3A_1527 = arith.constant 0 : i32
    %ne3A_1528 = vector.broadcast %ne3A_1527 : i32 to vector<32x1024xi32>
    %ne3A_1529 = arith.cmpi ne, %and3A_1526, %ne3A_1528 : vector<32x1024xi32>
    %and3A_1530 = arith.constant 1024 : i32
    %and3A_1531 = vector.broadcast %and3A_1530 : i32 to vector<32x1024xi32>
    %and3A_1532 = arith.andi %add3A, %and3A_1531 : vector<32x1024xi32>
    %eq3A_1533 = arith.constant 0 : i32
    %eq3A_1534 = vector.broadcast %eq3A_1533 : i32 to vector<32x1024xi32>
    %eq3A_1535 = arith.cmpi eq, %and3A_1532, %eq3A_1534 : vector<32x1024xi32>
    %roll3A_1536 = arith.constant 32 : i32
    %roll3A_1537 = tpu.dynamic_rotate %select_n3A_1522 by %roll3A_1536 dim 1 : vector<32x1024xf32>, i32 -> vector<32x1024xf32>
    %roll3A_1538 = arith.constant 992 : i32
    %roll3A_1539 = tpu.dynamic_rotate %select_n3A_1522 by %roll3A_1538 dim 1 : vector<32x1024xf32>, i32 -> vector<32x1024xf32>
    %select_n3A_1540 = arith.select %ne3A_1529, %roll3A_1537, %roll3A_1539 : vector<32x1024xi1>, vector<32x1024xf32>
    %roll3A_1541 = arith.constant 32 : i32
    %roll3A_1542 = tpu.dynamic_rotate %select_n3A_1523 by %roll3A_1541 dim 1 : vector<32x1024xi32>, i32 -> vector<32x1024xi32>
    %roll3A_1543 = arith.constant 992 : i32
    %roll3A_1544 = tpu.dynamic_rotate %select_n3A_1523 by %roll3A_1543 dim 1 : vector<32x1024xi32>, i32 -> vector<32x1024xi32>
    %select_n3A_1545 = arith.select %ne3A_1529, %roll3A_1542, %roll3A_1544 : vector<32x1024xi1>, vector<32x1024xi32>
    %gt3A_1546 = arith.cmpf ogt, %select_n3A_1522, %select_n3A_1540 : vector<32x1024xf32>
    %eq3A_1547 = arith.cmpf oeq, %select_n3A_1522, %select_n3A_1540 : vector<32x1024xf32>
    %lt3A_1548 = arith.cmpi slt, %select_n3A_1523, %select_n3A_1545 : vector<32x1024xi32>
    %and3A_1549 = arith.andi %eq3A_1547, %lt3A_1548 : vector<32x1024xi1>
    %or3A_1550 = arith.ori %gt3A_1546, %and3A_1549 : vector<32x1024xi1>
    %xor3A_1551 = arith.xori %or3A_1550, %ne3A_1529 : vector<32x1024xi1>
    %eq3A_1552 = arith.xori %xor3A_1551, %eq3A_1535 : vector<32x1024xi1>
    %eq3A_1553 = arith.constant dense<true> : vector<32x1024xi1>
    %eq3A_1554 = arith.xori %eq3A_1552, %eq3A_1553 : vector<32x1024xi1>
    %select_n3A_1555 = arith.select %eq3A_1554, %select_n3A_1522, %select_n3A_1540 : vector<32x1024xi1>, vector<32x1024xf32>
    %select_n3A_1556 = arith.select %eq3A_1554, %select_n3A_1523, %select_n3A_1545 : vector<32x1024xi1>, vector<32x1024xi32>
    %and3A_1557 = arith.constant 128 : i32
    %and3A_1558 = vector.broadcast %and3A_1557 : i32 to vector<32x1024xi32>
    %and3A_1559 = arith.andi %add3A, %and3A_1558 : vector<32x1024xi32>
    %ne3A_1560 = arith.constant 0 : i32
    %ne3A_1561 = vector.broadcast %ne3A_1560 : i32 to vector<32x1024xi32>
    %ne3A_1562 = arith.cmpi ne, %and3A_1559, %ne3A_1561 : vector<32x1024xi32>
    %and3A_1563 = arith.constant 1024 : i32
    %and3A_1564 = vector.broadcast %and3A_1563 : i32 to vector<32x1024xi32>
    %and3A_1565 = arith.andi %add3A, %and3A_1564 : vector<32x1024xi32>
    %eq3A_1566 = arith.constant 0 : i32
    %eq3A_1567 = vector.broadcast %eq3A_1566 : i32 to vector<32x1024xi32>
    %eq3A_1568 = arith.cmpi eq, %and3A_1565, %eq3A_1567 : vector<32x1024xi32>
    %roll3A_1569 = arith.constant 16 : i32
    %roll3A_1570 = tpu.dynamic_rotate %select_n3A_1555 by %roll3A_1569 dim 1 : vector<32x1024xf32>, i32 -> vector<32x1024xf32>
    %roll3A_1571 = arith.constant 1008 : i32
    %roll3A_1572 = tpu.dynamic_rotate %select_n3A_1555 by %roll3A_1571 dim 1 : vector<32x1024xf32>, i32 -> vector<32x1024xf32>
    %select_n3A_1573 = arith.select %ne3A_1562, %roll3A_1570, %roll3A_1572 : vector<32x1024xi1>, vector<32x1024xf32>
    %roll3A_1574 = arith.constant 16 : i32
    %roll3A_1575 = tpu.dynamic_rotate %select_n3A_1556 by %roll3A_1574 dim 1 : vector<32x1024xi32>, i32 -> vector<32x1024xi32>
    %roll3A_1576 = arith.constant 1008 : i32
    %roll3A_1577 = tpu.dynamic_rotate %select_n3A_1556 by %roll3A_1576 dim 1 : vector<32x1024xi32>, i32 -> vector<32x1024xi32>
    %select_n3A_1578 = arith.select %ne3A_1562, %roll3A_1575, %roll3A_1577 : vector<32x1024xi1>, vector<32x1024xi32>
    %gt3A_1579 = arith.cmpf ogt, %select_n3A_1555, %select_n3A_1573 : vector<32x1024xf32>
    %eq3A_1580 = arith.cmpf oeq, %select_n3A_1555, %select_n3A_1573 : vector<32x1024xf32>
    %lt3A_1581 = arith.cmpi slt, %select_n3A_1556, %select_n3A_1578 : vector<32x1024xi32>
    %and3A_1582 = arith.andi %eq3A_1580, %lt3A_1581 : vector<32x1024xi1>
    %or3A_1583 = arith.ori %gt3A_1579, %and3A_1582 : vector<32x1024xi1>
    %xor3A_1584 = arith.xori %or3A_1583, %ne3A_1562 : vector<32x1024xi1>
    %eq3A_1585 = arith.xori %xor3A_1584, %eq3A_1568 : vector<32x1024xi1>
    %eq3A_1586 = arith.constant dense<true> : vector<32x1024xi1>
    %eq3A_1587 = arith.xori %eq3A_1585, %eq3A_1586 : vector<32x1024xi1>
    %select_n3A_1588 = arith.select %eq3A_1587, %select_n3A_1555, %select_n3A_1573 : vector<32x1024xi1>, vector<32x1024xf32>
    %select_n3A_1589 = arith.select %eq3A_1587, %select_n3A_1556, %select_n3A_1578 : vector<32x1024xi1>, vector<32x1024xi32>
    %and3A_1590 = arith.constant 64 : i32
    %and3A_1591 = vector.broadcast %and3A_1590 : i32 to vector<32x1024xi32>
    %and3A_1592 = arith.andi %add3A, %and3A_1591 : vector<32x1024xi32>
    %ne3A_1593 = arith.constant 0 : i32
    %ne3A_1594 = vector.broadcast %ne3A_1593 : i32 to vector<32x1024xi32>
    %ne3A_1595 = arith.cmpi ne, %and3A_1592, %ne3A_1594 : vector<32x1024xi32>
    %and3A_1596 = arith.constant 1024 : i32
    %and3A_1597 = vector.broadcast %and3A_1596 : i32 to vector<32x1024xi32>
    %and3A_1598 = arith.andi %add3A, %and3A_1597 : vector<32x1024xi32>
    %eq3A_1599 = arith.constant 0 : i32
    %eq3A_1600 = vector.broadcast %eq3A_1599 : i32 to vector<32x1024xi32>
    %eq3A_1601 = arith.cmpi eq, %and3A_1598, %eq3A_1600 : vector<32x1024xi32>
    %roll3A_1602 = arith.constant 8 : i32
    %roll3A_1603 = tpu.dynamic_rotate %select_n3A_1588 by %roll3A_1602 dim 1 : vector<32x1024xf32>, i32 -> vector<32x1024xf32>
    %roll3A_1604 = arith.constant 1016 : i32
    %roll3A_1605 = tpu.dynamic_rotate %select_n3A_1588 by %roll3A_1604 dim 1 : vector<32x1024xf32>, i32 -> vector<32x1024xf32>
    %select_n3A_1606 = arith.select %ne3A_1595, %roll3A_1603, %roll3A_1605 : vector<32x1024xi1>, vector<32x1024xf32>
    %roll3A_1607 = arith.constant 8 : i32
    %roll3A_1608 = tpu.dynamic_rotate %select_n3A_1589 by %roll3A_1607 dim 1 : vector<32x1024xi32>, i32 -> vector<32x1024xi32>
    %roll3A_1609 = arith.constant 1016 : i32
    %roll3A_1610 = tpu.dynamic_rotate %select_n3A_1589 by %roll3A_1609 dim 1 : vector<32x1024xi32>, i32 -> vector<32x1024xi32>
    %select_n3A_1611 = arith.select %ne3A_1595, %roll3A_1608, %roll3A_1610 : vector<32x1024xi1>, vector<32x1024xi32>
    %gt3A_1612 = arith.cmpf ogt, %select_n3A_1588, %select_n3A_1606 : vector<32x1024xf32>
    %eq3A_1613 = arith.cmpf oeq, %select_n3A_1588, %select_n3A_1606 : vector<32x1024xf32>
    %lt3A_1614 = arith.cmpi slt, %select_n3A_1589, %select_n3A_1611 : vector<32x1024xi32>
    %and3A_1615 = arith.andi %eq3A_1613, %lt3A_1614 : vector<32x1024xi1>
    %or3A_1616 = arith.ori %gt3A_1612, %and3A_1615 : vector<32x1024xi1>
    %xor3A_1617 = arith.xori %or3A_1616, %ne3A_1595 : vector<32x1024xi1>
    %eq3A_1618 = arith.xori %xor3A_1617, %eq3A_1601 : vector<32x1024xi1>
    %eq3A_1619 = arith.constant dense<true> : vector<32x1024xi1>
    %eq3A_1620 = arith.xori %eq3A_1618, %eq3A_1619 : vector<32x1024xi1>
    %select_n3A_1621 = arith.select %eq3A_1620, %select_n3A_1588, %select_n3A_1606 : vector<32x1024xi1>, vector<32x1024xf32>
    %select_n3A_1622 = arith.select %eq3A_1620, %select_n3A_1589, %select_n3A_1611 : vector<32x1024xi1>, vector<32x1024xi32>
    %and3A_1623 = arith.constant 32 : i32
    %and3A_1624 = vector.broadcast %and3A_1623 : i32 to vector<32x1024xi32>
    %and3A_1625 = arith.andi %add3A, %and3A_1624 : vector<32x1024xi32>
    %ne3A_1626 = arith.constant 0 : i32
    %ne3A_1627 = vector.broadcast %ne3A_1626 : i32 to vector<32x1024xi32>
    %ne3A_1628 = arith.cmpi ne, %and3A_1625, %ne3A_1627 : vector<32x1024xi32>
    %and3A_1629 = arith.constant 1024 : i32
    %and3A_1630 = vector.broadcast %and3A_1629 : i32 to vector<32x1024xi32>
    %and3A_1631 = arith.andi %add3A, %and3A_1630 : vector<32x1024xi32>
    %eq3A_1632 = arith.constant 0 : i32
    %eq3A_1633 = vector.broadcast %eq3A_1632 : i32 to vector<32x1024xi32>
    %eq3A_1634 = arith.cmpi eq, %and3A_1631, %eq3A_1633 : vector<32x1024xi32>
    %roll3A_1635 = arith.constant 4 : i32
    %roll3A_1636 = tpu.dynamic_rotate %select_n3A_1621 by %roll3A_1635 dim 1 : vector<32x1024xf32>, i32 -> vector<32x1024xf32>
    %roll3A_1637 = arith.constant 1020 : i32
    %roll3A_1638 = tpu.dynamic_rotate %select_n3A_1621 by %roll3A_1637 dim 1 : vector<32x1024xf32>, i32 -> vector<32x1024xf32>
    %select_n3A_1639 = arith.select %ne3A_1628, %roll3A_1636, %roll3A_1638 : vector<32x1024xi1>, vector<32x1024xf32>
    %roll3A_1640 = arith.constant 4 : i32
    %roll3A_1641 = tpu.dynamic_rotate %select_n3A_1622 by %roll3A_1640 dim 1 : vector<32x1024xi32>, i32 -> vector<32x1024xi32>
    %roll3A_1642 = arith.constant 1020 : i32
    %roll3A_1643 = tpu.dynamic_rotate %select_n3A_1622 by %roll3A_1642 dim 1 : vector<32x1024xi32>, i32 -> vector<32x1024xi32>
    %select_n3A_1644 = arith.select %ne3A_1628, %roll3A_1641, %roll3A_1643 : vector<32x1024xi1>, vector<32x1024xi32>
    %gt3A_1645 = arith.cmpf ogt, %select_n3A_1621, %select_n3A_1639 : vector<32x1024xf32>
    %eq3A_1646 = arith.cmpf oeq, %select_n3A_1621, %select_n3A_1639 : vector<32x1024xf32>
    %lt3A_1647 = arith.cmpi slt, %select_n3A_1622, %select_n3A_1644 : vector<32x1024xi32>
    %and3A_1648 = arith.andi %eq3A_1646, %lt3A_1647 : vector<32x1024xi1>
    %or3A_1649 = arith.ori %gt3A_1645, %and3A_1648 : vector<32x1024xi1>
    %xor3A_1650 = arith.xori %or3A_1649, %ne3A_1628 : vector<32x1024xi1>
    %eq3A_1651 = arith.xori %xor3A_1650, %eq3A_1634 : vector<32x1024xi1>
    %eq3A_1652 = arith.constant dense<true> : vector<32x1024xi1>
    %eq3A_1653 = arith.xori %eq3A_1651, %eq3A_1652 : vector<32x1024xi1>
    %select_n3A_1654 = arith.select %eq3A_1653, %select_n3A_1621, %select_n3A_1639 : vector<32x1024xi1>, vector<32x1024xf32>
    %select_n3A_1655 = arith.select %eq3A_1653, %select_n3A_1622, %select_n3A_1644 : vector<32x1024xi1>, vector<32x1024xi32>
    %and3A_1656 = arith.constant 16 : i32
    %and3A_1657 = vector.broadcast %and3A_1656 : i32 to vector<32x1024xi32>
    %and3A_1658 = arith.andi %add3A, %and3A_1657 : vector<32x1024xi32>
    %ne3A_1659 = arith.constant 0 : i32
    %ne3A_1660 = vector.broadcast %ne3A_1659 : i32 to vector<32x1024xi32>
    %ne3A_1661 = arith.cmpi ne, %and3A_1658, %ne3A_1660 : vector<32x1024xi32>
    %and3A_1662 = arith.constant 1024 : i32
    %and3A_1663 = vector.broadcast %and3A_1662 : i32 to vector<32x1024xi32>
    %and3A_1664 = arith.andi %add3A, %and3A_1663 : vector<32x1024xi32>
    %eq3A_1665 = arith.constant 0 : i32
    %eq3A_1666 = vector.broadcast %eq3A_1665 : i32 to vector<32x1024xi32>
    %eq3A_1667 = arith.cmpi eq, %and3A_1664, %eq3A_1666 : vector<32x1024xi32>
    %roll3A_1668 = arith.constant 2 : i32
    %roll3A_1669 = tpu.dynamic_rotate %select_n3A_1654 by %roll3A_1668 dim 1 : vector<32x1024xf32>, i32 -> vector<32x1024xf32>
    %roll3A_1670 = arith.constant 1022 : i32
    %roll3A_1671 = tpu.dynamic_rotate %select_n3A_1654 by %roll3A_1670 dim 1 : vector<32x1024xf32>, i32 -> vector<32x1024xf32>
    %select_n3A_1672 = arith.select %ne3A_1661, %roll3A_1669, %roll3A_1671 : vector<32x1024xi1>, vector<32x1024xf32>
    %roll3A_1673 = arith.constant 2 : i32
    %roll3A_1674 = tpu.dynamic_rotate %select_n3A_1655 by %roll3A_1673 dim 1 : vector<32x1024xi32>, i32 -> vector<32x1024xi32>
    %roll3A_1675 = arith.constant 1022 : i32
    %roll3A_1676 = tpu.dynamic_rotate %select_n3A_1655 by %roll3A_1675 dim 1 : vector<32x1024xi32>, i32 -> vector<32x1024xi32>
    %select_n3A_1677 = arith.select %ne3A_1661, %roll3A_1674, %roll3A_1676 : vector<32x1024xi1>, vector<32x1024xi32>
    %gt3A_1678 = arith.cmpf ogt, %select_n3A_1654, %select_n3A_1672 : vector<32x1024xf32>
    %eq3A_1679 = arith.cmpf oeq, %select_n3A_1654, %select_n3A_1672 : vector<32x1024xf32>
    %lt3A_1680 = arith.cmpi slt, %select_n3A_1655, %select_n3A_1677 : vector<32x1024xi32>
    %and3A_1681 = arith.andi %eq3A_1679, %lt3A_1680 : vector<32x1024xi1>
    %or3A_1682 = arith.ori %gt3A_1678, %and3A_1681 : vector<32x1024xi1>
    %xor3A_1683 = arith.xori %or3A_1682, %ne3A_1661 : vector<32x1024xi1>
    %eq3A_1684 = arith.xori %xor3A_1683, %eq3A_1667 : vector<32x1024xi1>
    %eq3A_1685 = arith.constant dense<true> : vector<32x1024xi1>
    %eq3A_1686 = arith.xori %eq3A_1684, %eq3A_1685 : vector<32x1024xi1>
    %select_n3A_1687 = arith.select %eq3A_1686, %select_n3A_1654, %select_n3A_1672 : vector<32x1024xi1>, vector<32x1024xf32>
    %select_n3A_1688 = arith.select %eq3A_1686, %select_n3A_1655, %select_n3A_1677 : vector<32x1024xi1>, vector<32x1024xi32>
    %and3A_1689 = arith.constant 8 : i32
    %and3A_1690 = vector.broadcast %and3A_1689 : i32 to vector<32x1024xi32>
    %and3A_1691 = arith.andi %add3A, %and3A_1690 : vector<32x1024xi32>
    %ne3A_1692 = arith.constant 0 : i32
    %ne3A_1693 = vector.broadcast %ne3A_1692 : i32 to vector<32x1024xi32>
    %ne3A_1694 = arith.cmpi ne, %and3A_1691, %ne3A_1693 : vector<32x1024xi32>
    %and3A_1695 = arith.constant 1024 : i32
    %and3A_1696 = vector.broadcast %and3A_1695 : i32 to vector<32x1024xi32>
    %and3A_1697 = arith.andi %add3A, %and3A_1696 : vector<32x1024xi32>
    %eq3A_1698 = arith.constant 0 : i32
    %eq3A_1699 = vector.broadcast %eq3A_1698 : i32 to vector<32x1024xi32>
    %eq3A_1700 = arith.cmpi eq, %and3A_1697, %eq3A_1699 : vector<32x1024xi32>
    %roll3A_1701 = arith.constant 1 : i32
    %roll3A_1702 = tpu.dynamic_rotate %select_n3A_1687 by %roll3A_1701 dim 1 : vector<32x1024xf32>, i32 -> vector<32x1024xf32>
    %roll3A_1703 = arith.constant 1023 : i32
    %roll3A_1704 = tpu.dynamic_rotate %select_n3A_1687 by %roll3A_1703 dim 1 : vector<32x1024xf32>, i32 -> vector<32x1024xf32>
    %select_n3A_1705 = arith.select %ne3A_1694, %roll3A_1702, %roll3A_1704 : vector<32x1024xi1>, vector<32x1024xf32>
    %roll3A_1706 = arith.constant 1 : i32
    %roll3A_1707 = tpu.dynamic_rotate %select_n3A_1688 by %roll3A_1706 dim 1 : vector<32x1024xi32>, i32 -> vector<32x1024xi32>
    %roll3A_1708 = arith.constant 1023 : i32
    %roll3A_1709 = tpu.dynamic_rotate %select_n3A_1688 by %roll3A_1708 dim 1 : vector<32x1024xi32>, i32 -> vector<32x1024xi32>
    %select_n3A_1710 = arith.select %ne3A_1694, %roll3A_1707, %roll3A_1709 : vector<32x1024xi1>, vector<32x1024xi32>
    %gt3A_1711 = arith.cmpf ogt, %select_n3A_1687, %select_n3A_1705 : vector<32x1024xf32>
    %eq3A_1712 = arith.cmpf oeq, %select_n3A_1687, %select_n3A_1705 : vector<32x1024xf32>
    %lt3A_1713 = arith.cmpi slt, %select_n3A_1688, %select_n3A_1710 : vector<32x1024xi32>
    %and3A_1714 = arith.andi %eq3A_1712, %lt3A_1713 : vector<32x1024xi1>
    %or3A_1715 = arith.ori %gt3A_1711, %and3A_1714 : vector<32x1024xi1>
    %xor3A_1716 = arith.xori %or3A_1715, %ne3A_1694 : vector<32x1024xi1>
    %eq3A_1717 = arith.xori %xor3A_1716, %eq3A_1700 : vector<32x1024xi1>
    %eq3A_1718 = arith.constant dense<true> : vector<32x1024xi1>
    %eq3A_1719 = arith.xori %eq3A_1717, %eq3A_1718 : vector<32x1024xi1>
    %select_n3A_1720 = arith.select %eq3A_1719, %select_n3A_1687, %select_n3A_1705 : vector<32x1024xi1>, vector<32x1024xf32>
    %select_n3A_1721 = arith.select %eq3A_1719, %select_n3A_1688, %select_n3A_1710 : vector<32x1024xi1>, vector<32x1024xi32>
    %and3A_1722 = arith.constant 4 : i32
    %and3A_1723 = vector.broadcast %and3A_1722 : i32 to vector<32x1024xi32>
    %and3A_1724 = arith.andi %add3A, %and3A_1723 : vector<32x1024xi32>
    %ne3A_1725 = arith.constant 0 : i32
    %ne3A_1726 = vector.broadcast %ne3A_1725 : i32 to vector<32x1024xi32>
    %ne3A_1727 = arith.cmpi ne, %and3A_1724, %ne3A_1726 : vector<32x1024xi32>
    %and3A_1728 = arith.constant 1024 : i32
    %and3A_1729 = vector.broadcast %and3A_1728 : i32 to vector<32x1024xi32>
    %and3A_1730 = arith.andi %add3A, %and3A_1729 : vector<32x1024xi32>
    %eq3A_1731 = arith.constant 0 : i32
    %eq3A_1732 = vector.broadcast %eq3A_1731 : i32 to vector<32x1024xi32>
    %eq3A_1733 = arith.cmpi eq, %and3A_1730, %eq3A_1732 : vector<32x1024xi32>
    %roll3A_1734 = arith.constant 4 : i32
    %roll3A_1735 = tpu.dynamic_rotate %select_n3A_1720 by %roll3A_1734 dim 0 : vector<32x1024xf32>, i32 -> vector<32x1024xf32>
    %roll3A_1736 = arith.constant 28 : i32
    %roll3A_1737 = tpu.dynamic_rotate %select_n3A_1720 by %roll3A_1736 dim 0 : vector<32x1024xf32>, i32 -> vector<32x1024xf32>
    %select_n3A_1738 = arith.select %ne3A_1727, %roll3A_1735, %roll3A_1737 : vector<32x1024xi1>, vector<32x1024xf32>
    %roll3A_1739 = arith.constant 4 : i32
    %roll3A_1740 = tpu.dynamic_rotate %select_n3A_1721 by %roll3A_1739 dim 0 : vector<32x1024xi32>, i32 -> vector<32x1024xi32>
    %roll3A_1741 = arith.constant 28 : i32
    %roll3A_1742 = tpu.dynamic_rotate %select_n3A_1721 by %roll3A_1741 dim 0 : vector<32x1024xi32>, i32 -> vector<32x1024xi32>
    %select_n3A_1743 = arith.select %ne3A_1727, %roll3A_1740, %roll3A_1742 : vector<32x1024xi1>, vector<32x1024xi32>
    %gt3A_1744 = arith.cmpf ogt, %select_n3A_1720, %select_n3A_1738 : vector<32x1024xf32>
    %eq3A_1745 = arith.cmpf oeq, %select_n3A_1720, %select_n3A_1738 : vector<32x1024xf32>
    %lt3A_1746 = arith.cmpi slt, %select_n3A_1721, %select_n3A_1743 : vector<32x1024xi32>
    %and3A_1747 = arith.andi %eq3A_1745, %lt3A_1746 : vector<32x1024xi1>
    %or3A_1748 = arith.ori %gt3A_1744, %and3A_1747 : vector<32x1024xi1>
    %xor3A_1749 = arith.xori %or3A_1748, %ne3A_1727 : vector<32x1024xi1>
    %eq3A_1750 = arith.xori %xor3A_1749, %eq3A_1733 : vector<32x1024xi1>
    %eq3A_1751 = arith.constant dense<true> : vector<32x1024xi1>
    %eq3A_1752 = arith.xori %eq3A_1750, %eq3A_1751 : vector<32x1024xi1>
    %select_n3A_1753 = arith.select %eq3A_1752, %select_n3A_1720, %select_n3A_1738 : vector<32x1024xi1>, vector<32x1024xf32>
    %select_n3A_1754 = arith.select %eq3A_1752, %select_n3A_1721, %select_n3A_1743 : vector<32x1024xi1>, vector<32x1024xi32>
    %and3A_1755 = arith.constant 2 : i32
    %and3A_1756 = vector.broadcast %and3A_1755 : i32 to vector<32x1024xi32>
    %and3A_1757 = arith.andi %add3A, %and3A_1756 : vector<32x1024xi32>
    %ne3A_1758 = arith.constant 0 : i32
    %ne3A_1759 = vector.broadcast %ne3A_1758 : i32 to vector<32x1024xi32>
    %ne3A_1760 = arith.cmpi ne, %and3A_1757, %ne3A_1759 : vector<32x1024xi32>
    %and3A_1761 = arith.constant 1024 : i32
    %and3A_1762 = vector.broadcast %and3A_1761 : i32 to vector<32x1024xi32>
    %and3A_1763 = arith.andi %add3A, %and3A_1762 : vector<32x1024xi32>
    %eq3A_1764 = arith.constant 0 : i32
    %eq3A_1765 = vector.broadcast %eq3A_1764 : i32 to vector<32x1024xi32>
    %eq3A_1766 = arith.cmpi eq, %and3A_1763, %eq3A_1765 : vector<32x1024xi32>
    %roll3A_1767 = arith.constant 2 : i32
    %roll3A_1768 = tpu.dynamic_rotate %select_n3A_1753 by %roll3A_1767 dim 0 : vector<32x1024xf32>, i32 -> vector<32x1024xf32>
    %roll3A_1769 = arith.constant 30 : i32
    %roll3A_1770 = tpu.dynamic_rotate %select_n3A_1753 by %roll3A_1769 dim 0 : vector<32x1024xf32>, i32 -> vector<32x1024xf32>
    %select_n3A_1771 = arith.select %ne3A_1760, %roll3A_1768, %roll3A_1770 : vector<32x1024xi1>, vector<32x1024xf32>
    %roll3A_1772 = arith.constant 2 : i32
    %roll3A_1773 = tpu.dynamic_rotate %select_n3A_1754 by %roll3A_1772 dim 0 : vector<32x1024xi32>, i32 -> vector<32x1024xi32>
    %roll3A_1774 = arith.constant 30 : i32
    %roll3A_1775 = tpu.dynamic_rotate %select_n3A_1754 by %roll3A_1774 dim 0 : vector<32x1024xi32>, i32 -> vector<32x1024xi32>
    %select_n3A_1776 = arith.select %ne3A_1760, %roll3A_1773, %roll3A_1775 : vector<32x1024xi1>, vector<32x1024xi32>
    %gt3A_1777 = arith.cmpf ogt, %select_n3A_1753, %select_n3A_1771 : vector<32x1024xf32>
    %eq3A_1778 = arith.cmpf oeq, %select_n3A_1753, %select_n3A_1771 : vector<32x1024xf32>
    %lt3A_1779 = arith.cmpi slt, %select_n3A_1754, %select_n3A_1776 : vector<32x1024xi32>
    %and3A_1780 = arith.andi %eq3A_1778, %lt3A_1779 : vector<32x1024xi1>
    %or3A_1781 = arith.ori %gt3A_1777, %and3A_1780 : vector<32x1024xi1>
    %xor3A_1782 = arith.xori %or3A_1781, %ne3A_1760 : vector<32x1024xi1>
    %eq3A_1783 = arith.xori %xor3A_1782, %eq3A_1766 : vector<32x1024xi1>
    %eq3A_1784 = arith.constant dense<true> : vector<32x1024xi1>
    %eq3A_1785 = arith.xori %eq3A_1783, %eq3A_1784 : vector<32x1024xi1>
    %select_n3A_1786 = arith.select %eq3A_1785, %select_n3A_1753, %select_n3A_1771 : vector<32x1024xi1>, vector<32x1024xf32>
    %select_n3A_1787 = arith.select %eq3A_1785, %select_n3A_1754, %select_n3A_1776 : vector<32x1024xi1>, vector<32x1024xi32>
    %and3A_1788 = arith.constant 1 : i32
    %and3A_1789 = vector.broadcast %and3A_1788 : i32 to vector<32x1024xi32>
    %and3A_1790 = arith.andi %add3A, %and3A_1789 : vector<32x1024xi32>
    %ne3A_1791 = arith.constant 0 : i32
    %ne3A_1792 = vector.broadcast %ne3A_1791 : i32 to vector<32x1024xi32>
    %ne3A_1793 = arith.cmpi ne, %and3A_1790, %ne3A_1792 : vector<32x1024xi32>
    %and3A_1794 = arith.constant 1024 : i32
    %and3A_1795 = vector.broadcast %and3A_1794 : i32 to vector<32x1024xi32>
    %and3A_1796 = arith.andi %add3A, %and3A_1795 : vector<32x1024xi32>
    %eq3A_1797 = arith.constant 0 : i32
    %eq3A_1798 = vector.broadcast %eq3A_1797 : i32 to vector<32x1024xi32>
    %eq3A_1799 = arith.cmpi eq, %and3A_1796, %eq3A_1798 : vector<32x1024xi32>
    %roll3A_1800 = arith.constant 1 : i32
    %roll3A_1801 = tpu.dynamic_rotate %select_n3A_1786 by %roll3A_1800 dim 0 : vector<32x1024xf32>, i32 -> vector<32x1024xf32>
    %roll3A_1802 = arith.constant 31 : i32
    %roll3A_1803 = tpu.dynamic_rotate %select_n3A_1786 by %roll3A_1802 dim 0 : vector<32x1024xf32>, i32 -> vector<32x1024xf32>
    %select_n3A_1804 = arith.select %ne3A_1793, %roll3A_1801, %roll3A_1803 : vector<32x1024xi1>, vector<32x1024xf32>
    %roll3A_1805 = arith.constant 1 : i32
    %roll3A_1806 = tpu.dynamic_rotate %select_n3A_1787 by %roll3A_1805 dim 0 : vector<32x1024xi32>, i32 -> vector<32x1024xi32>
    %roll3A_1807 = arith.constant 31 : i32
    %roll3A_1808 = tpu.dynamic_rotate %select_n3A_1787 by %roll3A_1807 dim 0 : vector<32x1024xi32>, i32 -> vector<32x1024xi32>
    %select_n3A_1809 = arith.select %ne3A_1793, %roll3A_1806, %roll3A_1808 : vector<32x1024xi1>, vector<32x1024xi32>
    %gt3A_1810 = arith.cmpf ogt, %select_n3A_1786, %select_n3A_1804 : vector<32x1024xf32>
    %eq3A_1811 = arith.cmpf oeq, %select_n3A_1786, %select_n3A_1804 : vector<32x1024xf32>
    %lt3A_1812 = arith.cmpi slt, %select_n3A_1787, %select_n3A_1809 : vector<32x1024xi32>
    %and3A_1813 = arith.andi %eq3A_1811, %lt3A_1812 : vector<32x1024xi1>
    %or3A_1814 = arith.ori %gt3A_1810, %and3A_1813 : vector<32x1024xi1>
    %xor3A_1815 = arith.xori %or3A_1814, %ne3A_1793 : vector<32x1024xi1>
    %eq3A_1816 = arith.xori %xor3A_1815, %eq3A_1799 : vector<32x1024xi1>
    %eq3A_1817 = arith.constant dense<true> : vector<32x1024xi1>
    %eq3A_1818 = arith.xori %eq3A_1816, %eq3A_1817 : vector<32x1024xi1>
    %select_n3A_1819 = arith.select %eq3A_1818, %select_n3A_1786, %select_n3A_1804 : vector<32x1024xi1>, vector<32x1024xf32>
    %select_n3A_1820 = arith.select %eq3A_1818, %select_n3A_1787, %select_n3A_1809 : vector<32x1024xi1>, vector<32x1024xi32>
    %and3A_1821 = arith.constant 1024 : i32
    %and3A_1822 = vector.broadcast %and3A_1821 : i32 to vector<32x1024xi32>
    %and3A_1823 = arith.andi %add3A, %and3A_1822 : vector<32x1024xi32>
    %ne3A_1824 = arith.constant 0 : i32
    %ne3A_1825 = vector.broadcast %ne3A_1824 : i32 to vector<32x1024xi32>
    %ne3A_1826 = arith.cmpi ne, %and3A_1823, %ne3A_1825 : vector<32x1024xi32>
    %and3A_1827 = arith.constant 2048 : i32
    %and3A_1828 = vector.broadcast %and3A_1827 : i32 to vector<32x1024xi32>
    %and3A_1829 = arith.andi %add3A, %and3A_1828 : vector<32x1024xi32>
    %eq3A_1830 = arith.constant 0 : i32
    %eq3A_1831 = vector.broadcast %eq3A_1830 : i32 to vector<32x1024xi32>
    %eq3A_1832 = arith.cmpi eq, %and3A_1829, %eq3A_1831 : vector<32x1024xi32>
    %roll3A_1833 = arith.constant 128 : i32
    %roll3A_1834 = tpu.dynamic_rotate %select_n3A_1819 by %roll3A_1833 dim 1 : vector<32x1024xf32>, i32 -> vector<32x1024xf32>
    %roll3A_1835 = arith.constant 896 : i32
    %roll3A_1836 = tpu.dynamic_rotate %select_n3A_1819 by %roll3A_1835 dim 1 : vector<32x1024xf32>, i32 -> vector<32x1024xf32>
    %select_n3A_1837 = arith.select %ne3A_1826, %roll3A_1834, %roll3A_1836 : vector<32x1024xi1>, vector<32x1024xf32>
    %roll3A_1838 = arith.constant 128 : i32
    %roll3A_1839 = tpu.dynamic_rotate %select_n3A_1820 by %roll3A_1838 dim 1 : vector<32x1024xi32>, i32 -> vector<32x1024xi32>
    %roll3A_1840 = arith.constant 896 : i32
    %roll3A_1841 = tpu.dynamic_rotate %select_n3A_1820 by %roll3A_1840 dim 1 : vector<32x1024xi32>, i32 -> vector<32x1024xi32>
    %select_n3A_1842 = arith.select %ne3A_1826, %roll3A_1839, %roll3A_1841 : vector<32x1024xi1>, vector<32x1024xi32>
    %gt3A_1843 = arith.cmpf ogt, %select_n3A_1819, %select_n3A_1837 : vector<32x1024xf32>
    %eq3A_1844 = arith.cmpf oeq, %select_n3A_1819, %select_n3A_1837 : vector<32x1024xf32>
    %lt3A_1845 = arith.cmpi slt, %select_n3A_1820, %select_n3A_1842 : vector<32x1024xi32>
    %and3A_1846 = arith.andi %eq3A_1844, %lt3A_1845 : vector<32x1024xi1>
    %or3A_1847 = arith.ori %gt3A_1843, %and3A_1846 : vector<32x1024xi1>
    %xor3A_1848 = arith.xori %or3A_1847, %ne3A_1826 : vector<32x1024xi1>
    %eq3A_1849 = arith.xori %xor3A_1848, %eq3A_1832 : vector<32x1024xi1>
    %eq3A_1850 = arith.constant dense<true> : vector<32x1024xi1>
    %eq3A_1851 = arith.xori %eq3A_1849, %eq3A_1850 : vector<32x1024xi1>
    %select_n3A_1852 = arith.select %eq3A_1851, %select_n3A_1819, %select_n3A_1837 : vector<32x1024xi1>, vector<32x1024xf32>
    %select_n3A_1853 = arith.select %eq3A_1851, %select_n3A_1820, %select_n3A_1842 : vector<32x1024xi1>, vector<32x1024xi32>
    %and3A_1854 = arith.constant 512 : i32
    %and3A_1855 = vector.broadcast %and3A_1854 : i32 to vector<32x1024xi32>
    %and3A_1856 = arith.andi %add3A, %and3A_1855 : vector<32x1024xi32>
    %ne3A_1857 = arith.constant 0 : i32
    %ne3A_1858 = vector.broadcast %ne3A_1857 : i32 to vector<32x1024xi32>
    %ne3A_1859 = arith.cmpi ne, %and3A_1856, %ne3A_1858 : vector<32x1024xi32>
    %and3A_1860 = arith.constant 2048 : i32
    %and3A_1861 = vector.broadcast %and3A_1860 : i32 to vector<32x1024xi32>
    %and3A_1862 = arith.andi %add3A, %and3A_1861 : vector<32x1024xi32>
    %eq3A_1863 = arith.constant 0 : i32
    %eq3A_1864 = vector.broadcast %eq3A_1863 : i32 to vector<32x1024xi32>
    %eq3A_1865 = arith.cmpi eq, %and3A_1862, %eq3A_1864 : vector<32x1024xi32>
    %roll3A_1866 = arith.constant 64 : i32
    %roll3A_1867 = tpu.dynamic_rotate %select_n3A_1852 by %roll3A_1866 dim 1 : vector<32x1024xf32>, i32 -> vector<32x1024xf32>
    %roll3A_1868 = arith.constant 960 : i32
    %roll3A_1869 = tpu.dynamic_rotate %select_n3A_1852 by %roll3A_1868 dim 1 : vector<32x1024xf32>, i32 -> vector<32x1024xf32>
    %select_n3A_1870 = arith.select %ne3A_1859, %roll3A_1867, %roll3A_1869 : vector<32x1024xi1>, vector<32x1024xf32>
    %roll3A_1871 = arith.constant 64 : i32
    %roll3A_1872 = tpu.dynamic_rotate %select_n3A_1853 by %roll3A_1871 dim 1 : vector<32x1024xi32>, i32 -> vector<32x1024xi32>
    %roll3A_1873 = arith.constant 960 : i32
    %roll3A_1874 = tpu.dynamic_rotate %select_n3A_1853 by %roll3A_1873 dim 1 : vector<32x1024xi32>, i32 -> vector<32x1024xi32>
    %select_n3A_1875 = arith.select %ne3A_1859, %roll3A_1872, %roll3A_1874 : vector<32x1024xi1>, vector<32x1024xi32>
    %gt3A_1876 = arith.cmpf ogt, %select_n3A_1852, %select_n3A_1870 : vector<32x1024xf32>
    %eq3A_1877 = arith.cmpf oeq, %select_n3A_1852, %select_n3A_1870 : vector<32x1024xf32>
    %lt3A_1878 = arith.cmpi slt, %select_n3A_1853, %select_n3A_1875 : vector<32x1024xi32>
    %and3A_1879 = arith.andi %eq3A_1877, %lt3A_1878 : vector<32x1024xi1>
    %or3A_1880 = arith.ori %gt3A_1876, %and3A_1879 : vector<32x1024xi1>
    %xor3A_1881 = arith.xori %or3A_1880, %ne3A_1859 : vector<32x1024xi1>
    %eq3A_1882 = arith.xori %xor3A_1881, %eq3A_1865 : vector<32x1024xi1>
    %eq3A_1883 = arith.constant dense<true> : vector<32x1024xi1>
    %eq3A_1884 = arith.xori %eq3A_1882, %eq3A_1883 : vector<32x1024xi1>
    %select_n3A_1885 = arith.select %eq3A_1884, %select_n3A_1852, %select_n3A_1870 : vector<32x1024xi1>, vector<32x1024xf32>
    %select_n3A_1886 = arith.select %eq3A_1884, %select_n3A_1853, %select_n3A_1875 : vector<32x1024xi1>, vector<32x1024xi32>
    %and3A_1887 = arith.constant 256 : i32
    %and3A_1888 = vector.broadcast %and3A_1887 : i32 to vector<32x1024xi32>
    %and3A_1889 = arith.andi %add3A, %and3A_1888 : vector<32x1024xi32>
    %ne3A_1890 = arith.constant 0 : i32
    %ne3A_1891 = vector.broadcast %ne3A_1890 : i32 to vector<32x1024xi32>
    %ne3A_1892 = arith.cmpi ne, %and3A_1889, %ne3A_1891 : vector<32x1024xi32>
    %and3A_1893 = arith.constant 2048 : i32
    %and3A_1894 = vector.broadcast %and3A_1893 : i32 to vector<32x1024xi32>
    %and3A_1895 = arith.andi %add3A, %and3A_1894 : vector<32x1024xi32>
    %eq3A_1896 = arith.constant 0 : i32
    %eq3A_1897 = vector.broadcast %eq3A_1896 : i32 to vector<32x1024xi32>
    %eq3A_1898 = arith.cmpi eq, %and3A_1895, %eq3A_1897 : vector<32x1024xi32>
    %roll3A_1899 = arith.constant 32 : i32
    %roll3A_1900 = tpu.dynamic_rotate %select_n3A_1885 by %roll3A_1899 dim 1 : vector<32x1024xf32>, i32 -> vector<32x1024xf32>
    %roll3A_1901 = arith.constant 992 : i32
    %roll3A_1902 = tpu.dynamic_rotate %select_n3A_1885 by %roll3A_1901 dim 1 : vector<32x1024xf32>, i32 -> vector<32x1024xf32>
    %select_n3A_1903 = arith.select %ne3A_1892, %roll3A_1900, %roll3A_1902 : vector<32x1024xi1>, vector<32x1024xf32>
    %roll3A_1904 = arith.constant 32 : i32
    %roll3A_1905 = tpu.dynamic_rotate %select_n3A_1886 by %roll3A_1904 dim 1 : vector<32x1024xi32>, i32 -> vector<32x1024xi32>
    %roll3A_1906 = arith.constant 992 : i32
    %roll3A_1907 = tpu.dynamic_rotate %select_n3A_1886 by %roll3A_1906 dim 1 : vector<32x1024xi32>, i32 -> vector<32x1024xi32>
    %select_n3A_1908 = arith.select %ne3A_1892, %roll3A_1905, %roll3A_1907 : vector<32x1024xi1>, vector<32x1024xi32>
    %gt3A_1909 = arith.cmpf ogt, %select_n3A_1885, %select_n3A_1903 : vector<32x1024xf32>
    %eq3A_1910 = arith.cmpf oeq, %select_n3A_1885, %select_n3A_1903 : vector<32x1024xf32>
    %lt3A_1911 = arith.cmpi slt, %select_n3A_1886, %select_n3A_1908 : vector<32x1024xi32>
    %and3A_1912 = arith.andi %eq3A_1910, %lt3A_1911 : vector<32x1024xi1>
    %or3A_1913 = arith.ori %gt3A_1909, %and3A_1912 : vector<32x1024xi1>
    %xor3A_1914 = arith.xori %or3A_1913, %ne3A_1892 : vector<32x1024xi1>
    %eq3A_1915 = arith.xori %xor3A_1914, %eq3A_1898 : vector<32x1024xi1>
    %eq3A_1916 = arith.constant dense<true> : vector<32x1024xi1>
    %eq3A_1917 = arith.xori %eq3A_1915, %eq3A_1916 : vector<32x1024xi1>
    %select_n3A_1918 = arith.select %eq3A_1917, %select_n3A_1885, %select_n3A_1903 : vector<32x1024xi1>, vector<32x1024xf32>
    %select_n3A_1919 = arith.select %eq3A_1917, %select_n3A_1886, %select_n3A_1908 : vector<32x1024xi1>, vector<32x1024xi32>
    %and3A_1920 = arith.constant 128 : i32
    %and3A_1921 = vector.broadcast %and3A_1920 : i32 to vector<32x1024xi32>
    %and3A_1922 = arith.andi %add3A, %and3A_1921 : vector<32x1024xi32>
    %ne3A_1923 = arith.constant 0 : i32
    %ne3A_1924 = vector.broadcast %ne3A_1923 : i32 to vector<32x1024xi32>
    %ne3A_1925 = arith.cmpi ne, %and3A_1922, %ne3A_1924 : vector<32x1024xi32>
    %and3A_1926 = arith.constant 2048 : i32
    %and3A_1927 = vector.broadcast %and3A_1926 : i32 to vector<32x1024xi32>
    %and3A_1928 = arith.andi %add3A, %and3A_1927 : vector<32x1024xi32>
    %eq3A_1929 = arith.constant 0 : i32
    %eq3A_1930 = vector.broadcast %eq3A_1929 : i32 to vector<32x1024xi32>
    %eq3A_1931 = arith.cmpi eq, %and3A_1928, %eq3A_1930 : vector<32x1024xi32>
    %roll3A_1932 = arith.constant 16 : i32
    %roll3A_1933 = tpu.dynamic_rotate %select_n3A_1918 by %roll3A_1932 dim 1 : vector<32x1024xf32>, i32 -> vector<32x1024xf32>
    %roll3A_1934 = arith.constant 1008 : i32
    %roll3A_1935 = tpu.dynamic_rotate %select_n3A_1918 by %roll3A_1934 dim 1 : vector<32x1024xf32>, i32 -> vector<32x1024xf32>
    %select_n3A_1936 = arith.select %ne3A_1925, %roll3A_1933, %roll3A_1935 : vector<32x1024xi1>, vector<32x1024xf32>
    %roll3A_1937 = arith.constant 16 : i32
    %roll3A_1938 = tpu.dynamic_rotate %select_n3A_1919 by %roll3A_1937 dim 1 : vector<32x1024xi32>, i32 -> vector<32x1024xi32>
    %roll3A_1939 = arith.constant 1008 : i32
    %roll3A_1940 = tpu.dynamic_rotate %select_n3A_1919 by %roll3A_1939 dim 1 : vector<32x1024xi32>, i32 -> vector<32x1024xi32>
    %select_n3A_1941 = arith.select %ne3A_1925, %roll3A_1938, %roll3A_1940 : vector<32x1024xi1>, vector<32x1024xi32>
    %gt3A_1942 = arith.cmpf ogt, %select_n3A_1918, %select_n3A_1936 : vector<32x1024xf32>
    %eq3A_1943 = arith.cmpf oeq, %select_n3A_1918, %select_n3A_1936 : vector<32x1024xf32>
    %lt3A_1944 = arith.cmpi slt, %select_n3A_1919, %select_n3A_1941 : vector<32x1024xi32>
    %and3A_1945 = arith.andi %eq3A_1943, %lt3A_1944 : vector<32x1024xi1>
    %or3A_1946 = arith.ori %gt3A_1942, %and3A_1945 : vector<32x1024xi1>
    %xor3A_1947 = arith.xori %or3A_1946, %ne3A_1925 : vector<32x1024xi1>
    %eq3A_1948 = arith.xori %xor3A_1947, %eq3A_1931 : vector<32x1024xi1>
    %eq3A_1949 = arith.constant dense<true> : vector<32x1024xi1>
    %eq3A_1950 = arith.xori %eq3A_1948, %eq3A_1949 : vector<32x1024xi1>
    %select_n3A_1951 = arith.select %eq3A_1950, %select_n3A_1918, %select_n3A_1936 : vector<32x1024xi1>, vector<32x1024xf32>
    %select_n3A_1952 = arith.select %eq3A_1950, %select_n3A_1919, %select_n3A_1941 : vector<32x1024xi1>, vector<32x1024xi32>
    %and3A_1953 = arith.constant 64 : i32
    %and3A_1954 = vector.broadcast %and3A_1953 : i32 to vector<32x1024xi32>
    %and3A_1955 = arith.andi %add3A, %and3A_1954 : vector<32x1024xi32>
    %ne3A_1956 = arith.constant 0 : i32
    %ne3A_1957 = vector.broadcast %ne3A_1956 : i32 to vector<32x1024xi32>
    %ne3A_1958 = arith.cmpi ne, %and3A_1955, %ne3A_1957 : vector<32x1024xi32>
    %and3A_1959 = arith.constant 2048 : i32
    %and3A_1960 = vector.broadcast %and3A_1959 : i32 to vector<32x1024xi32>
    %and3A_1961 = arith.andi %add3A, %and3A_1960 : vector<32x1024xi32>
    %eq3A_1962 = arith.constant 0 : i32
    %eq3A_1963 = vector.broadcast %eq3A_1962 : i32 to vector<32x1024xi32>
    %eq3A_1964 = arith.cmpi eq, %and3A_1961, %eq3A_1963 : vector<32x1024xi32>
    %roll3A_1965 = arith.constant 8 : i32
    %roll3A_1966 = tpu.dynamic_rotate %select_n3A_1951 by %roll3A_1965 dim 1 : vector<32x1024xf32>, i32 -> vector<32x1024xf32>
    %roll3A_1967 = arith.constant 1016 : i32
    %roll3A_1968 = tpu.dynamic_rotate %select_n3A_1951 by %roll3A_1967 dim 1 : vector<32x1024xf32>, i32 -> vector<32x1024xf32>
    %select_n3A_1969 = arith.select %ne3A_1958, %roll3A_1966, %roll3A_1968 : vector<32x1024xi1>, vector<32x1024xf32>
    %roll3A_1970 = arith.constant 8 : i32
    %roll3A_1971 = tpu.dynamic_rotate %select_n3A_1952 by %roll3A_1970 dim 1 : vector<32x1024xi32>, i32 -> vector<32x1024xi32>
    %roll3A_1972 = arith.constant 1016 : i32
    %roll3A_1973 = tpu.dynamic_rotate %select_n3A_1952 by %roll3A_1972 dim 1 : vector<32x1024xi32>, i32 -> vector<32x1024xi32>
    %select_n3A_1974 = arith.select %ne3A_1958, %roll3A_1971, %roll3A_1973 : vector<32x1024xi1>, vector<32x1024xi32>
    %gt3A_1975 = arith.cmpf ogt, %select_n3A_1951, %select_n3A_1969 : vector<32x1024xf32>
    %eq3A_1976 = arith.cmpf oeq, %select_n3A_1951, %select_n3A_1969 : vector<32x1024xf32>
    %lt3A_1977 = arith.cmpi slt, %select_n3A_1952, %select_n3A_1974 : vector<32x1024xi32>
    %and3A_1978 = arith.andi %eq3A_1976, %lt3A_1977 : vector<32x1024xi1>
    %or3A_1979 = arith.ori %gt3A_1975, %and3A_1978 : vector<32x1024xi1>
    %xor3A_1980 = arith.xori %or3A_1979, %ne3A_1958 : vector<32x1024xi1>
    %eq3A_1981 = arith.xori %xor3A_1980, %eq3A_1964 : vector<32x1024xi1>
    %eq3A_1982 = arith.constant dense<true> : vector<32x1024xi1>
    %eq3A_1983 = arith.xori %eq3A_1981, %eq3A_1982 : vector<32x1024xi1>
    %select_n3A_1984 = arith.select %eq3A_1983, %select_n3A_1951, %select_n3A_1969 : vector<32x1024xi1>, vector<32x1024xf32>
    %select_n3A_1985 = arith.select %eq3A_1983, %select_n3A_1952, %select_n3A_1974 : vector<32x1024xi1>, vector<32x1024xi32>
    %and3A_1986 = arith.constant 32 : i32
    %and3A_1987 = vector.broadcast %and3A_1986 : i32 to vector<32x1024xi32>
    %and3A_1988 = arith.andi %add3A, %and3A_1987 : vector<32x1024xi32>
    %ne3A_1989 = arith.constant 0 : i32
    %ne3A_1990 = vector.broadcast %ne3A_1989 : i32 to vector<32x1024xi32>
    %ne3A_1991 = arith.cmpi ne, %and3A_1988, %ne3A_1990 : vector<32x1024xi32>
    %and3A_1992 = arith.constant 2048 : i32
    %and3A_1993 = vector.broadcast %and3A_1992 : i32 to vector<32x1024xi32>
    %and3A_1994 = arith.andi %add3A, %and3A_1993 : vector<32x1024xi32>
    %eq3A_1995 = arith.constant 0 : i32
    %eq3A_1996 = vector.broadcast %eq3A_1995 : i32 to vector<32x1024xi32>
    %eq3A_1997 = arith.cmpi eq, %and3A_1994, %eq3A_1996 : vector<32x1024xi32>
    %roll3A_1998 = arith.constant 4 : i32
    %roll3A_1999 = tpu.dynamic_rotate %select_n3A_1984 by %roll3A_1998 dim 1 : vector<32x1024xf32>, i32 -> vector<32x1024xf32>
    %roll3A_2000 = arith.constant 1020 : i32
    %roll3A_2001 = tpu.dynamic_rotate %select_n3A_1984 by %roll3A_2000 dim 1 : vector<32x1024xf32>, i32 -> vector<32x1024xf32>
    %select_n3A_2002 = arith.select %ne3A_1991, %roll3A_1999, %roll3A_2001 : vector<32x1024xi1>, vector<32x1024xf32>
    %roll3A_2003 = arith.constant 4 : i32
    %roll3A_2004 = tpu.dynamic_rotate %select_n3A_1985 by %roll3A_2003 dim 1 : vector<32x1024xi32>, i32 -> vector<32x1024xi32>
    %roll3A_2005 = arith.constant 1020 : i32
    %roll3A_2006 = tpu.dynamic_rotate %select_n3A_1985 by %roll3A_2005 dim 1 : vector<32x1024xi32>, i32 -> vector<32x1024xi32>
    %select_n3A_2007 = arith.select %ne3A_1991, %roll3A_2004, %roll3A_2006 : vector<32x1024xi1>, vector<32x1024xi32>
    %gt3A_2008 = arith.cmpf ogt, %select_n3A_1984, %select_n3A_2002 : vector<32x1024xf32>
    %eq3A_2009 = arith.cmpf oeq, %select_n3A_1984, %select_n3A_2002 : vector<32x1024xf32>
    %lt3A_2010 = arith.cmpi slt, %select_n3A_1985, %select_n3A_2007 : vector<32x1024xi32>
    %and3A_2011 = arith.andi %eq3A_2009, %lt3A_2010 : vector<32x1024xi1>
    %or3A_2012 = arith.ori %gt3A_2008, %and3A_2011 : vector<32x1024xi1>
    %xor3A_2013 = arith.xori %or3A_2012, %ne3A_1991 : vector<32x1024xi1>
    %eq3A_2014 = arith.xori %xor3A_2013, %eq3A_1997 : vector<32x1024xi1>
    %eq3A_2015 = arith.constant dense<true> : vector<32x1024xi1>
    %eq3A_2016 = arith.xori %eq3A_2014, %eq3A_2015 : vector<32x1024xi1>
    %select_n3A_2017 = arith.select %eq3A_2016, %select_n3A_1984, %select_n3A_2002 : vector<32x1024xi1>, vector<32x1024xf32>
    %select_n3A_2018 = arith.select %eq3A_2016, %select_n3A_1985, %select_n3A_2007 : vector<32x1024xi1>, vector<32x1024xi32>
    %and3A_2019 = arith.constant 16 : i32
    %and3A_2020 = vector.broadcast %and3A_2019 : i32 to vector<32x1024xi32>
    %and3A_2021 = arith.andi %add3A, %and3A_2020 : vector<32x1024xi32>
    %ne3A_2022 = arith.constant 0 : i32
    %ne3A_2023 = vector.broadcast %ne3A_2022 : i32 to vector<32x1024xi32>
    %ne3A_2024 = arith.cmpi ne, %and3A_2021, %ne3A_2023 : vector<32x1024xi32>
    %and3A_2025 = arith.constant 2048 : i32
    %and3A_2026 = vector.broadcast %and3A_2025 : i32 to vector<32x1024xi32>
    %and3A_2027 = arith.andi %add3A, %and3A_2026 : vector<32x1024xi32>
    %eq3A_2028 = arith.constant 0 : i32
    %eq3A_2029 = vector.broadcast %eq3A_2028 : i32 to vector<32x1024xi32>
    %eq3A_2030 = arith.cmpi eq, %and3A_2027, %eq3A_2029 : vector<32x1024xi32>
    %roll3A_2031 = arith.constant 2 : i32
    %roll3A_2032 = tpu.dynamic_rotate %select_n3A_2017 by %roll3A_2031 dim 1 : vector<32x1024xf32>, i32 -> vector<32x1024xf32>
    %roll3A_2033 = arith.constant 1022 : i32
    %roll3A_2034 = tpu.dynamic_rotate %select_n3A_2017 by %roll3A_2033 dim 1 : vector<32x1024xf32>, i32 -> vector<32x1024xf32>
    %select_n3A_2035 = arith.select %ne3A_2024, %roll3A_2032, %roll3A_2034 : vector<32x1024xi1>, vector<32x1024xf32>
    %roll3A_2036 = arith.constant 2 : i32
    %roll3A_2037 = tpu.dynamic_rotate %select_n3A_2018 by %roll3A_2036 dim 1 : vector<32x1024xi32>, i32 -> vector<32x1024xi32>
    %roll3A_2038 = arith.constant 1022 : i32
    %roll3A_2039 = tpu.dynamic_rotate %select_n3A_2018 by %roll3A_2038 dim 1 : vector<32x1024xi32>, i32 -> vector<32x1024xi32>
    %select_n3A_2040 = arith.select %ne3A_2024, %roll3A_2037, %roll3A_2039 : vector<32x1024xi1>, vector<32x1024xi32>
    %gt3A_2041 = arith.cmpf ogt, %select_n3A_2017, %select_n3A_2035 : vector<32x1024xf32>
    %eq3A_2042 = arith.cmpf oeq, %select_n3A_2017, %select_n3A_2035 : vector<32x1024xf32>
    %lt3A_2043 = arith.cmpi slt, %select_n3A_2018, %select_n3A_2040 : vector<32x1024xi32>
    %and3A_2044 = arith.andi %eq3A_2042, %lt3A_2043 : vector<32x1024xi1>
    %or3A_2045 = arith.ori %gt3A_2041, %and3A_2044 : vector<32x1024xi1>
    %xor3A_2046 = arith.xori %or3A_2045, %ne3A_2024 : vector<32x1024xi1>
    %eq3A_2047 = arith.xori %xor3A_2046, %eq3A_2030 : vector<32x1024xi1>
    %eq3A_2048 = arith.constant dense<true> : vector<32x1024xi1>
    %eq3A_2049 = arith.xori %eq3A_2047, %eq3A_2048 : vector<32x1024xi1>
    %select_n3A_2050 = arith.select %eq3A_2049, %select_n3A_2017, %select_n3A_2035 : vector<32x1024xi1>, vector<32x1024xf32>
    %select_n3A_2051 = arith.select %eq3A_2049, %select_n3A_2018, %select_n3A_2040 : vector<32x1024xi1>, vector<32x1024xi32>
    %and3A_2052 = arith.constant 8 : i32
    %and3A_2053 = vector.broadcast %and3A_2052 : i32 to vector<32x1024xi32>
    %and3A_2054 = arith.andi %add3A, %and3A_2053 : vector<32x1024xi32>
    %ne3A_2055 = arith.constant 0 : i32
    %ne3A_2056 = vector.broadcast %ne3A_2055 : i32 to vector<32x1024xi32>
    %ne3A_2057 = arith.cmpi ne, %and3A_2054, %ne3A_2056 : vector<32x1024xi32>
    %and3A_2058 = arith.constant 2048 : i32
    %and3A_2059 = vector.broadcast %and3A_2058 : i32 to vector<32x1024xi32>
    %and3A_2060 = arith.andi %add3A, %and3A_2059 : vector<32x1024xi32>
    %eq3A_2061 = arith.constant 0 : i32
    %eq3A_2062 = vector.broadcast %eq3A_2061 : i32 to vector<32x1024xi32>
    %eq3A_2063 = arith.cmpi eq, %and3A_2060, %eq3A_2062 : vector<32x1024xi32>
    %roll3A_2064 = arith.constant 1 : i32
    %roll3A_2065 = tpu.dynamic_rotate %select_n3A_2050 by %roll3A_2064 dim 1 : vector<32x1024xf32>, i32 -> vector<32x1024xf32>
    %roll3A_2066 = arith.constant 1023 : i32
    %roll3A_2067 = tpu.dynamic_rotate %select_n3A_2050 by %roll3A_2066 dim 1 : vector<32x1024xf32>, i32 -> vector<32x1024xf32>
    %select_n3A_2068 = arith.select %ne3A_2057, %roll3A_2065, %roll3A_2067 : vector<32x1024xi1>, vector<32x1024xf32>
    %roll3A_2069 = arith.constant 1 : i32
    %roll3A_2070 = tpu.dynamic_rotate %select_n3A_2051 by %roll3A_2069 dim 1 : vector<32x1024xi32>, i32 -> vector<32x1024xi32>
    %roll3A_2071 = arith.constant 1023 : i32
    %roll3A_2072 = tpu.dynamic_rotate %select_n3A_2051 by %roll3A_2071 dim 1 : vector<32x1024xi32>, i32 -> vector<32x1024xi32>
    %select_n3A_2073 = arith.select %ne3A_2057, %roll3A_2070, %roll3A_2072 : vector<32x1024xi1>, vector<32x1024xi32>
    %gt3A_2074 = arith.cmpf ogt, %select_n3A_2050, %select_n3A_2068 : vector<32x1024xf32>
    %eq3A_2075 = arith.cmpf oeq, %select_n3A_2050, %select_n3A_2068 : vector<32x1024xf32>
    %lt3A_2076 = arith.cmpi slt, %select_n3A_2051, %select_n3A_2073 : vector<32x1024xi32>
    %and3A_2077 = arith.andi %eq3A_2075, %lt3A_2076 : vector<32x1024xi1>
    %or3A_2078 = arith.ori %gt3A_2074, %and3A_2077 : vector<32x1024xi1>
    %xor3A_2079 = arith.xori %or3A_2078, %ne3A_2057 : vector<32x1024xi1>
    %eq3A_2080 = arith.xori %xor3A_2079, %eq3A_2063 : vector<32x1024xi1>
    %eq3A_2081 = arith.constant dense<true> : vector<32x1024xi1>
    %eq3A_2082 = arith.xori %eq3A_2080, %eq3A_2081 : vector<32x1024xi1>
    %select_n3A_2083 = arith.select %eq3A_2082, %select_n3A_2050, %select_n3A_2068 : vector<32x1024xi1>, vector<32x1024xf32>
    %select_n3A_2084 = arith.select %eq3A_2082, %select_n3A_2051, %select_n3A_2073 : vector<32x1024xi1>, vector<32x1024xi32>
    %and3A_2085 = arith.constant 4 : i32
    %and3A_2086 = vector.broadcast %and3A_2085 : i32 to vector<32x1024xi32>
    %and3A_2087 = arith.andi %add3A, %and3A_2086 : vector<32x1024xi32>
    %ne3A_2088 = arith.constant 0 : i32
    %ne3A_2089 = vector.broadcast %ne3A_2088 : i32 to vector<32x1024xi32>
    %ne3A_2090 = arith.cmpi ne, %and3A_2087, %ne3A_2089 : vector<32x1024xi32>
    %and3A_2091 = arith.constant 2048 : i32
    %and3A_2092 = vector.broadcast %and3A_2091 : i32 to vector<32x1024xi32>
    %and3A_2093 = arith.andi %add3A, %and3A_2092 : vector<32x1024xi32>
    %eq3A_2094 = arith.constant 0 : i32
    %eq3A_2095 = vector.broadcast %eq3A_2094 : i32 to vector<32x1024xi32>
    %eq3A_2096 = arith.cmpi eq, %and3A_2093, %eq3A_2095 : vector<32x1024xi32>
    %roll3A_2097 = arith.constant 4 : i32
    %roll3A_2098 = tpu.dynamic_rotate %select_n3A_2083 by %roll3A_2097 dim 0 : vector<32x1024xf32>, i32 -> vector<32x1024xf32>
    %roll3A_2099 = arith.constant 28 : i32
    %roll3A_2100 = tpu.dynamic_rotate %select_n3A_2083 by %roll3A_2099 dim 0 : vector<32x1024xf32>, i32 -> vector<32x1024xf32>
    %select_n3A_2101 = arith.select %ne3A_2090, %roll3A_2098, %roll3A_2100 : vector<32x1024xi1>, vector<32x1024xf32>
    %roll3A_2102 = arith.constant 4 : i32
    %roll3A_2103 = tpu.dynamic_rotate %select_n3A_2084 by %roll3A_2102 dim 0 : vector<32x1024xi32>, i32 -> vector<32x1024xi32>
    %roll3A_2104 = arith.constant 28 : i32
    %roll3A_2105 = tpu.dynamic_rotate %select_n3A_2084 by %roll3A_2104 dim 0 : vector<32x1024xi32>, i32 -> vector<32x1024xi32>
    %select_n3A_2106 = arith.select %ne3A_2090, %roll3A_2103, %roll3A_2105 : vector<32x1024xi1>, vector<32x1024xi32>
    %gt3A_2107 = arith.cmpf ogt, %select_n3A_2083, %select_n3A_2101 : vector<32x1024xf32>
    %eq3A_2108 = arith.cmpf oeq, %select_n3A_2083, %select_n3A_2101 : vector<32x1024xf32>
    %lt3A_2109 = arith.cmpi slt, %select_n3A_2084, %select_n3A_2106 : vector<32x1024xi32>
    %and3A_2110 = arith.andi %eq3A_2108, %lt3A_2109 : vector<32x1024xi1>
    %or3A_2111 = arith.ori %gt3A_2107, %and3A_2110 : vector<32x1024xi1>
    %xor3A_2112 = arith.xori %or3A_2111, %ne3A_2090 : vector<32x1024xi1>
    %eq3A_2113 = arith.xori %xor3A_2112, %eq3A_2096 : vector<32x1024xi1>
    %eq3A_2114 = arith.constant dense<true> : vector<32x1024xi1>
    %eq3A_2115 = arith.xori %eq3A_2113, %eq3A_2114 : vector<32x1024xi1>
    %select_n3A_2116 = arith.select %eq3A_2115, %select_n3A_2083, %select_n3A_2101 : vector<32x1024xi1>, vector<32x1024xf32>
    %select_n3A_2117 = arith.select %eq3A_2115, %select_n3A_2084, %select_n3A_2106 : vector<32x1024xi1>, vector<32x1024xi32>
    %and3A_2118 = arith.constant 2 : i32
    %and3A_2119 = vector.broadcast %and3A_2118 : i32 to vector<32x1024xi32>
    %and3A_2120 = arith.andi %add3A, %and3A_2119 : vector<32x1024xi32>
    %ne3A_2121 = arith.constant 0 : i32
    %ne3A_2122 = vector.broadcast %ne3A_2121 : i32 to vector<32x1024xi32>
    %ne3A_2123 = arith.cmpi ne, %and3A_2120, %ne3A_2122 : vector<32x1024xi32>
    %and3A_2124 = arith.constant 2048 : i32
    %and3A_2125 = vector.broadcast %and3A_2124 : i32 to vector<32x1024xi32>
    %and3A_2126 = arith.andi %add3A, %and3A_2125 : vector<32x1024xi32>
    %eq3A_2127 = arith.constant 0 : i32
    %eq3A_2128 = vector.broadcast %eq3A_2127 : i32 to vector<32x1024xi32>
    %eq3A_2129 = arith.cmpi eq, %and3A_2126, %eq3A_2128 : vector<32x1024xi32>
    %roll3A_2130 = arith.constant 2 : i32
    %roll3A_2131 = tpu.dynamic_rotate %select_n3A_2116 by %roll3A_2130 dim 0 : vector<32x1024xf32>, i32 -> vector<32x1024xf32>
    %roll3A_2132 = arith.constant 30 : i32
    %roll3A_2133 = tpu.dynamic_rotate %select_n3A_2116 by %roll3A_2132 dim 0 : vector<32x1024xf32>, i32 -> vector<32x1024xf32>
    %select_n3A_2134 = arith.select %ne3A_2123, %roll3A_2131, %roll3A_2133 : vector<32x1024xi1>, vector<32x1024xf32>
    %roll3A_2135 = arith.constant 2 : i32
    %roll3A_2136 = tpu.dynamic_rotate %select_n3A_2117 by %roll3A_2135 dim 0 : vector<32x1024xi32>, i32 -> vector<32x1024xi32>
    %roll3A_2137 = arith.constant 30 : i32
    %roll3A_2138 = tpu.dynamic_rotate %select_n3A_2117 by %roll3A_2137 dim 0 : vector<32x1024xi32>, i32 -> vector<32x1024xi32>
    %select_n3A_2139 = arith.select %ne3A_2123, %roll3A_2136, %roll3A_2138 : vector<32x1024xi1>, vector<32x1024xi32>
    %gt3A_2140 = arith.cmpf ogt, %select_n3A_2116, %select_n3A_2134 : vector<32x1024xf32>
    %eq3A_2141 = arith.cmpf oeq, %select_n3A_2116, %select_n3A_2134 : vector<32x1024xf32>
    %lt3A_2142 = arith.cmpi slt, %select_n3A_2117, %select_n3A_2139 : vector<32x1024xi32>
    %and3A_2143 = arith.andi %eq3A_2141, %lt3A_2142 : vector<32x1024xi1>
    %or3A_2144 = arith.ori %gt3A_2140, %and3A_2143 : vector<32x1024xi1>
    %xor3A_2145 = arith.xori %or3A_2144, %ne3A_2123 : vector<32x1024xi1>
    %eq3A_2146 = arith.xori %xor3A_2145, %eq3A_2129 : vector<32x1024xi1>
    %eq3A_2147 = arith.constant dense<true> : vector<32x1024xi1>
    %eq3A_2148 = arith.xori %eq3A_2146, %eq3A_2147 : vector<32x1024xi1>
    %select_n3A_2149 = arith.select %eq3A_2148, %select_n3A_2116, %select_n3A_2134 : vector<32x1024xi1>, vector<32x1024xf32>
    %select_n3A_2150 = arith.select %eq3A_2148, %select_n3A_2117, %select_n3A_2139 : vector<32x1024xi1>, vector<32x1024xi32>
    %and3A_2151 = arith.constant 1 : i32
    %and3A_2152 = vector.broadcast %and3A_2151 : i32 to vector<32x1024xi32>
    %and3A_2153 = arith.andi %add3A, %and3A_2152 : vector<32x1024xi32>
    %ne3A_2154 = arith.constant 0 : i32
    %ne3A_2155 = vector.broadcast %ne3A_2154 : i32 to vector<32x1024xi32>
    %ne3A_2156 = arith.cmpi ne, %and3A_2153, %ne3A_2155 : vector<32x1024xi32>
    %and3A_2157 = arith.constant 2048 : i32
    %and3A_2158 = vector.broadcast %and3A_2157 : i32 to vector<32x1024xi32>
    %and3A_2159 = arith.andi %add3A, %and3A_2158 : vector<32x1024xi32>
    %eq3A_2160 = arith.constant 0 : i32
    %eq3A_2161 = vector.broadcast %eq3A_2160 : i32 to vector<32x1024xi32>
    %eq3A_2162 = arith.cmpi eq, %and3A_2159, %eq3A_2161 : vector<32x1024xi32>
    %roll3A_2163 = arith.constant 1 : i32
    %roll3A_2164 = tpu.dynamic_rotate %select_n3A_2149 by %roll3A_2163 dim 0 : vector<32x1024xf32>, i32 -> vector<32x1024xf32>
    %roll3A_2165 = arith.constant 31 : i32
    %roll3A_2166 = tpu.dynamic_rotate %select_n3A_2149 by %roll3A_2165 dim 0 : vector<32x1024xf32>, i32 -> vector<32x1024xf32>
    %select_n3A_2167 = arith.select %ne3A_2156, %roll3A_2164, %roll3A_2166 : vector<32x1024xi1>, vector<32x1024xf32>
    %roll3A_2168 = arith.constant 1 : i32
    %roll3A_2169 = tpu.dynamic_rotate %select_n3A_2150 by %roll3A_2168 dim 0 : vector<32x1024xi32>, i32 -> vector<32x1024xi32>
    %roll3A_2170 = arith.constant 31 : i32
    %roll3A_2171 = tpu.dynamic_rotate %select_n3A_2150 by %roll3A_2170 dim 0 : vector<32x1024xi32>, i32 -> vector<32x1024xi32>
    %select_n3A_2172 = arith.select %ne3A_2156, %roll3A_2169, %roll3A_2171 : vector<32x1024xi1>, vector<32x1024xi32>
    %gt3A_2173 = arith.cmpf ogt, %select_n3A_2149, %select_n3A_2167 : vector<32x1024xf32>
    %eq3A_2174 = arith.cmpf oeq, %select_n3A_2149, %select_n3A_2167 : vector<32x1024xf32>
    %lt3A_2175 = arith.cmpi slt, %select_n3A_2150, %select_n3A_2172 : vector<32x1024xi32>
    %and3A_2176 = arith.andi %eq3A_2174, %lt3A_2175 : vector<32x1024xi1>
    %or3A_2177 = arith.ori %gt3A_2173, %and3A_2176 : vector<32x1024xi1>
    %xor3A_2178 = arith.xori %or3A_2177, %ne3A_2156 : vector<32x1024xi1>
    %eq3A_2179 = arith.xori %xor3A_2178, %eq3A_2162 : vector<32x1024xi1>
    %eq3A_2180 = arith.constant dense<true> : vector<32x1024xi1>
    %eq3A_2181 = arith.xori %eq3A_2179, %eq3A_2180 : vector<32x1024xi1>
    %select_n3A_2182 = arith.select %eq3A_2181, %select_n3A_2149, %select_n3A_2167 : vector<32x1024xi1>, vector<32x1024xf32>
    %select_n3A_2183 = arith.select %eq3A_2181, %select_n3A_2150, %select_n3A_2172 : vector<32x1024xi1>, vector<32x1024xi32>
    %and3A_2184 = arith.constant 2048 : i32
    %and3A_2185 = vector.broadcast %and3A_2184 : i32 to vector<32x1024xi32>
    %and3A_2186 = arith.andi %add3A, %and3A_2185 : vector<32x1024xi32>
    %ne3A_2187 = arith.constant 0 : i32
    %ne3A_2188 = vector.broadcast %ne3A_2187 : i32 to vector<32x1024xi32>
    %ne3A_2189 = arith.cmpi ne, %and3A_2186, %ne3A_2188 : vector<32x1024xi32>
    %and3A_2190 = arith.constant 4096 : i32
    %and3A_2191 = vector.broadcast %and3A_2190 : i32 to vector<32x1024xi32>
    %and3A_2192 = arith.andi %add3A, %and3A_2191 : vector<32x1024xi32>
    %eq3A_2193 = arith.constant 0 : i32
    %eq3A_2194 = vector.broadcast %eq3A_2193 : i32 to vector<32x1024xi32>
    %eq3A_2195 = arith.cmpi eq, %and3A_2192, %eq3A_2194 : vector<32x1024xi32>
    %roll3A_2196 = arith.constant 256 : i32
    %roll3A_2197 = tpu.dynamic_rotate %select_n3A_2182 by %roll3A_2196 dim 1 : vector<32x1024xf32>, i32 -> vector<32x1024xf32>
    %roll3A_2198 = arith.constant 768 : i32
    %roll3A_2199 = tpu.dynamic_rotate %select_n3A_2182 by %roll3A_2198 dim 1 : vector<32x1024xf32>, i32 -> vector<32x1024xf32>
    %select_n3A_2200 = arith.select %ne3A_2189, %roll3A_2197, %roll3A_2199 : vector<32x1024xi1>, vector<32x1024xf32>
    %roll3A_2201 = arith.constant 256 : i32
    %roll3A_2202 = tpu.dynamic_rotate %select_n3A_2183 by %roll3A_2201 dim 1 : vector<32x1024xi32>, i32 -> vector<32x1024xi32>
    %roll3A_2203 = arith.constant 768 : i32
    %roll3A_2204 = tpu.dynamic_rotate %select_n3A_2183 by %roll3A_2203 dim 1 : vector<32x1024xi32>, i32 -> vector<32x1024xi32>
    %select_n3A_2205 = arith.select %ne3A_2189, %roll3A_2202, %roll3A_2204 : vector<32x1024xi1>, vector<32x1024xi32>
    %gt3A_2206 = arith.cmpf ogt, %select_n3A_2182, %select_n3A_2200 : vector<32x1024xf32>
    %eq3A_2207 = arith.cmpf oeq, %select_n3A_2182, %select_n3A_2200 : vector<32x1024xf32>
    %lt3A_2208 = arith.cmpi slt, %select_n3A_2183, %select_n3A_2205 : vector<32x1024xi32>
    %and3A_2209 = arith.andi %eq3A_2207, %lt3A_2208 : vector<32x1024xi1>
    %or3A_2210 = arith.ori %gt3A_2206, %and3A_2209 : vector<32x1024xi1>
    %xor3A_2211 = arith.xori %or3A_2210, %ne3A_2189 : vector<32x1024xi1>
    %eq3A_2212 = arith.xori %xor3A_2211, %eq3A_2195 : vector<32x1024xi1>
    %eq3A_2213 = arith.constant dense<true> : vector<32x1024xi1>
    %eq3A_2214 = arith.xori %eq3A_2212, %eq3A_2213 : vector<32x1024xi1>
    %select_n3A_2215 = arith.select %eq3A_2214, %select_n3A_2182, %select_n3A_2200 : vector<32x1024xi1>, vector<32x1024xf32>
    %select_n3A_2216 = arith.select %eq3A_2214, %select_n3A_2183, %select_n3A_2205 : vector<32x1024xi1>, vector<32x1024xi32>
    %and3A_2217 = arith.constant 1024 : i32
    %and3A_2218 = vector.broadcast %and3A_2217 : i32 to vector<32x1024xi32>
    %and3A_2219 = arith.andi %add3A, %and3A_2218 : vector<32x1024xi32>
    %ne3A_2220 = arith.constant 0 : i32
    %ne3A_2221 = vector.broadcast %ne3A_2220 : i32 to vector<32x1024xi32>
    %ne3A_2222 = arith.cmpi ne, %and3A_2219, %ne3A_2221 : vector<32x1024xi32>
    %and3A_2223 = arith.constant 4096 : i32
    %and3A_2224 = vector.broadcast %and3A_2223 : i32 to vector<32x1024xi32>
    %and3A_2225 = arith.andi %add3A, %and3A_2224 : vector<32x1024xi32>
    %eq3A_2226 = arith.constant 0 : i32
    %eq3A_2227 = vector.broadcast %eq3A_2226 : i32 to vector<32x1024xi32>
    %eq3A_2228 = arith.cmpi eq, %and3A_2225, %eq3A_2227 : vector<32x1024xi32>
    %roll3A_2229 = arith.constant 128 : i32
    %roll3A_2230 = tpu.dynamic_rotate %select_n3A_2215 by %roll3A_2229 dim 1 : vector<32x1024xf32>, i32 -> vector<32x1024xf32>
    %roll3A_2231 = arith.constant 896 : i32
    %roll3A_2232 = tpu.dynamic_rotate %select_n3A_2215 by %roll3A_2231 dim 1 : vector<32x1024xf32>, i32 -> vector<32x1024xf32>
    %select_n3A_2233 = arith.select %ne3A_2222, %roll3A_2230, %roll3A_2232 : vector<32x1024xi1>, vector<32x1024xf32>
    %roll3A_2234 = arith.constant 128 : i32
    %roll3A_2235 = tpu.dynamic_rotate %select_n3A_2216 by %roll3A_2234 dim 1 : vector<32x1024xi32>, i32 -> vector<32x1024xi32>
    %roll3A_2236 = arith.constant 896 : i32
    %roll3A_2237 = tpu.dynamic_rotate %select_n3A_2216 by %roll3A_2236 dim 1 : vector<32x1024xi32>, i32 -> vector<32x1024xi32>
    %select_n3A_2238 = arith.select %ne3A_2222, %roll3A_2235, %roll3A_2237 : vector<32x1024xi1>, vector<32x1024xi32>
    %gt3A_2239 = arith.cmpf ogt, %select_n3A_2215, %select_n3A_2233 : vector<32x1024xf32>
    %eq3A_2240 = arith.cmpf oeq, %select_n3A_2215, %select_n3A_2233 : vector<32x1024xf32>
    %lt3A_2241 = arith.cmpi slt, %select_n3A_2216, %select_n3A_2238 : vector<32x1024xi32>
    %and3A_2242 = arith.andi %eq3A_2240, %lt3A_2241 : vector<32x1024xi1>
    %or3A_2243 = arith.ori %gt3A_2239, %and3A_2242 : vector<32x1024xi1>
    %xor3A_2244 = arith.xori %or3A_2243, %ne3A_2222 : vector<32x1024xi1>
    %eq3A_2245 = arith.xori %xor3A_2244, %eq3A_2228 : vector<32x1024xi1>
    %eq3A_2246 = arith.constant dense<true> : vector<32x1024xi1>
    %eq3A_2247 = arith.xori %eq3A_2245, %eq3A_2246 : vector<32x1024xi1>
    %select_n3A_2248 = arith.select %eq3A_2247, %select_n3A_2215, %select_n3A_2233 : vector<32x1024xi1>, vector<32x1024xf32>
    %select_n3A_2249 = arith.select %eq3A_2247, %select_n3A_2216, %select_n3A_2238 : vector<32x1024xi1>, vector<32x1024xi32>
    %and3A_2250 = arith.constant 512 : i32
    %and3A_2251 = vector.broadcast %and3A_2250 : i32 to vector<32x1024xi32>
    %and3A_2252 = arith.andi %add3A, %and3A_2251 : vector<32x1024xi32>
    %ne3A_2253 = arith.constant 0 : i32
    %ne3A_2254 = vector.broadcast %ne3A_2253 : i32 to vector<32x1024xi32>
    %ne3A_2255 = arith.cmpi ne, %and3A_2252, %ne3A_2254 : vector<32x1024xi32>
    %and3A_2256 = arith.constant 4096 : i32
    %and3A_2257 = vector.broadcast %and3A_2256 : i32 to vector<32x1024xi32>
    %and3A_2258 = arith.andi %add3A, %and3A_2257 : vector<32x1024xi32>
    %eq3A_2259 = arith.constant 0 : i32
    %eq3A_2260 = vector.broadcast %eq3A_2259 : i32 to vector<32x1024xi32>
    %eq3A_2261 = arith.cmpi eq, %and3A_2258, %eq3A_2260 : vector<32x1024xi32>
    %roll3A_2262 = arith.constant 64 : i32
    %roll3A_2263 = tpu.dynamic_rotate %select_n3A_2248 by %roll3A_2262 dim 1 : vector<32x1024xf32>, i32 -> vector<32x1024xf32>
    %roll3A_2264 = arith.constant 960 : i32
    %roll3A_2265 = tpu.dynamic_rotate %select_n3A_2248 by %roll3A_2264 dim 1 : vector<32x1024xf32>, i32 -> vector<32x1024xf32>
    %select_n3A_2266 = arith.select %ne3A_2255, %roll3A_2263, %roll3A_2265 : vector<32x1024xi1>, vector<32x1024xf32>
    %roll3A_2267 = arith.constant 64 : i32
    %roll3A_2268 = tpu.dynamic_rotate %select_n3A_2249 by %roll3A_2267 dim 1 : vector<32x1024xi32>, i32 -> vector<32x1024xi32>
    %roll3A_2269 = arith.constant 960 : i32
    %roll3A_2270 = tpu.dynamic_rotate %select_n3A_2249 by %roll3A_2269 dim 1 : vector<32x1024xi32>, i32 -> vector<32x1024xi32>
    %select_n3A_2271 = arith.select %ne3A_2255, %roll3A_2268, %roll3A_2270 : vector<32x1024xi1>, vector<32x1024xi32>
    %gt3A_2272 = arith.cmpf ogt, %select_n3A_2248, %select_n3A_2266 : vector<32x1024xf32>
    %eq3A_2273 = arith.cmpf oeq, %select_n3A_2248, %select_n3A_2266 : vector<32x1024xf32>
    %lt3A_2274 = arith.cmpi slt, %select_n3A_2249, %select_n3A_2271 : vector<32x1024xi32>
    %and3A_2275 = arith.andi %eq3A_2273, %lt3A_2274 : vector<32x1024xi1>
    %or3A_2276 = arith.ori %gt3A_2272, %and3A_2275 : vector<32x1024xi1>
    %xor3A_2277 = arith.xori %or3A_2276, %ne3A_2255 : vector<32x1024xi1>
    %eq3A_2278 = arith.xori %xor3A_2277, %eq3A_2261 : vector<32x1024xi1>
    %eq3A_2279 = arith.constant dense<true> : vector<32x1024xi1>
    %eq3A_2280 = arith.xori %eq3A_2278, %eq3A_2279 : vector<32x1024xi1>
    %select_n3A_2281 = arith.select %eq3A_2280, %select_n3A_2248, %select_n3A_2266 : vector<32x1024xi1>, vector<32x1024xf32>
    %select_n3A_2282 = arith.select %eq3A_2280, %select_n3A_2249, %select_n3A_2271 : vector<32x1024xi1>, vector<32x1024xi32>
    %and3A_2283 = arith.constant 256 : i32
    %and3A_2284 = vector.broadcast %and3A_2283 : i32 to vector<32x1024xi32>
    %and3A_2285 = arith.andi %add3A, %and3A_2284 : vector<32x1024xi32>
    %ne3A_2286 = arith.constant 0 : i32
    %ne3A_2287 = vector.broadcast %ne3A_2286 : i32 to vector<32x1024xi32>
    %ne3A_2288 = arith.cmpi ne, %and3A_2285, %ne3A_2287 : vector<32x1024xi32>
    %and3A_2289 = arith.constant 4096 : i32
    %and3A_2290 = vector.broadcast %and3A_2289 : i32 to vector<32x1024xi32>
    %and3A_2291 = arith.andi %add3A, %and3A_2290 : vector<32x1024xi32>
    %eq3A_2292 = arith.constant 0 : i32
    %eq3A_2293 = vector.broadcast %eq3A_2292 : i32 to vector<32x1024xi32>
    %eq3A_2294 = arith.cmpi eq, %and3A_2291, %eq3A_2293 : vector<32x1024xi32>
    %roll3A_2295 = arith.constant 32 : i32
    %roll3A_2296 = tpu.dynamic_rotate %select_n3A_2281 by %roll3A_2295 dim 1 : vector<32x1024xf32>, i32 -> vector<32x1024xf32>
    %roll3A_2297 = arith.constant 992 : i32
    %roll3A_2298 = tpu.dynamic_rotate %select_n3A_2281 by %roll3A_2297 dim 1 : vector<32x1024xf32>, i32 -> vector<32x1024xf32>
    %select_n3A_2299 = arith.select %ne3A_2288, %roll3A_2296, %roll3A_2298 : vector<32x1024xi1>, vector<32x1024xf32>
    %roll3A_2300 = arith.constant 32 : i32
    %roll3A_2301 = tpu.dynamic_rotate %select_n3A_2282 by %roll3A_2300 dim 1 : vector<32x1024xi32>, i32 -> vector<32x1024xi32>
    %roll3A_2302 = arith.constant 992 : i32
    %roll3A_2303 = tpu.dynamic_rotate %select_n3A_2282 by %roll3A_2302 dim 1 : vector<32x1024xi32>, i32 -> vector<32x1024xi32>
    %select_n3A_2304 = arith.select %ne3A_2288, %roll3A_2301, %roll3A_2303 : vector<32x1024xi1>, vector<32x1024xi32>
    %gt3A_2305 = arith.cmpf ogt, %select_n3A_2281, %select_n3A_2299 : vector<32x1024xf32>
    %eq3A_2306 = arith.cmpf oeq, %select_n3A_2281, %select_n3A_2299 : vector<32x1024xf32>
    %lt3A_2307 = arith.cmpi slt, %select_n3A_2282, %select_n3A_2304 : vector<32x1024xi32>
    %and3A_2308 = arith.andi %eq3A_2306, %lt3A_2307 : vector<32x1024xi1>
    %or3A_2309 = arith.ori %gt3A_2305, %and3A_2308 : vector<32x1024xi1>
    %xor3A_2310 = arith.xori %or3A_2309, %ne3A_2288 : vector<32x1024xi1>
    %eq3A_2311 = arith.xori %xor3A_2310, %eq3A_2294 : vector<32x1024xi1>
    %eq3A_2312 = arith.constant dense<true> : vector<32x1024xi1>
    %eq3A_2313 = arith.xori %eq3A_2311, %eq3A_2312 : vector<32x1024xi1>
    %select_n3A_2314 = arith.select %eq3A_2313, %select_n3A_2281, %select_n3A_2299 : vector<32x1024xi1>, vector<32x1024xf32>
    %select_n3A_2315 = arith.select %eq3A_2313, %select_n3A_2282, %select_n3A_2304 : vector<32x1024xi1>, vector<32x1024xi32>
    %and3A_2316 = arith.constant 128 : i32
    %and3A_2317 = vector.broadcast %and3A_2316 : i32 to vector<32x1024xi32>
    %and3A_2318 = arith.andi %add3A, %and3A_2317 : vector<32x1024xi32>
    %ne3A_2319 = arith.constant 0 : i32
    %ne3A_2320 = vector.broadcast %ne3A_2319 : i32 to vector<32x1024xi32>
    %ne3A_2321 = arith.cmpi ne, %and3A_2318, %ne3A_2320 : vector<32x1024xi32>
    %and3A_2322 = arith.constant 4096 : i32
    %and3A_2323 = vector.broadcast %and3A_2322 : i32 to vector<32x1024xi32>
    %and3A_2324 = arith.andi %add3A, %and3A_2323 : vector<32x1024xi32>
    %eq3A_2325 = arith.constant 0 : i32
    %eq3A_2326 = vector.broadcast %eq3A_2325 : i32 to vector<32x1024xi32>
    %eq3A_2327 = arith.cmpi eq, %and3A_2324, %eq3A_2326 : vector<32x1024xi32>
    %roll3A_2328 = arith.constant 16 : i32
    %roll3A_2329 = tpu.dynamic_rotate %select_n3A_2314 by %roll3A_2328 dim 1 : vector<32x1024xf32>, i32 -> vector<32x1024xf32>
    %roll3A_2330 = arith.constant 1008 : i32
    %roll3A_2331 = tpu.dynamic_rotate %select_n3A_2314 by %roll3A_2330 dim 1 : vector<32x1024xf32>, i32 -> vector<32x1024xf32>
    %select_n3A_2332 = arith.select %ne3A_2321, %roll3A_2329, %roll3A_2331 : vector<32x1024xi1>, vector<32x1024xf32>
    %roll3A_2333 = arith.constant 16 : i32
    %roll3A_2334 = tpu.dynamic_rotate %select_n3A_2315 by %roll3A_2333 dim 1 : vector<32x1024xi32>, i32 -> vector<32x1024xi32>
    %roll3A_2335 = arith.constant 1008 : i32
    %roll3A_2336 = tpu.dynamic_rotate %select_n3A_2315 by %roll3A_2335 dim 1 : vector<32x1024xi32>, i32 -> vector<32x1024xi32>
    %select_n3A_2337 = arith.select %ne3A_2321, %roll3A_2334, %roll3A_2336 : vector<32x1024xi1>, vector<32x1024xi32>
    %gt3A_2338 = arith.cmpf ogt, %select_n3A_2314, %select_n3A_2332 : vector<32x1024xf32>
    %eq3A_2339 = arith.cmpf oeq, %select_n3A_2314, %select_n3A_2332 : vector<32x1024xf32>
    %lt3A_2340 = arith.cmpi slt, %select_n3A_2315, %select_n3A_2337 : vector<32x1024xi32>
    %and3A_2341 = arith.andi %eq3A_2339, %lt3A_2340 : vector<32x1024xi1>
    %or3A_2342 = arith.ori %gt3A_2338, %and3A_2341 : vector<32x1024xi1>
    %xor3A_2343 = arith.xori %or3A_2342, %ne3A_2321 : vector<32x1024xi1>
    %eq3A_2344 = arith.xori %xor3A_2343, %eq3A_2327 : vector<32x1024xi1>
    %eq3A_2345 = arith.constant dense<true> : vector<32x1024xi1>
    %eq3A_2346 = arith.xori %eq3A_2344, %eq3A_2345 : vector<32x1024xi1>
    %select_n3A_2347 = arith.select %eq3A_2346, %select_n3A_2314, %select_n3A_2332 : vector<32x1024xi1>, vector<32x1024xf32>
    %select_n3A_2348 = arith.select %eq3A_2346, %select_n3A_2315, %select_n3A_2337 : vector<32x1024xi1>, vector<32x1024xi32>
    %and3A_2349 = arith.constant 64 : i32
    %and3A_2350 = vector.broadcast %and3A_2349 : i32 to vector<32x1024xi32>
    %and3A_2351 = arith.andi %add3A, %and3A_2350 : vector<32x1024xi32>
    %ne3A_2352 = arith.constant 0 : i32
    %ne3A_2353 = vector.broadcast %ne3A_2352 : i32 to vector<32x1024xi32>
    %ne3A_2354 = arith.cmpi ne, %and3A_2351, %ne3A_2353 : vector<32x1024xi32>
    %and3A_2355 = arith.constant 4096 : i32
    %and3A_2356 = vector.broadcast %and3A_2355 : i32 to vector<32x1024xi32>
    %and3A_2357 = arith.andi %add3A, %and3A_2356 : vector<32x1024xi32>
    %eq3A_2358 = arith.constant 0 : i32
    %eq3A_2359 = vector.broadcast %eq3A_2358 : i32 to vector<32x1024xi32>
    %eq3A_2360 = arith.cmpi eq, %and3A_2357, %eq3A_2359 : vector<32x1024xi32>
    %roll3A_2361 = arith.constant 8 : i32
    %roll3A_2362 = tpu.dynamic_rotate %select_n3A_2347 by %roll3A_2361 dim 1 : vector<32x1024xf32>, i32 -> vector<32x1024xf32>
    %roll3A_2363 = arith.constant 1016 : i32
    %roll3A_2364 = tpu.dynamic_rotate %select_n3A_2347 by %roll3A_2363 dim 1 : vector<32x1024xf32>, i32 -> vector<32x1024xf32>
    %select_n3A_2365 = arith.select %ne3A_2354, %roll3A_2362, %roll3A_2364 : vector<32x1024xi1>, vector<32x1024xf32>
    %roll3A_2366 = arith.constant 8 : i32
    %roll3A_2367 = tpu.dynamic_rotate %select_n3A_2348 by %roll3A_2366 dim 1 : vector<32x1024xi32>, i32 -> vector<32x1024xi32>
    %roll3A_2368 = arith.constant 1016 : i32
    %roll3A_2369 = tpu.dynamic_rotate %select_n3A_2348 by %roll3A_2368 dim 1 : vector<32x1024xi32>, i32 -> vector<32x1024xi32>
    %select_n3A_2370 = arith.select %ne3A_2354, %roll3A_2367, %roll3A_2369 : vector<32x1024xi1>, vector<32x1024xi32>
    %gt3A_2371 = arith.cmpf ogt, %select_n3A_2347, %select_n3A_2365 : vector<32x1024xf32>
    %eq3A_2372 = arith.cmpf oeq, %select_n3A_2347, %select_n3A_2365 : vector<32x1024xf32>
    %lt3A_2373 = arith.cmpi slt, %select_n3A_2348, %select_n3A_2370 : vector<32x1024xi32>
    %and3A_2374 = arith.andi %eq3A_2372, %lt3A_2373 : vector<32x1024xi1>
    %or3A_2375 = arith.ori %gt3A_2371, %and3A_2374 : vector<32x1024xi1>
    %xor3A_2376 = arith.xori %or3A_2375, %ne3A_2354 : vector<32x1024xi1>
    %eq3A_2377 = arith.xori %xor3A_2376, %eq3A_2360 : vector<32x1024xi1>
    %eq3A_2378 = arith.constant dense<true> : vector<32x1024xi1>
    %eq3A_2379 = arith.xori %eq3A_2377, %eq3A_2378 : vector<32x1024xi1>
    %select_n3A_2380 = arith.select %eq3A_2379, %select_n3A_2347, %select_n3A_2365 : vector<32x1024xi1>, vector<32x1024xf32>
    %select_n3A_2381 = arith.select %eq3A_2379, %select_n3A_2348, %select_n3A_2370 : vector<32x1024xi1>, vector<32x1024xi32>
    %and3A_2382 = arith.constant 32 : i32
    %and3A_2383 = vector.broadcast %and3A_2382 : i32 to vector<32x1024xi32>
    %and3A_2384 = arith.andi %add3A, %and3A_2383 : vector<32x1024xi32>
    %ne3A_2385 = arith.constant 0 : i32
    %ne3A_2386 = vector.broadcast %ne3A_2385 : i32 to vector<32x1024xi32>
    %ne3A_2387 = arith.cmpi ne, %and3A_2384, %ne3A_2386 : vector<32x1024xi32>
    %and3A_2388 = arith.constant 4096 : i32
    %and3A_2389 = vector.broadcast %and3A_2388 : i32 to vector<32x1024xi32>
    %and3A_2390 = arith.andi %add3A, %and3A_2389 : vector<32x1024xi32>
    %eq3A_2391 = arith.constant 0 : i32
    %eq3A_2392 = vector.broadcast %eq3A_2391 : i32 to vector<32x1024xi32>
    %eq3A_2393 = arith.cmpi eq, %and3A_2390, %eq3A_2392 : vector<32x1024xi32>
    %roll3A_2394 = arith.constant 4 : i32
    %roll3A_2395 = tpu.dynamic_rotate %select_n3A_2380 by %roll3A_2394 dim 1 : vector<32x1024xf32>, i32 -> vector<32x1024xf32>
    %roll3A_2396 = arith.constant 1020 : i32
    %roll3A_2397 = tpu.dynamic_rotate %select_n3A_2380 by %roll3A_2396 dim 1 : vector<32x1024xf32>, i32 -> vector<32x1024xf32>
    %select_n3A_2398 = arith.select %ne3A_2387, %roll3A_2395, %roll3A_2397 : vector<32x1024xi1>, vector<32x1024xf32>
    %roll3A_2399 = arith.constant 4 : i32
    %roll3A_2400 = tpu.dynamic_rotate %select_n3A_2381 by %roll3A_2399 dim 1 : vector<32x1024xi32>, i32 -> vector<32x1024xi32>
    %roll3A_2401 = arith.constant 1020 : i32
    %roll3A_2402 = tpu.dynamic_rotate %select_n3A_2381 by %roll3A_2401 dim 1 : vector<32x1024xi32>, i32 -> vector<32x1024xi32>
    %select_n3A_2403 = arith.select %ne3A_2387, %roll3A_2400, %roll3A_2402 : vector<32x1024xi1>, vector<32x1024xi32>
    %gt3A_2404 = arith.cmpf ogt, %select_n3A_2380, %select_n3A_2398 : vector<32x1024xf32>
    %eq3A_2405 = arith.cmpf oeq, %select_n3A_2380, %select_n3A_2398 : vector<32x1024xf32>
    %lt3A_2406 = arith.cmpi slt, %select_n3A_2381, %select_n3A_2403 : vector<32x1024xi32>
    %and3A_2407 = arith.andi %eq3A_2405, %lt3A_2406 : vector<32x1024xi1>
    %or3A_2408 = arith.ori %gt3A_2404, %and3A_2407 : vector<32x1024xi1>
    %xor3A_2409 = arith.xori %or3A_2408, %ne3A_2387 : vector<32x1024xi1>
    %eq3A_2410 = arith.xori %xor3A_2409, %eq3A_2393 : vector<32x1024xi1>
    %eq3A_2411 = arith.constant dense<true> : vector<32x1024xi1>
    %eq3A_2412 = arith.xori %eq3A_2410, %eq3A_2411 : vector<32x1024xi1>
    %select_n3A_2413 = arith.select %eq3A_2412, %select_n3A_2380, %select_n3A_2398 : vector<32x1024xi1>, vector<32x1024xf32>
    %select_n3A_2414 = arith.select %eq3A_2412, %select_n3A_2381, %select_n3A_2403 : vector<32x1024xi1>, vector<32x1024xi32>
    %and3A_2415 = arith.constant 16 : i32
    %and3A_2416 = vector.broadcast %and3A_2415 : i32 to vector<32x1024xi32>
    %and3A_2417 = arith.andi %add3A, %and3A_2416 : vector<32x1024xi32>
    %ne3A_2418 = arith.constant 0 : i32
    %ne3A_2419 = vector.broadcast %ne3A_2418 : i32 to vector<32x1024xi32>
    %ne3A_2420 = arith.cmpi ne, %and3A_2417, %ne3A_2419 : vector<32x1024xi32>
    %and3A_2421 = arith.constant 4096 : i32
    %and3A_2422 = vector.broadcast %and3A_2421 : i32 to vector<32x1024xi32>
    %and3A_2423 = arith.andi %add3A, %and3A_2422 : vector<32x1024xi32>
    %eq3A_2424 = arith.constant 0 : i32
    %eq3A_2425 = vector.broadcast %eq3A_2424 : i32 to vector<32x1024xi32>
    %eq3A_2426 = arith.cmpi eq, %and3A_2423, %eq3A_2425 : vector<32x1024xi32>
    %roll3A_2427 = arith.constant 2 : i32
    %roll3A_2428 = tpu.dynamic_rotate %select_n3A_2413 by %roll3A_2427 dim 1 : vector<32x1024xf32>, i32 -> vector<32x1024xf32>
    %roll3A_2429 = arith.constant 1022 : i32
    %roll3A_2430 = tpu.dynamic_rotate %select_n3A_2413 by %roll3A_2429 dim 1 : vector<32x1024xf32>, i32 -> vector<32x1024xf32>
    %select_n3A_2431 = arith.select %ne3A_2420, %roll3A_2428, %roll3A_2430 : vector<32x1024xi1>, vector<32x1024xf32>
    %roll3A_2432 = arith.constant 2 : i32
    %roll3A_2433 = tpu.dynamic_rotate %select_n3A_2414 by %roll3A_2432 dim 1 : vector<32x1024xi32>, i32 -> vector<32x1024xi32>
    %roll3A_2434 = arith.constant 1022 : i32
    %roll3A_2435 = tpu.dynamic_rotate %select_n3A_2414 by %roll3A_2434 dim 1 : vector<32x1024xi32>, i32 -> vector<32x1024xi32>
    %select_n3A_2436 = arith.select %ne3A_2420, %roll3A_2433, %roll3A_2435 : vector<32x1024xi1>, vector<32x1024xi32>
    %gt3A_2437 = arith.cmpf ogt, %select_n3A_2413, %select_n3A_2431 : vector<32x1024xf32>
    %eq3A_2438 = arith.cmpf oeq, %select_n3A_2413, %select_n3A_2431 : vector<32x1024xf32>
    %lt3A_2439 = arith.cmpi slt, %select_n3A_2414, %select_n3A_2436 : vector<32x1024xi32>
    %and3A_2440 = arith.andi %eq3A_2438, %lt3A_2439 : vector<32x1024xi1>
    %or3A_2441 = arith.ori %gt3A_2437, %and3A_2440 : vector<32x1024xi1>
    %xor3A_2442 = arith.xori %or3A_2441, %ne3A_2420 : vector<32x1024xi1>
    %eq3A_2443 = arith.xori %xor3A_2442, %eq3A_2426 : vector<32x1024xi1>
    %eq3A_2444 = arith.constant dense<true> : vector<32x1024xi1>
    %eq3A_2445 = arith.xori %eq3A_2443, %eq3A_2444 : vector<32x1024xi1>
    %select_n3A_2446 = arith.select %eq3A_2445, %select_n3A_2413, %select_n3A_2431 : vector<32x1024xi1>, vector<32x1024xf32>
    %select_n3A_2447 = arith.select %eq3A_2445, %select_n3A_2414, %select_n3A_2436 : vector<32x1024xi1>, vector<32x1024xi32>
    %and3A_2448 = arith.constant 8 : i32
    %and3A_2449 = vector.broadcast %and3A_2448 : i32 to vector<32x1024xi32>
    %and3A_2450 = arith.andi %add3A, %and3A_2449 : vector<32x1024xi32>
    %ne3A_2451 = arith.constant 0 : i32
    %ne3A_2452 = vector.broadcast %ne3A_2451 : i32 to vector<32x1024xi32>
    %ne3A_2453 = arith.cmpi ne, %and3A_2450, %ne3A_2452 : vector<32x1024xi32>
    %and3A_2454 = arith.constant 4096 : i32
    %and3A_2455 = vector.broadcast %and3A_2454 : i32 to vector<32x1024xi32>
    %and3A_2456 = arith.andi %add3A, %and3A_2455 : vector<32x1024xi32>
    %eq3A_2457 = arith.constant 0 : i32
    %eq3A_2458 = vector.broadcast %eq3A_2457 : i32 to vector<32x1024xi32>
    %eq3A_2459 = arith.cmpi eq, %and3A_2456, %eq3A_2458 : vector<32x1024xi32>
    %roll3A_2460 = arith.constant 1 : i32
    %roll3A_2461 = tpu.dynamic_rotate %select_n3A_2446 by %roll3A_2460 dim 1 : vector<32x1024xf32>, i32 -> vector<32x1024xf32>
    %roll3A_2462 = arith.constant 1023 : i32
    %roll3A_2463 = tpu.dynamic_rotate %select_n3A_2446 by %roll3A_2462 dim 1 : vector<32x1024xf32>, i32 -> vector<32x1024xf32>
    %select_n3A_2464 = arith.select %ne3A_2453, %roll3A_2461, %roll3A_2463 : vector<32x1024xi1>, vector<32x1024xf32>
    %roll3A_2465 = arith.constant 1 : i32
    %roll3A_2466 = tpu.dynamic_rotate %select_n3A_2447 by %roll3A_2465 dim 1 : vector<32x1024xi32>, i32 -> vector<32x1024xi32>
    %roll3A_2467 = arith.constant 1023 : i32
    %roll3A_2468 = tpu.dynamic_rotate %select_n3A_2447 by %roll3A_2467 dim 1 : vector<32x1024xi32>, i32 -> vector<32x1024xi32>
    %select_n3A_2469 = arith.select %ne3A_2453, %roll3A_2466, %roll3A_2468 : vector<32x1024xi1>, vector<32x1024xi32>
    %gt3A_2470 = arith.cmpf ogt, %select_n3A_2446, %select_n3A_2464 : vector<32x1024xf32>
    %eq3A_2471 = arith.cmpf oeq, %select_n3A_2446, %select_n3A_2464 : vector<32x1024xf32>
    %lt3A_2472 = arith.cmpi slt, %select_n3A_2447, %select_n3A_2469 : vector<32x1024xi32>
    %and3A_2473 = arith.andi %eq3A_2471, %lt3A_2472 : vector<32x1024xi1>
    %or3A_2474 = arith.ori %gt3A_2470, %and3A_2473 : vector<32x1024xi1>
    %xor3A_2475 = arith.xori %or3A_2474, %ne3A_2453 : vector<32x1024xi1>
    %eq3A_2476 = arith.xori %xor3A_2475, %eq3A_2459 : vector<32x1024xi1>
    %eq3A_2477 = arith.constant dense<true> : vector<32x1024xi1>
    %eq3A_2478 = arith.xori %eq3A_2476, %eq3A_2477 : vector<32x1024xi1>
    %select_n3A_2479 = arith.select %eq3A_2478, %select_n3A_2446, %select_n3A_2464 : vector<32x1024xi1>, vector<32x1024xf32>
    %select_n3A_2480 = arith.select %eq3A_2478, %select_n3A_2447, %select_n3A_2469 : vector<32x1024xi1>, vector<32x1024xi32>
    %and3A_2481 = arith.constant 4 : i32
    %and3A_2482 = vector.broadcast %and3A_2481 : i32 to vector<32x1024xi32>
    %and3A_2483 = arith.andi %add3A, %and3A_2482 : vector<32x1024xi32>
    %ne3A_2484 = arith.constant 0 : i32
    %ne3A_2485 = vector.broadcast %ne3A_2484 : i32 to vector<32x1024xi32>
    %ne3A_2486 = arith.cmpi ne, %and3A_2483, %ne3A_2485 : vector<32x1024xi32>
    %and3A_2487 = arith.constant 4096 : i32
    %and3A_2488 = vector.broadcast %and3A_2487 : i32 to vector<32x1024xi32>
    %and3A_2489 = arith.andi %add3A, %and3A_2488 : vector<32x1024xi32>
    %eq3A_2490 = arith.constant 0 : i32
    %eq3A_2491 = vector.broadcast %eq3A_2490 : i32 to vector<32x1024xi32>
    %eq3A_2492 = arith.cmpi eq, %and3A_2489, %eq3A_2491 : vector<32x1024xi32>
    %roll3A_2493 = arith.constant 4 : i32
    %roll3A_2494 = tpu.dynamic_rotate %select_n3A_2479 by %roll3A_2493 dim 0 : vector<32x1024xf32>, i32 -> vector<32x1024xf32>
    %roll3A_2495 = arith.constant 28 : i32
    %roll3A_2496 = tpu.dynamic_rotate %select_n3A_2479 by %roll3A_2495 dim 0 : vector<32x1024xf32>, i32 -> vector<32x1024xf32>
    %select_n3A_2497 = arith.select %ne3A_2486, %roll3A_2494, %roll3A_2496 : vector<32x1024xi1>, vector<32x1024xf32>
    %roll3A_2498 = arith.constant 4 : i32
    %roll3A_2499 = tpu.dynamic_rotate %select_n3A_2480 by %roll3A_2498 dim 0 : vector<32x1024xi32>, i32 -> vector<32x1024xi32>
    %roll3A_2500 = arith.constant 28 : i32
    %roll3A_2501 = tpu.dynamic_rotate %select_n3A_2480 by %roll3A_2500 dim 0 : vector<32x1024xi32>, i32 -> vector<32x1024xi32>
    %select_n3A_2502 = arith.select %ne3A_2486, %roll3A_2499, %roll3A_2501 : vector<32x1024xi1>, vector<32x1024xi32>
    %gt3A_2503 = arith.cmpf ogt, %select_n3A_2479, %select_n3A_2497 : vector<32x1024xf32>
    %eq3A_2504 = arith.cmpf oeq, %select_n3A_2479, %select_n3A_2497 : vector<32x1024xf32>
    %lt3A_2505 = arith.cmpi slt, %select_n3A_2480, %select_n3A_2502 : vector<32x1024xi32>
    %and3A_2506 = arith.andi %eq3A_2504, %lt3A_2505 : vector<32x1024xi1>
    %or3A_2507 = arith.ori %gt3A_2503, %and3A_2506 : vector<32x1024xi1>
    %xor3A_2508 = arith.xori %or3A_2507, %ne3A_2486 : vector<32x1024xi1>
    %eq3A_2509 = arith.xori %xor3A_2508, %eq3A_2492 : vector<32x1024xi1>
    %eq3A_2510 = arith.constant dense<true> : vector<32x1024xi1>
    %eq3A_2511 = arith.xori %eq3A_2509, %eq3A_2510 : vector<32x1024xi1>
    %select_n3A_2512 = arith.select %eq3A_2511, %select_n3A_2479, %select_n3A_2497 : vector<32x1024xi1>, vector<32x1024xf32>
    %select_n3A_2513 = arith.select %eq3A_2511, %select_n3A_2480, %select_n3A_2502 : vector<32x1024xi1>, vector<32x1024xi32>
    %and3A_2514 = arith.constant 2 : i32
    %and3A_2515 = vector.broadcast %and3A_2514 : i32 to vector<32x1024xi32>
    %and3A_2516 = arith.andi %add3A, %and3A_2515 : vector<32x1024xi32>
    %ne3A_2517 = arith.constant 0 : i32
    %ne3A_2518 = vector.broadcast %ne3A_2517 : i32 to vector<32x1024xi32>
    %ne3A_2519 = arith.cmpi ne, %and3A_2516, %ne3A_2518 : vector<32x1024xi32>
    %and3A_2520 = arith.constant 4096 : i32
    %and3A_2521 = vector.broadcast %and3A_2520 : i32 to vector<32x1024xi32>
    %and3A_2522 = arith.andi %add3A, %and3A_2521 : vector<32x1024xi32>
    %eq3A_2523 = arith.constant 0 : i32
    %eq3A_2524 = vector.broadcast %eq3A_2523 : i32 to vector<32x1024xi32>
    %eq3A_2525 = arith.cmpi eq, %and3A_2522, %eq3A_2524 : vector<32x1024xi32>
    %roll3A_2526 = arith.constant 2 : i32
    %roll3A_2527 = tpu.dynamic_rotate %select_n3A_2512 by %roll3A_2526 dim 0 : vector<32x1024xf32>, i32 -> vector<32x1024xf32>
    %roll3A_2528 = arith.constant 30 : i32
    %roll3A_2529 = tpu.dynamic_rotate %select_n3A_2512 by %roll3A_2528 dim 0 : vector<32x1024xf32>, i32 -> vector<32x1024xf32>
    %select_n3A_2530 = arith.select %ne3A_2519, %roll3A_2527, %roll3A_2529 : vector<32x1024xi1>, vector<32x1024xf32>
    %roll3A_2531 = arith.constant 2 : i32
    %roll3A_2532 = tpu.dynamic_rotate %select_n3A_2513 by %roll3A_2531 dim 0 : vector<32x1024xi32>, i32 -> vector<32x1024xi32>
    %roll3A_2533 = arith.constant 30 : i32
    %roll3A_2534 = tpu.dynamic_rotate %select_n3A_2513 by %roll3A_2533 dim 0 : vector<32x1024xi32>, i32 -> vector<32x1024xi32>
    %select_n3A_2535 = arith.select %ne3A_2519, %roll3A_2532, %roll3A_2534 : vector<32x1024xi1>, vector<32x1024xi32>
    %gt3A_2536 = arith.cmpf ogt, %select_n3A_2512, %select_n3A_2530 : vector<32x1024xf32>
    %eq3A_2537 = arith.cmpf oeq, %select_n3A_2512, %select_n3A_2530 : vector<32x1024xf32>
    %lt3A_2538 = arith.cmpi slt, %select_n3A_2513, %select_n3A_2535 : vector<32x1024xi32>
    %and3A_2539 = arith.andi %eq3A_2537, %lt3A_2538 : vector<32x1024xi1>
    %or3A_2540 = arith.ori %gt3A_2536, %and3A_2539 : vector<32x1024xi1>
    %xor3A_2541 = arith.xori %or3A_2540, %ne3A_2519 : vector<32x1024xi1>
    %eq3A_2542 = arith.xori %xor3A_2541, %eq3A_2525 : vector<32x1024xi1>
    %eq3A_2543 = arith.constant dense<true> : vector<32x1024xi1>
    %eq3A_2544 = arith.xori %eq3A_2542, %eq3A_2543 : vector<32x1024xi1>
    %select_n3A_2545 = arith.select %eq3A_2544, %select_n3A_2512, %select_n3A_2530 : vector<32x1024xi1>, vector<32x1024xf32>
    %select_n3A_2546 = arith.select %eq3A_2544, %select_n3A_2513, %select_n3A_2535 : vector<32x1024xi1>, vector<32x1024xi32>
    %and3A_2547 = arith.constant 1 : i32
    %and3A_2548 = vector.broadcast %and3A_2547 : i32 to vector<32x1024xi32>
    %and3A_2549 = arith.andi %add3A, %and3A_2548 : vector<32x1024xi32>
    %ne3A_2550 = arith.constant 0 : i32
    %ne3A_2551 = vector.broadcast %ne3A_2550 : i32 to vector<32x1024xi32>
    %ne3A_2552 = arith.cmpi ne, %and3A_2549, %ne3A_2551 : vector<32x1024xi32>
    %and3A_2553 = arith.constant 4096 : i32
    %and3A_2554 = vector.broadcast %and3A_2553 : i32 to vector<32x1024xi32>
    %and3A_2555 = arith.andi %add3A, %and3A_2554 : vector<32x1024xi32>
    %eq3A_2556 = arith.constant 0 : i32
    %eq3A_2557 = vector.broadcast %eq3A_2556 : i32 to vector<32x1024xi32>
    %eq3A_2558 = arith.cmpi eq, %and3A_2555, %eq3A_2557 : vector<32x1024xi32>
    %roll3A_2559 = arith.constant 1 : i32
    %roll3A_2560 = tpu.dynamic_rotate %select_n3A_2545 by %roll3A_2559 dim 0 : vector<32x1024xf32>, i32 -> vector<32x1024xf32>
    %roll3A_2561 = arith.constant 31 : i32
    %roll3A_2562 = tpu.dynamic_rotate %select_n3A_2545 by %roll3A_2561 dim 0 : vector<32x1024xf32>, i32 -> vector<32x1024xf32>
    %select_n3A_2563 = arith.select %ne3A_2552, %roll3A_2560, %roll3A_2562 : vector<32x1024xi1>, vector<32x1024xf32>
    %roll3A_2564 = arith.constant 1 : i32
    %roll3A_2565 = tpu.dynamic_rotate %select_n3A_2546 by %roll3A_2564 dim 0 : vector<32x1024xi32>, i32 -> vector<32x1024xi32>
    %roll3A_2566 = arith.constant 31 : i32
    %roll3A_2567 = tpu.dynamic_rotate %select_n3A_2546 by %roll3A_2566 dim 0 : vector<32x1024xi32>, i32 -> vector<32x1024xi32>
    %select_n3A_2568 = arith.select %ne3A_2552, %roll3A_2565, %roll3A_2567 : vector<32x1024xi1>, vector<32x1024xi32>
    %gt3A_2569 = arith.cmpf ogt, %select_n3A_2545, %select_n3A_2563 : vector<32x1024xf32>
    %eq3A_2570 = arith.cmpf oeq, %select_n3A_2545, %select_n3A_2563 : vector<32x1024xf32>
    %lt3A_2571 = arith.cmpi slt, %select_n3A_2546, %select_n3A_2568 : vector<32x1024xi32>
    %and3A_2572 = arith.andi %eq3A_2570, %lt3A_2571 : vector<32x1024xi1>
    %or3A_2573 = arith.ori %gt3A_2569, %and3A_2572 : vector<32x1024xi1>
    %xor3A_2574 = arith.xori %or3A_2573, %ne3A_2552 : vector<32x1024xi1>
    %eq3A_2575 = arith.xori %xor3A_2574, %eq3A_2558 : vector<32x1024xi1>
    %eq3A_2576 = arith.constant dense<true> : vector<32x1024xi1>
    %eq3A_2577 = arith.xori %eq3A_2575, %eq3A_2576 : vector<32x1024xi1>
    %select_n3A_2578 = arith.select %eq3A_2577, %select_n3A_2545, %select_n3A_2563 : vector<32x1024xi1>, vector<32x1024xf32>
    %select_n3A_2579 = arith.select %eq3A_2577, %select_n3A_2546, %select_n3A_2568 : vector<32x1024xi1>, vector<32x1024xi32>
    %and3A_2580 = arith.constant 4096 : i32
    %and3A_2581 = vector.broadcast %and3A_2580 : i32 to vector<32x1024xi32>
    %and3A_2582 = arith.andi %add3A, %and3A_2581 : vector<32x1024xi32>
    %ne3A_2583 = arith.constant 0 : i32
    %ne3A_2584 = vector.broadcast %ne3A_2583 : i32 to vector<32x1024xi32>
    %ne3A_2585 = arith.cmpi ne, %and3A_2582, %ne3A_2584 : vector<32x1024xi32>
    %and3A_2586 = arith.constant 8192 : i32
    %and3A_2587 = vector.broadcast %and3A_2586 : i32 to vector<32x1024xi32>
    %and3A_2588 = arith.andi %add3A, %and3A_2587 : vector<32x1024xi32>
    %eq3A_2589 = arith.constant 0 : i32
    %eq3A_2590 = vector.broadcast %eq3A_2589 : i32 to vector<32x1024xi32>
    %eq3A_2591 = arith.cmpi eq, %and3A_2588, %eq3A_2590 : vector<32x1024xi32>
    %roll3A_2592 = arith.constant 512 : i32
    %roll3A_2593 = tpu.dynamic_rotate %select_n3A_2578 by %roll3A_2592 dim 1 : vector<32x1024xf32>, i32 -> vector<32x1024xf32>
    %roll3A_2594 = arith.constant 512 : i32
    %roll3A_2595 = tpu.dynamic_rotate %select_n3A_2578 by %roll3A_2594 dim 1 : vector<32x1024xf32>, i32 -> vector<32x1024xf32>
    %select_n3A_2596 = arith.select %ne3A_2585, %roll3A_2593, %roll3A_2595 : vector<32x1024xi1>, vector<32x1024xf32>
    %roll3A_2597 = arith.constant 512 : i32
    %roll3A_2598 = tpu.dynamic_rotate %select_n3A_2579 by %roll3A_2597 dim 1 : vector<32x1024xi32>, i32 -> vector<32x1024xi32>
    %roll3A_2599 = arith.constant 512 : i32
    %roll3A_2600 = tpu.dynamic_rotate %select_n3A_2579 by %roll3A_2599 dim 1 : vector<32x1024xi32>, i32 -> vector<32x1024xi32>
    %select_n3A_2601 = arith.select %ne3A_2585, %roll3A_2598, %roll3A_2600 : vector<32x1024xi1>, vector<32x1024xi32>
    %gt3A_2602 = arith.cmpf ogt, %select_n3A_2578, %select_n3A_2596 : vector<32x1024xf32>
    %eq3A_2603 = arith.cmpf oeq, %select_n3A_2578, %select_n3A_2596 : vector<32x1024xf32>
    %lt3A_2604 = arith.cmpi slt, %select_n3A_2579, %select_n3A_2601 : vector<32x1024xi32>
    %and3A_2605 = arith.andi %eq3A_2603, %lt3A_2604 : vector<32x1024xi1>
    %or3A_2606 = arith.ori %gt3A_2602, %and3A_2605 : vector<32x1024xi1>
    %xor3A_2607 = arith.xori %or3A_2606, %ne3A_2585 : vector<32x1024xi1>
    %eq3A_2608 = arith.xori %xor3A_2607, %eq3A_2591 : vector<32x1024xi1>
    %eq3A_2609 = arith.constant dense<true> : vector<32x1024xi1>
    %eq3A_2610 = arith.xori %eq3A_2608, %eq3A_2609 : vector<32x1024xi1>
    %select_n3A_2611 = arith.select %eq3A_2610, %select_n3A_2578, %select_n3A_2596 : vector<32x1024xi1>, vector<32x1024xf32>
    %select_n3A_2612 = arith.select %eq3A_2610, %select_n3A_2579, %select_n3A_2601 : vector<32x1024xi1>, vector<32x1024xi32>
    %and3A_2613 = arith.constant 2048 : i32
    %and3A_2614 = vector.broadcast %and3A_2613 : i32 to vector<32x1024xi32>
    %and3A_2615 = arith.andi %add3A, %and3A_2614 : vector<32x1024xi32>
    %ne3A_2616 = arith.constant 0 : i32
    %ne3A_2617 = vector.broadcast %ne3A_2616 : i32 to vector<32x1024xi32>
    %ne3A_2618 = arith.cmpi ne, %and3A_2615, %ne3A_2617 : vector<32x1024xi32>
    %and3A_2619 = arith.constant 8192 : i32
    %and3A_2620 = vector.broadcast %and3A_2619 : i32 to vector<32x1024xi32>
    %and3A_2621 = arith.andi %add3A, %and3A_2620 : vector<32x1024xi32>
    %eq3A_2622 = arith.constant 0 : i32
    %eq3A_2623 = vector.broadcast %eq3A_2622 : i32 to vector<32x1024xi32>
    %eq3A_2624 = arith.cmpi eq, %and3A_2621, %eq3A_2623 : vector<32x1024xi32>
    %roll3A_2625 = arith.constant 256 : i32
    %roll3A_2626 = tpu.dynamic_rotate %select_n3A_2611 by %roll3A_2625 dim 1 : vector<32x1024xf32>, i32 -> vector<32x1024xf32>
    %roll3A_2627 = arith.constant 768 : i32
    %roll3A_2628 = tpu.dynamic_rotate %select_n3A_2611 by %roll3A_2627 dim 1 : vector<32x1024xf32>, i32 -> vector<32x1024xf32>
    %select_n3A_2629 = arith.select %ne3A_2618, %roll3A_2626, %roll3A_2628 : vector<32x1024xi1>, vector<32x1024xf32>
    %roll3A_2630 = arith.constant 256 : i32
    %roll3A_2631 = tpu.dynamic_rotate %select_n3A_2612 by %roll3A_2630 dim 1 : vector<32x1024xi32>, i32 -> vector<32x1024xi32>
    %roll3A_2632 = arith.constant 768 : i32
    %roll3A_2633 = tpu.dynamic_rotate %select_n3A_2612 by %roll3A_2632 dim 1 : vector<32x1024xi32>, i32 -> vector<32x1024xi32>
    %select_n3A_2634 = arith.select %ne3A_2618, %roll3A_2631, %roll3A_2633 : vector<32x1024xi1>, vector<32x1024xi32>
    %gt3A_2635 = arith.cmpf ogt, %select_n3A_2611, %select_n3A_2629 : vector<32x1024xf32>
    %eq3A_2636 = arith.cmpf oeq, %select_n3A_2611, %select_n3A_2629 : vector<32x1024xf32>
    %lt3A_2637 = arith.cmpi slt, %select_n3A_2612, %select_n3A_2634 : vector<32x1024xi32>
    %and3A_2638 = arith.andi %eq3A_2636, %lt3A_2637 : vector<32x1024xi1>
    %or3A_2639 = arith.ori %gt3A_2635, %and3A_2638 : vector<32x1024xi1>
    %xor3A_2640 = arith.xori %or3A_2639, %ne3A_2618 : vector<32x1024xi1>
    %eq3A_2641 = arith.xori %xor3A_2640, %eq3A_2624 : vector<32x1024xi1>
    %eq3A_2642 = arith.constant dense<true> : vector<32x1024xi1>
    %eq3A_2643 = arith.xori %eq3A_2641, %eq3A_2642 : vector<32x1024xi1>
    %select_n3A_2644 = arith.select %eq3A_2643, %select_n3A_2611, %select_n3A_2629 : vector<32x1024xi1>, vector<32x1024xf32>
    %select_n3A_2645 = arith.select %eq3A_2643, %select_n3A_2612, %select_n3A_2634 : vector<32x1024xi1>, vector<32x1024xi32>
    %and3A_2646 = arith.constant 1024 : i32
    %and3A_2647 = vector.broadcast %and3A_2646 : i32 to vector<32x1024xi32>
    %and3A_2648 = arith.andi %add3A, %and3A_2647 : vector<32x1024xi32>
    %ne3A_2649 = arith.constant 0 : i32
    %ne3A_2650 = vector.broadcast %ne3A_2649 : i32 to vector<32x1024xi32>
    %ne3A_2651 = arith.cmpi ne, %and3A_2648, %ne3A_2650 : vector<32x1024xi32>
    %and3A_2652 = arith.constant 8192 : i32
    %and3A_2653 = vector.broadcast %and3A_2652 : i32 to vector<32x1024xi32>
    %and3A_2654 = arith.andi %add3A, %and3A_2653 : vector<32x1024xi32>
    %eq3A_2655 = arith.constant 0 : i32
    %eq3A_2656 = vector.broadcast %eq3A_2655 : i32 to vector<32x1024xi32>
    %eq3A_2657 = arith.cmpi eq, %and3A_2654, %eq3A_2656 : vector<32x1024xi32>
    %roll3A_2658 = arith.constant 128 : i32
    %roll3A_2659 = tpu.dynamic_rotate %select_n3A_2644 by %roll3A_2658 dim 1 : vector<32x1024xf32>, i32 -> vector<32x1024xf32>
    %roll3A_2660 = arith.constant 896 : i32
    %roll3A_2661 = tpu.dynamic_rotate %select_n3A_2644 by %roll3A_2660 dim 1 : vector<32x1024xf32>, i32 -> vector<32x1024xf32>
    %select_n3A_2662 = arith.select %ne3A_2651, %roll3A_2659, %roll3A_2661 : vector<32x1024xi1>, vector<32x1024xf32>
    %roll3A_2663 = arith.constant 128 : i32
    %roll3A_2664 = tpu.dynamic_rotate %select_n3A_2645 by %roll3A_2663 dim 1 : vector<32x1024xi32>, i32 -> vector<32x1024xi32>
    %roll3A_2665 = arith.constant 896 : i32
    %roll3A_2666 = tpu.dynamic_rotate %select_n3A_2645 by %roll3A_2665 dim 1 : vector<32x1024xi32>, i32 -> vector<32x1024xi32>
    %select_n3A_2667 = arith.select %ne3A_2651, %roll3A_2664, %roll3A_2666 : vector<32x1024xi1>, vector<32x1024xi32>
    %gt3A_2668 = arith.cmpf ogt, %select_n3A_2644, %select_n3A_2662 : vector<32x1024xf32>
    %eq3A_2669 = arith.cmpf oeq, %select_n3A_2644, %select_n3A_2662 : vector<32x1024xf32>
    %lt3A_2670 = arith.cmpi slt, %select_n3A_2645, %select_n3A_2667 : vector<32x1024xi32>
    %and3A_2671 = arith.andi %eq3A_2669, %lt3A_2670 : vector<32x1024xi1>
    %or3A_2672 = arith.ori %gt3A_2668, %and3A_2671 : vector<32x1024xi1>
    %xor3A_2673 = arith.xori %or3A_2672, %ne3A_2651 : vector<32x1024xi1>
    %eq3A_2674 = arith.xori %xor3A_2673, %eq3A_2657 : vector<32x1024xi1>
    %eq3A_2675 = arith.constant dense<true> : vector<32x1024xi1>
    %eq3A_2676 = arith.xori %eq3A_2674, %eq3A_2675 : vector<32x1024xi1>
    %select_n3A_2677 = arith.select %eq3A_2676, %select_n3A_2644, %select_n3A_2662 : vector<32x1024xi1>, vector<32x1024xf32>
    %select_n3A_2678 = arith.select %eq3A_2676, %select_n3A_2645, %select_n3A_2667 : vector<32x1024xi1>, vector<32x1024xi32>
    %and3A_2679 = arith.constant 512 : i32
    %and3A_2680 = vector.broadcast %and3A_2679 : i32 to vector<32x1024xi32>
    %and3A_2681 = arith.andi %add3A, %and3A_2680 : vector<32x1024xi32>
    %ne3A_2682 = arith.constant 0 : i32
    %ne3A_2683 = vector.broadcast %ne3A_2682 : i32 to vector<32x1024xi32>
    %ne3A_2684 = arith.cmpi ne, %and3A_2681, %ne3A_2683 : vector<32x1024xi32>
    %and3A_2685 = arith.constant 8192 : i32
    %and3A_2686 = vector.broadcast %and3A_2685 : i32 to vector<32x1024xi32>
    %and3A_2687 = arith.andi %add3A, %and3A_2686 : vector<32x1024xi32>
    %eq3A_2688 = arith.constant 0 : i32
    %eq3A_2689 = vector.broadcast %eq3A_2688 : i32 to vector<32x1024xi32>
    %eq3A_2690 = arith.cmpi eq, %and3A_2687, %eq3A_2689 : vector<32x1024xi32>
    %roll3A_2691 = arith.constant 64 : i32
    %roll3A_2692 = tpu.dynamic_rotate %select_n3A_2677 by %roll3A_2691 dim 1 : vector<32x1024xf32>, i32 -> vector<32x1024xf32>
    %roll3A_2693 = arith.constant 960 : i32
    %roll3A_2694 = tpu.dynamic_rotate %select_n3A_2677 by %roll3A_2693 dim 1 : vector<32x1024xf32>, i32 -> vector<32x1024xf32>
    %select_n3A_2695 = arith.select %ne3A_2684, %roll3A_2692, %roll3A_2694 : vector<32x1024xi1>, vector<32x1024xf32>
    %roll3A_2696 = arith.constant 64 : i32
    %roll3A_2697 = tpu.dynamic_rotate %select_n3A_2678 by %roll3A_2696 dim 1 : vector<32x1024xi32>, i32 -> vector<32x1024xi32>
    %roll3A_2698 = arith.constant 960 : i32
    %roll3A_2699 = tpu.dynamic_rotate %select_n3A_2678 by %roll3A_2698 dim 1 : vector<32x1024xi32>, i32 -> vector<32x1024xi32>
    %select_n3A_2700 = arith.select %ne3A_2684, %roll3A_2697, %roll3A_2699 : vector<32x1024xi1>, vector<32x1024xi32>
    %gt3A_2701 = arith.cmpf ogt, %select_n3A_2677, %select_n3A_2695 : vector<32x1024xf32>
    %eq3A_2702 = arith.cmpf oeq, %select_n3A_2677, %select_n3A_2695 : vector<32x1024xf32>
    %lt3A_2703 = arith.cmpi slt, %select_n3A_2678, %select_n3A_2700 : vector<32x1024xi32>
    %and3A_2704 = arith.andi %eq3A_2702, %lt3A_2703 : vector<32x1024xi1>
    %or3A_2705 = arith.ori %gt3A_2701, %and3A_2704 : vector<32x1024xi1>
    %xor3A_2706 = arith.xori %or3A_2705, %ne3A_2684 : vector<32x1024xi1>
    %eq3A_2707 = arith.xori %xor3A_2706, %eq3A_2690 : vector<32x1024xi1>
    %eq3A_2708 = arith.constant dense<true> : vector<32x1024xi1>
    %eq3A_2709 = arith.xori %eq3A_2707, %eq3A_2708 : vector<32x1024xi1>
    %select_n3A_2710 = arith.select %eq3A_2709, %select_n3A_2677, %select_n3A_2695 : vector<32x1024xi1>, vector<32x1024xf32>
    %select_n3A_2711 = arith.select %eq3A_2709, %select_n3A_2678, %select_n3A_2700 : vector<32x1024xi1>, vector<32x1024xi32>
    %and3A_2712 = arith.constant 256 : i32
    %and3A_2713 = vector.broadcast %and3A_2712 : i32 to vector<32x1024xi32>
    %and3A_2714 = arith.andi %add3A, %and3A_2713 : vector<32x1024xi32>
    %ne3A_2715 = arith.constant 0 : i32
    %ne3A_2716 = vector.broadcast %ne3A_2715 : i32 to vector<32x1024xi32>
    %ne3A_2717 = arith.cmpi ne, %and3A_2714, %ne3A_2716 : vector<32x1024xi32>
    %and3A_2718 = arith.constant 8192 : i32
    %and3A_2719 = vector.broadcast %and3A_2718 : i32 to vector<32x1024xi32>
    %and3A_2720 = arith.andi %add3A, %and3A_2719 : vector<32x1024xi32>
    %eq3A_2721 = arith.constant 0 : i32
    %eq3A_2722 = vector.broadcast %eq3A_2721 : i32 to vector<32x1024xi32>
    %eq3A_2723 = arith.cmpi eq, %and3A_2720, %eq3A_2722 : vector<32x1024xi32>
    %roll3A_2724 = arith.constant 32 : i32
    %roll3A_2725 = tpu.dynamic_rotate %select_n3A_2710 by %roll3A_2724 dim 1 : vector<32x1024xf32>, i32 -> vector<32x1024xf32>
    %roll3A_2726 = arith.constant 992 : i32
    %roll3A_2727 = tpu.dynamic_rotate %select_n3A_2710 by %roll3A_2726 dim 1 : vector<32x1024xf32>, i32 -> vector<32x1024xf32>
    %select_n3A_2728 = arith.select %ne3A_2717, %roll3A_2725, %roll3A_2727 : vector<32x1024xi1>, vector<32x1024xf32>
    %roll3A_2729 = arith.constant 32 : i32
    %roll3A_2730 = tpu.dynamic_rotate %select_n3A_2711 by %roll3A_2729 dim 1 : vector<32x1024xi32>, i32 -> vector<32x1024xi32>
    %roll3A_2731 = arith.constant 992 : i32
    %roll3A_2732 = tpu.dynamic_rotate %select_n3A_2711 by %roll3A_2731 dim 1 : vector<32x1024xi32>, i32 -> vector<32x1024xi32>
    %select_n3A_2733 = arith.select %ne3A_2717, %roll3A_2730, %roll3A_2732 : vector<32x1024xi1>, vector<32x1024xi32>
    %gt3A_2734 = arith.cmpf ogt, %select_n3A_2710, %select_n3A_2728 : vector<32x1024xf32>
    %eq3A_2735 = arith.cmpf oeq, %select_n3A_2710, %select_n3A_2728 : vector<32x1024xf32>
    %lt3A_2736 = arith.cmpi slt, %select_n3A_2711, %select_n3A_2733 : vector<32x1024xi32>
    %and3A_2737 = arith.andi %eq3A_2735, %lt3A_2736 : vector<32x1024xi1>
    %or3A_2738 = arith.ori %gt3A_2734, %and3A_2737 : vector<32x1024xi1>
    %xor3A_2739 = arith.xori %or3A_2738, %ne3A_2717 : vector<32x1024xi1>
    %eq3A_2740 = arith.xori %xor3A_2739, %eq3A_2723 : vector<32x1024xi1>
    %eq3A_2741 = arith.constant dense<true> : vector<32x1024xi1>
    %eq3A_2742 = arith.xori %eq3A_2740, %eq3A_2741 : vector<32x1024xi1>
    %select_n3A_2743 = arith.select %eq3A_2742, %select_n3A_2710, %select_n3A_2728 : vector<32x1024xi1>, vector<32x1024xf32>
    %select_n3A_2744 = arith.select %eq3A_2742, %select_n3A_2711, %select_n3A_2733 : vector<32x1024xi1>, vector<32x1024xi32>
    %and3A_2745 = arith.constant 128 : i32
    %and3A_2746 = vector.broadcast %and3A_2745 : i32 to vector<32x1024xi32>
    %and3A_2747 = arith.andi %add3A, %and3A_2746 : vector<32x1024xi32>
    %ne3A_2748 = arith.constant 0 : i32
    %ne3A_2749 = vector.broadcast %ne3A_2748 : i32 to vector<32x1024xi32>
    %ne3A_2750 = arith.cmpi ne, %and3A_2747, %ne3A_2749 : vector<32x1024xi32>
    %and3A_2751 = arith.constant 8192 : i32
    %and3A_2752 = vector.broadcast %and3A_2751 : i32 to vector<32x1024xi32>
    %and3A_2753 = arith.andi %add3A, %and3A_2752 : vector<32x1024xi32>
    %eq3A_2754 = arith.constant 0 : i32
    %eq3A_2755 = vector.broadcast %eq3A_2754 : i32 to vector<32x1024xi32>
    %eq3A_2756 = arith.cmpi eq, %and3A_2753, %eq3A_2755 : vector<32x1024xi32>
    %roll3A_2757 = arith.constant 16 : i32
    %roll3A_2758 = tpu.dynamic_rotate %select_n3A_2743 by %roll3A_2757 dim 1 : vector<32x1024xf32>, i32 -> vector<32x1024xf32>
    %roll3A_2759 = arith.constant 1008 : i32
    %roll3A_2760 = tpu.dynamic_rotate %select_n3A_2743 by %roll3A_2759 dim 1 : vector<32x1024xf32>, i32 -> vector<32x1024xf32>
    %select_n3A_2761 = arith.select %ne3A_2750, %roll3A_2758, %roll3A_2760 : vector<32x1024xi1>, vector<32x1024xf32>
    %roll3A_2762 = arith.constant 16 : i32
    %roll3A_2763 = tpu.dynamic_rotate %select_n3A_2744 by %roll3A_2762 dim 1 : vector<32x1024xi32>, i32 -> vector<32x1024xi32>
    %roll3A_2764 = arith.constant 1008 : i32
    %roll3A_2765 = tpu.dynamic_rotate %select_n3A_2744 by %roll3A_2764 dim 1 : vector<32x1024xi32>, i32 -> vector<32x1024xi32>
    %select_n3A_2766 = arith.select %ne3A_2750, %roll3A_2763, %roll3A_2765 : vector<32x1024xi1>, vector<32x1024xi32>
    %gt3A_2767 = arith.cmpf ogt, %select_n3A_2743, %select_n3A_2761 : vector<32x1024xf32>
    %eq3A_2768 = arith.cmpf oeq, %select_n3A_2743, %select_n3A_2761 : vector<32x1024xf32>
    %lt3A_2769 = arith.cmpi slt, %select_n3A_2744, %select_n3A_2766 : vector<32x1024xi32>
    %and3A_2770 = arith.andi %eq3A_2768, %lt3A_2769 : vector<32x1024xi1>
    %or3A_2771 = arith.ori %gt3A_2767, %and3A_2770 : vector<32x1024xi1>
    %xor3A_2772 = arith.xori %or3A_2771, %ne3A_2750 : vector<32x1024xi1>
    %eq3A_2773 = arith.xori %xor3A_2772, %eq3A_2756 : vector<32x1024xi1>
    %eq3A_2774 = arith.constant dense<true> : vector<32x1024xi1>
    %eq3A_2775 = arith.xori %eq3A_2773, %eq3A_2774 : vector<32x1024xi1>
    %select_n3A_2776 = arith.select %eq3A_2775, %select_n3A_2743, %select_n3A_2761 : vector<32x1024xi1>, vector<32x1024xf32>
    %select_n3A_2777 = arith.select %eq3A_2775, %select_n3A_2744, %select_n3A_2766 : vector<32x1024xi1>, vector<32x1024xi32>
    %and3A_2778 = arith.constant 64 : i32
    %and3A_2779 = vector.broadcast %and3A_2778 : i32 to vector<32x1024xi32>
    %and3A_2780 = arith.andi %add3A, %and3A_2779 : vector<32x1024xi32>
    %ne3A_2781 = arith.constant 0 : i32
    %ne3A_2782 = vector.broadcast %ne3A_2781 : i32 to vector<32x1024xi32>
    %ne3A_2783 = arith.cmpi ne, %and3A_2780, %ne3A_2782 : vector<32x1024xi32>
    %and3A_2784 = arith.constant 8192 : i32
    %and3A_2785 = vector.broadcast %and3A_2784 : i32 to vector<32x1024xi32>
    %and3A_2786 = arith.andi %add3A, %and3A_2785 : vector<32x1024xi32>
    %eq3A_2787 = arith.constant 0 : i32
    %eq3A_2788 = vector.broadcast %eq3A_2787 : i32 to vector<32x1024xi32>
    %eq3A_2789 = arith.cmpi eq, %and3A_2786, %eq3A_2788 : vector<32x1024xi32>
    %roll3A_2790 = arith.constant 8 : i32
    %roll3A_2791 = tpu.dynamic_rotate %select_n3A_2776 by %roll3A_2790 dim 1 : vector<32x1024xf32>, i32 -> vector<32x1024xf32>
    %roll3A_2792 = arith.constant 1016 : i32
    %roll3A_2793 = tpu.dynamic_rotate %select_n3A_2776 by %roll3A_2792 dim 1 : vector<32x1024xf32>, i32 -> vector<32x1024xf32>
    %select_n3A_2794 = arith.select %ne3A_2783, %roll3A_2791, %roll3A_2793 : vector<32x1024xi1>, vector<32x1024xf32>
    %roll3A_2795 = arith.constant 8 : i32
    %roll3A_2796 = tpu.dynamic_rotate %select_n3A_2777 by %roll3A_2795 dim 1 : vector<32x1024xi32>, i32 -> vector<32x1024xi32>
    %roll3A_2797 = arith.constant 1016 : i32
    %roll3A_2798 = tpu.dynamic_rotate %select_n3A_2777 by %roll3A_2797 dim 1 : vector<32x1024xi32>, i32 -> vector<32x1024xi32>
    %select_n3A_2799 = arith.select %ne3A_2783, %roll3A_2796, %roll3A_2798 : vector<32x1024xi1>, vector<32x1024xi32>
    %gt3A_2800 = arith.cmpf ogt, %select_n3A_2776, %select_n3A_2794 : vector<32x1024xf32>
    %eq3A_2801 = arith.cmpf oeq, %select_n3A_2776, %select_n3A_2794 : vector<32x1024xf32>
    %lt3A_2802 = arith.cmpi slt, %select_n3A_2777, %select_n3A_2799 : vector<32x1024xi32>
    %and3A_2803 = arith.andi %eq3A_2801, %lt3A_2802 : vector<32x1024xi1>
    %or3A_2804 = arith.ori %gt3A_2800, %and3A_2803 : vector<32x1024xi1>
    %xor3A_2805 = arith.xori %or3A_2804, %ne3A_2783 : vector<32x1024xi1>
    %eq3A_2806 = arith.xori %xor3A_2805, %eq3A_2789 : vector<32x1024xi1>
    %eq3A_2807 = arith.constant dense<true> : vector<32x1024xi1>
    %eq3A_2808 = arith.xori %eq3A_2806, %eq3A_2807 : vector<32x1024xi1>
    %select_n3A_2809 = arith.select %eq3A_2808, %select_n3A_2776, %select_n3A_2794 : vector<32x1024xi1>, vector<32x1024xf32>
    %select_n3A_2810 = arith.select %eq3A_2808, %select_n3A_2777, %select_n3A_2799 : vector<32x1024xi1>, vector<32x1024xi32>
    %and3A_2811 = arith.constant 32 : i32
    %and3A_2812 = vector.broadcast %and3A_2811 : i32 to vector<32x1024xi32>
    %and3A_2813 = arith.andi %add3A, %and3A_2812 : vector<32x1024xi32>
    %ne3A_2814 = arith.constant 0 : i32
    %ne3A_2815 = vector.broadcast %ne3A_2814 : i32 to vector<32x1024xi32>
    %ne3A_2816 = arith.cmpi ne, %and3A_2813, %ne3A_2815 : vector<32x1024xi32>
    %and3A_2817 = arith.constant 8192 : i32
    %and3A_2818 = vector.broadcast %and3A_2817 : i32 to vector<32x1024xi32>
    %and3A_2819 = arith.andi %add3A, %and3A_2818 : vector<32x1024xi32>
    %eq3A_2820 = arith.constant 0 : i32
    %eq3A_2821 = vector.broadcast %eq3A_2820 : i32 to vector<32x1024xi32>
    %eq3A_2822 = arith.cmpi eq, %and3A_2819, %eq3A_2821 : vector<32x1024xi32>
    %roll3A_2823 = arith.constant 4 : i32
    %roll3A_2824 = tpu.dynamic_rotate %select_n3A_2809 by %roll3A_2823 dim 1 : vector<32x1024xf32>, i32 -> vector<32x1024xf32>
    %roll3A_2825 = arith.constant 1020 : i32
    %roll3A_2826 = tpu.dynamic_rotate %select_n3A_2809 by %roll3A_2825 dim 1 : vector<32x1024xf32>, i32 -> vector<32x1024xf32>
    %select_n3A_2827 = arith.select %ne3A_2816, %roll3A_2824, %roll3A_2826 : vector<32x1024xi1>, vector<32x1024xf32>
    %roll3A_2828 = arith.constant 4 : i32
    %roll3A_2829 = tpu.dynamic_rotate %select_n3A_2810 by %roll3A_2828 dim 1 : vector<32x1024xi32>, i32 -> vector<32x1024xi32>
    %roll3A_2830 = arith.constant 1020 : i32
    %roll3A_2831 = tpu.dynamic_rotate %select_n3A_2810 by %roll3A_2830 dim 1 : vector<32x1024xi32>, i32 -> vector<32x1024xi32>
    %select_n3A_2832 = arith.select %ne3A_2816, %roll3A_2829, %roll3A_2831 : vector<32x1024xi1>, vector<32x1024xi32>
    %gt3A_2833 = arith.cmpf ogt, %select_n3A_2809, %select_n3A_2827 : vector<32x1024xf32>
    %eq3A_2834 = arith.cmpf oeq, %select_n3A_2809, %select_n3A_2827 : vector<32x1024xf32>
    %lt3A_2835 = arith.cmpi slt, %select_n3A_2810, %select_n3A_2832 : vector<32x1024xi32>
    %and3A_2836 = arith.andi %eq3A_2834, %lt3A_2835 : vector<32x1024xi1>
    %or3A_2837 = arith.ori %gt3A_2833, %and3A_2836 : vector<32x1024xi1>
    %xor3A_2838 = arith.xori %or3A_2837, %ne3A_2816 : vector<32x1024xi1>
    %eq3A_2839 = arith.xori %xor3A_2838, %eq3A_2822 : vector<32x1024xi1>
    %eq3A_2840 = arith.constant dense<true> : vector<32x1024xi1>
    %eq3A_2841 = arith.xori %eq3A_2839, %eq3A_2840 : vector<32x1024xi1>
    %select_n3A_2842 = arith.select %eq3A_2841, %select_n3A_2809, %select_n3A_2827 : vector<32x1024xi1>, vector<32x1024xf32>
    %select_n3A_2843 = arith.select %eq3A_2841, %select_n3A_2810, %select_n3A_2832 : vector<32x1024xi1>, vector<32x1024xi32>
    %and3A_2844 = arith.constant 16 : i32
    %and3A_2845 = vector.broadcast %and3A_2844 : i32 to vector<32x1024xi32>
    %and3A_2846 = arith.andi %add3A, %and3A_2845 : vector<32x1024xi32>
    %ne3A_2847 = arith.constant 0 : i32
    %ne3A_2848 = vector.broadcast %ne3A_2847 : i32 to vector<32x1024xi32>
    %ne3A_2849 = arith.cmpi ne, %and3A_2846, %ne3A_2848 : vector<32x1024xi32>
    %and3A_2850 = arith.constant 8192 : i32
    %and3A_2851 = vector.broadcast %and3A_2850 : i32 to vector<32x1024xi32>
    %and3A_2852 = arith.andi %add3A, %and3A_2851 : vector<32x1024xi32>
    %eq3A_2853 = arith.constant 0 : i32
    %eq3A_2854 = vector.broadcast %eq3A_2853 : i32 to vector<32x1024xi32>
    %eq3A_2855 = arith.cmpi eq, %and3A_2852, %eq3A_2854 : vector<32x1024xi32>
    %roll3A_2856 = arith.constant 2 : i32
    %roll3A_2857 = tpu.dynamic_rotate %select_n3A_2842 by %roll3A_2856 dim 1 : vector<32x1024xf32>, i32 -> vector<32x1024xf32>
    %roll3A_2858 = arith.constant 1022 : i32
    %roll3A_2859 = tpu.dynamic_rotate %select_n3A_2842 by %roll3A_2858 dim 1 : vector<32x1024xf32>, i32 -> vector<32x1024xf32>
    %select_n3A_2860 = arith.select %ne3A_2849, %roll3A_2857, %roll3A_2859 : vector<32x1024xi1>, vector<32x1024xf32>
    %roll3A_2861 = arith.constant 2 : i32
    %roll3A_2862 = tpu.dynamic_rotate %select_n3A_2843 by %roll3A_2861 dim 1 : vector<32x1024xi32>, i32 -> vector<32x1024xi32>
    %roll3A_2863 = arith.constant 1022 : i32
    %roll3A_2864 = tpu.dynamic_rotate %select_n3A_2843 by %roll3A_2863 dim 1 : vector<32x1024xi32>, i32 -> vector<32x1024xi32>
    %select_n3A_2865 = arith.select %ne3A_2849, %roll3A_2862, %roll3A_2864 : vector<32x1024xi1>, vector<32x1024xi32>
    %gt3A_2866 = arith.cmpf ogt, %select_n3A_2842, %select_n3A_2860 : vector<32x1024xf32>
    %eq3A_2867 = arith.cmpf oeq, %select_n3A_2842, %select_n3A_2860 : vector<32x1024xf32>
    %lt3A_2868 = arith.cmpi slt, %select_n3A_2843, %select_n3A_2865 : vector<32x1024xi32>
    %and3A_2869 = arith.andi %eq3A_2867, %lt3A_2868 : vector<32x1024xi1>
    %or3A_2870 = arith.ori %gt3A_2866, %and3A_2869 : vector<32x1024xi1>
    %xor3A_2871 = arith.xori %or3A_2870, %ne3A_2849 : vector<32x1024xi1>
    %eq3A_2872 = arith.xori %xor3A_2871, %eq3A_2855 : vector<32x1024xi1>
    %eq3A_2873 = arith.constant dense<true> : vector<32x1024xi1>
    %eq3A_2874 = arith.xori %eq3A_2872, %eq3A_2873 : vector<32x1024xi1>
    %select_n3A_2875 = arith.select %eq3A_2874, %select_n3A_2842, %select_n3A_2860 : vector<32x1024xi1>, vector<32x1024xf32>
    %select_n3A_2876 = arith.select %eq3A_2874, %select_n3A_2843, %select_n3A_2865 : vector<32x1024xi1>, vector<32x1024xi32>
    %and3A_2877 = arith.constant 8 : i32
    %and3A_2878 = vector.broadcast %and3A_2877 : i32 to vector<32x1024xi32>
    %and3A_2879 = arith.andi %add3A, %and3A_2878 : vector<32x1024xi32>
    %ne3A_2880 = arith.constant 0 : i32
    %ne3A_2881 = vector.broadcast %ne3A_2880 : i32 to vector<32x1024xi32>
    %ne3A_2882 = arith.cmpi ne, %and3A_2879, %ne3A_2881 : vector<32x1024xi32>
    %and3A_2883 = arith.constant 8192 : i32
    %and3A_2884 = vector.broadcast %and3A_2883 : i32 to vector<32x1024xi32>
    %and3A_2885 = arith.andi %add3A, %and3A_2884 : vector<32x1024xi32>
    %eq3A_2886 = arith.constant 0 : i32
    %eq3A_2887 = vector.broadcast %eq3A_2886 : i32 to vector<32x1024xi32>
    %eq3A_2888 = arith.cmpi eq, %and3A_2885, %eq3A_2887 : vector<32x1024xi32>
    %roll3A_2889 = arith.constant 1 : i32
    %roll3A_2890 = tpu.dynamic_rotate %select_n3A_2875 by %roll3A_2889 dim 1 : vector<32x1024xf32>, i32 -> vector<32x1024xf32>
    %roll3A_2891 = arith.constant 1023 : i32
    %roll3A_2892 = tpu.dynamic_rotate %select_n3A_2875 by %roll3A_2891 dim 1 : vector<32x1024xf32>, i32 -> vector<32x1024xf32>
    %select_n3A_2893 = arith.select %ne3A_2882, %roll3A_2890, %roll3A_2892 : vector<32x1024xi1>, vector<32x1024xf32>
    %roll3A_2894 = arith.constant 1 : i32
    %roll3A_2895 = tpu.dynamic_rotate %select_n3A_2876 by %roll3A_2894 dim 1 : vector<32x1024xi32>, i32 -> vector<32x1024xi32>
    %roll3A_2896 = arith.constant 1023 : i32
    %roll3A_2897 = tpu.dynamic_rotate %select_n3A_2876 by %roll3A_2896 dim 1 : vector<32x1024xi32>, i32 -> vector<32x1024xi32>
    %select_n3A_2898 = arith.select %ne3A_2882, %roll3A_2895, %roll3A_2897 : vector<32x1024xi1>, vector<32x1024xi32>
    %gt3A_2899 = arith.cmpf ogt, %select_n3A_2875, %select_n3A_2893 : vector<32x1024xf32>
    %eq3A_2900 = arith.cmpf oeq, %select_n3A_2875, %select_n3A_2893 : vector<32x1024xf32>
    %lt3A_2901 = arith.cmpi slt, %select_n3A_2876, %select_n3A_2898 : vector<32x1024xi32>
    %and3A_2902 = arith.andi %eq3A_2900, %lt3A_2901 : vector<32x1024xi1>
    %or3A_2903 = arith.ori %gt3A_2899, %and3A_2902 : vector<32x1024xi1>
    %xor3A_2904 = arith.xori %or3A_2903, %ne3A_2882 : vector<32x1024xi1>
    %eq3A_2905 = arith.xori %xor3A_2904, %eq3A_2888 : vector<32x1024xi1>
    %eq3A_2906 = arith.constant dense<true> : vector<32x1024xi1>
    %eq3A_2907 = arith.xori %eq3A_2905, %eq3A_2906 : vector<32x1024xi1>
    %select_n3A_2908 = arith.select %eq3A_2907, %select_n3A_2875, %select_n3A_2893 : vector<32x1024xi1>, vector<32x1024xf32>
    %select_n3A_2909 = arith.select %eq3A_2907, %select_n3A_2876, %select_n3A_2898 : vector<32x1024xi1>, vector<32x1024xi32>
    %and3A_2910 = arith.constant 4 : i32
    %and3A_2911 = vector.broadcast %and3A_2910 : i32 to vector<32x1024xi32>
    %and3A_2912 = arith.andi %add3A, %and3A_2911 : vector<32x1024xi32>
    %ne3A_2913 = arith.constant 0 : i32
    %ne3A_2914 = vector.broadcast %ne3A_2913 : i32 to vector<32x1024xi32>
    %ne3A_2915 = arith.cmpi ne, %and3A_2912, %ne3A_2914 : vector<32x1024xi32>
    %and3A_2916 = arith.constant 8192 : i32
    %and3A_2917 = vector.broadcast %and3A_2916 : i32 to vector<32x1024xi32>
    %and3A_2918 = arith.andi %add3A, %and3A_2917 : vector<32x1024xi32>
    %eq3A_2919 = arith.constant 0 : i32
    %eq3A_2920 = vector.broadcast %eq3A_2919 : i32 to vector<32x1024xi32>
    %eq3A_2921 = arith.cmpi eq, %and3A_2918, %eq3A_2920 : vector<32x1024xi32>
    %roll3A_2922 = arith.constant 4 : i32
    %roll3A_2923 = tpu.dynamic_rotate %select_n3A_2908 by %roll3A_2922 dim 0 : vector<32x1024xf32>, i32 -> vector<32x1024xf32>
    %roll3A_2924 = arith.constant 28 : i32
    %roll3A_2925 = tpu.dynamic_rotate %select_n3A_2908 by %roll3A_2924 dim 0 : vector<32x1024xf32>, i32 -> vector<32x1024xf32>
    %select_n3A_2926 = arith.select %ne3A_2915, %roll3A_2923, %roll3A_2925 : vector<32x1024xi1>, vector<32x1024xf32>
    %roll3A_2927 = arith.constant 4 : i32
    %roll3A_2928 = tpu.dynamic_rotate %select_n3A_2909 by %roll3A_2927 dim 0 : vector<32x1024xi32>, i32 -> vector<32x1024xi32>
    %roll3A_2929 = arith.constant 28 : i32
    %roll3A_2930 = tpu.dynamic_rotate %select_n3A_2909 by %roll3A_2929 dim 0 : vector<32x1024xi32>, i32 -> vector<32x1024xi32>
    %select_n3A_2931 = arith.select %ne3A_2915, %roll3A_2928, %roll3A_2930 : vector<32x1024xi1>, vector<32x1024xi32>
    %gt3A_2932 = arith.cmpf ogt, %select_n3A_2908, %select_n3A_2926 : vector<32x1024xf32>
    %eq3A_2933 = arith.cmpf oeq, %select_n3A_2908, %select_n3A_2926 : vector<32x1024xf32>
    %lt3A_2934 = arith.cmpi slt, %select_n3A_2909, %select_n3A_2931 : vector<32x1024xi32>
    %and3A_2935 = arith.andi %eq3A_2933, %lt3A_2934 : vector<32x1024xi1>
    %or3A_2936 = arith.ori %gt3A_2932, %and3A_2935 : vector<32x1024xi1>
    %xor3A_2937 = arith.xori %or3A_2936, %ne3A_2915 : vector<32x1024xi1>
    %eq3A_2938 = arith.xori %xor3A_2937, %eq3A_2921 : vector<32x1024xi1>
    %eq3A_2939 = arith.constant dense<true> : vector<32x1024xi1>
    %eq3A_2940 = arith.xori %eq3A_2938, %eq3A_2939 : vector<32x1024xi1>
    %select_n3A_2941 = arith.select %eq3A_2940, %select_n3A_2908, %select_n3A_2926 : vector<32x1024xi1>, vector<32x1024xf32>
    %select_n3A_2942 = arith.select %eq3A_2940, %select_n3A_2909, %select_n3A_2931 : vector<32x1024xi1>, vector<32x1024xi32>
    %and3A_2943 = arith.constant 2 : i32
    %and3A_2944 = vector.broadcast %and3A_2943 : i32 to vector<32x1024xi32>
    %and3A_2945 = arith.andi %add3A, %and3A_2944 : vector<32x1024xi32>
    %ne3A_2946 = arith.constant 0 : i32
    %ne3A_2947 = vector.broadcast %ne3A_2946 : i32 to vector<32x1024xi32>
    %ne3A_2948 = arith.cmpi ne, %and3A_2945, %ne3A_2947 : vector<32x1024xi32>
    %and3A_2949 = arith.constant 8192 : i32
    %and3A_2950 = vector.broadcast %and3A_2949 : i32 to vector<32x1024xi32>
    %and3A_2951 = arith.andi %add3A, %and3A_2950 : vector<32x1024xi32>
    %eq3A_2952 = arith.constant 0 : i32
    %eq3A_2953 = vector.broadcast %eq3A_2952 : i32 to vector<32x1024xi32>
    %eq3A_2954 = arith.cmpi eq, %and3A_2951, %eq3A_2953 : vector<32x1024xi32>
    %roll3A_2955 = arith.constant 2 : i32
    %roll3A_2956 = tpu.dynamic_rotate %select_n3A_2941 by %roll3A_2955 dim 0 : vector<32x1024xf32>, i32 -> vector<32x1024xf32>
    %roll3A_2957 = arith.constant 30 : i32
    %roll3A_2958 = tpu.dynamic_rotate %select_n3A_2941 by %roll3A_2957 dim 0 : vector<32x1024xf32>, i32 -> vector<32x1024xf32>
    %select_n3A_2959 = arith.select %ne3A_2948, %roll3A_2956, %roll3A_2958 : vector<32x1024xi1>, vector<32x1024xf32>
    %roll3A_2960 = arith.constant 2 : i32
    %roll3A_2961 = tpu.dynamic_rotate %select_n3A_2942 by %roll3A_2960 dim 0 : vector<32x1024xi32>, i32 -> vector<32x1024xi32>
    %roll3A_2962 = arith.constant 30 : i32
    %roll3A_2963 = tpu.dynamic_rotate %select_n3A_2942 by %roll3A_2962 dim 0 : vector<32x1024xi32>, i32 -> vector<32x1024xi32>
    %select_n3A_2964 = arith.select %ne3A_2948, %roll3A_2961, %roll3A_2963 : vector<32x1024xi1>, vector<32x1024xi32>
    %gt3A_2965 = arith.cmpf ogt, %select_n3A_2941, %select_n3A_2959 : vector<32x1024xf32>
    %eq3A_2966 = arith.cmpf oeq, %select_n3A_2941, %select_n3A_2959 : vector<32x1024xf32>
    %lt3A_2967 = arith.cmpi slt, %select_n3A_2942, %select_n3A_2964 : vector<32x1024xi32>
    %and3A_2968 = arith.andi %eq3A_2966, %lt3A_2967 : vector<32x1024xi1>
    %or3A_2969 = arith.ori %gt3A_2965, %and3A_2968 : vector<32x1024xi1>
    %xor3A_2970 = arith.xori %or3A_2969, %ne3A_2948 : vector<32x1024xi1>
    %eq3A_2971 = arith.xori %xor3A_2970, %eq3A_2954 : vector<32x1024xi1>
    %eq3A_2972 = arith.constant dense<true> : vector<32x1024xi1>
    %eq3A_2973 = arith.xori %eq3A_2971, %eq3A_2972 : vector<32x1024xi1>
    %select_n3A_2974 = arith.select %eq3A_2973, %select_n3A_2941, %select_n3A_2959 : vector<32x1024xi1>, vector<32x1024xf32>
    %select_n3A_2975 = arith.select %eq3A_2973, %select_n3A_2942, %select_n3A_2964 : vector<32x1024xi1>, vector<32x1024xi32>
    %and3A_2976 = arith.constant 1 : i32
    %and3A_2977 = vector.broadcast %and3A_2976 : i32 to vector<32x1024xi32>
    %and3A_2978 = arith.andi %add3A, %and3A_2977 : vector<32x1024xi32>
    %ne3A_2979 = arith.constant 0 : i32
    %ne3A_2980 = vector.broadcast %ne3A_2979 : i32 to vector<32x1024xi32>
    %ne3A_2981 = arith.cmpi ne, %and3A_2978, %ne3A_2980 : vector<32x1024xi32>
    %and3A_2982 = arith.constant 8192 : i32
    %and3A_2983 = vector.broadcast %and3A_2982 : i32 to vector<32x1024xi32>
    %and3A_2984 = arith.andi %add3A, %and3A_2983 : vector<32x1024xi32>
    %eq3A_2985 = arith.constant 0 : i32
    %eq3A_2986 = vector.broadcast %eq3A_2985 : i32 to vector<32x1024xi32>
    %eq3A_2987 = arith.cmpi eq, %and3A_2984, %eq3A_2986 : vector<32x1024xi32>
    %roll3A_2988 = arith.constant 1 : i32
    %roll3A_2989 = tpu.dynamic_rotate %select_n3A_2974 by %roll3A_2988 dim 0 : vector<32x1024xf32>, i32 -> vector<32x1024xf32>
    %roll3A_2990 = arith.constant 31 : i32
    %roll3A_2991 = tpu.dynamic_rotate %select_n3A_2974 by %roll3A_2990 dim 0 : vector<32x1024xf32>, i32 -> vector<32x1024xf32>
    %select_n3A_2992 = arith.select %ne3A_2981, %roll3A_2989, %roll3A_2991 : vector<32x1024xi1>, vector<32x1024xf32>
    %roll3A_2993 = arith.constant 1 : i32
    %roll3A_2994 = tpu.dynamic_rotate %select_n3A_2975 by %roll3A_2993 dim 0 : vector<32x1024xi32>, i32 -> vector<32x1024xi32>
    %roll3A_2995 = arith.constant 31 : i32
    %roll3A_2996 = tpu.dynamic_rotate %select_n3A_2975 by %roll3A_2995 dim 0 : vector<32x1024xi32>, i32 -> vector<32x1024xi32>
    %select_n3A_2997 = arith.select %ne3A_2981, %roll3A_2994, %roll3A_2996 : vector<32x1024xi1>, vector<32x1024xi32>
    %gt3A_2998 = arith.cmpf ogt, %select_n3A_2974, %select_n3A_2992 : vector<32x1024xf32>
    %eq3A_2999 = arith.cmpf oeq, %select_n3A_2974, %select_n3A_2992 : vector<32x1024xf32>
    %lt3A_3000 = arith.cmpi slt, %select_n3A_2975, %select_n3A_2997 : vector<32x1024xi32>
    %and3A_3001 = arith.andi %eq3A_2999, %lt3A_3000 : vector<32x1024xi1>
    %or3A_3002 = arith.ori %gt3A_2998, %and3A_3001 : vector<32x1024xi1>
    %xor3A_3003 = arith.xori %or3A_3002, %ne3A_2981 : vector<32x1024xi1>
    %eq3A_3004 = arith.xori %xor3A_3003, %eq3A_2987 : vector<32x1024xi1>
    %eq3A_3005 = arith.constant dense<true> : vector<32x1024xi1>
    %eq3A_3006 = arith.xori %eq3A_3004, %eq3A_3005 : vector<32x1024xi1>
    %select_n3A_3007 = arith.select %eq3A_3006, %select_n3A_2975, %select_n3A_2997 : vector<32x1024xi1>, vector<32x1024xi32>
    %shift_right_arithmetic3A = arith.constant 3 : i32
    %shift_right_arithmetic3A_3008 = vector.broadcast %shift_right_arithmetic3A : i32 to vector<32x1024xi32>
    %shift_right_arithmetic3A_3009 = arith.shrsi %iota3A, %shift_right_arithmetic3A_3008 : vector<32x1024xi32>
    %mul3A_3010 = arith.constant 8192 : i32
    %mul3A_3011 = vector.broadcast %mul3A_3010 : i32 to vector<32x1024xi32>
    %mul3A_3012 = arith.muli %shift_right_arithmetic3A_3009, %mul3A_3011 : vector<32x1024xi32>
    %add3A_3013 = arith.addi %select_n3A_3007, %mul3A_3012 : vector<32x1024xi32>
    %swap3A = arith.constant 0 : index
    %swap3A_3014 = arith.constant 0 : index
    %swap3A_3015 = vector.load %arg1[%swap3A, %swap3A_3014] : memref<32x1024xi32, #tpu.memory_space<vmem>>, vector<32x1024xi32>
    tpu.vector_store %arg1[%swap3A, %swap3A_3014], %add3A_3013 {strides = array<i32>} : memref<32x1024xi32, #tpu.memory_space<vmem>>, vector<32x1024xi32>,
    return
  }
}

</mosaic_0001>

<sc_bundles>
// kernel: kernel.4.cloned.1.call-start
scs
__scs_entry_jumppad:
0x0: {  	(pc) =	sbr.rel $0x88, $3  }
0x1: {  	(tag) =	ssettag $0x0;
	lr =	simm.s32 $0x1  }
0x2: {  	[smem:$0x3F9F] =	sst lr;
	_ =	strace $0xD0000000  }
0x3: {  	_ = 	snop  }
0x4: {  	_ = 	snop  }
0x5: {  	_ = 	snop  }
0x6: {  	_ = 	snop  }
0x7: {  	_ = 	snop  }
__scs_overlays_trampoline_lowered:
0x8: {  	[smem:$0x3FAE] =	sst s0  }
0x9: {  	[smem:$0x3FAF] =	sst s1  }
0xa: {  	[smem:$0x3FB0] =	sst s2  }
0xb: {  	[smem:$0x3FB1] =	sst s3  }
0xc: {  	[smem:$0x3FB2] =	sst s4  }
0xd: {  	[smem:$0x3FB3] =	sst s5  }
0xe: {  	[smem:$0x3FB4] =	sst s6  }
0xf: {  	[smem:$0x3FB5] =	sst s7  }
0x10: {  	[smem:$0x3FB6] =	sst s8  }
0x11: {  	[smem:$0x3FB7] =	sst s9;
	s0 =	simm.s32 @!p0 $0x0  }
0x12: {  	s1 =	sld [smem:$0x3F9D];
	s0 =	simm.s32 @p0 $0x1  }
0x13: {  	[smem:$0x3FB8] =	sst s0;
	s0 =	simm.s32 @!p1 $0x0  }
0x14: {  	s2 =	sld [smem:$0x3F9C];
	s0 =	simm.s32 @p1 $0x1  }
0x15: {  	[smem:$0x3FB9] =	sst s0;
	s0 =	simm.s32 @!p2 $0x0  }
0x16: {  	s3 =	sld [smem:$0x3FDB];
	s0 =	simm.s32 @p2 $0x1  }
0x17: {  	s4 =	simm.s32 $0x1BF5;
	[smem:$0x3FBB] =	sst s0  }
0x18: {  	s0 =	sld [smem:$0x3F9E];
	_ =	swait.ge [sflag:s4], $0x0  }
0x19: {  	s7 =	sld [smem:$0x3F9F]  }
0x1a: {  	s8 =	sadd.s32 $0xFFFFE003, lr  }
0x1b: {  	s9 =	sadd.s32 $0xFFFFFEF7, lr;
	s5 =	simm.s32 $0xFFFFFFFF;
	p2 =	slt.u32 s8, $0xFFFFF086  }
0x1c: {  	p1 =	slt.u32 s9, $0xF7A;
	s5 =	simm.s32 @!p2 $0x0  }
0x1d: {  	s5 =	simm.s32 @p1 $0x1;
	p0 =	seq.s32 s7, s2  }
0x1e: {  	s7 =	smul.u32 @!p0 $0xF7A, s2;
	p2 =	seq.s32 @!p0 s5, $0x0  }
0x1f: {  	s9 =	smul.u32 $0xF7A, s1;
	s8 =	simm.s32 @!p0 $0x1BF5;
	p2 =	por !p2, p0  }
0x20: {  	[sflag:s8] =	ssyncset.s32 @!p0 $0xFFFFF086;
	s6 =	sadd.s32 @!p0 s3, s7;
	s7 =	simm.s32 @!p0 $0x108  }
0x21: {  	s3 =	sadd.s32 s3, s9;
	s6 =	sadd.s32 @!p0 $0x88, s6;
	s7 =	simm.s32 @p2 $0x1082  }
0x22: {  	[simem:s7], [sflag:s8] =	dma.local @!p0 [hbm:s6], $0xF7A  }
0x23: {  	s9 =	sor.u32 $0xD0000000, s2;
	s6 =	simm.s32 $0x108;
	_ =	swait.ge @!p0 [sflag:s8], $0x0  }
0x24: {  	s3 =	sadd.s32 $0x88, s3;
	s6 =	simm.s32 @!p1 $0x1082;
	[sflag:s4] =	ssyncset.s32 $0xFFFFF086  }
0x25: {  	[simem:s6], [sflag:s4] =	dma.local [hbm:s3], $0xF7A  }
0x26: {  	[smem:$0x3F9F] =	sst s1;
	(tag) =	ssettag s2;
	_ =	strace s9  }
0x27: {  	s1 =	sld [smem:$0x3FAF]  }
0x28: {  	s2 =	sld [smem:$0x3FB0]  }
0x29: {  	s4 =	sld [smem:$0x3FB2]  }
0x2a: {  	p0 =	seq.s32 s5, $0x0;
	s5 =	sld [smem:$0x3FB3]  }
0x2b: {  	s6 =	sld [smem:$0x3FB4]  }
0x2c: {  	s7 =	sld [smem:$0x3FB5]  }
0x2d: {  	s3 =	simm.s32 $0x108;
	s8 =	sld [smem:$0x3FB6]  }
0x2e: {  	s3 =	simm.s32 @!p0 $0x1082;
	s9 =	sld [smem:$0x3FB7]  }
0x2f: {  	lr =	sadd.s32 s0, s3;
	s0 =	sld [smem:$0x3FAE]  }
0x30: {  	s3 =	sld [smem:$0x3FB1]  }
0x31: {  	[smem:$0x3FBA] =	sst s10  }
0x32: {  	s10 =	sld [smem:$0x3FB8];
	_ =	sdelay $0x3  }
0x33: {  	p0 =	seq.s32 s10, $0x1;
	s10 =	sld [smem:$0x3FBA];
	_ =	sdelay $0x3  }
0x34: {  	[smem:$0x3FBA] =	sst s10  }
0x35: {  	s10 =	sld [smem:$0x3FB9];
	_ =	sdelay $0x3  }
0x36: {  	p1 =	seq.s32 s10, $0x1;
	s10 =	sld [smem:$0x3FBA];
	_ =	sdelay $0x3  }
0x37: {  	[smem:$0x3FBA] =	sst s10  }
0x38: {  	s10 =	sld [smem:$0x3FBB]  }
0x39: {  	_ = 	snop;
	(pc) =	sbr.ind lr, $3  }
0x3a: {  	_ = 	snop  }
0x3b: {  	_ = 	snop  }
0x3c: {  	p2 =	seq.s32 s10, $0x1;
	s10 =	sld [smem:$0x3FBA]  }
0x3d: {  	_ =	shalt  }
0x3e: {  	_ =	shalt  }
0x3f: {  	_ =	shalt  }
0x40: {  	_ =	shalt  }
0x41: {  	_ =	shalt  }
0x42: {  	_ =	shalt  }
0x43: {  	_ =	shalt  }
0x44: {  	_ =	shalt  }
0x45: {  	_ =	shalt  }
0x46: {  	_ =	shalt  }
0x47: {  	_ =	shalt  }
0x48: {  	_ =	shalt  }
0x49: {  	_ =	shalt  }
0x4a: {  	_ =	shalt  }
0x4b: {  	_ =	shalt  }
0x4c: {  	_ =	shalt  }
0x4d: {  	_ =	shalt  }
0x4e: {  	_ =	shalt  }
0x4f: {  	_ =	shalt  }
0x50: {  	_ =	shalt  }
0x51: {  	_ =	shalt  }
0x52: {  	_ =	shalt  }
0x53: {  	_ =	shalt  }
0x54: {  	_ =	shalt  }
0x55: {  	_ =	shalt  }
0x56: {  	_ =	shalt  }
0x57: {  	_ =	shalt  }
0x58: {  	_ =	shalt  }
0x59: {  	_ =	shalt  }
0x5a: {  	_ =	shalt  }
0x5b: {  	_ =	shalt  }
0x5c: {  	_ =	shalt  }
0x5d: {  	_ =	shalt  }
0x5e: {  	_ =	shalt  }
0x5f: {  	_ =	shalt  }
0x60: {  	_ =	shalt  }
0x61: {  	_ =	shalt  }
0x62: {  	_ =	shalt  }
0x63: {  	_ =	shalt  }
0x64: {  	_ =	shalt  }
0x65: {  	_ =	shalt  }
0x66: {  	_ =	shalt  }
0x67: {  	_ =	shalt  }
0x68: {  	_ =	shalt  }
0x69: {  	_ =	shalt  }
0x6a: {  	_ =	shalt  }
0x6b: {  	_ =	shalt  }
0x6c: {  	_ =	shalt  }
0x6d: {  	_ =	shalt  }
0x6e: {  	_ =	shalt  }
0x6f: {  	_ =	shalt  }
0x70: {  	_ =	shalt  }
0x71: {  	_ =	shalt  }
0x72: {  	_ =	shalt  }
0x73: {  	_ =	shalt  }
0x74: {  	_ =	shalt  }
0x75: {  	_ =	shalt  }
0x76: {  	_ =	shalt  }
0x77: {  	_ =	shalt  }
0x78: {  	_ =	shalt  }
0x79: {  	_ =	shalt  }
0x7a: {  	_ =	shalt  }
0x7b: {  	_ =	shalt  }
0x7c: {  	_ =	shalt  }
0x7d: {  	_ =	shalt  }
0x7e: {  	_ =	shalt  }
0x7f: {  	_ =	shalt  }
0x80: {  	_ =	shalt  }
0x81: {  	_ =	shalt  }
0x82: {  	_ =	shalt  }
0x83: {  	_ =	shalt  }
0x84: {  	_ =	shalt  }
0x85: {  	_ =	shalt  }
0x86: {  	_ =	shalt  }
0x87: {  	_ =	shalt  }
.Lfunc_end0:
.L_simem_size_0:
called_computation_lowered:
.L_overlay_start_0:
0x88: {  	s2 =	sld [smem:$0x3FD9]  }
0x89: {  	s3 =	sld [smem:$0x3FFE];
	_ =	sdelay $0x1  }
0x8a: {  	s1 =	srdreg.scid  }
0x8b: {  	s0 =	sand.u32 $0x1, s1  }
0x8c: {  	s14 =	sshll.u32 s0, $0xA;
	s2 =	sadd.s32 s3, s2  }
0x8d: {  	s2 =	sadd.s32 s2, s14  }
0x8e: {  	[smem:$0x3FC6] =	sst s2  }
0x8f: {  	_ = 	snop  }
0x90: {  	s2 =	sld [smem:$0x3FD0];
	_ =	sdelay $0x2  }
0x91: {  	s4 =	simm.s32 $0xA;
	s5 =	simm.s32 $0x10;
	s15 =	sld [smem:$0x3FC9]  }
0x92: {  	[smem:s5], [sflag:s4] =	dma.local [hbm:s2], $0x1  }
0x93: {  	_ =	swait.eq [sflag:s4], $0x1  }
0x94: {  	[sflag:s4] =	ssyncset.done $0x0  }
0x95: {  	s16 =	sld [smem:$0x10];
	[sflag:s4] =	ssyncadd.s32 $0xFFFFFFFF  }
0x96: {  	s17 =	sld [smem:$0x12];
	(tm) =	ssettm $0x1  }
0x97: {  	s18 =	sld [smem:$0x3FFB];
	_ =	sdelay $0x3  }
0x98: {  	_ =	strace s18  }
0x99: {  	s5 =	sld [smem:$0x3FFC];
	_ =	sdelay $0x3  }
0x9a: {  	_ =	strace s5  }
0x9b: {  	s5 =	sld [smem:$0x3FFD];
	_ =	sdelay $0x3  }
0x9c: {  	_ =	strace s5  }
0x9d: {  	_ =	strace $0x8FFFFFFF  }
0x9e: {  	s19 =	sld [smem:$0x3FDB];
	_ =	sdelay $0x1  }
0x9f: {  	s6 =	simm.s32 $_scs_section_size  }
0xa0: {  	s7 =	simm.s32 $_size__tile_overlayer_lowered;
	s8 =	simm.s32 $_tile_overlayer_lowered  }
0xa1: {  	s22 =	simm.s32 $0x1BFF;
	s21 =	sshll.u32 s8, $0x1;
	s5 =	sadd.s32 s6, s19  }
0xa2: {  	s9 =	simm.s32 $0x0;
	s20 =	sshll.u32 s7, $0x1;
	s7 =	sadd.s32 s21, s5  }
0xa3: {  	[timem:s9], [sflag:s22] =	dma.local [hbm:s7], s20  }
0xa4: {  	_ =	swait.ge [sflag:s22], s20  }
0xa5: {  	s6 =	ssub.s32 $0x0, s20;
	[sflag:s22] =	ssyncset.done $0x0  }
0xa6: {  	[sflag:s22] =	ssyncadd.s32 s6;
	_ =	sdelay $0x1  }
0xa7: {  	s23 =	simm.s32 $0x1B8B  }
0xa8: {  	_ =	swait.ge [sflag:s23], $0x1  }
0xa9: {  	[sflag:s23] =	ssyncset.done $0x0  }
0xaa: {  	s25 =	simm.s32 $0x1B8E;
	s24 =	sld [smem:$0x3FFE];
	[sflag:s23] =	ssyncadd.s32 $0xFFFFFFFF  }
0xab: {  	s26 =	simm.s32 $execute0_lowered;
	[smem:$0x3FD2] =	sst s25  }
0xac: {  	s7 =	sshll.u32 s26, $0x1;
	_ =	strace $0x80000046;
	[dreg:$0x1] =	wrdreg $0xFFFFFFFF  }
0xad: {  	s28 =	simm.s32 $_size_execute0_lowered;
	s5 =	sadd.s32 s5, s7;
	[dreg:$0x0] =	wrdreg $0x0  }
0xae: {  	s7 =	sshll.u32 s28, $0x1;
	[dreg:$0x2] =	wrdreg s5  }
0xaf: {  	[dreg:$0x3] =	wrdreg s7  }
0xb0: {  	[dreg:$0x4] =	wrdreg $0xC0  }
0xb1: {  	_ =	task [dreg:s9], $0x5FFFF  }
0xb2: {  	[dreg:$0x1] =	wrdreg $0xFFFFFFFF  }
0xb3: {  	[dreg:$0x0] =	wrdreg $0x60  }
0xb4: {  	[dreg:$0x2] =	wrdreg s15  }
0xb5: {  	[dreg:$0x3] =	wrdreg s17  }
0xb6: {  	[dreg:$0x4] =	wrdreg s24  }
0xb7: {  	[dreg:$0x5] =	wrdreg s16  }
0xb8: {  	[dreg:$0x6] =	wrdreg $0x9  }
0xb9: {  	_ =	task.clear_ibuf [dreg:s9], $0x7FFFF;
	_ =	strace $0x90000046  }
0xba: {  	s29 =	simm.s32 $0x9;
	_ =	strace $0x80000048  }
0xbb: {  	_ =	swait.ge [sflag:s29], $0x1  }
0xbc: {  	[sflag:s29] =	ssyncadd.s32 $0xFFFFFFFF  }
0xbd: {  	_ =	strace $0x90000048  }
0xbe: {  	_ =	sfence  }
0xbf: {  	s30 =	sld [smem:$0x0];
	_ =	sdelay $0x2  }
0xc0: {  	s31 =	sshll.u32 s1, $0xD;
	s1 =	sshrl.u32 s1, $0x2  }
0xc1: {  	s3 =	sand.u32 $0x4000, s31;
	s1 =	sadd.s32 s1, s30  }
0xc2: {  	s0 =	sor.u32 s3, s0;
	s1 =	sshll.u32 s1, $0x11  }
0xc3: {  	s0 =	sor.u32 s1, s0  }
0xc4: {  	s0 =	sadd.s32 $0x8F2B, s0  }
0xc5: {  	[sflag:s0] =	ssyncadd.remote.s32 $0x1  }
0xc6: {  	_ =	sfence.sel $0xFFFF  }
0xc7: {  	[dreg:$0x0] =	wrdreg $0xFFFFFFFF;
	(pc) =	sbr.abs _section_cstart, $3  }
0xc8: {  	[dreg:$0x1] =	wrdreg $0xFFFFFFFF  }
0xc9: {  	_ =	task.clear_ibuf [dreg:s9], $0x2FFFF;
	_ =	strace $0x9FFFFFFF  }
0xca: {  	(tm) =	ssettm $0x7FFFFFFF  }
0xcb: {  	_ =	shalt  }
tec
execute0_lowered:
.L_overlay_start_1:
0x0: {  	(tag) =	ssettag $0x1  }
0x1: {  	s1 =	rddreg [dreg:$0x0]  }
0x2: {  	s0 =	rddreg [dreg:$0x1]  }
0x3: {  	s2 =	rddreg [dreg:$0x2]  }
0x4: {  	s5 =	rddreg [dreg:$0x3]  }
0x5: {  	s3 =	simm.s32 $0x0;
	s4 =	srdreg.scid;
	s8 =	stileid.u32  }
0x6: {  	s12 =	simm.s32 $0x18580;
	s13 =	simm.s32 $0x18980;
	s14 =	simm.s32 $0x18600  }
0x7: {  	s15 =	simm.s32 $0x18A00;
	s16 =	simm.s32 $0x18680;
	[smem:$0x7FF] =	sst s3  }
0x8: {  	s28 =	simm.s32 $0x2500;
	_ =	strace $0x80000047;
	[dreg:$0x10] =	wrdreg s12  }
0x9: {  	s29 =	simm.s32 $0x2D00;
	s30 =	simm.s32 $0x3500;
	[dreg:$0x11] =	wrdreg s13  }
0xa: {  	s7 =	sand.u32 $0x1, s4;
	s17 =	sshll.u32 s8, $0x1;
	[dreg:$0x12] =	wrdreg s14  }
0xb: {  	s8 =	sshll.u32 s8, $0x8;
	s6 =	sor.u32 s7, s17;
	[dreg:$0x13] =	wrdreg s15  }
0xc: {  	s8 =	sand.u32 $0xC00, s8;
	s7 =	ssub.s32 $0x2, s7;
	[dreg:$0x14] =	wrdreg s16  }
0xd: {  	s17 =	simm.s32 $0x18A80;
	s9 =	sshll.u32 s6, $0x5;
	s8 =	sadd.s32 s0, s8  }
0xe: {  	s10 =	smul.u32 $0x6000, s6;
	s11 =	sshll.u32 s6, $0x7;
	s24 =	sshrl.u32 s7, $0x1  }
0xf: {  	[dreg:$0x15] =	wrdreg s17;
	s9 =	sand.u32 $0xE0, s9;
	s0 =	sadd.s32 s0, s11  }
0x10: {  	s26 =	ssub.s32 s7, s24;
	s24 =	simm.s32 $0x18C00;
	[dreg:$0x6] =	wrdreg s0  }
0x11: {  	s31 =	simm.s32 $0x5D00;
	s8 =	sadd.s32 s9, s8;
	[dreg:$0x1b] =	wrdreg s24  }
0x12: {  	s6 =	smul.u32 $0x30000, s6;
	s18 =	sadd.s32 s5, s10;
	[dreg:$0x5] =	wrdreg s8  }
0x13: {  	s9 =	smax.u32 s26, $0x1;
	s26 =	simm.s32 $0x18C80;
	[dreg:$0x1e] =	wrdreg s18  }
0x14: {  	s4 =	sadd.s32 $0x1600, s2;
	s19 =	sadd.s32 $0xC00, s18;
	[dreg:$0x1d] =	wrdreg s26  }
0x15: {  	s6 =	sshrl.u32 s6, $0x3;
	s20 =	sadd.s32 $0x1800, s18;
	[dreg:$0x7] =	wrdreg s19  }
0x16: {  	s5 =	sadd.s32 s5, s6;
	s18 =	simm.s32 $0x18700;
	[dreg:$0x8] =	wrdreg s20  }
0x17: {  	s7 =	sadd.s32 $0x100, s1;
	s21 =	sadd.s32 $0x2400, s5;
	[dreg:$0x16] =	wrdreg s18  }
0x18: {  	s24 =	simm.s32 $0x1500;
	s22 =	sadd.s32 $0x3000, s5;
	[dreg:$0x9] =	wrdreg s21  }
0x19: {  	s6 =	sadd.s32 $0x600, s2;
	s23 =	sadd.s32 $0x3C00, s5;
	[dreg:$0xa] =	wrdreg s22  }
0x1a: {  	s2 =	sadd.s32 s11, s2;
	s25 =	sadd.s32 $0x4800, s5;
	[dreg:$0xb] =	wrdreg s23  }
0x1b: {  	s26 =	simm.s32 $0x5500;
	s8 =	sadd.s32 $0x5400, s5;
	[dreg:$0xc] =	wrdreg s25  }
0x1c: {  	s10 =	sadd.s32 $0x2600, s2;
	s11 =	sadd.s32 $0x3600, s2;
	[dreg:$0xd] =	wrdreg s8  }
0x1d: {  	s19 =	simm.s32 $0x18B00;
	s20 =	simm.s32 $0x18780;
	[dreg:$0xe] =	wrdreg s10  }
0x1e: {  	s18 =	simm.s32 $0x80;
	s5 =	simm.s32 $0xC500;
	[dreg:$0xf] =	wrdreg s11  }
0x1f: {  	s2 =	simm.s32 $0x12500;
	s8 =	sadd.s32 $0x200, s1;
	[dreg:$0x17] =	wrdreg s19  }
0x20: {  	s23 =	simm.s32 $0xA;
	[dreg:$0x18] =	wrdreg s20;
	s21 =	simm.s32 $0x18B80  }
0x21: {  	v2 =	vlaneseq.u32;
	s22 =	simm.s32 $0x18800;
	s25 =	simm.s32 $0x18880;
	[dreg:$0x19] =	wrdreg s21  }
0x22: {  	vm0 =	vmmov $0xffff;
	v1 =	vshrl.u32 v2, $0x3;
	s19 =	simm.s32 $0x9;
	s11 =	simm.s32 $0x6500;
	[dreg:$0x1a] =	wrdreg s22  }
0x23: {  	v0 =	vand.u32 $0x7, v2;
	v2 =	vor.u32 $0x8, v2;
	v1 =	vmul.u32 $0x8, v1;
	[dreg:$0x1c] =	wrdreg s25;
	s22 =	simm.s32 $0xD00;
	s25 =	simm.s32 $0x1D00  }
.LBB2_1:
0x24: {  	s20 =	rddreg [dreg:$0x5]  }
0x25: {  	[tilespmem:s3], [sflag:$0xA] =	stream.linear.gather [hbm4b:s20+s3], $0x100, $0x38;
	[tilespmem:$0x18D00] =	vst v63  }
0x26: {  	_ =	swait.ge [sflag:s23], $0x100  }
0x27: {  	[sflag:s23] =	ssyncset.done $0x0  }
0x28: {  	[sflag:s23] =	ssyncadd.s32 $0xFFFFFF00  }
0x29: {  	v3 =	vld [tilespmem:$0x0];
	_ =	sdelay $0x4  }
0x2a: {  	v4 =	vshrl.u32 v3, $0x3  }
0x2b: {  	v4 =	vmul.u32 $0x30, v4  }
0x2c: {  	v3 =	vand.u32 $0x7, v3  }
0x2d: {  	v3 =	vor.u32 v3, v4  }
0x2e: {  	v4 =	vperm.xlane v3, v0;
	_ =	sdelay $0x1  }
0x2f: {  	v4 =	vadd.s32 v1, v4;
	_ =	sdelay $0x3  }
0x30: {  	s0 =	simm.s32 $0x500;
	v3 =	vperm.xlane v3, v2  }
0x31: {  	[tilespmem:s0], [sflag:$0x1] =	stream.indirect_vreg.gather [hbm4b:s1+s3], $0x80, v4, vm0, $0xb8;
	[tilespmem:$0x18D00] =	vst v63  }
0x32: {  	v3 =	vadd.s32 v1, v3  }
0x33: {  	[tilespmem:s22], [sflag:$0x1] =	stream.indirect_vreg.gather [hbm4b:s7+s3], $0x80, v4, vm0, $0xb8;
	[tilespmem:$0x18D00] =	vst v63  }
0x34: {  	_ = 	snop  }
0x35: {  	[tilespmem:s24], [sflag:$0x1] =	stream.indirect_vreg.gather [hbm4b:s8+s3], $0x80, v4, vm0, $0xb8;
	[tilespmem:$0x18D00] =	vst v63  }
0x36: {  	_ = 	snop  }
0x37: {  	[tilespmem:s25], [sflag:$0x1] =	stream.indirect_vreg.gather [hbm4b:s1+s3], $0x80, v3, vm0, $0xb8;
	[tilespmem:$0x18D00] =	vst v63  }
0x38: {  	_ = 	snop  }
0x39: {  	[tilespmem:s28], [sflag:$0x1] =	stream.indirect_vreg.gather [hbm4b:s7+s3], $0x80, v3, vm0, $0xb8;
	[tilespmem:$0x18D00] =	vst v63  }
0x3a: {  	_ = 	snop  }
0x3b: {  	[tilespmem:s29], [sflag:$0x1] =	stream.indirect_vreg.gather [hbm4b:s8+s3], $0x80, v3, vm0, $0xb8;
	[tilespmem:$0x18D00] =	vst v63  }
0x3c: {  	v3 =	vld [tilespmem:$0x10];
	_ =	sdelay $0x4  }
0x3d: {  	v49 =	vshrl.u32 v3, $0x3  }
0x3e: {  	v4 =	vmul.u32 $0x30, v49  }
0x3f: {  	v3 =	vand.u32 $0x7, v3  }
0x40: {  	v3 =	vor.u32 v3, v4  }
0x41: {  	v4 =	vperm.xlane v3, v0;
	_ =	sdelay $0x1  }
0x42: {  	v4 =	vadd.s32 v1, v4;
	_ =	sdelay $0x3  }
0x43: {  	v3 =	vperm.xlane v3, v2  }
0x44: {  	[tilespmem:s30], [sflag:$0x1] =	stream.indirect_vreg.gather [hbm4b:s1+s3], $0x80, v4, vm0, $0xb8;
	[tilespmem:$0x18D00] =	vst v63  }
0x45: {  	s17 =	simm.s32 $0x3D00;
	v3 =	vadd.s32 v1, v3  }
0x46: {  	[tilespmem:s17], [sflag:$0x1] =	stream.indirect_vreg.gather [hbm4b:s7+s3], $0x80, v4, vm0, $0xb8;
	[tilespmem:$0x18D00] =	vst v63  }
0x47: {  	s13 =	simm.s32 $0x4500  }
0x48: {  	[tilespmem:s13], [sflag:$0x1] =	stream.indirect_vreg.gather [hbm4b:s8+s3], $0x80, v4, vm0, $0xb8;
	[tilespmem:$0x18D00] =	vst v63  }
0x49: {  	s12 =	simm.s32 $0x4D00  }
0x4a: {  	[tilespmem:s12], [sflag:$0x1] =	stream.indirect_vreg.gather [hbm4b:s1+s3], $0x80, v3, vm0, $0xb8;
	[tilespmem:$0x18D00] =	vst v63  }
0x4b: {  	_ = 	snop  }
0x4c: {  	[tilespmem:s26], [sflag:$0x1] =	stream.indirect_vreg.gather [hbm4b:s7+s3], $0x80, v3, vm0, $0xb8;
	[tilespmem:$0x18D00] =	vst v63  }
0x4d: {  	_ = 	snop  }
0x4e: {  	[tilespmem:s31], [sflag:$0x1] =	stream.indirect_vreg.gather [hbm4b:s8+s3], $0x80, v3, vm0, $0xb8;
	[tilespmem:$0x18D00] =	vst v63  }
0x4f: {  	v3 =	vld [tilespmem:$0x20];
	_ =	sdelay $0x4  }
0x50: {  	v50 =	vshrl.u32 v3, $0x3  }
0x51: {  	v4 =	vmul.u32 $0x30, v50  }
0x52: {  	v3 =	vand.u32 $0x7, v3  }
0x53: {  	v3 =	vor.u32 v3, v4  }
0x54: {  	v4 =	vperm.xlane v3, v0;
	_ =	sdelay $0x1  }
0x55: {  	v4 =	vadd.s32 v1, v4;
	_ =	sdelay $0x3  }
0x56: {  	v3 =	vperm.xlane v3, v2  }
0x57: {  	[tilespmem:s11], [sflag:$0x2] =	stream.indirect_vreg.gather [hbm4b:s1+s3], $0x80, v4, vm0, $0xb8;
	[tilespmem:$0x18D00] =	vst v63  }
0x58: {  	s14 =	simm.s32 $0x6D00;
	v3 =	vadd.s32 v1, v3  }
0x59: {  	[tilespmem:s14], [sflag:$0x2] =	stream.indirect_vreg.gather [hbm4b:s7+s3], $0x80, v4, vm0, $0xb8;
	[tilespmem:$0x18D00] =	vst v63  }
0x5a: {  	s15 =	simm.s32 $0x7500  }
0x5b: {  	[tilespmem:s15], [sflag:$0x2] =	stream.indirect_vreg.gather [hbm4b:s8+s3], $0x80, v4, vm0, $0xb8;
	[tilespmem:$0x18D00] =	vst v63  }
0x5c: {  	s16 =	simm.s32 $0x7D00  }
0x5d: {  	[tilespmem:s16], [sflag:$0x2] =	stream.indirect_vreg.gather [hbm4b:s1+s3], $0x80, v3, vm0, $0xb8;
	[tilespmem:$0x18D00] =	vst v63  }
0x5e: {  	s14 =	simm.s32 $0x8500  }
0x5f: {  	[tilespmem:s14], [sflag:$0x2] =	stream.indirect_vreg.gather [hbm4b:s7+s3], $0x80, v3, vm0, $0xb8;
	[tilespmem:$0x18D00] =	vst v63  }
0x60: {  	s15 =	simm.s32 $0x8D00  }
0x61: {  	[tilespmem:s15], [sflag:$0x2] =	stream.indirect_vreg.gather [hbm4b:s8+s3], $0x80, v3, vm0, $0xb8;
	[tilespmem:$0x18D00] =	vst v63  }
0x62: {  	v3 =	vld [tilespmem:$0x30];
	_ =	sdelay $0x4  }
0x63: {  	v51 =	vshrl.u32 v3, $0x3  }
0x64: {  	v4 =	vmul.u32 $0x30, v51  }
0x65: {  	v3 =	vand.u32 $0x7, v3  }
0x66: {  	v3 =	vor.u32 v3, v4  }
0x67: {  	v4 =	vperm.xlane v3, v0;
	_ =	sdelay $0x1  }
0x68: {  	v4 =	vadd.s32 v1, v4;
	_ =	sdelay $0x3  }
0x69: {  	s16 =	simm.s32 $0x9500;
	v3 =	vperm.xlane v3, v2  }
0x6a: {  	[tilespmem:s16], [sflag:$0x2] =	stream.indirect_vreg.gather [hbm4b:s1+s3], $0x80, v4, vm0, $0xb8;
	[tilespmem:$0x18D00] =	vst v63  }
0x6b: {  	s20 =	simm.s32 $0x9D00;
	v3 =	vadd.s32 v1, v3  }
0x6c: {  	[tilespmem:s20], [sflag:$0x2] =	stream.indirect_vreg.gather [hbm4b:s7+s3], $0x80, v4, vm0, $0xb8;
	[tilespmem:$0x18D00] =	vst v63  }
0x6d: {  	s21 =	simm.s32 $0xA500  }
0x6e: {  	[tilespmem:s21], [sflag:$0x2] =	stream.indirect_vreg.gather [hbm4b:s8+s3], $0x80, v4, vm0, $0xb8;
	[tilespmem:$0x18D00] =	vst v63  }
0x6f: {  	s10 =	simm.s32 $0xAD00  }
0x70: {  	[tilespmem:s10], [sflag:$0x2] =	stream.indirect_vreg.gather [hbm4b:s1+s3], $0x80, v3, vm0, $0xb8;
	[tilespmem:$0x18D00] =	vst v63  }
0x71: {  	s20 =	simm.s32 $0xB500  }
0x72: {  	[tilespmem:s20], [sflag:$0x2] =	stream.indirect_vreg.gather [hbm4b:s7+s3], $0x80, v3, vm0, $0xb8;
	[tilespmem:$0x18D00] =	vst v63  }
0x73: {  	s21 =	simm.s32 $0xBD00  }
0x74: {  	[tilespmem:s21], [sflag:$0x2] =	stream.indirect_vreg.gather [hbm4b:s8+s3], $0x80, v3, vm0, $0xb8;
	[tilespmem:$0x18D00] =	vst v63  }
0x75: {  	v3 =	vld [tilespmem:$0x40];
	_ =	sdelay $0x4  }
0x76: {  	v52 =	vshrl.u32 v3, $0x3  }
0x77: {  	v4 =	vmul.u32 $0x30, v52  }
0x78: {  	v3 =	vand.u32 $0x7, v3  }
0x79: {  	v3 =	vor.u32 v3, v4  }
0x7a: {  	v4 =	vperm.xlane v3, v0;
	_ =	sdelay $0x1  }
0x7b: {  	v4 =	vadd.s32 v1, v4;
	_ =	sdelay $0x3  }
0x7c: {  	v3 =	vperm.xlane v3, v2  }
0x7d: {  	[tilespmem:s5], [sflag:$0x3] =	stream.indirect_vreg.gather [hbm4b:s1+s3], $0x80, v4, vm0, $0xb8;
	[tilespmem:$0x18D00] =	vst v63  }
0x7e: {  	s10 =	simm.s32 $0xCD00;
	v3 =	vadd.s32 v1, v3  }
0x7f: {  	[tilespmem:s10], [sflag:$0x3] =	stream.indirect_vreg.gather [hbm4b:s7+s3], $0x80, v4, vm0, $0xb8;
	[tilespmem:$0x18D00] =	vst v63  }
0x80: {  	s20 =	simm.s32 $0xD500  }
0x81: {  	[tilespmem:s20], [sflag:$0x3] =	stream.indirect_vreg.gather [hbm4b:s8+s3], $0x80, v4, vm0, $0xb8;
	[tilespmem:$0x18D00] =	vst v63  }
0x82: {  	s21 =	simm.s32 $0xDD00  }
0x83: {  	[tilespmem:s21], [sflag:$0x3] =	stream.indirect_vreg.gather [hbm4b:s1+s3], $0x80, v3, vm0, $0xb8;
	[tilespmem:$0x18D00] =	vst v63  }
0x84: {  	s10 =	simm.s32 $0xE500  }
0x85: {  	[tilespmem:s10], [sflag:$0x3] =	stream.indirect_vreg.gather [hbm4b:s7+s3], $0x80, v3, vm0, $0xb8;
	[tilespmem:$0x18D00] =	vst v63  }
0x86: {  	s20 =	simm.s32 $0xED00  }
0x87: {  	[tilespmem:s20], [sflag:$0x3] =	stream.indirect_vreg.gather [hbm4b:s8+s3], $0x80, v3, vm0, $0xb8;
	[tilespmem:$0x18D00] =	vst v63  }
0x88: {  	v3 =	vld [tilespmem:$0x50];
	_ =	sdelay $0x4  }
0x89: {  	v53 =	vshrl.u32 v3, $0x3  }
0x8a: {  	v4 =	vmul.u32 $0x30, v53  }
0x8b: {  	v3 =	vand.u32 $0x7, v3  }
0x8c: {  	v3 =	vor.u32 v3, v4  }
0x8d: {  	v4 =	vperm.xlane v3, v0;
	_ =	sdelay $0x1  }
0x8e: {  	v4 =	vadd.s32 v1, v4;
	_ =	sdelay $0x3  }
0x8f: {  	s21 =	simm.s32 $0xF500;
	v3 =	vperm.xlane v3, v2  }
0x90: {  	[tilespmem:s21], [sflag:$0x3] =	stream.indirect_vreg.gather [hbm4b:s1+s3], $0x80, v4, vm0, $0xb8;
	[tilespmem:$0x18D00] =	vst v63  }
0x91: {  	s10 =	simm.s32 $0xFD00;
	v3 =	vadd.s32 v1, v3  }
0x92: {  	[tilespmem:s10], [sflag:$0x3] =	stream.indirect_vreg.gather [hbm4b:s7+s3], $0x80, v4, vm0, $0xb8;
	[tilespmem:$0x18D00] =	vst v63  }
0x93: {  	s20 =	simm.s32 $0x10500  }
0x94: {  	[tilespmem:s20], [sflag:$0x3] =	stream.indirect_vreg.gather [hbm4b:s8+s3], $0x80, v4, vm0, $0xb8;
	[tilespmem:$0x18D00] =	vst v63  }
0x95: {  	s21 =	simm.s32 $0x10D00  }
0x96: {  	[tilespmem:s21], [sflag:$0x3] =	stream.indirect_vreg.gather [hbm4b:s1+s3], $0x80, v3, vm0, $0xb8;
	[tilespmem:$0x18D00] =	vst v63  }
0x97: {  	s10 =	simm.s32 $0x11500  }
0x98: {  	[tilespmem:s10], [sflag:$0x3] =	stream.indirect_vreg.gather [hbm4b:s7+s3], $0x80, v3, vm0, $0xb8;
	[tilespmem:$0x18D00] =	vst v63  }
0x99: {  	s20 =	simm.s32 $0x11D00  }
0x9a: {  	[tilespmem:s20], [sflag:$0x3] =	stream.indirect_vreg.gather [hbm4b:s8+s3], $0x80, v3, vm0, $0xb8;
	[tilespmem:$0x18D00] =	vst v63  }
0x9b: {  	v3 =	vld [tilespmem:$0x60];
	_ =	sdelay $0x4  }
0x9c: {  	v54 =	vshrl.u32 v3, $0x3  }
0x9d: {  	v4 =	vmul.u32 $0x30, v54  }
0x9e: {  	v3 =	vand.u32 $0x7, v3  }
0x9f: {  	v3 =	vor.u32 v3, v4  }
0xa0: {  	v4 =	vperm.xlane v3, v0;
	_ =	sdelay $0x1  }
0xa1: {  	v4 =	vadd.s32 v1, v4;
	_ =	sdelay $0x3  }
0xa2: {  	v3 =	vperm.xlane v3, v2  }
0xa3: {  	[tilespmem:s2], [sflag:$0x4] =	stream.indirect_vreg.gather [hbm4b:s1+s3], $0x80, v4, vm0, $0xb8;
	[tilespmem:$0x18D00] =	vst v63  }
0xa4: {  	s21 =	simm.s32 $0x12D00;
	v3 =	vadd.s32 v1, v3  }
0xa5: {  	[tilespmem:s21], [sflag:$0x4] =	stream.indirect_vreg.gather [hbm4b:s7+s3], $0x80, v4, vm0, $0xb8;
	[tilespmem:$0x18D00] =	vst v63  }
0xa6: {  	s10 =	simm.s32 $0x13500  }
0xa7: {  	[tilespmem:s10], [sflag:$0x4] =	stream.indirect_vreg.gather [hbm4b:s8+s3], $0x80, v4, vm0, $0xb8;
	[tilespmem:$0x18D00] =	vst v63  }
0xa8: {  	s20 =	simm.s32 $0x13D00  }
0xa9: {  	[tilespmem:s20], [sflag:$0x4] =	stream.indirect_vreg.gather [hbm4b:s1+s3], $0x80, v3, vm0, $0xb8;
	[tilespmem:$0x18D00] =	vst v63  }
0xaa: {  	s21 =	simm.s32 $0x14500  }
0xab: {  	[tilespmem:s21], [sflag:$0x4] =	stream.indirect_vreg.gather [hbm4b:s7+s3], $0x80, v3, vm0, $0xb8;
	[tilespmem:$0x18D00] =	vst v63  }
0xac: {  	s10 =	simm.s32 $0x14D00  }
0xad: {  	[tilespmem:s10], [sflag:$0x4] =	stream.indirect_vreg.gather [hbm4b:s8+s3], $0x80, v3, vm0, $0xb8;
	[tilespmem:$0x18D00] =	vst v63  }
0xae: {  	v3 =	vld [tilespmem:$0x70];
	_ =	sdelay $0x4  }
0xaf: {  	v55 =	vshrl.u32 v3, $0x3  }
0xb0: {  	v4 =	vmul.u32 $0x30, v55  }
0xb1: {  	v3 =	vand.u32 $0x7, v3  }
0xb2: {  	v3 =	vor.u32 v3, v4  }
0xb3: {  	v4 =	vperm.xlane v3, v0;
	_ =	sdelay $0x1  }
0xb4: {  	v4 =	vadd.s32 v1, v4;
	_ =	sdelay $0x3  }
0xb5: {  	s20 =	simm.s32 $0x15500;
	v3 =	vperm.xlane v3, v2  }
0xb6: {  	[tilespmem:s20], [sflag:$0x4] =	stream.indirect_vreg.gather [hbm4b:s1+s3], $0x80, v4, vm0, $0xb8;
	[tilespmem:$0x18D00] =	vst v63  }
0xb7: {  	s21 =	simm.s32 $0x15D00;
	v3 =	vadd.s32 v1, v3  }
0xb8: {  	[tilespmem:s21], [sflag:$0x4] =	stream.indirect_vreg.gather [hbm4b:s7+s3], $0x80, v4, vm0, $0xb8;
	[tilespmem:$0x18D00] =	vst v63  }
0xb9: {  	s10 =	simm.s32 $0x16500  }
0xba: {  	[tilespmem:s10], [sflag:$0x4] =	stream.indirect_vreg.gather [hbm4b:s8+s3], $0x80, v4, vm0, $0xb8;
	[tilespmem:$0x18D00] =	vst v63  }
0xbb: {  	s20 =	simm.s32 $0x16D00  }
0xbc: {  	[tilespmem:s20], [sflag:$0x4] =	stream.indirect_vreg.gather [hbm4b:s1+s3], $0x80, v3, vm0, $0xb8;
	[tilespmem:$0x18D00] =	vst v63  }
0xbd: {  	s21 =	simm.s32 $0x17500  }
0xbe: {  	[tilespmem:s21], [sflag:$0x4] =	stream.indirect_vreg.gather [hbm4b:s7+s3], $0x80, v3, vm0, $0xb8;
	[tilespmem:$0x18D00] =	vst v63  }
0xbf: {  	s10 =	simm.s32 $0x17D00  }
0xc0: {  	[tilespmem:s10], [sflag:$0x4] =	stream.indirect_vreg.gather [hbm4b:s8+s3], $0x80, v3, vm0, $0xb8;
	[tilespmem:$0x18D00] =	vst v63  }
0xc1: {  	s20 =	rddreg [dreg:$0x6];
	s21 =	simm.s32 $0x100  }
0xc2: {  	[tilespmem:s21], [sflag:$0xA] =	stream.linear.gather [hbm4b:s20+s3], $0x400, $0x38;
	[tilespmem:$0x18D00] =	vst v63  }
0xc3: {  	_ =	swait.ge [sflag:s23], $0x400  }
0xc4: {  	[sflag:s23] =	ssyncset.done $0x0  }
0xc5: {  	s20 =	simm.s32 $0x18500;
	[sflag:s23] =	ssyncadd.s32 $0xFFFFFC00  }
0xc6: {  	[tilespmem:s20], [sflag:$0x9] =	stream.indirect.gather [hbm4b:s4+s18], $0x1, s21, s18, $0xb8;
	[tilespmem:$0x18D00] =	vst v63  }
0xc7: {  	s10 =	simm.s32 $0x18900  }
0xc8: {  	[tilespmem:s10], [sflag:$0x9] =	stream.indirect.gather [hbm4b:s6+s18], $0x1, s21, s18, $0xb8;
	[tilespmem:$0x18D00] =	vst v63  }
0xc9: {  	s20 =	rddreg [dreg:$0x10];
	s10 =	simm.s32 $0x180  }
0xca: {  	[tilespmem:s20], [sflag:$0x9] =	stream.indirect.gather [hbm4b:s4+s18], $0x1, s10, s18, $0xb8;
	[tilespmem:$0x18D00] =	vst v63  }
0xcb: {  	s0 =	rddreg [dreg:$0x11]  }
0xcc: {  	[tilespmem:s0], [sflag:$0x9] =	stream.indirect.gather [hbm4b:s6+s18], $0x1, s10, s18, $0xb8;
	[tilespmem:$0x18D00] =	vst v63  }
0xcd: {  	s20 =	rddreg [dreg:$0x12];
	s10 =	simm.s32 $0x200  }
0xce: {  	[tilespmem:s20], [sflag:$0x9] =	stream.indirect.gather [hbm4b:s4+s18], $0x1, s10, s18, $0xb8;
	[tilespmem:$0x18D00] =	vst v63  }
0xcf: {  	s0 =	rddreg [dreg:$0x13]  }
0xd0: {  	[tilespmem:s0], [sflag:$0x9] =	stream.indirect.gather [hbm4b:s6+s18], $0x1, s10, s18, $0xb8;
	[tilespmem:$0x18D00] =	vst v63  }
0xd1: {  	s20 =	rddreg [dreg:$0x14];
	s10 =	simm.s32 $0x280  }
0xd2: {  	[tilespmem:s20], [sflag:$0x9] =	stream.indirect.gather [hbm4b:s4+s18], $0x1, s10, s18, $0xb8;
	[tilespmem:$0x18D00] =	vst v63  }
0xd3: {  	s0 =	rddreg [dreg:$0x15]  }
0xd4: {  	[tilespmem:s0], [sflag:$0x9] =	stream.indirect.gather [hbm4b:s6+s18], $0x1, s10, s18, $0xb8;
	[tilespmem:$0x18D00] =	vst v63  }
0xd5: {  	s20 =	rddreg [dreg:$0x16];
	s10 =	simm.s32 $0x300  }
0xd6: {  	[tilespmem:s20], [sflag:$0x9] =	stream.indirect.gather [hbm4b:s4+s18], $0x1, s10, s18, $0xb8;
	[tilespmem:$0x18D00] =	vst v63  }
0xd7: {  	s0 =	rddreg [dreg:$0x17]  }
0xd8: {  	[tilespmem:s0], [sflag:$0x9] =	stream.indirect.gather [hbm4b:s6+s18], $0x1, s10, s18, $0xb8;
	[tilespmem:$0x18D00] =	vst v63  }
0xd9: {  	s20 =	rddreg [dreg:$0x18];
	s10 =	simm.s32 $0x380  }
0xda: {  	[tilespmem:s20], [sflag:$0x9] =	stream.indirect.gather [hbm4b:s4+s18], $0x1, s10, s18, $0xb8;
	[tilespmem:$0x18D00] =	vst v63  }
0xdb: {  	s0 =	rddreg [dreg:$0x19]  }
0xdc: {  	[tilespmem:s0], [sflag:$0x9] =	stream.indirect.gather [hbm4b:s6+s18], $0x1, s10, s18, $0xb8;
	[tilespmem:$0x18D00] =	vst v63  }
0xdd: {  	s20 =	rddreg [dreg:$0x1a];
	s10 =	simm.s32 $0x400  }
0xde: {  	[tilespmem:s20], [sflag:$0x9] =	stream.indirect.gather [hbm4b:s4+s18], $0x1, s10, s18, $0xb8;
	[tilespmem:$0x18D00] =	vst v63  }
0xdf: {  	s0 =	rddreg [dreg:$0x1b]  }
0xe0: {  	[tilespmem:s0], [sflag:$0x9] =	stream.indirect.gather [hbm4b:s6+s18], $0x1, s10, s18, $0xb8;
	[tilespmem:$0x18D00] =	vst v63  }
0xe1: {  	s20 =	rddreg [dreg:$0x1c];
	s10 =	simm.s32 $0x480  }
0xe2: {  	[tilespmem:s20], [sflag:$0x9] =	stream.indirect.gather [hbm4b:s4+s18], $0x1, s10, s18, $0xb8;
	[tilespmem:$0x18D00] =	vst v63  }
0xe3: {  	s0 =	rddreg [dreg:$0x1d]  }
0xe4: {  	[tilespmem:s0], [sflag:$0x9] =	stream.indirect.gather [hbm4b:s6+s18], $0x1, s10, s18, $0xb8;
	[tilespmem:$0x18D00] =	vst v63  }
0xe5: {  	s0 =	simm.s32 $0x1  }
0xe6: {  	_ =	swait.ge [sflag:s0], $0x6000  }
0xe7: {  	[sflag:s0] =	ssyncset.done $0x0  }
0xe8: {  	s10 =	simm.s32 $0x500;
	s21 =	rddreg [dreg:$0x1e];
	[sflag:s0] =	ssyncadd.s32 $0xFFFFA000  }
0xe9: {  	[hbm4b:s21+s3] =	stream.linear.scatter [tilespmem:s10], [sflag:$0x5], $0x6000, $0x38;
	[tilespmem:$0x18D00] =	vst v63  }
0xea: {  	s21 =	simm.s32 $0x5  }
0xeb: {  	_ =	swait.ge [sflag:s21], $0x6000  }
0xec: {  	[sflag:s21] =	ssyncset.done $0x0  }
0xed: {  	[sflag:s21] =	ssyncadd.s32 $0xFFFFA000  }
0xee: {  	v3 =	vld [tilespmem:$0x80];
	_ =	sdelay $0x4  }
0xef: {  	v56 =	vshrl.u32 v3, $0x3  }
0xf0: {  	v4 =	vmul.u32 $0x30, v56  }
0xf1: {  	v3 =	vand.u32 $0x7, v3  }
0xf2: {  	v3 =	vor.u32 v3, v4  }
0xf3: {  	v4 =	vperm.xlane v3, v0;
	_ =	sdelay $0x1  }
0xf4: {  	v4 =	vadd.s32 v1, v4;
	_ =	sdelay $0x3  }
0xf5: {  	v3 =	vperm.xlane v3, v2  }
0xf6: {  	[tilespmem:s10], [sflag:$0x1] =	stream.indirect_vreg.gather [hbm4b:s1+s3], $0x80, v4, vm0, $0xb8;
	[tilespmem:$0x18D00] =	vst v63  }
0xf7: {  	v3 =	vadd.s32 v1, v3  }
0xf8: {  	[tilespmem:s22], [sflag:$0x1] =	stream.indirect_vreg.gather [hbm4b:s7+s3], $0x80, v4, vm0, $0xb8;
	[tilespmem:$0x18D00] =	vst v63  }
0xf9: {  	_ = 	snop  }
0xfa: {  	[tilespmem:s24], [sflag:$0x1] =	stream.indirect_vreg.gather [hbm4b:s8+s3], $0x80, v4, vm0, $0xb8;
	[tilespmem:$0x18D00] =	vst v63  }
0xfb: {  	_ = 	snop  }
0xfc: {  	[tilespmem:s25], [sflag:$0x1] =	stream.indirect_vreg.gather [hbm4b:s1+s3], $0x80, v3, vm0, $0xb8;
	[tilespmem:$0x18D00] =	vst v63  }
0xfd: {  	_ = 	snop  }
0xfe: {  	[tilespmem:s28], [sflag:$0x1] =	stream.indirect_vreg.gather [hbm4b:s7+s3], $0x80, v3, vm0, $0xb8;
	[tilespmem:$0x18D00] =	vst v63  }
0xff: {  	_ = 	snop  }
0x100: {  	[tilespmem:s29], [sflag:$0x1] =	stream.indirect_vreg.gather [hbm4b:s8+s3], $0x80, v3, vm0, $0xb8;
	[tilespmem:$0x18D00] =	vst v63  }
0x101: {  	v3 =	vld [tilespmem:$0x90];
	_ =	sdelay $0x4  }
0x102: {  	v57 =	vshrl.u32 v3, $0x3  }
0x103: {  	v4 =	vmul.u32 $0x30, v57  }
0x104: {  	v3 =	vand.u32 $0x7, v3  }
0x105: {  	v3 =	vor.u32 v3, v4  }
0x106: {  	v4 =	vperm.xlane v3, v0;
	_ =	sdelay $0x1  }
0x107: {  	v4 =	vadd.s32 v1, v4;
	_ =	sdelay $0x3  }
0x108: {  	v3 =	vperm.xlane v3, v2  }
0x109: {  	[tilespmem:s30], [sflag:$0x1] =	stream.indirect_vreg.gather [hbm4b:s1+s3], $0x80, v4, vm0, $0xb8;
	[tilespmem:$0x18D00] =	vst v63  }
0x10a: {  	v3 =	vadd.s32 v1, v3  }
0x10b: {  	[tilespmem:s17], [sflag:$0x1] =	stream.indirect_vreg.gather [hbm4b:s7+s3], $0x80, v4, vm0, $0xb8;
	[tilespmem:$0x18D00] =	vst v63  }
0x10c: {  	_ = 	snop  }
0x10d: {  	[tilespmem:s13], [sflag:$0x1] =	stream.indirect_vreg.gather [hbm4b:s8+s3], $0x80, v4, vm0, $0xb8;
	[tilespmem:$0x18D00] =	vst v63  }
0x10e: {  	_ = 	snop  }
0x10f: {  	[tilespmem:s12], [sflag:$0x1] =	stream.indirect_vreg.gather [hbm4b:s1+s3], $0x80, v3, vm0, $0xb8;
	[tilespmem:$0x18D00] =	vst v63  }
0x110: {  	_ = 	snop  }
0x111: {  	[tilespmem:s26], [sflag:$0x1] =	stream.indirect_vreg.gather [hbm4b:s7+s3], $0x80, v3, vm0, $0xb8;
	[tilespmem:$0x18D00] =	vst v63  }
0x112: {  	s12 =	simm.s32 $0x2  }
0x113: {  	[tilespmem:s31], [sflag:$0x1] =	stream.indirect_vreg.gather [hbm4b:s8+s3], $0x80, v3, vm0, $0xb8;
	[tilespmem:$0x18D00] =	vst v63  }
0x114: {  	_ =	swait.ge [sflag:s12], $0x6000  }
0x115: {  	[sflag:s12] =	ssyncset.done $0x0  }
0x116: {  	s13 =	simm.s32 $0x6;
	s17 =	rddreg [dreg:$0x7];
	[sflag:s12] =	ssyncadd.s32 $0xFFFFA000  }
0x117: {  	[hbm4b:s17+s3] =	stream.linear.scatter [tilespmem:s11], [sflag:$0x6], $0x6000, $0x38;
	[tilespmem:$0x18D00] =	vst v63  }
0x118: {  	_ =	swait.ge [sflag:s13], $0x6000  }
0x119: {  	[sflag:s13] =	ssyncset.done $0x0  }
0x11a: {  	[sflag:s13] =	ssyncadd.s32 $0xFFFFA000  }
0x11b: {  	v3 =	vld [tilespmem:$0xA0];
	_ =	sdelay $0x4  }
0x11c: {  	v58 =	vshrl.u32 v3, $0x3  }
0x11d: {  	v4 =	vmul.u32 $0x30, v58  }
0x11e: {  	v3 =	vand.u32 $0x7, v3  }
0x11f: {  	v3 =	vor.u32 v3, v4  }
0x120: {  	v4 =	vperm.xlane v3, v0;
	_ =	sdelay $0x1  }
0x121: {  	v4 =	vadd.s32 v1, v4;
	_ =	sdelay $0x3  }
0x122: {  	v3 =	vperm.xlane v3, v2  }
0x123: {  	[tilespmem:s11], [sflag:$0x2] =	stream.indirect_vreg.gather [hbm4b:s1+s3], $0x80, v4, vm0, $0xb8;
	[tilespmem:$0x18D00] =	vst v63  }
0x124: {  	s20 =	simm.s32 $0x6D00;
	v3 =	vadd.s32 v1, v3  }
0x125: {  	[tilespmem:s20], [sflag:$0x2] =	stream.indirect_vreg.gather [hbm4b:s7+s3], $0x80, v4, vm0, $0xb8;
	[tilespmem:$0x18D00] =	vst v63  }
0x126: {  	s17 =	simm.s32 $0x7500  }
0x127: {  	[tilespmem:s17], [sflag:$0x2] =	stream.indirect_vreg.gather [hbm4b:s8+s3], $0x80, v4, vm0, $0xb8;
	[tilespmem:$0x18D00] =	vst v63  }
0x128: {  	s20 =	simm.s32 $0x7D00  }
0x129: {  	[tilespmem:s20], [sflag:$0x2] =	stream.indirect_vreg.gather [hbm4b:s1+s3], $0x80, v3, vm0, $0xb8;
	[tilespmem:$0x18D00] =	vst v63  }
0x12a: {  	_ = 	snop  }
0x12b: {  	[tilespmem:s14], [sflag:$0x2] =	stream.indirect_vreg.gather [hbm4b:s7+s3], $0x80, v3, vm0, $0xb8;
	[tilespmem:$0x18D00] =	vst v63  }
0x12c: {  	_ = 	snop  }
0x12d: {  	[tilespmem:s15], [sflag:$0x2] =	stream.indirect_vreg.gather [hbm4b:s8+s3], $0x80, v3, vm0, $0xb8;
	[tilespmem:$0x18D00] =	vst v63  }
0x12e: {  	v3 =	vld [tilespmem:$0xB0];
	_ =	sdelay $0x4  }
0x12f: {  	v59 =	vshrl.u32 v3, $0x3  }
0x130: {  	v4 =	vmul.u32 $0x30, v59  }
0x131: {  	v3 =	vand.u32 $0x7, v3  }
0x132: {  	v3 =	vor.u32 v3, v4  }
0x133: {  	v4 =	vperm.xlane v3, v0;
	_ =	sdelay $0x1  }
0x134: {  	v4 =	vadd.s32 v1, v4;
	_ =	sdelay $0x3  }
0x135: {  	v3 =	vperm.xlane v3, v2  }
0x136: {  	[tilespmem:s16], [sflag:$0x2] =	stream.indirect_vreg.gather [hbm4b:s1+s3], $0x80, v4, vm0, $0xb8;
	[tilespmem:$0x18D00] =	vst v63  }
0x137: {  	s17 =	simm.s32 $0x9D00;
	v3 =	vadd.s32 v1, v3  }
0x138: {  	[tilespmem:s17], [sflag:$0x2] =	stream.indirect_vreg.gather [hbm4b:s7+s3], $0x80, v4, vm0, $0xb8;
	[tilespmem:$0x18D00] =	vst v63  }
0x139: {  	s20 =	simm.s32 $0xA500  }
0x13a: {  	[tilespmem:s20], [sflag:$0x2] =	stream.indirect_vreg.gather [hbm4b:s8+s3], $0x80, v4, vm0, $0xb8;
	[tilespmem:$0x18D00] =	vst v63  }
0x13b: {  	s14 =	simm.s32 $0xAD00  }
0x13c: {  	[tilespmem:s14], [sflag:$0x2] =	stream.indirect_vreg.gather [hbm4b:s1+s3], $0x80, v3, vm0, $0xb8;
	[tilespmem:$0x18D00] =	vst v63  }
0x13d: {  	s15 =	simm.s32 $0xB500  }
0x13e: {  	[tilespmem:s15], [sflag:$0x2] =	stream.indirect_vreg.gather [hbm4b:s7+s3], $0x80, v3, vm0, $0xb8;
	[tilespmem:$0x18D00] =	vst v63  }
0x13f: {  	s16 =	simm.s32 $0xBD00;
	s14 =	simm.s32 $0x3  }
0x140: {  	[tilespmem:s16], [sflag:$0x2] =	stream.indirect_vreg.gather [hbm4b:s8+s3], $0x80, v3, vm0, $0xb8;
	[tilespmem:$0x18D00] =	vst v63  }
0x141: {  	_ =	swait.ge [sflag:s14], $0x6000  }
0x142: {  	[sflag:s14] =	ssyncset.done $0x0  }
0x143: {  	s15 =	simm.s32 $0x7;
	s17 =	rddreg [dreg:$0x8];
	[sflag:s14] =	ssyncadd.s32 $0xFFFFA000  }
0x144: {  	[hbm4b:s17+s3] =	stream.linear.scatter [tilespmem:s5], [sflag:$0x7], $0x6000, $0x38;
	[tilespmem:$0x18D00] =	vst v63  }
0x145: {  	_ =	swait.ge [sflag:s15], $0x6000  }
0x146: {  	[sflag:s15] =	ssyncset.done $0x0  }
0x147: {  	[sflag:s15] =	ssyncadd.s32 $0xFFFFA000  }
0x148: {  	v3 =	vld [tilespmem:$0xC0];
	_ =	sdelay $0x4  }
0x149: {  	v60 =	vshrl.u32 v3, $0x3  }
0x14a: {  	v4 =	vmul.u32 $0x30, v60  }
0x14b: {  	v3 =	vand.u32 $0x7, v3  }
0x14c: {  	v3 =	vor.u32 v3, v4  }
0x14d: {  	v4 =	vperm.xlane v3, v0;
	_ =	sdelay $0x1  }
0x14e: {  	v4 =	vadd.s32 v1, v4;
	_ =	sdelay $0x3  }
0x14f: {  	v3 =	vperm.xlane v3, v2  }
0x150: {  	[tilespmem:s5], [sflag:$0x3] =	stream.indirect_vreg.gather [hbm4b:s1+s3], $0x80, v4, vm0, $0xb8;
	[tilespmem:$0x18D00] =	vst v63  }
0x151: {  	s20 =	simm.s32 $0xCD00;
	v3 =	vadd.s32 v1, v3  }
0x152: {  	[tilespmem:s20], [sflag:$0x3] =	stream.indirect_vreg.gather [hbm4b:s7+s3], $0x80, v4, vm0, $0xb8;
	[tilespmem:$0x18D00] =	vst v63  }
0x153: {  	s16 =	simm.s32 $0xD500  }
0x154: {  	[tilespmem:s16], [sflag:$0x3] =	stream.indirect_vreg.gather [hbm4b:s8+s3], $0x80, v4, vm0, $0xb8;
	[tilespmem:$0x18D00] =	vst v63  }
0x155: {  	s17 =	simm.s32 $0xDD00  }
0x156: {  	[tilespmem:s17], [sflag:$0x3] =	stream.indirect_vreg.gather [hbm4b:s1+s3], $0x80, v3, vm0, $0xb8;
	[tilespmem:$0x18D00] =	vst v63  }
0x157: {  	s20 =	simm.s32 $0xE500  }
0x158: {  	[tilespmem:s20], [sflag:$0x3] =	stream.indirect_vreg.gather [hbm4b:s7+s3], $0x80, v3, vm0, $0xb8;
	[tilespmem:$0x18D00] =	vst v63  }
0x159: {  	s16 =	simm.s32 $0xED00  }
0x15a: {  	[tilespmem:s16], [sflag:$0x3] =	stream.indirect_vreg.gather [hbm4b:s8+s3], $0x80, v3, vm0, $0xb8;
	[tilespmem:$0x18D00] =	vst v63  }
0x15b: {  	v3 =	vld [tilespmem:$0xD0];
	_ =	sdelay $0x4  }
0x15c: {  	v61 =	vshrl.u32 v3, $0x3  }
0x15d: {  	v4 =	vmul.u32 $0x30, v61  }
0x15e: {  	v3 =	vand.u32 $0x7, v3  }
0x15f: {  	v3 =	vor.u32 v3, v4  }
0x160: {  	v4 =	vperm.xlane v3, v0;
	_ =	sdelay $0x1  }
0x161: {  	v4 =	vadd.s32 v1, v4;
	_ =	sdelay $0x3  }
0x162: {  	s17 =	simm.s32 $0xF500;
	v3 =	vperm.xlane v3, v2  }
0x163: {  	[tilespmem:s17], [sflag:$0x3] =	stream.indirect_vreg.gather [hbm4b:s1+s3], $0x80, v4, vm0, $0xb8;
	[tilespmem:$0x18D00] =	vst v63  }
0x164: {  	s20 =	simm.s32 $0xFD00;
	v3 =	vadd.s32 v1, v3  }
0x165: {  	[tilespmem:s20], [sflag:$0x3] =	stream.indirect_vreg.gather [hbm4b:s7+s3], $0x80, v4, vm0, $0xb8;
	[tilespmem:$0x18D00] =	vst v63  }
0x166: {  	s16 =	simm.s32 $0x10500  }
0x167: {  	[tilespmem:s16], [sflag:$0x3] =	stream.indirect_vreg.gather [hbm4b:s8+s3], $0x80, v4, vm0, $0xb8;
	[tilespmem:$0x18D00] =	vst v63  }
0x168: {  	s17 =	simm.s32 $0x10D00  }
0x169: {  	[tilespmem:s17], [sflag:$0x3] =	stream.indirect_vreg.gather [hbm4b:s1+s3], $0x80, v3, vm0, $0xb8;
	[tilespmem:$0x18D00] =	vst v63  }
0x16a: {  	s20 =	simm.s32 $0x11500  }
0x16b: {  	[tilespmem:s20], [sflag:$0x3] =	stream.indirect_vreg.gather [hbm4b:s7+s3], $0x80, v3, vm0, $0xb8;
	[tilespmem:$0x18D00] =	vst v63  }
0x16c: {  	s16 =	simm.s32 $0x11D00  }
0x16d: {  	[tilespmem:s16], [sflag:$0x3] =	stream.indirect_vreg.gather [hbm4b:s8+s3], $0x80, v3, vm0, $0xb8;
	[tilespmem:$0x18D00] =	vst v63  }
0x16e: {  	s16 =	simm.s32 $0x4  }
0x16f: {  	_ =	swait.ge [sflag:s16], $0x6000  }
0x170: {  	[sflag:s16] =	ssyncset.done $0x0  }
0x171: {  	s17 =	rddreg [dreg:$0x9];
	[sflag:s16] =	ssyncadd.s32 $0xFFFFA000  }
0x172: {  	[hbm4b:s17+s3] =	stream.linear.scatter [tilespmem:s2], [sflag:$0x8], $0x6000, $0x38;
	[tilespmem:$0x18D00] =	vst v63  }
0x173: {  	s17 =	simm.s32 $0x8  }
0x174: {  	_ =	swait.ge [sflag:s17], $0x6000  }
0x175: {  	[sflag:s17] =	ssyncset.done $0x0  }
0x176: {  	[sflag:s17] =	ssyncadd.s32 $0xFFFFA000  }
0x177: {  	v3 =	vld [tilespmem:$0xE0];
	_ =	sdelay $0x4  }
0x178: {  	v62 =	vshrl.u32 v3, $0x3  }
0x179: {  	v4 =	vmul.u32 $0x30, v62  }
0x17a: {  	v3 =	vand.u32 $0x7, v3  }
0x17b: {  	v3 =	vor.u32 v3, v4  }
0x17c: {  	v4 =	vperm.xlane v3, v0;
	_ =	sdelay $0x1  }
0x17d: {  	v4 =	vadd.s32 v1, v4;
	_ =	sdelay $0x3  }
0x17e: {  	v3 =	vperm.xlane v3, v2  }
0x17f: {  	[tilespmem:s2], [sflag:$0x4] =	stream.indirect_vreg.gather [hbm4b:s1+s3], $0x80, v4, vm0, $0xb8;
	[tilespmem:$0x18D00] =	vst v63  }
0x180: {  	s20 =	simm.s32 $0x12D00;
	v3 =	vadd.s32 v1, v3  }
0x181: {  	[tilespmem:s20], [sflag:$0x4] =	stream.indirect_vreg.gather [hbm4b:s7+s3], $0x80, v4, vm0, $0xb8;
	[tilespmem:$0x18D00] =	vst v63  }
0x182: {  	s20 =	simm.s32 $0x13500  }
0x183: {  	[tilespmem:s20], [sflag:$0x4] =	stream.indirect_vreg.gather [hbm4b:s8+s3], $0x80, v4, vm0, $0xb8;
	[tilespmem:$0x18D00] =	vst v63  }
0x184: {  	s20 =	simm.s32 $0x13D00  }
0x185: {  	[tilespmem:s20], [sflag:$0x4] =	stream.indirect_vreg.gather [hbm4b:s1+s3], $0x80, v3, vm0, $0xb8;
	[tilespmem:$0x18D00] =	vst v63  }
0x186: {  	s20 =	simm.s32 $0x14500  }
0x187: {  	[tilespmem:s20], [sflag:$0x4] =	stream.indirect_vreg.gather [hbm4b:s7+s3], $0x80, v3, vm0, $0xb8;
	[tilespmem:$0x18D00] =	vst v63  }
0x188: {  	s20 =	simm.s32 $0x14D00  }
0x189: {  	[tilespmem:s20], [sflag:$0x4] =	stream.indirect_vreg.gather [hbm4b:s8+s3], $0x80, v3, vm0, $0xb8;
	[tilespmem:$0x18D00] =	vst v63  }
0x18a: {  	v3 =	vld [tilespmem:$0xF0];
	_ =	sdelay $0x4  }
0x18b: {  	v63 =	vshrl.u32 v3, $0x3  }
0x18c: {  	v4 =	vmul.u32 $0x30, v63  }
0x18d: {  	v3 =	vand.u32 $0x7, v3  }
0x18e: {  	v3 =	vor.u32 v3, v4  }
0x18f: {  	v4 =	vperm.xlane v3, v0;
	_ =	sdelay $0x1  }
0x190: {  	v4 =	vadd.s32 v1, v4;
	_ =	sdelay $0x3  }
0x191: {  	s20 =	simm.s32 $0x15500;
	v3 =	vperm.xlane v3, v2  }
0x192: {  	[tilespmem:s20], [sflag:$0x4] =	stream.indirect_vreg.gather [hbm4b:s1+s3], $0x80, v4, vm0, $0xb8;
	[tilespmem:$0x18D00] =	vst v63  }
0x193: {  	v3 =	vadd.s32 v1, v3;
	s20 =	simm.s32 $0x15D00  }
0x194: {  	[tilespmem:s20], [sflag:$0x4] =	stream.indirect_vreg.gather [hbm4b:s7+s3], $0x80, v4, vm0, $0xb8;
	[tilespmem:$0x18D00] =	vst v63  }
0x195: {  	s20 =	simm.s32 $0x16500  }
0x196: {  	[tilespmem:s20], [sflag:$0x4] =	stream.indirect_vreg.gather [hbm4b:s8+s3], $0x80, v4, vm0, $0xb8;
	[tilespmem:$0x18D00] =	vst v63  }
0x197: {  	s20 =	simm.s32 $0x16D00  }
0x198: {  	[tilespmem:s20], [sflag:$0x4] =	stream.indirect_vreg.gather [hbm4b:s1+s3], $0x80, v3, vm0, $0xb8;
	[tilespmem:$0x18D00] =	vst v63  }
0x199: {  	s20 =	simm.s32 $0x17500  }
0x19a: {  	[tilespmem:s20], [sflag:$0x4] =	stream.indirect_vreg.gather [hbm4b:s7+s3], $0x80, v3, vm0, $0xb8;
	[tilespmem:$0x18D00] =	vst v63  }
0x19b: {  	s20 =	simm.s32 $0x17D00  }
0x19c: {  	[tilespmem:s20], [sflag:$0x4] =	stream.indirect_vreg.gather [hbm4b:s8+s3], $0x80, v3, vm0, $0xb8;
	[tilespmem:$0x18D00] =	vst v63  }
0x19d: {  	_ =	swait.ge [sflag:s0], $0x6000  }
0x19e: {  	[sflag:s0] =	ssyncset.done $0x0  }
0x19f: {  	s10 =	simm.s32 $0x500;
	s20 =	rddreg [dreg:$0xa];
	[sflag:s0] =	ssyncadd.s32 $0xFFFFA000  }
0x1a0: {  	[hbm4b:s20+s3] =	stream.linear.scatter [tilespmem:s10], [sflag:$0x5], $0x6000, $0x38;
	[tilespmem:$0x18D00] =	vst v63  }
0x1a1: {  	_ =	swait.ge [sflag:s12], $0x6000  }
0x1a2: {  	[sflag:s12] =	ssyncset.done $0x0  }
0x1a3: {  	s10 =	rddreg [dreg:$0xb];
	[sflag:s12] =	ssyncadd.s32 $0xFFFFA000  }
0x1a4: {  	[hbm4b:s10+s3] =	stream.linear.scatter [tilespmem:s11], [sflag:$0x6], $0x6000, $0x38;
	[tilespmem:$0x18D00] =	vst v63  }
0x1a5: {  	_ =	swait.ge [sflag:s14], $0x6000  }
0x1a6: {  	[sflag:s14] =	ssyncset.done $0x0  }
0x1a7: {  	s12 =	rddreg [dreg:$0xc];
	[sflag:s14] =	ssyncadd.s32 $0xFFFFA000  }
0x1a8: {  	[hbm4b:s12+s3] =	stream.linear.scatter [tilespmem:s5], [sflag:$0x7], $0x6000, $0x38;
	[tilespmem:$0x18D00] =	vst v63  }
0x1a9: {  	_ =	swait.ge [sflag:s16], $0x6000  }
0x1aa: {  	[sflag:s16] =	ssyncset.done $0x0  }
0x1ab: {  	s14 =	rddreg [dreg:$0xd];
	[sflag:s16] =	ssyncadd.s32 $0xFFFFA000  }
0x1ac: {  	[hbm4b:s14+s3] =	stream.linear.scatter [tilespmem:s2], [sflag:$0x8], $0x6000, $0x38;
	[tilespmem:$0x18D00] =	vst v63  }
0x1ad: {  	_ =	swait.ge [sflag:s21], $0x6000  }
0x1ae: {  	[sflag:s21] =	ssyncset.done $0x0  }
0x1af: {  	[sflag:s21] =	ssyncadd.s32 $0xFFFFA000  }
0x1b0: {  	_ =	swait.ge [sflag:s13], $0x6000  }
0x1b1: {  	[sflag:s13] =	ssyncset.done $0x0  }
0x1b2: {  	[sflag:s13] =	ssyncadd.s32 $0xFFFFA000  }
0x1b3: {  	_ =	swait.ge [sflag:s15], $0x6000  }
0x1b4: {  	[sflag:s15] =	ssyncset.done $0x0  }
0x1b5: {  	[sflag:s15] =	ssyncadd.s32 $0xFFFFA000  }
0x1b6: {  	_ =	swait.ge [sflag:s17], $0x6000  }
0x1b7: {  	[sflag:s17] =	ssyncset.done $0x0  }
0x1b8: {  	[sflag:s17] =	ssyncadd.s32 $0xFFFFA000  }
0x1b9: {  	_ =	swait.ge [sflag:s19], $0x80  }
0x1ba: {  	[sflag:s19] =	ssyncset.done $0x0  }
0x1bb: {  	[sflag:s19] =	ssyncadd.s32 $0xFFFFFF80  }
0x1bc: {  	_ =	swait.ge [sflag:s19], $0x80  }
0x1bd: {  	[sflag:s19] =	ssyncset.done $0x0  }
0x1be: {  	[sflag:s19] =	ssyncadd.s32 $0xFFFFFF80  }
0x1bf: {  	_ =	swait.ge [sflag:s19], $0x80  }
0x1c0: {  	[sflag:s19] =	ssyncset.done $0x0  }
0x1c1: {  	[sflag:s19] =	ssyncadd.s32 $0xFFFFFF80  }
0x1c2: {  	_ =	swait.ge [sflag:s19], $0x80  }
0x1c3: {  	[sflag:s19] =	ssyncset.done $0x0  }
0x1c4: {  	[sflag:s19] =	ssyncadd.s32 $0xFFFFFF80  }
0x1c5: {  	_ =	swait.ge [sflag:s19], $0x80  }
0x1c6: {  	[sflag:s19] =	ssyncset.done $0x0  }
0x1c7: {  	[sflag:s19] =	ssyncadd.s32 $0xFFFFFF80  }
0x1c8: {  	_ =	swait.ge [sflag:s19], $0x80  }
0x1c9: {  	[sflag:s19] =	ssyncset.done $0x0  }
0x1ca: {  	[sflag:s19] =	ssyncadd.s32 $0xFFFFFF80  }
0x1cb: {  	_ =	swait.ge [sflag:s19], $0x80  }
0x1cc: {  	[sflag:s19] =	ssyncset.done $0x0  }
0x1cd: {  	[sflag:s19] =	ssyncadd.s32 $0xFFFFFF80  }
0x1ce: {  	_ =	swait.ge [sflag:s19], $0x80  }
0x1cf: {  	[sflag:s19] =	ssyncset.done $0x0  }
0x1d0: {  	[sflag:s19] =	ssyncadd.s32 $0xFFFFFF80  }
0x1d1: {  	_ =	swait.ge [sflag:s19], $0x80  }
0x1d2: {  	[sflag:s19] =	ssyncset.done $0x0  }
0x1d3: {  	[sflag:s19] =	ssyncadd.s32 $0xFFFFFF80  }
0x1d4: {  	_ =	swait.ge [sflag:s19], $0x80  }
0x1d5: {  	[sflag:s19] =	ssyncset.done $0x0  }
0x1d6: {  	[sflag:s19] =	ssyncadd.s32 $0xFFFFFF80  }
0x1d7: {  	_ =	swait.ge [sflag:s19], $0x80  }
0x1d8: {  	[sflag:s19] =	ssyncset.done $0x0  }
0x1d9: {  	[sflag:s19] =	ssyncadd.s32 $0xFFFFFF80  }
0x1da: {  	_ =	swait.ge [sflag:s19], $0x80  }
0x1db: {  	[sflag:s19] =	ssyncset.done $0x0  }
0x1dc: {  	[sflag:s19] =	ssyncadd.s32 $0xFFFFFF80  }
0x1dd: {  	_ =	swait.ge [sflag:s19], $0x80  }
0x1de: {  	[sflag:s19] =	ssyncset.done $0x0  }
0x1df: {  	[sflag:s19] =	ssyncadd.s32 $0xFFFFFF80  }
0x1e0: {  	_ =	swait.ge [sflag:s19], $0x80  }
0x1e1: {  	[sflag:s19] =	ssyncset.done $0x0  }
0x1e2: {  	[sflag:s19] =	ssyncadd.s32 $0xFFFFFF80  }
0x1e3: {  	_ =	swait.ge [sflag:s19], $0x80  }
0x1e4: {  	[sflag:s19] =	ssyncset.done $0x0  }
0x1e5: {  	[sflag:s19] =	ssyncadd.s32 $0xFFFFFF80  }
0x1e6: {  	_ =	swait.ge [sflag:s19], $0x80  }
0x1e7: {  	[sflag:s19] =	ssyncset.done $0x0  }
0x1e8: {  	s16 =	simm.s32 $0x18500;
	s15 =	rddreg [dreg:$0xe];
	[sflag:s19] =	ssyncadd.s32 $0xFFFFFF80  }
0x1e9: {  	[hbm4b:s15+s3] =	stream.linear.scatter [tilespmem:s16], [sflag:$0xA], $0x400, $0x38;
	[tilespmem:$0x18D00] =	vst v63  }
0x1ea: {  	_ =	swait.ge [sflag:s23], $0x400  }
0x1eb: {  	p0 =	sne.s32 s9, $0x1;
	s21 =	simm.s32 $0x18900;
	[sflag:s23] =	ssyncset.done $0x0  }
.Ltmp0:
0x1ec: {  	s17 =	rddreg [dreg:$0xf];
	[sflag:s23] =	ssyncadd.s32 $0xFFFFFC00;
	(pc) =	sbr.rel @p0 .LBB2_1-.Ltmp0, $4  }
0x1ed: {  	[hbm4b:s17+s3] =	stream.linear.scatter [tilespmem:s21], [sflag:$0xA], $0x400, $0x38;
	[tilespmem:$0x18D00] =	vst v63  }
0x1ee: {  	_ =	swait.ge [sflag:s23], $0x400  }
0x1ef: {  	[sflag:s23] =	ssyncset.done $0x0  }
0x1f0: {  	s9 =	sadd.s32 $0xFFFFFFFF, s9;
	[sflag:s23] =	ssyncadd.s32 $0xFFFFFC00  }
0x1f1: {  	_ =	sfence.sel $0x180000  }
0x1f2: {  	[bflag:$0x0] =	sbarrier.arrive $0xFFFF  }
0x1f3: {  	_ =	strace $0x90000047  }
0x1f4: {  	s0 =	stileid.u32;
	[bflag:$0x2] =	sbarrier.arrive $0xFFFF  }
0x1f5: {  	p0 =	sne.s32 s0, $0x0;
	s0 =	rddreg [dreg:$0x4]  }
0x1f6: {  	s0 =	sadd.s32 @!p0 $0x100000, s0  }
0x1f7: {  	[sflag:s0] =	ssyncadd.tile.s32 @!p0 $0x1;
	_ =	shalt  }
.Lfunc_end2:
_tile_overlayer_lowered:
.L_overlay_start_2:
0x1f8: {  	(tag) =	ssettag $0x2  }
0x1f9: {  	s0 =	rddreg [dreg:$0x0];
	s2 =	stileid.u32  }
0x1fa: {  	s1 =	rddreg [dreg:$0x1];
	p0 =	sne.s32 s2, $0x0  }
0x1fb: {  	s3 =	rddreg [dreg:$0x2];
	[bflag:$0x3] =	sbarrier.arrive $0xFFFF;
	s2 =	simm.s32 @!p0 $0x1C0A  }
0x1fc: {  	[timem:s3], [sflag:s2] =	dma.local @!p0 [hbm:s0], s1  }
0x1fd: {  	s0 =	simm.s32 @!p0 $0xA  }
0x1fe: {  	_ =	swait.ge @!p0 [sflag:s0], s1  }
0x1ff: {  	s1 =	ssub.s32 @!p0 $0x0, s1;
	[sflag:s0] =	ssyncset.done @!p0 $0x0  }
0x200: {  	[sflag:s0] =	ssyncadd.s32 @!p0 s1  }
0x201: {  	[bflag:$0x3] =	sbarrier.arrive $0xFFFF  }
0x202: {  	_ =	shalt  }

</sc_bundles>
